<compile_context>
chip_gen: v7x
topology: tpu7x:2x2x1
jax: 0.10.2.dev20260603
libtpu: 0.0.44.dev20260713+nightly
codegen_flags: <defaults>
</compile_context>

<pallas_src>
import jax
import jax.numpy as jnp
from jax import lax
from jax.experimental import pallas as pl
from jax.experimental.pallas import tpu as pltpu
from jax.experimental.pallas import tpu_sc as plsc

_CONCEPT = 100000
_DIM = 128
_B = 16384
_NC = 2
_NS = 16
_LANES = 16
_NW = _NC * _NS
_RPW = _B // _NW
_CH = 128
_NCH = _RPW // _CH
_NG = _CH // _LANES


def _tec_body(cEmb, left, right, enc, out,
              idxL, idxR, encv, bufL0, bufR0, bufL1, bufR1,
              accv, sem0, sem1):
    c = lax.axis_index("c")
    s = lax.axis_index("s")
    wid = s * _NC + c
    base = wid * _RPW
    pltpu.sync_copy(left.at[pl.ds(base, _RPW)], idxL)
    pltpu.sync_copy(right.at[pl.ds(base, _RPW)], idxR)
    pltpu.sync_copy(enc.at[pl.ds(base, _RPW)], encv)

    bufs = ((bufL0, bufR0, sem0), (bufL1, bufR1, sem1))

    def fire(ci):
        bL, bR, sem = bufs[ci % 2]
        coff = ci * _CH
        cl = pltpu.async_copy(cEmb.at[idxL.at[pl.ds(coff, _CH)]], bL, sem)
        cr = pltpu.async_copy(cEmb.at[idxR.at[pl.ds(coff, _CH)]], bR, sem)
        return cl, cr

    def _tree_sum(ms):
        while len(ms) > 1:
            ms = [a + b for a, b in zip(ms[::2], ms[1::2])]
        return ms[0]

    def make_row_loop(bL, bR, coff, with_fixups):
        def row_body(r, a):
            rsplat = jnp.full((_LANES,), coff + r, jnp.int32)
            er = plsc.load_gather(encv, [rsplat])
            na = (er >> 1).astype(jnp.float32)
            nb = (er & 1).astype(jnp.float32)
            slr = 1.0 + (na + na)
            srr = 1.0 - (nb + nb)
            if with_fixups:
                ilr = plsc.load_gather(idxL, [rsplat])
                irr = plsc.load_gather(idxR, [rsplat])
                mL1 = ilr == _CONCEPT - 1
                mL2 = ilr == _CONCEPT - 2
                mR1 = irr == _CONCEPT - 1
                mR2 = irr == _CONCEPT - 2
            ms = []
            for j in range(_DIM // _LANES):
                vL = bL[r, pl.ds(j * _LANES, _LANES)]
                vR = bR[r, pl.ds(j * _LANES, _LANES)]
                if with_fixups:
                    vL = jnp.where(mL1 & (vL > 0.0), 1.0, vL)
                    vL = jnp.where(mL2 & (vL < 1.0), 0.0, vL)
                    vR = jnp.where(mR1 & (vR > 0.0), 1.0, vR)
                    vR = jnp.where(mR2 & (vR < 1.0), 0.0, vR)
                t = slr * vL - srr * vR
                ms.append(jnp.maximum(t, 0.0))
            return a + _tree_sum(ms)

        return lambda a: lax.fori_loop(0, _CH, row_body, a)

    acc = jnp.zeros((_LANES,), jnp.float32)
    pend = fire(0)
    for ci in range(_NCH):
        nxt = fire(ci + 1) if ci + 1 < _NCH else None
        pend[0].wait()
        pend[1].wait()
        bL, bR, _ = bufs[ci % 2]
        coff = ci * _CH
        spec = jnp.zeros((_LANES,), jnp.bool_)
        for g in range(_NG):
            spec = spec | (idxL[pl.ds(coff + g * _LANES, _LANES)] >= _CONCEPT - 2)
            spec = spec | (idxR[pl.ds(coff + g * _LANES, _LANES)] >= _CONCEPT - 2)
        acc = lax.cond(jnp.any(spec),
                       make_row_loop(bL, bR, coff, True),
                       make_row_loop(bL, bR, coff, False),
                       acc)
        pend = nxt
    accv[...] = acc
    pltpu.sync_copy(accv, out.at[wid])


def _run(left, right, negf, cEmb):
    negf = negf.astype(jnp.int32)
    enc = 2 * negf[:, 0] + negf[:, 1]
    mesh = plsc.VectorSubcoreMesh(core_axis_name="c", subcore_axis_name="s")
    partials = pl.kernel(
        _tec_body,
        out_type=jax.ShapeDtypeStruct((_NW, _LANES), jnp.float32),
        mesh=mesh,
        scratch_types=[
            pltpu.VMEM((_RPW,), jnp.int32),
            pltpu.VMEM((_RPW,), jnp.int32),
            pltpu.VMEM((_RPW,), jnp.int32),
            pltpu.VMEM((_CH, _DIM), jnp.float32),
            pltpu.VMEM((_CH, _DIM), jnp.float32),
            pltpu.VMEM((_CH, _DIM), jnp.float32),
            pltpu.VMEM((_CH, _DIM), jnp.float32),
            pltpu.VMEM((_LANES,), jnp.float32),
            pltpu.SemaphoreType.DMA,
            pltpu.SemaphoreType.DMA,
        ],
        compiler_params=pltpu.CompilerParams(needs_layout_passes=False),
    )(cEmb, left.astype(jnp.int32), right.astype(jnp.int32), enc)
    return jnp.sum(partials) / _B


def kernel(left, right, negf, cEmb, rEmb):
    del rEmb
    return _run(left, right, negf, cEmb)

# --- scband reference (transcript-rebuilt; emitter-appended) ---
"""Pipeline reference for scband-dfalc-47785806135661 (READ-ONLY COPY).

The authoritative reference and input builder live on the scoring server;
editing this copy changes nothing except your own understanding.
"""

import jax, jax.numpy as jnp
import numpy as np

CONCEPT = 100000
DIM = 128
ROLES = 16
B = 16384


def setup_inputs(seed: int = 0) -> dict:
    key = jax.random.key(seed)
    k1, k2, k3, k4, k5 = jax.random.split(key, 5)
    cEmb = jax.random.uniform(k1, (CONCEPT, DIM), dtype=jnp.float32)
    rEmb = jax.random.uniform(k2, (ROLES, DIM, DIM), dtype=jnp.float32)
    left = jax.random.randint(k3, (B,), 0, CONCEPT)
    right = jax.random.randint(k4, (B,), 0, CONCEPT)
    negf = jax.random.randint(k5, (B, 3), 0, 2)
    return {"left": left, "right": right, "negf": negf, "cEmb": cEmb, "rEmb": rEmb}


def _neg(x, negf):
    # negf: [B] -> [B,1]; negf2 = negf*-2+1 in {-1,+1} (or sign-flipped)
    negf = negf[:, None].astype(x.dtype)
    negf2 = negf * -2.0 + 1.0
    return negf2 * x


def reference(left, right, negf, cEmb, rEmb):
    # atype == 0 branch of DFALC.forward (Godel logic).
    # In-place detached row fixups on the parameter (torch masked_fill_):
    row_last = jnp.where(cEmb[-1] > 0.0, 1.0, cEmb[-1])
    row_pen = jnp.where(cEmb[-2] < 1.0, 0.0, cEmb[-2])
    cEmb = cEmb.at[-1].set(row_last).at[-2].set(row_pen)
    negf = negf.astype(jnp.float32)
    lefte = _neg(cEmb[left], -negf[:, 0])   # gather [B, DIM]
    righte = _neg(cEmb[right], negf[:, 1])  # gather [B, DIM]
    # HierarchyLoss: mean over batch of L1(relu(lefte - righte))
    diff = jax.nn.relu(lefte - righte)
    loss = jnp.mean(jnp.sum(jnp.abs(diff), axis=1))
    return loss

if __name__ == "__main__":
    import jax
    _d = setup_inputs()
    print(jax.jit(kernel)(*tuple(_d.values())))

</pallas_src>

<mosaic_0001>
#map = affine_map<(d0, d1) -> (0, 0)>
#map1 = affine_map<(d0, d1) -> (0)>
module attributes {stable_mosaic.version = 14 : i64} {
  func.func @_tec_body(%arg0: i32, %arg1: i32, %arg2: memref<100000x128xf32, #tpu.memory_space<hbm>>, %arg3: memref<16384xi32, #tpu.memory_space<hbm>>, %arg4: memref<16384xi32, #tpu.memory_space<hbm>>, %arg5: memref<16384xi32, #tpu.memory_space<hbm>>, %arg6: memref<32x16xf32, #tpu.memory_space<hbm>>, %arg7: memref<512xi32, #tpu.memory_space<vmem>>, %arg8: memref<512xi32, #tpu.memory_space<vmem>>, %arg9: memref<512xi32, #tpu.memory_space<vmem>>, %arg10: memref<128x128xf32, #tpu.memory_space<vmem>>, %arg11: memref<128x128xf32, #tpu.memory_space<vmem>>, %arg12: memref<128x128xf32, #tpu.memory_space<vmem>>, %arg13: memref<128x128xf32, #tpu.memory_space<vmem>>, %arg14: memref<16xf32, #tpu.memory_space<vmem>>, %arg15: memref<!tpu.dma_semaphore, #tpu.memory_space<semaphore_mem>>, %arg16: memref<!tpu.dma_semaphore, #tpu.memory_space<semaphore_mem>>) attributes {dimension_semantics = [#tpu.dimension_semantics<core_parallel>, #tpu.dimension_semantics<subcore_parallel>], iteration_bounds = array<i64: 2, 16>, scalar_prefetch = 0 : i64, scratch_operands = 10 : i64, tpu.core_type = #tpu.core_type<sc_vector_subcore>, window_params = [{transform_indices = #map}, {transform_indices = #map1}, {transform_indices = #map1}, {transform_indices = #map1}, {transform_indices = #map}]} {
    %mul3A = arith.constant 2 : i32
    %mul3A_0 = arith.muli %arg1, %mul3A : i32
    %add3A = arith.addi %mul3A_0, %arg0 : i32
    %mul3A_1 = arith.constant 512 : i32
    %mul3A_2 = arith.muli %add3A, %mul3A_1 : i32
    "tpu.region"() ({
      %run_scoped3A = tpu.sem_alloc : memref<!tpu.dma_semaphore, #tpu.memory_space<semaphore_mem>>
      %dma_start3A_529 = tpu.memref_slice %arg3[%mul3A_2] : memref<16384xi32, #tpu.memory_space<hbm>> -> memref<512xi32, #tpu.memory_space<hbm>>
      %dma_start3A_530 = tpu.memref_slice %arg3[%mul3A_2] : memref<16384xi32, #tpu.memory_space<hbm>> -> memref<512xi32, #tpu.memory_space<hbm>>
      tpu.enqueue_dma source(%dma_start3A_530 : memref<512xi32, #tpu.memory_space<hbm>>) target(%arg7 : memref<512xi32, #tpu.memory_space<vmem>>) target_semaphore(%run_scoped3A : memref<!tpu.dma_semaphore, #tpu.memory_space<semaphore_mem>>)
      %dma_wait3A_531 = tpu.memref_slice %arg3[%mul3A_2] : memref<16384xi32, #tpu.memory_space<hbm>> -> memref<512xi32, #tpu.memory_space<hbm>>
      %dma_wait3A_532 = tpu.memref_slice %arg3[%mul3A_2] : memref<16384xi32, #tpu.memory_space<hbm>> -> memref<512xi32, #tpu.memory_space<hbm>>
      tpu.wait_dma2 semaphore(%run_scoped3A : memref<!tpu.dma_semaphore, #tpu.memory_space<semaphore_mem>>) src(%dma_wait3A_532 : memref<512xi32, #tpu.memory_space<hbm>>) dst(%arg7 : memref<512xi32, #tpu.memory_space<vmem>>)
      tpu.yield
    }) : () -> ()
    "tpu.region"() ({
      %run_scoped3A = tpu.sem_alloc : memref<!tpu.dma_semaphore, #tpu.memory_space<semaphore_mem>>
      %dma_start3A_529 = tpu.memref_slice %arg4[%mul3A_2] : memref<16384xi32, #tpu.memory_space<hbm>> -> memref<512xi32, #tpu.memory_space<hbm>>
      %dma_start3A_530 = tpu.memref_slice %arg4[%mul3A_2] : memref<16384xi32, #tpu.memory_space<hbm>> -> memref<512xi32, #tpu.memory_space<hbm>>
      tpu.enqueue_dma source(%dma_start3A_530 : memref<512xi32, #tpu.memory_space<hbm>>) target(%arg8 : memref<512xi32, #tpu.memory_space<vmem>>) target_semaphore(%run_scoped3A : memref<!tpu.dma_semaphore, #tpu.memory_space<semaphore_mem>>)
      %dma_wait3A_531 = tpu.memref_slice %arg4[%mul3A_2] : memref<16384xi32, #tpu.memory_space<hbm>> -> memref<512xi32, #tpu.memory_space<hbm>>
      %dma_wait3A_532 = tpu.memref_slice %arg4[%mul3A_2] : memref<16384xi32, #tpu.memory_space<hbm>> -> memref<512xi32, #tpu.memory_space<hbm>>
      tpu.wait_dma2 semaphore(%run_scoped3A : memref<!tpu.dma_semaphore, #tpu.memory_space<semaphore_mem>>) src(%dma_wait3A_532 : memref<512xi32, #tpu.memory_space<hbm>>) dst(%arg8 : memref<512xi32, #tpu.memory_space<vmem>>)
      tpu.yield
    }) : () -> ()
    "tpu.region"() ({
      %run_scoped3A = tpu.sem_alloc : memref<!tpu.dma_semaphore, #tpu.memory_space<semaphore_mem>>
      %dma_start3A_529 = tpu.memref_slice %arg5[%mul3A_2] : memref<16384xi32, #tpu.memory_space<hbm>> -> memref<512xi32, #tpu.memory_space<hbm>>
      %dma_start3A_530 = tpu.memref_slice %arg5[%mul3A_2] : memref<16384xi32, #tpu.memory_space<hbm>> -> memref<512xi32, #tpu.memory_space<hbm>>
      tpu.enqueue_dma source(%dma_start3A_530 : memref<512xi32, #tpu.memory_space<hbm>>) target(%arg9 : memref<512xi32, #tpu.memory_space<vmem>>) target_semaphore(%run_scoped3A : memref<!tpu.dma_semaphore, #tpu.memory_space<semaphore_mem>>)
      %dma_wait3A_531 = tpu.memref_slice %arg5[%mul3A_2] : memref<16384xi32, #tpu.memory_space<hbm>> -> memref<512xi32, #tpu.memory_space<hbm>>
      %dma_wait3A_532 = tpu.memref_slice %arg5[%mul3A_2] : memref<16384xi32, #tpu.memory_space<hbm>> -> memref<512xi32, #tpu.memory_space<hbm>>
      tpu.wait_dma2 semaphore(%run_scoped3A : memref<!tpu.dma_semaphore, #tpu.memory_space<semaphore_mem>>) src(%dma_wait3A_532 : memref<512xi32, #tpu.memory_space<hbm>>) dst(%arg9 : memref<512xi32, #tpu.memory_space<vmem>>)
      tpu.yield
    }) : () -> ()
    %broadcast_in_dim3A = arith.constant 0.000000e+00 : f32
    %broadcast_in_dim3A_3 = vector.broadcast %broadcast_in_dim3A : f32 to vector<16xf32>
    %dma_start3A = arith.constant 0 : i32
    %dma_start3A_4 = tpu.memref_slice %arg7[%dma_start3A] : memref<512xi32, #tpu.memory_space<vmem>> -> memref<128xi32, #tpu.memory_space<vmem>>
    %dma_start3A_5 = arith.constant 0 : i32
    %dma_start3A_6 = arith.constant 0 : i32
    %dma_start3A_7 = tpu.memref_slice %arg2[%dma_start3A_5, %dma_start3A_6] : memref<100000x128xf32, #tpu.memory_space<hbm>> -> memref<100000x128xf32, #tpu.memory_space<hbm>>
    tpu.enqueue_indirect_dma source(%dma_start3A_7 : memref<100000x128xf32, #tpu.memory_space<hbm>>) target(%arg10 : memref<128x128xf32, #tpu.memory_space<vmem>>) offsets(%dma_start3A_4 : memref<128xi32, #tpu.memory_space<vmem>>) semaphore(%arg15 : memref<!tpu.dma_semaphore, #tpu.memory_space<semaphore_mem>>)
    %dma_start3A_8 = arith.constant 0 : i32
    %dma_start3A_9 = tpu.memref_slice %arg8[%dma_start3A_8] : memref<512xi32, #tpu.memory_space<vmem>> -> memref<128xi32, #tpu.memory_space<vmem>>
    %dma_start3A_10 = arith.constant 0 : i32
    %dma_start3A_11 = arith.constant 0 : i32
    %dma_start3A_12 = tpu.memref_slice %arg2[%dma_start3A_10, %dma_start3A_11] : memref<100000x128xf32, #tpu.memory_space<hbm>> -> memref<100000x128xf32, #tpu.memory_space<hbm>>
    tpu.enqueue_indirect_dma source(%dma_start3A_12 : memref<100000x128xf32, #tpu.memory_space<hbm>>) target(%arg11 : memref<128x128xf32, #tpu.memory_space<vmem>>) offsets(%dma_start3A_9 : memref<128xi32, #tpu.memory_space<vmem>>) semaphore(%arg15 : memref<!tpu.dma_semaphore, #tpu.memory_space<semaphore_mem>>)
    %dma_start3A_13 = arith.constant 128 : i32
    %dma_start3A_14 = tpu.memref_slice %arg7[%dma_start3A_13] : memref<512xi32, #tpu.memory_space<vmem>> -> memref<128xi32, #tpu.memory_space<vmem>>
    %dma_start3A_15 = arith.constant 0 : i32
    %dma_start3A_16 = arith.constant 0 : i32
    %dma_start3A_17 = tpu.memref_slice %arg2[%dma_start3A_15, %dma_start3A_16] : memref<100000x128xf32, #tpu.memory_space<hbm>> -> memref<100000x128xf32, #tpu.memory_space<hbm>>
    tpu.enqueue_indirect_dma source(%dma_start3A_17 : memref<100000x128xf32, #tpu.memory_space<hbm>>) target(%arg12 : memref<128x128xf32, #tpu.memory_space<vmem>>) offsets(%dma_start3A_14 : memref<128xi32, #tpu.memory_space<vmem>>) semaphore(%arg16 : memref<!tpu.dma_semaphore, #tpu.memory_space<semaphore_mem>>)
    %dma_start3A_18 = arith.constant 128 : i32
    %dma_start3A_19 = tpu.memref_slice %arg8[%dma_start3A_18] : memref<512xi32, #tpu.memory_space<vmem>> -> memref<128xi32, #tpu.memory_space<vmem>>
    %dma_start3A_20 = arith.constant 0 : i32
    %dma_start3A_21 = arith.constant 0 : i32
    %dma_start3A_22 = tpu.memref_slice %arg2[%dma_start3A_20, %dma_start3A_21] : memref<100000x128xf32, #tpu.memory_space<hbm>> -> memref<100000x128xf32, #tpu.memory_space<hbm>>
    tpu.enqueue_indirect_dma source(%dma_start3A_22 : memref<100000x128xf32, #tpu.memory_space<hbm>>) target(%arg13 : memref<128x128xf32, #tpu.memory_space<vmem>>) offsets(%dma_start3A_19 : memref<128xi32, #tpu.memory_space<vmem>>) semaphore(%arg16 : memref<!tpu.dma_semaphore, #tpu.memory_space<semaphore_mem>>)
    %dma_wait3A = arith.constant 0 : i32
    %dma_wait3A_23 = tpu.memref_slice %arg7[%dma_wait3A] : memref<512xi32, #tpu.memory_space<vmem>> -> memref<128xi32, #tpu.memory_space<vmem>>
    %dma_wait3A_24 = arith.constant 0 : i32
    %dma_wait3A_25 = arith.constant 0 : i32
    %dma_wait3A_26 = tpu.memref_slice %arg2[%dma_wait3A_24, %dma_wait3A_25] : memref<100000x128xf32, #tpu.memory_space<hbm>> -> memref<100000x128xf32, #tpu.memory_space<hbm>>
    tpu.wait_indirect_dma semaphore(%arg15 : memref<!tpu.dma_semaphore, #tpu.memory_space<semaphore_mem>>) src(%dma_wait3A_26 : memref<100000x128xf32, #tpu.memory_space<hbm>>) dst(%arg10 : memref<128x128xf32, #tpu.memory_space<vmem>>)
    %dma_wait3A_27 = arith.constant 0 : i32
    %dma_wait3A_28 = tpu.memref_slice %arg8[%dma_wait3A_27] : memref<512xi32, #tpu.memory_space<vmem>> -> memref<128xi32, #tpu.memory_space<vmem>>
    %dma_wait3A_29 = arith.constant 0 : i32
    %dma_wait3A_30 = arith.constant 0 : i32
    %dma_wait3A_31 = tpu.memref_slice %arg2[%dma_wait3A_29, %dma_wait3A_30] : memref<100000x128xf32, #tpu.memory_space<hbm>> -> memref<100000x128xf32, #tpu.memory_space<hbm>>
    tpu.wait_indirect_dma semaphore(%arg15 : memref<!tpu.dma_semaphore, #tpu.memory_space<semaphore_mem>>) src(%dma_wait3A_31 : memref<100000x128xf32, #tpu.memory_space<hbm>>) dst(%arg11 : memref<128x128xf32, #tpu.memory_space<vmem>>)
    %broadcast_in_dim3A_32 = arith.constant false
    %broadcast_in_dim3A_33 = vector.broadcast %broadcast_in_dim3A_32 : i1 to vector<16xi1>
    %get3A = arith.constant 0 : index
    %get3A_34 = tpu.vector_load %arg7[%get3A] {strides = array<i32>} : memref<512xi32, #tpu.memory_space<vmem>>, vector<16xi32>,
    %ge3A = arith.constant 99998 : i32
    %ge3A_35 = vector.broadcast %ge3A : i32 to vector<16xi32>
    %ge3A_36 = arith.cmpi sge, %get3A_34, %ge3A_35 : vector<16xi32>
    %or3A = arith.ori %broadcast_in_dim3A_33, %ge3A_36 : vector<16xi1>
    %get3A_37 = arith.constant 0 : index
    %get3A_38 = tpu.vector_load %arg8[%get3A_37] {strides = array<i32>} : memref<512xi32, #tpu.memory_space<vmem>>, vector<16xi32>,
    %ge3A_39 = arith.constant 99998 : i32
    %ge3A_40 = vector.broadcast %ge3A_39 : i32 to vector<16xi32>
    %ge3A_41 = arith.cmpi sge, %get3A_38, %ge3A_40 : vector<16xi32>
    %or3A_42 = arith.ori %or3A, %ge3A_41 : vector<16xi1>
    %get3A_43 = arith.constant 16 : index
    %get3A_44 = tpu.vector_load %arg7[%get3A_43] {strides = array<i32>} : memref<512xi32, #tpu.memory_space<vmem>>, vector<16xi32>,
    %ge3A_45 = arith.constant 99998 : i32
    %ge3A_46 = vector.broadcast %ge3A_45 : i32 to vector<16xi32>
    %ge3A_47 = arith.cmpi sge, %get3A_44, %ge3A_46 : vector<16xi32>
    %or3A_48 = arith.ori %or3A_42, %ge3A_47 : vector<16xi1>
    %get3A_49 = arith.constant 16 : index
    %get3A_50 = tpu.vector_load %arg8[%get3A_49] {strides = array<i32>} : memref<512xi32, #tpu.memory_space<vmem>>, vector<16xi32>,
    %ge3A_51 = arith.constant 99998 : i32
    %ge3A_52 = vector.broadcast %ge3A_51 : i32 to vector<16xi32>
    %ge3A_53 = arith.cmpi sge, %get3A_50, %ge3A_52 : vector<16xi32>
    %or3A_54 = arith.ori %or3A_48, %ge3A_53 : vector<16xi1>
    %get3A_55 = arith.constant 32 : index
    %get3A_56 = tpu.vector_load %arg7[%get3A_55] {strides = array<i32>} : memref<512xi32, #tpu.memory_space<vmem>>, vector<16xi32>,
    %ge3A_57 = arith.constant 99998 : i32
    %ge3A_58 = vector.broadcast %ge3A_57 : i32 to vector<16xi32>
    %ge3A_59 = arith.cmpi sge, %get3A_56, %ge3A_58 : vector<16xi32>
    %or3A_60 = arith.ori %or3A_54, %ge3A_59 : vector<16xi1>
    %get3A_61 = arith.constant 32 : index
    %get3A_62 = tpu.vector_load %arg8[%get3A_61] {strides = array<i32>} : memref<512xi32, #tpu.memory_space<vmem>>, vector<16xi32>,
    %ge3A_63 = arith.constant 99998 : i32
    %ge3A_64 = vector.broadcast %ge3A_63 : i32 to vector<16xi32>
    %ge3A_65 = arith.cmpi sge, %get3A_62, %ge3A_64 : vector<16xi32>
    %or3A_66 = arith.ori %or3A_60, %ge3A_65 : vector<16xi1>
    %get3A_67 = arith.constant 48 : index
    %get3A_68 = tpu.vector_load %arg7[%get3A_67] {strides = array<i32>} : memref<512xi32, #tpu.memory_space<vmem>>, vector<16xi32>,
    %ge3A_69 = arith.constant 99998 : i32
    %ge3A_70 = vector.broadcast %ge3A_69 : i32 to vector<16xi32>
    %ge3A_71 = arith.cmpi sge, %get3A_68, %ge3A_70 : vector<16xi32>
    %or3A_72 = arith.ori %or3A_66, %ge3A_71 : vector<16xi1>
    %get3A_73 = arith.constant 48 : index
    %get3A_74 = tpu.vector_load %arg8[%get3A_73] {strides = array<i32>} : memref<512xi32, #tpu.memory_space<vmem>>, vector<16xi32>,
    %ge3A_75 = arith.constant 99998 : i32
    %ge3A_76 = vector.broadcast %ge3A_75 : i32 to vector<16xi32>
    %ge3A_77 = arith.cmpi sge, %get3A_74, %ge3A_76 : vector<16xi32>
    %or3A_78 = arith.ori %or3A_72, %ge3A_77 : vector<16xi1>
    %get3A_79 = arith.constant 64 : index
    %get3A_80 = tpu.vector_load %arg7[%get3A_79] {strides = array<i32>} : memref<512xi32, #tpu.memory_space<vmem>>, vector<16xi32>,
    %ge3A_81 = arith.constant 99998 : i32
    %ge3A_82 = vector.broadcast %ge3A_81 : i32 to vector<16xi32>
    %ge3A_83 = arith.cmpi sge, %get3A_80, %ge3A_82 : vector<16xi32>
    %or3A_84 = arith.ori %or3A_78, %ge3A_83 : vector<16xi1>
    %get3A_85 = arith.constant 64 : index
    %get3A_86 = tpu.vector_load %arg8[%get3A_85] {strides = array<i32>} : memref<512xi32, #tpu.memory_space<vmem>>, vector<16xi32>,
    %ge3A_87 = arith.constant 99998 : i32
    %ge3A_88 = vector.broadcast %ge3A_87 : i32 to vector<16xi32>
    %ge3A_89 = arith.cmpi sge, %get3A_86, %ge3A_88 : vector<16xi32>
    %or3A_90 = arith.ori %or3A_84, %ge3A_89 : vector<16xi1>
    %get3A_91 = arith.constant 80 : index
    %get3A_92 = tpu.vector_load %arg7[%get3A_91] {strides = array<i32>} : memref<512xi32, #tpu.memory_space<vmem>>, vector<16xi32>,
    %ge3A_93 = arith.constant 99998 : i32
    %ge3A_94 = vector.broadcast %ge3A_93 : i32 to vector<16xi32>
    %ge3A_95 = arith.cmpi sge, %get3A_92, %ge3A_94 : vector<16xi32>
    %or3A_96 = arith.ori %or3A_90, %ge3A_95 : vector<16xi1>
    %get3A_97 = arith.constant 80 : index
    %get3A_98 = tpu.vector_load %arg8[%get3A_97] {strides = array<i32>} : memref<512xi32, #tpu.memory_space<vmem>>, vector<16xi32>,
    %ge3A_99 = arith.constant 99998 : i32
    %ge3A_100 = vector.broadcast %ge3A_99 : i32 to vector<16xi32>
    %ge3A_101 = arith.cmpi sge, %get3A_98, %ge3A_100 : vector<16xi32>
    %or3A_102 = arith.ori %or3A_96, %ge3A_101 : vector<16xi1>
    %get3A_103 = arith.constant 96 : index
    %get3A_104 = tpu.vector_load %arg7[%get3A_103] {strides = array<i32>} : memref<512xi32, #tpu.memory_space<vmem>>, vector<16xi32>,
    %ge3A_105 = arith.constant 99998 : i32
    %ge3A_106 = vector.broadcast %ge3A_105 : i32 to vector<16xi32>
    %ge3A_107 = arith.cmpi sge, %get3A_104, %ge3A_106 : vector<16xi32>
    %or3A_108 = arith.ori %or3A_102, %ge3A_107 : vector<16xi1>
    %get3A_109 = arith.constant 96 : index
    %get3A_110 = tpu.vector_load %arg8[%get3A_109] {strides = array<i32>} : memref<512xi32, #tpu.memory_space<vmem>>, vector<16xi32>,
    %ge3A_111 = arith.constant 99998 : i32
    %ge3A_112 = vector.broadcast %ge3A_111 : i32 to vector<16xi32>
    %ge3A_113 = arith.cmpi sge, %get3A_110, %ge3A_112 : vector<16xi32>
    %or3A_114 = arith.ori %or3A_108, %ge3A_113 : vector<16xi1>
    %get3A_115 = arith.constant 112 : index
    %get3A_116 = tpu.vector_load %arg7[%get3A_115] {strides = array<i32>} : memref<512xi32, #tpu.memory_space<vmem>>, vector<16xi32>,
    %ge3A_117 = arith.constant 99998 : i32
    %ge3A_118 = vector.broadcast %ge3A_117 : i32 to vector<16xi32>
    %ge3A_119 = arith.cmpi sge, %get3A_116, %ge3A_118 : vector<16xi32>
    %or3A_120 = arith.ori %or3A_114, %ge3A_119 : vector<16xi1>
    %get3A_121 = arith.constant 112 : index
    %get3A_122 = tpu.vector_load %arg8[%get3A_121] {strides = array<i32>} : memref<512xi32, #tpu.memory_space<vmem>>, vector<16xi32>,
    %ge3A_123 = arith.constant 99998 : i32
    %ge3A_124 = vector.broadcast %ge3A_123 : i32 to vector<16xi32>
    %ge3A_125 = arith.cmpi sge, %get3A_122, %ge3A_124 : vector<16xi32>
    %or3A_126 = arith.ori %or3A_120, %ge3A_125 : vector<16xi1>
    %reduce_or3A = arith.constant 1.000000e+00 : f32
    %reduce_or3A_127 = arith.constant 0.000000e+00 : f32
    %reduce_or3A_128 = vector.broadcast %reduce_or3A : f32 to vector<16xf32>
    %reduce_or3A_129 = vector.broadcast %reduce_or3A_127 : f32 to vector<16xf32>
    %reduce_or3A_130 = arith.select %or3A_126, %reduce_or3A_128, %reduce_or3A_129 : vector<16xi1>, vector<16xf32>
    %reduce_or3A_131 = arith.constant true
    %reduce_or3A_132 = vector.broadcast %reduce_or3A_131 : i1 to vector<16xi1>
    %reduce_or3A_133 = tpu.scan <max>, %reduce_or3A_130 masked %reduce_or3A_132 : vector<16xf32>, vector<16xi1> -> vector<16xf32>
    %reduce_or3A_134 = vector.extract %reduce_or3A_133[15] : f32 from vector<16xf32>
    %reduce_or3A_135 = arith.constant 0.000000e+00 : f32
    %reduce_or3A_136 = arith.cmpf ogt, %reduce_or3A_134, %reduce_or3A_135 : f32
    %convert_element_type3A = arith.extui %reduce_or3A_136 : i1 to i32
    %cond3A = arith.constant 0 : i32
    %cond3A_137 = arith.cmpi ne, %convert_element_type3A, %cond3A : i32
    %cond3A_138 = scf.if %cond3A_137 -> (vector<16xf32>) {
      %scan3A = arith.constant 0 : i32
      %scan3A_529 = arith.constant 128 : i32
      %scan3A_530 = arith.addi %scan3A, %scan3A_529 : i32
      %scan3A_531 = arith.constant 1 : i32
      %scan3A_532 = scf.for %scan3A_534 = %scan3A to %scan3A_530 step %scan3A_531 iter_args(%scan3A_535 = %broadcast_in_dim3A_3) -> (vector<16xf32>)  : i32 {
        %add3A_536 = arith.constant 0 : i32
        %add3A_537 = arith.addi %add3A_536, %scan3A_534 : i32
        %broadcast_in_dim3A_538 = vector.broadcast %add3A_537 : i32 to vector<16xi32>
        %gather3A = tpu.vector_load_idx %arg9[%broadcast_in_dim3A_538] : memref<512xi32, #tpu.memory_space<vmem>>[vector<16xi32>], vector<16xi32>,
        %shift_right_arithmetic3A = arith.constant 1 : i32
        %shift_right_arithmetic3A_539 = vector.broadcast %shift_right_arithmetic3A : i32 to vector<16xi32>
        %shift_right_arithmetic3A_540 = arith.shrsi %gather3A, %shift_right_arithmetic3A_539 : vector<16xi32>
        %convert_element_type3A_541 = arith.sitofp %shift_right_arithmetic3A_540 : vector<16xi32> to vector<16xf32>
        %and3A = arith.constant 1 : i32
        %and3A_542 = vector.broadcast %and3A : i32 to vector<16xi32>
        %and3A_543 = arith.andi %gather3A, %and3A_542 : vector<16xi32>
        %convert_element_type3A_544 = arith.sitofp %and3A_543 : vector<16xi32> to vector<16xf32>
        %add3A_545 = arith.addf %convert_element_type3A_541, %convert_element_type3A_541 : vector<16xf32>
        %add3A_546 = arith.constant 1.000000e+00 : f32
        %add3A_547 = vector.broadcast %add3A_546 : f32 to vector<16xf32>
        %add3A_548 = arith.addf %add3A_547, %add3A_545 : vector<16xf32>
        %add3A_549 = arith.addf %convert_element_type3A_544, %convert_element_type3A_544 : vector<16xf32>
        %sub3A = arith.constant 1.000000e+00 : f32
        %sub3A_550 = vector.broadcast %sub3A : f32 to vector<16xf32>
        %sub3A_551 = arith.subf %sub3A_550, %add3A_549 : vector<16xf32>
        %gather3A_552 = tpu.vector_load_idx %arg7[%broadcast_in_dim3A_538] : memref<512xi32, #tpu.memory_space<vmem>>[vector<16xi32>], vector<16xi32>,
        %gather3A_553 = tpu.vector_load_idx %arg8[%broadcast_in_dim3A_538] : memref<512xi32, #tpu.memory_space<vmem>>[vector<16xi32>], vector<16xi32>,
        %eq3A = arith.constant 99999 : i32
        %eq3A_554 = vector.broadcast %eq3A : i32 to vector<16xi32>
        %eq3A_555 = arith.cmpi eq, %gather3A_552, %eq3A_554 : vector<16xi32>
        %eq3A_556 = arith.constant 99998 : i32
        %eq3A_557 = vector.broadcast %eq3A_556 : i32 to vector<16xi32>
        %eq3A_558 = arith.cmpi eq, %gather3A_552, %eq3A_557 : vector<16xi32>
        %eq3A_559 = arith.constant 99999 : i32
        %eq3A_560 = vector.broadcast %eq3A_559 : i32 to vector<16xi32>
        %eq3A_561 = arith.cmpi eq, %gather3A_553, %eq3A_560 : vector<16xi32>
        %eq3A_562 = arith.constant 99998 : i32
        %eq3A_563 = vector.broadcast %eq3A_562 : i32 to vector<16xi32>
        %eq3A_564 = arith.cmpi eq, %gather3A_553, %eq3A_563 : vector<16xi32>
        %get3A_565 = arith.index_cast %scan3A_534 : i32 to index
        %get3A_566 = arith.constant 0 : index
        %get3A_567 = tpu.vector_load %arg10[%get3A_565, %get3A_566] {strides = array<i32>} : memref<128x128xf32, #tpu.memory_space<vmem>>, vector<16xf32>,
        %get3A_568 = arith.index_cast %scan3A_534 : i32 to index
        %get3A_569 = arith.constant 0 : index
        %get3A_570 = tpu.vector_load %arg11[%get3A_568, %get3A_569] {strides = array<i32>} : memref<128x128xf32, #tpu.memory_space<vmem>>, vector<16xf32>,
        %gt3A = arith.constant 0.000000e+00 : f32
        %gt3A_571 = vector.broadcast %gt3A : f32 to vector<16xf32>
        %gt3A_572 = arith.cmpf ogt, %get3A_567, %gt3A_571 : vector<16xf32>
        %and3A_573 = arith.andi %eq3A_555, %gt3A_572 : vector<16xi1>
        %jit3A = arith.constant 1.000000e+00 : f32
        %broadcast_in_dim3A_574 = vector.broadcast %jit3A : f32 to vector<16xf32>
        %select_n3A = arith.select %and3A_573, %broadcast_in_dim3A_574, %get3A_567 : vector<16xi1>, vector<16xf32>
        %lt3A = arith.constant 1.000000e+00 : f32
        %lt3A_575 = vector.broadcast %lt3A : f32 to vector<16xf32>
        %lt3A_576 = arith.cmpf olt, %select_n3A, %lt3A_575 : vector<16xf32>
        %and3A_577 = arith.andi %eq3A_558, %lt3A_576 : vector<16xi1>
        %jit3A_578 = arith.constant 0.000000e+00 : f32
        %broadcast_in_dim3A_579 = vector.broadcast %jit3A_578 : f32 to vector<16xf32>
        %select_n3A_580 = arith.select %and3A_577, %broadcast_in_dim3A_579, %select_n3A : vector<16xi1>, vector<16xf32>
        %gt3A_581 = arith.constant 0.000000e+00 : f32
        %gt3A_582 = vector.broadcast %gt3A_581 : f32 to vector<16xf32>
        %gt3A_583 = arith.cmpf ogt, %get3A_570, %gt3A_582 : vector<16xf32>
        %and3A_584 = arith.andi %eq3A_561, %gt3A_583 : vector<16xi1>
        %jit3A_585 = arith.constant 1.000000e+00 : f32
        %broadcast_in_dim3A_586 = vector.broadcast %jit3A_585 : f32 to vector<16xf32>
        %select_n3A_587 = arith.select %and3A_584, %broadcast_in_dim3A_586, %get3A_570 : vector<16xi1>, vector<16xf32>
        %lt3A_588 = arith.constant 1.000000e+00 : f32
        %lt3A_589 = vector.broadcast %lt3A_588 : f32 to vector<16xf32>
        %lt3A_590 = arith.cmpf olt, %select_n3A_587, %lt3A_589 : vector<16xf32>
        %and3A_591 = arith.andi %eq3A_564, %lt3A_590 : vector<16xi1>
        %jit3A_592 = arith.constant 0.000000e+00 : f32
        %broadcast_in_dim3A_593 = vector.broadcast %jit3A_592 : f32 to vector<16xf32>
        %select_n3A_594 = arith.select %and3A_591, %broadcast_in_dim3A_593, %select_n3A_587 : vector<16xi1>, vector<16xf32>
        %mul3A_595 = arith.mulf %add3A_548, %select_n3A_580 : vector<16xf32>
        %mul3A_596 = arith.mulf %sub3A_551, %select_n3A_594 : vector<16xf32>
        %sub3A_597 = arith.subf %mul3A_595, %mul3A_596 : vector<16xf32>
        %max3A = arith.constant 0.000000e+00 : f32
        %max3A_598 = vector.broadcast %max3A : f32 to vector<16xf32>
        %max3A_599 = arith.maximumf %sub3A_597, %max3A_598 : vector<16xf32>
        %get3A_600 = arith.index_cast %scan3A_534 : i32 to index
        %get3A_601 = arith.constant 16 : index
        %get3A_602 = tpu.vector_load %arg10[%get3A_600, %get3A_601] {strides = array<i32>} : memref<128x128xf32, #tpu.memory_space<vmem>>, vector<16xf32>,
        %get3A_603 = arith.index_cast %scan3A_534 : i32 to index
        %get3A_604 = arith.constant 16 : index
        %get3A_605 = tpu.vector_load %arg11[%get3A_603, %get3A_604] {strides = array<i32>} : memref<128x128xf32, #tpu.memory_space<vmem>>, vector<16xf32>,
        %gt3A_606 = arith.constant 0.000000e+00 : f32
        %gt3A_607 = vector.broadcast %gt3A_606 : f32 to vector<16xf32>
        %gt3A_608 = arith.cmpf ogt, %get3A_602, %gt3A_607 : vector<16xf32>
        %and3A_609 = arith.andi %eq3A_555, %gt3A_608 : vector<16xi1>
        %jit3A_610 = arith.constant 1.000000e+00 : f32
        %broadcast_in_dim3A_611 = vector.broadcast %jit3A_610 : f32 to vector<16xf32>
        %select_n3A_612 = arith.select %and3A_609, %broadcast_in_dim3A_611, %get3A_602 : vector<16xi1>, vector<16xf32>
        %lt3A_613 = arith.constant 1.000000e+00 : f32
        %lt3A_614 = vector.broadcast %lt3A_613 : f32 to vector<16xf32>
        %lt3A_615 = arith.cmpf olt, %select_n3A_612, %lt3A_614 : vector<16xf32>
        %and3A_616 = arith.andi %eq3A_558, %lt3A_615 : vector<16xi1>
        %jit3A_617 = arith.constant 0.000000e+00 : f32
        %broadcast_in_dim3A_618 = vector.broadcast %jit3A_617 : f32 to vector<16xf32>
        %select_n3A_619 = arith.select %and3A_616, %broadcast_in_dim3A_618, %select_n3A_612 : vector<16xi1>, vector<16xf32>
        %gt3A_620 = arith.constant 0.000000e+00 : f32
        %gt3A_621 = vector.broadcast %gt3A_620 : f32 to vector<16xf32>
        %gt3A_622 = arith.cmpf ogt, %get3A_605, %gt3A_621 : vector<16xf32>
        %and3A_623 = arith.andi %eq3A_561, %gt3A_622 : vector<16xi1>
        %jit3A_624 = arith.constant 1.000000e+00 : f32
        %broadcast_in_dim3A_625 = vector.broadcast %jit3A_624 : f32 to vector<16xf32>
        %select_n3A_626 = arith.select %and3A_623, %broadcast_in_dim3A_625, %get3A_605 : vector<16xi1>, vector<16xf32>
        %lt3A_627 = arith.constant 1.000000e+00 : f32
        %lt3A_628 = vector.broadcast %lt3A_627 : f32 to vector<16xf32>
        %lt3A_629 = arith.cmpf olt, %select_n3A_626, %lt3A_628 : vector<16xf32>
        %and3A_630 = arith.andi %eq3A_564, %lt3A_629 : vector<16xi1>
        %jit3A_631 = arith.constant 0.000000e+00 : f32
        %broadcast_in_dim3A_632 = vector.broadcast %jit3A_631 : f32 to vector<16xf32>
        %select_n3A_633 = arith.select %and3A_630, %broadcast_in_dim3A_632, %select_n3A_626 : vector<16xi1>, vector<16xf32>
        %mul3A_634 = arith.mulf %add3A_548, %select_n3A_619 : vector<16xf32>
        %mul3A_635 = arith.mulf %sub3A_551, %select_n3A_633 : vector<16xf32>
        %sub3A_636 = arith.subf %mul3A_634, %mul3A_635 : vector<16xf32>
        %max3A_637 = arith.constant 0.000000e+00 : f32
        %max3A_638 = vector.broadcast %max3A_637 : f32 to vector<16xf32>
        %max3A_639 = arith.maximumf %sub3A_636, %max3A_638 : vector<16xf32>
        %get3A_640 = arith.index_cast %scan3A_534 : i32 to index
        %get3A_641 = arith.constant 32 : index
        %get3A_642 = tpu.vector_load %arg10[%get3A_640, %get3A_641] {strides = array<i32>} : memref<128x128xf32, #tpu.memory_space<vmem>>, vector<16xf32>,
        %get3A_643 = arith.index_cast %scan3A_534 : i32 to index
        %get3A_644 = arith.constant 32 : index
        %get3A_645 = tpu.vector_load %arg11[%get3A_643, %get3A_644] {strides = array<i32>} : memref<128x128xf32, #tpu.memory_space<vmem>>, vector<16xf32>,
        %gt3A_646 = arith.constant 0.000000e+00 : f32
        %gt3A_647 = vector.broadcast %gt3A_646 : f32 to vector<16xf32>
        %gt3A_648 = arith.cmpf ogt, %get3A_642, %gt3A_647 : vector<16xf32>
        %and3A_649 = arith.andi %eq3A_555, %gt3A_648 : vector<16xi1>
        %jit3A_650 = arith.constant 1.000000e+00 : f32
        %broadcast_in_dim3A_651 = vector.broadcast %jit3A_650 : f32 to vector<16xf32>
        %select_n3A_652 = arith.select %and3A_649, %broadcast_in_dim3A_651, %get3A_642 : vector<16xi1>, vector<16xf32>
        %lt3A_653 = arith.constant 1.000000e+00 : f32
        %lt3A_654 = vector.broadcast %lt3A_653 : f32 to vector<16xf32>
        %lt3A_655 = arith.cmpf olt, %select_n3A_652, %lt3A_654 : vector<16xf32>
        %and3A_656 = arith.andi %eq3A_558, %lt3A_655 : vector<16xi1>
        %jit3A_657 = arith.constant 0.000000e+00 : f32
        %broadcast_in_dim3A_658 = vector.broadcast %jit3A_657 : f32 to vector<16xf32>
        %select_n3A_659 = arith.select %and3A_656, %broadcast_in_dim3A_658, %select_n3A_652 : vector<16xi1>, vector<16xf32>
        %gt3A_660 = arith.constant 0.000000e+00 : f32
        %gt3A_661 = vector.broadcast %gt3A_660 : f32 to vector<16xf32>
        %gt3A_662 = arith.cmpf ogt, %get3A_645, %gt3A_661 : vector<16xf32>
        %and3A_663 = arith.andi %eq3A_561, %gt3A_662 : vector<16xi1>
        %jit3A_664 = arith.constant 1.000000e+00 : f32
        %broadcast_in_dim3A_665 = vector.broadcast %jit3A_664 : f32 to vector<16xf32>
        %select_n3A_666 = arith.select %and3A_663, %broadcast_in_dim3A_665, %get3A_645 : vector<16xi1>, vector<16xf32>
        %lt3A_667 = arith.constant 1.000000e+00 : f32
        %lt3A_668 = vector.broadcast %lt3A_667 : f32 to vector<16xf32>
        %lt3A_669 = arith.cmpf olt, %select_n3A_666, %lt3A_668 : vector<16xf32>
        %and3A_670 = arith.andi %eq3A_564, %lt3A_669 : vector<16xi1>
        %jit3A_671 = arith.constant 0.000000e+00 : f32
        %broadcast_in_dim3A_672 = vector.broadcast %jit3A_671 : f32 to vector<16xf32>
        %select_n3A_673 = arith.select %and3A_670, %broadcast_in_dim3A_672, %select_n3A_666 : vector<16xi1>, vector<16xf32>
        %mul3A_674 = arith.mulf %add3A_548, %select_n3A_659 : vector<16xf32>
        %mul3A_675 = arith.mulf %sub3A_551, %select_n3A_673 : vector<16xf32>
        %sub3A_676 = arith.subf %mul3A_674, %mul3A_675 : vector<16xf32>
        %max3A_677 = arith.constant 0.000000e+00 : f32
        %max3A_678 = vector.broadcast %max3A_677 : f32 to vector<16xf32>
        %max3A_679 = arith.maximumf %sub3A_676, %max3A_678 : vector<16xf32>
        %get3A_680 = arith.index_cast %scan3A_534 : i32 to index
        %get3A_681 = arith.constant 48 : index
        %get3A_682 = tpu.vector_load %arg10[%get3A_680, %get3A_681] {strides = array<i32>} : memref<128x128xf32, #tpu.memory_space<vmem>>, vector<16xf32>,
        %get3A_683 = arith.index_cast %scan3A_534 : i32 to index
        %get3A_684 = arith.constant 48 : index
        %get3A_685 = tpu.vector_load %arg11[%get3A_683, %get3A_684] {strides = array<i32>} : memref<128x128xf32, #tpu.memory_space<vmem>>, vector<16xf32>,
        %gt3A_686 = arith.constant 0.000000e+00 : f32
        %gt3A_687 = vector.broadcast %gt3A_686 : f32 to vector<16xf32>
        %gt3A_688 = arith.cmpf ogt, %get3A_682, %gt3A_687 : vector<16xf32>
        %and3A_689 = arith.andi %eq3A_555, %gt3A_688 : vector<16xi1>
        %jit3A_690 = arith.constant 1.000000e+00 : f32
        %broadcast_in_dim3A_691 = vector.broadcast %jit3A_690 : f32 to vector<16xf32>
        %select_n3A_692 = arith.select %and3A_689, %broadcast_in_dim3A_691, %get3A_682 : vector<16xi1>, vector<16xf32>
        %lt3A_693 = arith.constant 1.000000e+00 : f32
        %lt3A_694 = vector.broadcast %lt3A_693 : f32 to vector<16xf32>
        %lt3A_695 = arith.cmpf olt, %select_n3A_692, %lt3A_694 : vector<16xf32>
        %and3A_696 = arith.andi %eq3A_558, %lt3A_695 : vector<16xi1>
        %jit3A_697 = arith.constant 0.000000e+00 : f32
        %broadcast_in_dim3A_698 = vector.broadcast %jit3A_697 : f32 to vector<16xf32>
        %select_n3A_699 = arith.select %and3A_696, %broadcast_in_dim3A_698, %select_n3A_692 : vector<16xi1>, vector<16xf32>
        %gt3A_700 = arith.constant 0.000000e+00 : f32
        %gt3A_701 = vector.broadcast %gt3A_700 : f32 to vector<16xf32>
        %gt3A_702 = arith.cmpf ogt, %get3A_685, %gt3A_701 : vector<16xf32>
        %and3A_703 = arith.andi %eq3A_561, %gt3A_702 : vector<16xi1>
        %jit3A_704 = arith.constant 1.000000e+00 : f32
        %broadcast_in_dim3A_705 = vector.broadcast %jit3A_704 : f32 to vector<16xf32>
        %select_n3A_706 = arith.select %and3A_703, %broadcast_in_dim3A_705, %get3A_685 : vector<16xi1>, vector<16xf32>
        %lt3A_707 = arith.constant 1.000000e+00 : f32
        %lt3A_708 = vector.broadcast %lt3A_707 : f32 to vector<16xf32>
        %lt3A_709 = arith.cmpf olt, %select_n3A_706, %lt3A_708 : vector<16xf32>
        %and3A_710 = arith.andi %eq3A_564, %lt3A_709 : vector<16xi1>
        %jit3A_711 = arith.constant 0.000000e+00 : f32
        %broadcast_in_dim3A_712 = vector.broadcast %jit3A_711 : f32 to vector<16xf32>
        %select_n3A_713 = arith.select %and3A_710, %broadcast_in_dim3A_712, %select_n3A_706 : vector<16xi1>, vector<16xf32>
        %mul3A_714 = arith.mulf %add3A_548, %select_n3A_699 : vector<16xf32>
        %mul3A_715 = arith.mulf %sub3A_551, %select_n3A_713 : vector<16xf32>
        %sub3A_716 = arith.subf %mul3A_714, %mul3A_715 : vector<16xf32>
        %max3A_717 = arith.constant 0.000000e+00 : f32
        %max3A_718 = vector.broadcast %max3A_717 : f32 to vector<16xf32>
        %max3A_719 = arith.maximumf %sub3A_716, %max3A_718 : vector<16xf32>
        %get3A_720 = arith.index_cast %scan3A_534 : i32 to index
        %get3A_721 = arith.constant 64 : index
        %get3A_722 = tpu.vector_load %arg10[%get3A_720, %get3A_721] {strides = array<i32>} : memref<128x128xf32, #tpu.memory_space<vmem>>, vector<16xf32>,
        %get3A_723 = arith.index_cast %scan3A_534 : i32 to index
        %get3A_724 = arith.constant 64 : index
        %get3A_725 = tpu.vector_load %arg11[%get3A_723, %get3A_724] {strides = array<i32>} : memref<128x128xf32, #tpu.memory_space<vmem>>, vector<16xf32>,
        %gt3A_726 = arith.constant 0.000000e+00 : f32
        %gt3A_727 = vector.broadcast %gt3A_726 : f32 to vector<16xf32>
        %gt3A_728 = arith.cmpf ogt, %get3A_722, %gt3A_727 : vector<16xf32>
        %and3A_729 = arith.andi %eq3A_555, %gt3A_728 : vector<16xi1>
        %jit3A_730 = arith.constant 1.000000e+00 : f32
        %broadcast_in_dim3A_731 = vector.broadcast %jit3A_730 : f32 to vector<16xf32>
        %select_n3A_732 = arith.select %and3A_729, %broadcast_in_dim3A_731, %get3A_722 : vector<16xi1>, vector<16xf32>
        %lt3A_733 = arith.constant 1.000000e+00 : f32
        %lt3A_734 = vector.broadcast %lt3A_733 : f32 to vector<16xf32>
        %lt3A_735 = arith.cmpf olt, %select_n3A_732, %lt3A_734 : vector<16xf32>
        %and3A_736 = arith.andi %eq3A_558, %lt3A_735 : vector<16xi1>
        %jit3A_737 = arith.constant 0.000000e+00 : f32
        %broadcast_in_dim3A_738 = vector.broadcast %jit3A_737 : f32 to vector<16xf32>
        %select_n3A_739 = arith.select %and3A_736, %broadcast_in_dim3A_738, %select_n3A_732 : vector<16xi1>, vector<16xf32>
        %gt3A_740 = arith.constant 0.000000e+00 : f32
        %gt3A_741 = vector.broadcast %gt3A_740 : f32 to vector<16xf32>
        %gt3A_742 = arith.cmpf ogt, %get3A_725, %gt3A_741 : vector<16xf32>
        %and3A_743 = arith.andi %eq3A_561, %gt3A_742 : vector<16xi1>
        %jit3A_744 = arith.constant 1.000000e+00 : f32
        %broadcast_in_dim3A_745 = vector.broadcast %jit3A_744 : f32 to vector<16xf32>
        %select_n3A_746 = arith.select %and3A_743, %broadcast_in_dim3A_745, %get3A_725 : vector<16xi1>, vector<16xf32>
        %lt3A_747 = arith.constant 1.000000e+00 : f32
        %lt3A_748 = vector.broadcast %lt3A_747 : f32 to vector<16xf32>
        %lt3A_749 = arith.cmpf olt, %select_n3A_746, %lt3A_748 : vector<16xf32>
        %and3A_750 = arith.andi %eq3A_564, %lt3A_749 : vector<16xi1>
        %jit3A_751 = arith.constant 0.000000e+00 : f32
        %broadcast_in_dim3A_752 = vector.broadcast %jit3A_751 : f32 to vector<16xf32>
        %select_n3A_753 = arith.select %and3A_750, %broadcast_in_dim3A_752, %select_n3A_746 : vector<16xi1>, vector<16xf32>
        %mul3A_754 = arith.mulf %add3A_548, %select_n3A_739 : vector<16xf32>
        %mul3A_755 = arith.mulf %sub3A_551, %select_n3A_753 : vector<16xf32>
        %sub3A_756 = arith.subf %mul3A_754, %mul3A_755 : vector<16xf32>
        %max3A_757 = arith.constant 0.000000e+00 : f32
        %max3A_758 = vector.broadcast %max3A_757 : f32 to vector<16xf32>
        %max3A_759 = arith.maximumf %sub3A_756, %max3A_758 : vector<16xf32>
        %get3A_760 = arith.index_cast %scan3A_534 : i32 to index
        %get3A_761 = arith.constant 80 : index
        %get3A_762 = tpu.vector_load %arg10[%get3A_760, %get3A_761] {strides = array<i32>} : memref<128x128xf32, #tpu.memory_space<vmem>>, vector<16xf32>,
        %get3A_763 = arith.index_cast %scan3A_534 : i32 to index
        %get3A_764 = arith.constant 80 : index
        %get3A_765 = tpu.vector_load %arg11[%get3A_763, %get3A_764] {strides = array<i32>} : memref<128x128xf32, #tpu.memory_space<vmem>>, vector<16xf32>,
        %gt3A_766 = arith.constant 0.000000e+00 : f32
        %gt3A_767 = vector.broadcast %gt3A_766 : f32 to vector<16xf32>
        %gt3A_768 = arith.cmpf ogt, %get3A_762, %gt3A_767 : vector<16xf32>
        %and3A_769 = arith.andi %eq3A_555, %gt3A_768 : vector<16xi1>
        %jit3A_770 = arith.constant 1.000000e+00 : f32
        %broadcast_in_dim3A_771 = vector.broadcast %jit3A_770 : f32 to vector<16xf32>
        %select_n3A_772 = arith.select %and3A_769, %broadcast_in_dim3A_771, %get3A_762 : vector<16xi1>, vector<16xf32>
        %lt3A_773 = arith.constant 1.000000e+00 : f32
        %lt3A_774 = vector.broadcast %lt3A_773 : f32 to vector<16xf32>
        %lt3A_775 = arith.cmpf olt, %select_n3A_772, %lt3A_774 : vector<16xf32>
        %and3A_776 = arith.andi %eq3A_558, %lt3A_775 : vector<16xi1>
        %jit3A_777 = arith.constant 0.000000e+00 : f32
        %broadcast_in_dim3A_778 = vector.broadcast %jit3A_777 : f32 to vector<16xf32>
        %select_n3A_779 = arith.select %and3A_776, %broadcast_in_dim3A_778, %select_n3A_772 : vector<16xi1>, vector<16xf32>
        %gt3A_780 = arith.constant 0.000000e+00 : f32
        %gt3A_781 = vector.broadcast %gt3A_780 : f32 to vector<16xf32>
        %gt3A_782 = arith.cmpf ogt, %get3A_765, %gt3A_781 : vector<16xf32>
        %and3A_783 = arith.andi %eq3A_561, %gt3A_782 : vector<16xi1>
        %jit3A_784 = arith.constant 1.000000e+00 : f32
        %broadcast_in_dim3A_785 = vector.broadcast %jit3A_784 : f32 to vector<16xf32>
        %select_n3A_786 = arith.select %and3A_783, %broadcast_in_dim3A_785, %get3A_765 : vector<16xi1>, vector<16xf32>
        %lt3A_787 = arith.constant 1.000000e+00 : f32
        %lt3A_788 = vector.broadcast %lt3A_787 : f32 to vector<16xf32>
        %lt3A_789 = arith.cmpf olt, %select_n3A_786, %lt3A_788 : vector<16xf32>
        %and3A_790 = arith.andi %eq3A_564, %lt3A_789 : vector<16xi1>
        %jit3A_791 = arith.constant 0.000000e+00 : f32
        %broadcast_in_dim3A_792 = vector.broadcast %jit3A_791 : f32 to vector<16xf32>
        %select_n3A_793 = arith.select %and3A_790, %broadcast_in_dim3A_792, %select_n3A_786 : vector<16xi1>, vector<16xf32>
        %mul3A_794 = arith.mulf %add3A_548, %select_n3A_779 : vector<16xf32>
        %mul3A_795 = arith.mulf %sub3A_551, %select_n3A_793 : vector<16xf32>
        %sub3A_796 = arith.subf %mul3A_794, %mul3A_795 : vector<16xf32>
        %max3A_797 = arith.constant 0.000000e+00 : f32
        %max3A_798 = vector.broadcast %max3A_797 : f32 to vector<16xf32>
        %max3A_799 = arith.maximumf %sub3A_796, %max3A_798 : vector<16xf32>
        %get3A_800 = arith.index_cast %scan3A_534 : i32 to index
        %get3A_801 = arith.constant 96 : index
        %get3A_802 = tpu.vector_load %arg10[%get3A_800, %get3A_801] {strides = array<i32>} : memref<128x128xf32, #tpu.memory_space<vmem>>, vector<16xf32>,
        %get3A_803 = arith.index_cast %scan3A_534 : i32 to index
        %get3A_804 = arith.constant 96 : index
        %get3A_805 = tpu.vector_load %arg11[%get3A_803, %get3A_804] {strides = array<i32>} : memref<128x128xf32, #tpu.memory_space<vmem>>, vector<16xf32>,
        %gt3A_806 = arith.constant 0.000000e+00 : f32
        %gt3A_807 = vector.broadcast %gt3A_806 : f32 to vector<16xf32>
        %gt3A_808 = arith.cmpf ogt, %get3A_802, %gt3A_807 : vector<16xf32>
        %and3A_809 = arith.andi %eq3A_555, %gt3A_808 : vector<16xi1>
        %jit3A_810 = arith.constant 1.000000e+00 : f32
        %broadcast_in_dim3A_811 = vector.broadcast %jit3A_810 : f32 to vector<16xf32>
        %select_n3A_812 = arith.select %and3A_809, %broadcast_in_dim3A_811, %get3A_802 : vector<16xi1>, vector<16xf32>
        %lt3A_813 = arith.constant 1.000000e+00 : f32
        %lt3A_814 = vector.broadcast %lt3A_813 : f32 to vector<16xf32>
        %lt3A_815 = arith.cmpf olt, %select_n3A_812, %lt3A_814 : vector<16xf32>
        %and3A_816 = arith.andi %eq3A_558, %lt3A_815 : vector<16xi1>
        %jit3A_817 = arith.constant 0.000000e+00 : f32
        %broadcast_in_dim3A_818 = vector.broadcast %jit3A_817 : f32 to vector<16xf32>
        %select_n3A_819 = arith.select %and3A_816, %broadcast_in_dim3A_818, %select_n3A_812 : vector<16xi1>, vector<16xf32>
        %gt3A_820 = arith.constant 0.000000e+00 : f32
        %gt3A_821 = vector.broadcast %gt3A_820 : f32 to vector<16xf32>
        %gt3A_822 = arith.cmpf ogt, %get3A_805, %gt3A_821 : vector<16xf32>
        %and3A_823 = arith.andi %eq3A_561, %gt3A_822 : vector<16xi1>
        %jit3A_824 = arith.constant 1.000000e+00 : f32
        %broadcast_in_dim3A_825 = vector.broadcast %jit3A_824 : f32 to vector<16xf32>
        %select_n3A_826 = arith.select %and3A_823, %broadcast_in_dim3A_825, %get3A_805 : vector<16xi1>, vector<16xf32>
        %lt3A_827 = arith.constant 1.000000e+00 : f32
        %lt3A_828 = vector.broadcast %lt3A_827 : f32 to vector<16xf32>
        %lt3A_829 = arith.cmpf olt, %select_n3A_826, %lt3A_828 : vector<16xf32>
        %and3A_830 = arith.andi %eq3A_564, %lt3A_829 : vector<16xi1>
        %jit3A_831 = arith.constant 0.000000e+00 : f32
        %broadcast_in_dim3A_832 = vector.broadcast %jit3A_831 : f32 to vector<16xf32>
        %select_n3A_833 = arith.select %and3A_830, %broadcast_in_dim3A_832, %select_n3A_826 : vector<16xi1>, vector<16xf32>
        %mul3A_834 = arith.mulf %add3A_548, %select_n3A_819 : vector<16xf32>
        %mul3A_835 = arith.mulf %sub3A_551, %select_n3A_833 : vector<16xf32>
        %sub3A_836 = arith.subf %mul3A_834, %mul3A_835 : vector<16xf32>
        %max3A_837 = arith.constant 0.000000e+00 : f32
        %max3A_838 = vector.broadcast %max3A_837 : f32 to vector<16xf32>
        %max3A_839 = arith.maximumf %sub3A_836, %max3A_838 : vector<16xf32>
        %get3A_840 = arith.index_cast %scan3A_534 : i32 to index
        %get3A_841 = arith.constant 112 : index
        %get3A_842 = tpu.vector_load %arg10[%get3A_840, %get3A_841] {strides = array<i32>} : memref<128x128xf32, #tpu.memory_space<vmem>>, vector<16xf32>,
        %get3A_843 = arith.index_cast %scan3A_534 : i32 to index
        %get3A_844 = arith.constant 112 : index
        %get3A_845 = tpu.vector_load %arg11[%get3A_843, %get3A_844] {strides = array<i32>} : memref<128x128xf32, #tpu.memory_space<vmem>>, vector<16xf32>,
        %gt3A_846 = arith.constant 0.000000e+00 : f32
        %gt3A_847 = vector.broadcast %gt3A_846 : f32 to vector<16xf32>
        %gt3A_848 = arith.cmpf ogt, %get3A_842, %gt3A_847 : vector<16xf32>
        %and3A_849 = arith.andi %eq3A_555, %gt3A_848 : vector<16xi1>
        %jit3A_850 = arith.constant 1.000000e+00 : f32
        %broadcast_in_dim3A_851 = vector.broadcast %jit3A_850 : f32 to vector<16xf32>
        %select_n3A_852 = arith.select %and3A_849, %broadcast_in_dim3A_851, %get3A_842 : vector<16xi1>, vector<16xf32>
        %lt3A_853 = arith.constant 1.000000e+00 : f32
        %lt3A_854 = vector.broadcast %lt3A_853 : f32 to vector<16xf32>
        %lt3A_855 = arith.cmpf olt, %select_n3A_852, %lt3A_854 : vector<16xf32>
        %and3A_856 = arith.andi %eq3A_558, %lt3A_855 : vector<16xi1>
        %jit3A_857 = arith.constant 0.000000e+00 : f32
        %broadcast_in_dim3A_858 = vector.broadcast %jit3A_857 : f32 to vector<16xf32>
        %select_n3A_859 = arith.select %and3A_856, %broadcast_in_dim3A_858, %select_n3A_852 : vector<16xi1>, vector<16xf32>
        %gt3A_860 = arith.constant 0.000000e+00 : f32
        %gt3A_861 = vector.broadcast %gt3A_860 : f32 to vector<16xf32>
        %gt3A_862 = arith.cmpf ogt, %get3A_845, %gt3A_861 : vector<16xf32>
        %and3A_863 = arith.andi %eq3A_561, %gt3A_862 : vector<16xi1>
        %jit3A_864 = arith.constant 1.000000e+00 : f32
        %broadcast_in_dim3A_865 = vector.broadcast %jit3A_864 : f32 to vector<16xf32>
        %select_n3A_866 = arith.select %and3A_863, %broadcast_in_dim3A_865, %get3A_845 : vector<16xi1>, vector<16xf32>
        %lt3A_867 = arith.constant 1.000000e+00 : f32
        %lt3A_868 = vector.broadcast %lt3A_867 : f32 to vector<16xf32>
        %lt3A_869 = arith.cmpf olt, %select_n3A_866, %lt3A_868 : vector<16xf32>
        %and3A_870 = arith.andi %eq3A_564, %lt3A_869 : vector<16xi1>
        %jit3A_871 = arith.constant 0.000000e+00 : f32
        %broadcast_in_dim3A_872 = vector.broadcast %jit3A_871 : f32 to vector<16xf32>
        %select_n3A_873 = arith.select %and3A_870, %broadcast_in_dim3A_872, %select_n3A_866 : vector<16xi1>, vector<16xf32>
        %mul3A_874 = arith.mulf %add3A_548, %select_n3A_859 : vector<16xf32>
        %mul3A_875 = arith.mulf %sub3A_551, %select_n3A_873 : vector<16xf32>
        %sub3A_876 = arith.subf %mul3A_874, %mul3A_875 : vector<16xf32>
        %max3A_877 = arith.constant 0.000000e+00 : f32
        %max3A_878 = vector.broadcast %max3A_877 : f32 to vector<16xf32>
        %max3A_879 = arith.maximumf %sub3A_876, %max3A_878 : vector<16xf32>
        %add3A_880 = arith.addf %max3A_599, %max3A_639 : vector<16xf32>
        %add3A_881 = arith.addf %max3A_679, %max3A_719 : vector<16xf32>
        %add3A_882 = arith.addf %max3A_759, %max3A_799 : vector<16xf32>
        %add3A_883 = arith.addf %max3A_839, %max3A_879 : vector<16xf32>
        %add3A_884 = arith.addf %add3A_880, %add3A_881 : vector<16xf32>
        %add3A_885 = arith.addf %add3A_882, %add3A_883 : vector<16xf32>
        %add3A_886 = arith.addf %add3A_884, %add3A_885 : vector<16xf32>
        %add3A_887 = arith.addf %scan3A_535, %add3A_886 : vector<16xf32>
        scf.yield %add3A_887 : vector<16xf32>
      }
      %scan3A_533 = arith.constant 128 : i32
      scf.yield %scan3A_532 : vector<16xf32>
    } else {
      %scan3A = arith.constant 0 : i32
      %scan3A_529 = arith.constant 128 : i32
      %scan3A_530 = arith.addi %scan3A, %scan3A_529 : i32
      %scan3A_531 = arith.constant 1 : i32
      %scan3A_532 = scf.for %scan3A_534 = %scan3A to %scan3A_530 step %scan3A_531 iter_args(%scan3A_535 = %broadcast_in_dim3A_3) -> (vector<16xf32>)  : i32 {
        %add3A_536 = arith.constant 0 : i32
        %add3A_537 = arith.addi %add3A_536, %scan3A_534 : i32
        %broadcast_in_dim3A_538 = vector.broadcast %add3A_537 : i32 to vector<16xi32>
        %gather3A = tpu.vector_load_idx %arg9[%broadcast_in_dim3A_538] : memref<512xi32, #tpu.memory_space<vmem>>[vector<16xi32>], vector<16xi32>,
        %shift_right_arithmetic3A = arith.constant 1 : i32
        %shift_right_arithmetic3A_539 = vector.broadcast %shift_right_arithmetic3A : i32 to vector<16xi32>
        %shift_right_arithmetic3A_540 = arith.shrsi %gather3A, %shift_right_arithmetic3A_539 : vector<16xi32>
        %convert_element_type3A_541 = arith.sitofp %shift_right_arithmetic3A_540 : vector<16xi32> to vector<16xf32>
        %and3A = arith.constant 1 : i32
        %and3A_542 = vector.broadcast %and3A : i32 to vector<16xi32>
        %and3A_543 = arith.andi %gather3A, %and3A_542 : vector<16xi32>
        %convert_element_type3A_544 = arith.sitofp %and3A_543 : vector<16xi32> to vector<16xf32>
        %add3A_545 = arith.addf %convert_element_type3A_541, %convert_element_type3A_541 : vector<16xf32>
        %add3A_546 = arith.constant 1.000000e+00 : f32
        %add3A_547 = vector.broadcast %add3A_546 : f32 to vector<16xf32>
        %add3A_548 = arith.addf %add3A_547, %add3A_545 : vector<16xf32>
        %add3A_549 = arith.addf %convert_element_type3A_544, %convert_element_type3A_544 : vector<16xf32>
        %sub3A = arith.constant 1.000000e+00 : f32
        %sub3A_550 = vector.broadcast %sub3A : f32 to vector<16xf32>
        %sub3A_551 = arith.subf %sub3A_550, %add3A_549 : vector<16xf32>
        %get3A_552 = arith.index_cast %scan3A_534 : i32 to index
        %get3A_553 = arith.constant 0 : index
        %get3A_554 = tpu.vector_load %arg10[%get3A_552, %get3A_553] {strides = array<i32>} : memref<128x128xf32, #tpu.memory_space<vmem>>, vector<16xf32>,
        %get3A_555 = arith.index_cast %scan3A_534 : i32 to index
        %get3A_556 = arith.constant 0 : index
        %get3A_557 = tpu.vector_load %arg11[%get3A_555, %get3A_556] {strides = array<i32>} : memref<128x128xf32, #tpu.memory_space<vmem>>, vector<16xf32>,
        %mul3A_558 = arith.mulf %add3A_548, %get3A_554 : vector<16xf32>
        %mul3A_559 = arith.mulf %sub3A_551, %get3A_557 : vector<16xf32>
        %sub3A_560 = arith.subf %mul3A_558, %mul3A_559 : vector<16xf32>
        %max3A = arith.constant 0.000000e+00 : f32
        %max3A_561 = vector.broadcast %max3A : f32 to vector<16xf32>
        %max3A_562 = arith.maximumf %sub3A_560, %max3A_561 : vector<16xf32>
        %get3A_563 = arith.index_cast %scan3A_534 : i32 to index
        %get3A_564 = arith.constant 16 : index
        %get3A_565 = tpu.vector_load %arg10[%get3A_563, %get3A_564] {strides = array<i32>} : memref<128x128xf32, #tpu.memory_space<vmem>>, vector<16xf32>,
        %get3A_566 = arith.index_cast %scan3A_534 : i32 to index
        %get3A_567 = arith.constant 16 : index
        %get3A_568 = tpu.vector_load %arg11[%get3A_566, %get3A_567] {strides = array<i32>} : memref<128x128xf32, #tpu.memory_space<vmem>>, vector<16xf32>,
        %mul3A_569 = arith.mulf %add3A_548, %get3A_565 : vector<16xf32>
        %mul3A_570 = arith.mulf %sub3A_551, %get3A_568 : vector<16xf32>
        %sub3A_571 = arith.subf %mul3A_569, %mul3A_570 : vector<16xf32>
        %max3A_572 = arith.constant 0.000000e+00 : f32
        %max3A_573 = vector.broadcast %max3A_572 : f32 to vector<16xf32>
        %max3A_574 = arith.maximumf %sub3A_571, %max3A_573 : vector<16xf32>
        %get3A_575 = arith.index_cast %scan3A_534 : i32 to index
        %get3A_576 = arith.constant 32 : index
        %get3A_577 = tpu.vector_load %arg10[%get3A_575, %get3A_576] {strides = array<i32>} : memref<128x128xf32, #tpu.memory_space<vmem>>, vector<16xf32>,
        %get3A_578 = arith.index_cast %scan3A_534 : i32 to index
        %get3A_579 = arith.constant 32 : index
        %get3A_580 = tpu.vector_load %arg11[%get3A_578, %get3A_579] {strides = array<i32>} : memref<128x128xf32, #tpu.memory_space<vmem>>, vector<16xf32>,
        %mul3A_581 = arith.mulf %add3A_548, %get3A_577 : vector<16xf32>
        %mul3A_582 = arith.mulf %sub3A_551, %get3A_580 : vector<16xf32>
        %sub3A_583 = arith.subf %mul3A_581, %mul3A_582 : vector<16xf32>
        %max3A_584 = arith.constant 0.000000e+00 : f32
        %max3A_585 = vector.broadcast %max3A_584 : f32 to vector<16xf32>
        %max3A_586 = arith.maximumf %sub3A_583, %max3A_585 : vector<16xf32>
        %get3A_587 = arith.index_cast %scan3A_534 : i32 to index
        %get3A_588 = arith.constant 48 : index
        %get3A_589 = tpu.vector_load %arg10[%get3A_587, %get3A_588] {strides = array<i32>} : memref<128x128xf32, #tpu.memory_space<vmem>>, vector<16xf32>,
        %get3A_590 = arith.index_cast %scan3A_534 : i32 to index
        %get3A_591 = arith.constant 48 : index
        %get3A_592 = tpu.vector_load %arg11[%get3A_590, %get3A_591] {strides = array<i32>} : memref<128x128xf32, #tpu.memory_space<vmem>>, vector<16xf32>,
        %mul3A_593 = arith.mulf %add3A_548, %get3A_589 : vector<16xf32>
        %mul3A_594 = arith.mulf %sub3A_551, %get3A_592 : vector<16xf32>
        %sub3A_595 = arith.subf %mul3A_593, %mul3A_594 : vector<16xf32>
        %max3A_596 = arith.constant 0.000000e+00 : f32
        %max3A_597 = vector.broadcast %max3A_596 : f32 to vector<16xf32>
        %max3A_598 = arith.maximumf %sub3A_595, %max3A_597 : vector<16xf32>
        %get3A_599 = arith.index_cast %scan3A_534 : i32 to index
        %get3A_600 = arith.constant 64 : index
        %get3A_601 = tpu.vector_load %arg10[%get3A_599, %get3A_600] {strides = array<i32>} : memref<128x128xf32, #tpu.memory_space<vmem>>, vector<16xf32>,
        %get3A_602 = arith.index_cast %scan3A_534 : i32 to index
        %get3A_603 = arith.constant 64 : index
        %get3A_604 = tpu.vector_load %arg11[%get3A_602, %get3A_603] {strides = array<i32>} : memref<128x128xf32, #tpu.memory_space<vmem>>, vector<16xf32>,
        %mul3A_605 = arith.mulf %add3A_548, %get3A_601 : vector<16xf32>
        %mul3A_606 = arith.mulf %sub3A_551, %get3A_604 : vector<16xf32>
        %sub3A_607 = arith.subf %mul3A_605, %mul3A_606 : vector<16xf32>
        %max3A_608 = arith.constant 0.000000e+00 : f32
        %max3A_609 = vector.broadcast %max3A_608 : f32 to vector<16xf32>
        %max3A_610 = arith.maximumf %sub3A_607, %max3A_609 : vector<16xf32>
        %get3A_611 = arith.index_cast %scan3A_534 : i32 to index
        %get3A_612 = arith.constant 80 : index
        %get3A_613 = tpu.vector_load %arg10[%get3A_611, %get3A_612] {strides = array<i32>} : memref<128x128xf32, #tpu.memory_space<vmem>>, vector<16xf32>,
        %get3A_614 = arith.index_cast %scan3A_534 : i32 to index
        %get3A_615 = arith.constant 80 : index
        %get3A_616 = tpu.vector_load %arg11[%get3A_614, %get3A_615] {strides = array<i32>} : memref<128x128xf32, #tpu.memory_space<vmem>>, vector<16xf32>,
        %mul3A_617 = arith.mulf %add3A_548, %get3A_613 : vector<16xf32>
        %mul3A_618 = arith.mulf %sub3A_551, %get3A_616 : vector<16xf32>
        %sub3A_619 = arith.subf %mul3A_617, %mul3A_618 : vector<16xf32>
        %max3A_620 = arith.constant 0.000000e+00 : f32
        %max3A_621 = vector.broadcast %max3A_620 : f32 to vector<16xf32>
        %max3A_622 = arith.maximumf %sub3A_619, %max3A_621 : vector<16xf32>
        %get3A_623 = arith.index_cast %scan3A_534 : i32 to index
        %get3A_624 = arith.constant 96 : index
        %get3A_625 = tpu.vector_load %arg10[%get3A_623, %get3A_624] {strides = array<i32>} : memref<128x128xf32, #tpu.memory_space<vmem>>, vector<16xf32>,
        %get3A_626 = arith.index_cast %scan3A_534 : i32 to index
        %get3A_627 = arith.constant 96 : index
        %get3A_628 = tpu.vector_load %arg11[%get3A_626, %get3A_627] {strides = array<i32>} : memref<128x128xf32, #tpu.memory_space<vmem>>, vector<16xf32>,
        %mul3A_629 = arith.mulf %add3A_548, %get3A_625 : vector<16xf32>
        %mul3A_630 = arith.mulf %sub3A_551, %get3A_628 : vector<16xf32>
        %sub3A_631 = arith.subf %mul3A_629, %mul3A_630 : vector<16xf32>
        %max3A_632 = arith.constant 0.000000e+00 : f32
        %max3A_633 = vector.broadcast %max3A_632 : f32 to vector<16xf32>
        %max3A_634 = arith.maximumf %sub3A_631, %max3A_633 : vector<16xf32>
        %get3A_635 = arith.index_cast %scan3A_534 : i32 to index
        %get3A_636 = arith.constant 112 : index
        %get3A_637 = tpu.vector_load %arg10[%get3A_635, %get3A_636] {strides = array<i32>} : memref<128x128xf32, #tpu.memory_space<vmem>>, vector<16xf32>,
        %get3A_638 = arith.index_cast %scan3A_534 : i32 to index
        %get3A_639 = arith.constant 112 : index
        %get3A_640 = tpu.vector_load %arg11[%get3A_638, %get3A_639] {strides = array<i32>} : memref<128x128xf32, #tpu.memory_space<vmem>>, vector<16xf32>,
        %mul3A_641 = arith.mulf %add3A_548, %get3A_637 : vector<16xf32>
        %mul3A_642 = arith.mulf %sub3A_551, %get3A_640 : vector<16xf32>
        %sub3A_643 = arith.subf %mul3A_641, %mul3A_642 : vector<16xf32>
        %max3A_644 = arith.constant 0.000000e+00 : f32
        %max3A_645 = vector.broadcast %max3A_644 : f32 to vector<16xf32>
        %max3A_646 = arith.maximumf %sub3A_643, %max3A_645 : vector<16xf32>
        %add3A_647 = arith.addf %max3A_562, %max3A_574 : vector<16xf32>
        %add3A_648 = arith.addf %max3A_586, %max3A_598 : vector<16xf32>
        %add3A_649 = arith.addf %max3A_610, %max3A_622 : vector<16xf32>
        %add3A_650 = arith.addf %max3A_634, %max3A_646 : vector<16xf32>
        %add3A_651 = arith.addf %add3A_647, %add3A_648 : vector<16xf32>
        %add3A_652 = arith.addf %add3A_649, %add3A_650 : vector<16xf32>
        %add3A_653 = arith.addf %add3A_651, %add3A_652 : vector<16xf32>
        %add3A_654 = arith.addf %scan3A_535, %add3A_653 : vector<16xf32>
        scf.yield %add3A_654 : vector<16xf32>
      }
      %scan3A_533 = arith.constant 128 : i32
      scf.yield %scan3A_532 : vector<16xf32>
    }
    %dma_start3A_139 = arith.constant 256 : i32
    %dma_start3A_140 = tpu.memref_slice %arg7[%dma_start3A_139] : memref<512xi32, #tpu.memory_space<vmem>> -> memref<128xi32, #tpu.memory_space<vmem>>
    %dma_start3A_141 = arith.constant 0 : i32
    %dma_start3A_142 = arith.constant 0 : i32
    %dma_start3A_143 = tpu.memref_slice %arg2[%dma_start3A_141, %dma_start3A_142] : memref<100000x128xf32, #tpu.memory_space<hbm>> -> memref<100000x128xf32, #tpu.memory_space<hbm>>
    tpu.enqueue_indirect_dma source(%dma_start3A_143 : memref<100000x128xf32, #tpu.memory_space<hbm>>) target(%arg10 : memref<128x128xf32, #tpu.memory_space<vmem>>) offsets(%dma_start3A_140 : memref<128xi32, #tpu.memory_space<vmem>>) semaphore(%arg15 : memref<!tpu.dma_semaphore, #tpu.memory_space<semaphore_mem>>)
    %dma_start3A_144 = arith.constant 256 : i32
    %dma_start3A_145 = tpu.memref_slice %arg8[%dma_start3A_144] : memref<512xi32, #tpu.memory_space<vmem>> -> memref<128xi32, #tpu.memory_space<vmem>>
    %dma_start3A_146 = arith.constant 0 : i32
    %dma_start3A_147 = arith.constant 0 : i32
    %dma_start3A_148 = tpu.memref_slice %arg2[%dma_start3A_146, %dma_start3A_147] : memref<100000x128xf32, #tpu.memory_space<hbm>> -> memref<100000x128xf32, #tpu.memory_space<hbm>>
    tpu.enqueue_indirect_dma source(%dma_start3A_148 : memref<100000x128xf32, #tpu.memory_space<hbm>>) target(%arg11 : memref<128x128xf32, #tpu.memory_space<vmem>>) offsets(%dma_start3A_145 : memref<128xi32, #tpu.memory_space<vmem>>) semaphore(%arg15 : memref<!tpu.dma_semaphore, #tpu.memory_space<semaphore_mem>>)
    %dma_wait3A_149 = arith.constant 128 : i32
    %dma_wait3A_150 = tpu.memref_slice %arg7[%dma_wait3A_149] : memref<512xi32, #tpu.memory_space<vmem>> -> memref<128xi32, #tpu.memory_space<vmem>>
    %dma_wait3A_151 = arith.constant 0 : i32
    %dma_wait3A_152 = arith.constant 0 : i32
    %dma_wait3A_153 = tpu.memref_slice %arg2[%dma_wait3A_151, %dma_wait3A_152] : memref<100000x128xf32, #tpu.memory_space<hbm>> -> memref<100000x128xf32, #tpu.memory_space<hbm>>
    tpu.wait_indirect_dma semaphore(%arg16 : memref<!tpu.dma_semaphore, #tpu.memory_space<semaphore_mem>>) src(%dma_wait3A_153 : memref<100000x128xf32, #tpu.memory_space<hbm>>) dst(%arg12 : memref<128x128xf32, #tpu.memory_space<vmem>>)
    %dma_wait3A_154 = arith.constant 128 : i32
    %dma_wait3A_155 = tpu.memref_slice %arg8[%dma_wait3A_154] : memref<512xi32, #tpu.memory_space<vmem>> -> memref<128xi32, #tpu.memory_space<vmem>>
    %dma_wait3A_156 = arith.constant 0 : i32
    %dma_wait3A_157 = arith.constant 0 : i32
    %dma_wait3A_158 = tpu.memref_slice %arg2[%dma_wait3A_156, %dma_wait3A_157] : memref<100000x128xf32, #tpu.memory_space<hbm>> -> memref<100000x128xf32, #tpu.memory_space<hbm>>
    tpu.wait_indirect_dma semaphore(%arg16 : memref<!tpu.dma_semaphore, #tpu.memory_space<semaphore_mem>>) src(%dma_wait3A_158 : memref<100000x128xf32, #tpu.memory_space<hbm>>) dst(%arg13 : memref<128x128xf32, #tpu.memory_space<vmem>>)
    %broadcast_in_dim3A_159 = arith.constant false
    %broadcast_in_dim3A_160 = vector.broadcast %broadcast_in_dim3A_159 : i1 to vector<16xi1>
    %get3A_161 = arith.constant 128 : index
    %get3A_162 = tpu.vector_load %arg7[%get3A_161] {strides = array<i32>} : memref<512xi32, #tpu.memory_space<vmem>>, vector<16xi32>,
    %ge3A_163 = arith.constant 99998 : i32
    %ge3A_164 = vector.broadcast %ge3A_163 : i32 to vector<16xi32>
    %ge3A_165 = arith.cmpi sge, %get3A_162, %ge3A_164 : vector<16xi32>
    %or3A_166 = arith.ori %broadcast_in_dim3A_160, %ge3A_165 : vector<16xi1>
    %get3A_167 = arith.constant 128 : index
    %get3A_168 = tpu.vector_load %arg8[%get3A_167] {strides = array<i32>} : memref<512xi32, #tpu.memory_space<vmem>>, vector<16xi32>,
    %ge3A_169 = arith.constant 99998 : i32
    %ge3A_170 = vector.broadcast %ge3A_169 : i32 to vector<16xi32>
    %ge3A_171 = arith.cmpi sge, %get3A_168, %ge3A_170 : vector<16xi32>
    %or3A_172 = arith.ori %or3A_166, %ge3A_171 : vector<16xi1>
    %get3A_173 = arith.constant 144 : index
    %get3A_174 = tpu.vector_load %arg7[%get3A_173] {strides = array<i32>} : memref<512xi32, #tpu.memory_space<vmem>>, vector<16xi32>,
    %ge3A_175 = arith.constant 99998 : i32
    %ge3A_176 = vector.broadcast %ge3A_175 : i32 to vector<16xi32>
    %ge3A_177 = arith.cmpi sge, %get3A_174, %ge3A_176 : vector<16xi32>
    %or3A_178 = arith.ori %or3A_172, %ge3A_177 : vector<16xi1>
    %get3A_179 = arith.constant 144 : index
    %get3A_180 = tpu.vector_load %arg8[%get3A_179] {strides = array<i32>} : memref<512xi32, #tpu.memory_space<vmem>>, vector<16xi32>,
    %ge3A_181 = arith.constant 99998 : i32
    %ge3A_182 = vector.broadcast %ge3A_181 : i32 to vector<16xi32>
    %ge3A_183 = arith.cmpi sge, %get3A_180, %ge3A_182 : vector<16xi32>
    %or3A_184 = arith.ori %or3A_178, %ge3A_183 : vector<16xi1>
    %get3A_185 = arith.constant 160 : index
    %get3A_186 = tpu.vector_load %arg7[%get3A_185] {strides = array<i32>} : memref<512xi32, #tpu.memory_space<vmem>>, vector<16xi32>,
    %ge3A_187 = arith.constant 99998 : i32
    %ge3A_188 = vector.broadcast %ge3A_187 : i32 to vector<16xi32>
    %ge3A_189 = arith.cmpi sge, %get3A_186, %ge3A_188 : vector<16xi32>
    %or3A_190 = arith.ori %or3A_184, %ge3A_189 : vector<16xi1>
    %get3A_191 = arith.constant 160 : index
    %get3A_192 = tpu.vector_load %arg8[%get3A_191] {strides = array<i32>} : memref<512xi32, #tpu.memory_space<vmem>>, vector<16xi32>,
    %ge3A_193 = arith.constant 99998 : i32
    %ge3A_194 = vector.broadcast %ge3A_193 : i32 to vector<16xi32>
    %ge3A_195 = arith.cmpi sge, %get3A_192, %ge3A_194 : vector<16xi32>
    %or3A_196 = arith.ori %or3A_190, %ge3A_195 : vector<16xi1>
    %get3A_197 = arith.constant 176 : index
    %get3A_198 = tpu.vector_load %arg7[%get3A_197] {strides = array<i32>} : memref<512xi32, #tpu.memory_space<vmem>>, vector<16xi32>,
    %ge3A_199 = arith.constant 99998 : i32
    %ge3A_200 = vector.broadcast %ge3A_199 : i32 to vector<16xi32>
    %ge3A_201 = arith.cmpi sge, %get3A_198, %ge3A_200 : vector<16xi32>
    %or3A_202 = arith.ori %or3A_196, %ge3A_201 : vector<16xi1>
    %get3A_203 = arith.constant 176 : index
    %get3A_204 = tpu.vector_load %arg8[%get3A_203] {strides = array<i32>} : memref<512xi32, #tpu.memory_space<vmem>>, vector<16xi32>,
    %ge3A_205 = arith.constant 99998 : i32
    %ge3A_206 = vector.broadcast %ge3A_205 : i32 to vector<16xi32>
    %ge3A_207 = arith.cmpi sge, %get3A_204, %ge3A_206 : vector<16xi32>
    %or3A_208 = arith.ori %or3A_202, %ge3A_207 : vector<16xi1>
    %get3A_209 = arith.constant 192 : index
    %get3A_210 = tpu.vector_load %arg7[%get3A_209] {strides = array<i32>} : memref<512xi32, #tpu.memory_space<vmem>>, vector<16xi32>,
    %ge3A_211 = arith.constant 99998 : i32
    %ge3A_212 = vector.broadcast %ge3A_211 : i32 to vector<16xi32>
    %ge3A_213 = arith.cmpi sge, %get3A_210, %ge3A_212 : vector<16xi32>
    %or3A_214 = arith.ori %or3A_208, %ge3A_213 : vector<16xi1>
    %get3A_215 = arith.constant 192 : index
    %get3A_216 = tpu.vector_load %arg8[%get3A_215] {strides = array<i32>} : memref<512xi32, #tpu.memory_space<vmem>>, vector<16xi32>,
    %ge3A_217 = arith.constant 99998 : i32
    %ge3A_218 = vector.broadcast %ge3A_217 : i32 to vector<16xi32>
    %ge3A_219 = arith.cmpi sge, %get3A_216, %ge3A_218 : vector<16xi32>
    %or3A_220 = arith.ori %or3A_214, %ge3A_219 : vector<16xi1>
    %get3A_221 = arith.constant 208 : index
    %get3A_222 = tpu.vector_load %arg7[%get3A_221] {strides = array<i32>} : memref<512xi32, #tpu.memory_space<vmem>>, vector<16xi32>,
    %ge3A_223 = arith.constant 99998 : i32
    %ge3A_224 = vector.broadcast %ge3A_223 : i32 to vector<16xi32>
    %ge3A_225 = arith.cmpi sge, %get3A_222, %ge3A_224 : vector<16xi32>
    %or3A_226 = arith.ori %or3A_220, %ge3A_225 : vector<16xi1>
    %get3A_227 = arith.constant 208 : index
    %get3A_228 = tpu.vector_load %arg8[%get3A_227] {strides = array<i32>} : memref<512xi32, #tpu.memory_space<vmem>>, vector<16xi32>,
    %ge3A_229 = arith.constant 99998 : i32
    %ge3A_230 = vector.broadcast %ge3A_229 : i32 to vector<16xi32>
    %ge3A_231 = arith.cmpi sge, %get3A_228, %ge3A_230 : vector<16xi32>
    %or3A_232 = arith.ori %or3A_226, %ge3A_231 : vector<16xi1>
    %get3A_233 = arith.constant 224 : index
    %get3A_234 = tpu.vector_load %arg7[%get3A_233] {strides = array<i32>} : memref<512xi32, #tpu.memory_space<vmem>>, vector<16xi32>,
    %ge3A_235 = arith.constant 99998 : i32
    %ge3A_236 = vector.broadcast %ge3A_235 : i32 to vector<16xi32>
    %ge3A_237 = arith.cmpi sge, %get3A_234, %ge3A_236 : vector<16xi32>
    %or3A_238 = arith.ori %or3A_232, %ge3A_237 : vector<16xi1>
    %get3A_239 = arith.constant 224 : index
    %get3A_240 = tpu.vector_load %arg8[%get3A_239] {strides = array<i32>} : memref<512xi32, #tpu.memory_space<vmem>>, vector<16xi32>,
    %ge3A_241 = arith.constant 99998 : i32
    %ge3A_242 = vector.broadcast %ge3A_241 : i32 to vector<16xi32>
    %ge3A_243 = arith.cmpi sge, %get3A_240, %ge3A_242 : vector<16xi32>
    %or3A_244 = arith.ori %or3A_238, %ge3A_243 : vector<16xi1>
    %get3A_245 = arith.constant 240 : index
    %get3A_246 = tpu.vector_load %arg7[%get3A_245] {strides = array<i32>} : memref<512xi32, #tpu.memory_space<vmem>>, vector<16xi32>,
    %ge3A_247 = arith.constant 99998 : i32
    %ge3A_248 = vector.broadcast %ge3A_247 : i32 to vector<16xi32>
    %ge3A_249 = arith.cmpi sge, %get3A_246, %ge3A_248 : vector<16xi32>
    %or3A_250 = arith.ori %or3A_244, %ge3A_249 : vector<16xi1>
    %get3A_251 = arith.constant 240 : index
    %get3A_252 = tpu.vector_load %arg8[%get3A_251] {strides = array<i32>} : memref<512xi32, #tpu.memory_space<vmem>>, vector<16xi32>,
    %ge3A_253 = arith.constant 99998 : i32
    %ge3A_254 = vector.broadcast %ge3A_253 : i32 to vector<16xi32>
    %ge3A_255 = arith.cmpi sge, %get3A_252, %ge3A_254 : vector<16xi32>
    %or3A_256 = arith.ori %or3A_250, %ge3A_255 : vector<16xi1>
    %reduce_or3A_257 = arith.constant 1.000000e+00 : f32
    %reduce_or3A_258 = arith.constant 0.000000e+00 : f32
    %reduce_or3A_259 = vector.broadcast %reduce_or3A_257 : f32 to vector<16xf32>
    %reduce_or3A_260 = vector.broadcast %reduce_or3A_258 : f32 to vector<16xf32>
    %reduce_or3A_261 = arith.select %or3A_256, %reduce_or3A_259, %reduce_or3A_260 : vector<16xi1>, vector<16xf32>
    %reduce_or3A_262 = arith.constant true
    %reduce_or3A_263 = vector.broadcast %reduce_or3A_262 : i1 to vector<16xi1>
    %reduce_or3A_264 = tpu.scan <max>, %reduce_or3A_261 masked %reduce_or3A_263 : vector<16xf32>, vector<16xi1> -> vector<16xf32>
    %reduce_or3A_265 = vector.extract %reduce_or3A_264[15] : f32 from vector<16xf32>
    %reduce_or3A_266 = arith.constant 0.000000e+00 : f32
    %reduce_or3A_267 = arith.cmpf ogt, %reduce_or3A_265, %reduce_or3A_266 : f32
    %convert_element_type3A_268 = arith.extui %reduce_or3A_267 : i1 to i32
    %cond3A_269 = arith.constant 0 : i32
    %cond3A_270 = arith.cmpi ne, %convert_element_type3A_268, %cond3A_269 : i32
    %cond3A_271 = scf.if %cond3A_270 -> (vector<16xf32>) {
      %scan3A = arith.constant 0 : i32
      %scan3A_529 = arith.constant 128 : i32
      %scan3A_530 = arith.addi %scan3A, %scan3A_529 : i32
      %scan3A_531 = arith.constant 1 : i32
      %scan3A_532 = scf.for %scan3A_534 = %scan3A to %scan3A_530 step %scan3A_531 iter_args(%scan3A_535 = %cond3A_138) -> (vector<16xf32>)  : i32 {
        %add3A_536 = arith.constant 128 : i32
        %add3A_537 = arith.addi %add3A_536, %scan3A_534 : i32
        %broadcast_in_dim3A_538 = vector.broadcast %add3A_537 : i32 to vector<16xi32>
        %gather3A = tpu.vector_load_idx %arg9[%broadcast_in_dim3A_538] : memref<512xi32, #tpu.memory_space<vmem>>[vector<16xi32>], vector<16xi32>,
        %shift_right_arithmetic3A = arith.constant 1 : i32
        %shift_right_arithmetic3A_539 = vector.broadcast %shift_right_arithmetic3A : i32 to vector<16xi32>
        %shift_right_arithmetic3A_540 = arith.shrsi %gather3A, %shift_right_arithmetic3A_539 : vector<16xi32>
        %convert_element_type3A_541 = arith.sitofp %shift_right_arithmetic3A_540 : vector<16xi32> to vector<16xf32>
        %and3A = arith.constant 1 : i32
        %and3A_542 = vector.broadcast %and3A : i32 to vector<16xi32>
        %and3A_543 = arith.andi %gather3A, %and3A_542 : vector<16xi32>
        %convert_element_type3A_544 = arith.sitofp %and3A_543 : vector<16xi32> to vector<16xf32>
        %add3A_545 = arith.addf %convert_element_type3A_541, %convert_element_type3A_541 : vector<16xf32>
        %add3A_546 = arith.constant 1.000000e+00 : f32
        %add3A_547 = vector.broadcast %add3A_546 : f32 to vector<16xf32>
        %add3A_548 = arith.addf %add3A_547, %add3A_545 : vector<16xf32>
        %add3A_549 = arith.addf %convert_element_type3A_544, %convert_element_type3A_544 : vector<16xf32>
        %sub3A = arith.constant 1.000000e+00 : f32
        %sub3A_550 = vector.broadcast %sub3A : f32 to vector<16xf32>
        %sub3A_551 = arith.subf %sub3A_550, %add3A_549 : vector<16xf32>
        %gather3A_552 = tpu.vector_load_idx %arg7[%broadcast_in_dim3A_538] : memref<512xi32, #tpu.memory_space<vmem>>[vector<16xi32>], vector<16xi32>,
        %gather3A_553 = tpu.vector_load_idx %arg8[%broadcast_in_dim3A_538] : memref<512xi32, #tpu.memory_space<vmem>>[vector<16xi32>], vector<16xi32>,
        %eq3A = arith.constant 99999 : i32
        %eq3A_554 = vector.broadcast %eq3A : i32 to vector<16xi32>
        %eq3A_555 = arith.cmpi eq, %gather3A_552, %eq3A_554 : vector<16xi32>
        %eq3A_556 = arith.constant 99998 : i32
        %eq3A_557 = vector.broadcast %eq3A_556 : i32 to vector<16xi32>
        %eq3A_558 = arith.cmpi eq, %gather3A_552, %eq3A_557 : vector<16xi32>
        %eq3A_559 = arith.constant 99999 : i32
        %eq3A_560 = vector.broadcast %eq3A_559 : i32 to vector<16xi32>
        %eq3A_561 = arith.cmpi eq, %gather3A_553, %eq3A_560 : vector<16xi32>
        %eq3A_562 = arith.constant 99998 : i32
        %eq3A_563 = vector.broadcast %eq3A_562 : i32 to vector<16xi32>
        %eq3A_564 = arith.cmpi eq, %gather3A_553, %eq3A_563 : vector<16xi32>
        %get3A_565 = arith.index_cast %scan3A_534 : i32 to index
        %get3A_566 = arith.constant 0 : index
        %get3A_567 = tpu.vector_load %arg12[%get3A_565, %get3A_566] {strides = array<i32>} : memref<128x128xf32, #tpu.memory_space<vmem>>, vector<16xf32>,
        %get3A_568 = arith.index_cast %scan3A_534 : i32 to index
        %get3A_569 = arith.constant 0 : index
        %get3A_570 = tpu.vector_load %arg13[%get3A_568, %get3A_569] {strides = array<i32>} : memref<128x128xf32, #tpu.memory_space<vmem>>, vector<16xf32>,
        %gt3A = arith.constant 0.000000e+00 : f32
        %gt3A_571 = vector.broadcast %gt3A : f32 to vector<16xf32>
        %gt3A_572 = arith.cmpf ogt, %get3A_567, %gt3A_571 : vector<16xf32>
        %and3A_573 = arith.andi %eq3A_555, %gt3A_572 : vector<16xi1>
        %jit3A = arith.constant 1.000000e+00 : f32
        %broadcast_in_dim3A_574 = vector.broadcast %jit3A : f32 to vector<16xf32>
        %select_n3A = arith.select %and3A_573, %broadcast_in_dim3A_574, %get3A_567 : vector<16xi1>, vector<16xf32>
        %lt3A = arith.constant 1.000000e+00 : f32
        %lt3A_575 = vector.broadcast %lt3A : f32 to vector<16xf32>
        %lt3A_576 = arith.cmpf olt, %select_n3A, %lt3A_575 : vector<16xf32>
        %and3A_577 = arith.andi %eq3A_558, %lt3A_576 : vector<16xi1>
        %jit3A_578 = arith.constant 0.000000e+00 : f32
        %broadcast_in_dim3A_579 = vector.broadcast %jit3A_578 : f32 to vector<16xf32>
        %select_n3A_580 = arith.select %and3A_577, %broadcast_in_dim3A_579, %select_n3A : vector<16xi1>, vector<16xf32>
        %gt3A_581 = arith.constant 0.000000e+00 : f32
        %gt3A_582 = vector.broadcast %gt3A_581 : f32 to vector<16xf32>
        %gt3A_583 = arith.cmpf ogt, %get3A_570, %gt3A_582 : vector<16xf32>
        %and3A_584 = arith.andi %eq3A_561, %gt3A_583 : vector<16xi1>
        %jit3A_585 = arith.constant 1.000000e+00 : f32
        %broadcast_in_dim3A_586 = vector.broadcast %jit3A_585 : f32 to vector<16xf32>
        %select_n3A_587 = arith.select %and3A_584, %broadcast_in_dim3A_586, %get3A_570 : vector<16xi1>, vector<16xf32>
        %lt3A_588 = arith.constant 1.000000e+00 : f32
        %lt3A_589 = vector.broadcast %lt3A_588 : f32 to vector<16xf32>
        %lt3A_590 = arith.cmpf olt, %select_n3A_587, %lt3A_589 : vector<16xf32>
        %and3A_591 = arith.andi %eq3A_564, %lt3A_590 : vector<16xi1>
        %jit3A_592 = arith.constant 0.000000e+00 : f32
        %broadcast_in_dim3A_593 = vector.broadcast %jit3A_592 : f32 to vector<16xf32>
        %select_n3A_594 = arith.select %and3A_591, %broadcast_in_dim3A_593, %select_n3A_587 : vector<16xi1>, vector<16xf32>
        %mul3A_595 = arith.mulf %add3A_548, %select_n3A_580 : vector<16xf32>
        %mul3A_596 = arith.mulf %sub3A_551, %select_n3A_594 : vector<16xf32>
        %sub3A_597 = arith.subf %mul3A_595, %mul3A_596 : vector<16xf32>
        %max3A = arith.constant 0.000000e+00 : f32
        %max3A_598 = vector.broadcast %max3A : f32 to vector<16xf32>
        %max3A_599 = arith.maximumf %sub3A_597, %max3A_598 : vector<16xf32>
        %get3A_600 = arith.index_cast %scan3A_534 : i32 to index
        %get3A_601 = arith.constant 16 : index
        %get3A_602 = tpu.vector_load %arg12[%get3A_600, %get3A_601] {strides = array<i32>} : memref<128x128xf32, #tpu.memory_space<vmem>>, vector<16xf32>,
        %get3A_603 = arith.index_cast %scan3A_534 : i32 to index
        %get3A_604 = arith.constant 16 : index
        %get3A_605 = tpu.vector_load %arg13[%get3A_603, %get3A_604] {strides = array<i32>} : memref<128x128xf32, #tpu.memory_space<vmem>>, vector<16xf32>,
        %gt3A_606 = arith.constant 0.000000e+00 : f32
        %gt3A_607 = vector.broadcast %gt3A_606 : f32 to vector<16xf32>
        %gt3A_608 = arith.cmpf ogt, %get3A_602, %gt3A_607 : vector<16xf32>
        %and3A_609 = arith.andi %eq3A_555, %gt3A_608 : vector<16xi1>
        %jit3A_610 = arith.constant 1.000000e+00 : f32
        %broadcast_in_dim3A_611 = vector.broadcast %jit3A_610 : f32 to vector<16xf32>
        %select_n3A_612 = arith.select %and3A_609, %broadcast_in_dim3A_611, %get3A_602 : vector<16xi1>, vector<16xf32>
        %lt3A_613 = arith.constant 1.000000e+00 : f32
        %lt3A_614 = vector.broadcast %lt3A_613 : f32 to vector<16xf32>
        %lt3A_615 = arith.cmpf olt, %select_n3A_612, %lt3A_614 : vector<16xf32>
        %and3A_616 = arith.andi %eq3A_558, %lt3A_615 : vector<16xi1>
        %jit3A_617 = arith.constant 0.000000e+00 : f32
        %broadcast_in_dim3A_618 = vector.broadcast %jit3A_617 : f32 to vector<16xf32>
        %select_n3A_619 = arith.select %and3A_616, %broadcast_in_dim3A_618, %select_n3A_612 : vector<16xi1>, vector<16xf32>
        %gt3A_620 = arith.constant 0.000000e+00 : f32
        %gt3A_621 = vector.broadcast %gt3A_620 : f32 to vector<16xf32>
        %gt3A_622 = arith.cmpf ogt, %get3A_605, %gt3A_621 : vector<16xf32>
        %and3A_623 = arith.andi %eq3A_561, %gt3A_622 : vector<16xi1>
        %jit3A_624 = arith.constant 1.000000e+00 : f32
        %broadcast_in_dim3A_625 = vector.broadcast %jit3A_624 : f32 to vector<16xf32>
        %select_n3A_626 = arith.select %and3A_623, %broadcast_in_dim3A_625, %get3A_605 : vector<16xi1>, vector<16xf32>
        %lt3A_627 = arith.constant 1.000000e+00 : f32
        %lt3A_628 = vector.broadcast %lt3A_627 : f32 to vector<16xf32>
        %lt3A_629 = arith.cmpf olt, %select_n3A_626, %lt3A_628 : vector<16xf32>
        %and3A_630 = arith.andi %eq3A_564, %lt3A_629 : vector<16xi1>
        %jit3A_631 = arith.constant 0.000000e+00 : f32
        %broadcast_in_dim3A_632 = vector.broadcast %jit3A_631 : f32 to vector<16xf32>
        %select_n3A_633 = arith.select %and3A_630, %broadcast_in_dim3A_632, %select_n3A_626 : vector<16xi1>, vector<16xf32>
        %mul3A_634 = arith.mulf %add3A_548, %select_n3A_619 : vector<16xf32>
        %mul3A_635 = arith.mulf %sub3A_551, %select_n3A_633 : vector<16xf32>
        %sub3A_636 = arith.subf %mul3A_634, %mul3A_635 : vector<16xf32>
        %max3A_637 = arith.constant 0.000000e+00 : f32
        %max3A_638 = vector.broadcast %max3A_637 : f32 to vector<16xf32>
        %max3A_639 = arith.maximumf %sub3A_636, %max3A_638 : vector<16xf32>
        %get3A_640 = arith.index_cast %scan3A_534 : i32 to index
        %get3A_641 = arith.constant 32 : index
        %get3A_642 = tpu.vector_load %arg12[%get3A_640, %get3A_641] {strides = array<i32>} : memref<128x128xf32, #tpu.memory_space<vmem>>, vector<16xf32>,
        %get3A_643 = arith.index_cast %scan3A_534 : i32 to index
        %get3A_644 = arith.constant 32 : index
        %get3A_645 = tpu.vector_load %arg13[%get3A_643, %get3A_644] {strides = array<i32>} : memref<128x128xf32, #tpu.memory_space<vmem>>, vector<16xf32>,
        %gt3A_646 = arith.constant 0.000000e+00 : f32
        %gt3A_647 = vector.broadcast %gt3A_646 : f32 to vector<16xf32>
        %gt3A_648 = arith.cmpf ogt, %get3A_642, %gt3A_647 : vector<16xf32>
        %and3A_649 = arith.andi %eq3A_555, %gt3A_648 : vector<16xi1>
        %jit3A_650 = arith.constant 1.000000e+00 : f32
        %broadcast_in_dim3A_651 = vector.broadcast %jit3A_650 : f32 to vector<16xf32>
        %select_n3A_652 = arith.select %and3A_649, %broadcast_in_dim3A_651, %get3A_642 : vector<16xi1>, vector<16xf32>
        %lt3A_653 = arith.constant 1.000000e+00 : f32
        %lt3A_654 = vector.broadcast %lt3A_653 : f32 to vector<16xf32>
        %lt3A_655 = arith.cmpf olt, %select_n3A_652, %lt3A_654 : vector<16xf32>
        %and3A_656 = arith.andi %eq3A_558, %lt3A_655 : vector<16xi1>
        %jit3A_657 = arith.constant 0.000000e+00 : f32
        %broadcast_in_dim3A_658 = vector.broadcast %jit3A_657 : f32 to vector<16xf32>
        %select_n3A_659 = arith.select %and3A_656, %broadcast_in_dim3A_658, %select_n3A_652 : vector<16xi1>, vector<16xf32>
        %gt3A_660 = arith.constant 0.000000e+00 : f32
        %gt3A_661 = vector.broadcast %gt3A_660 : f32 to vector<16xf32>
        %gt3A_662 = arith.cmpf ogt, %get3A_645, %gt3A_661 : vector<16xf32>
        %and3A_663 = arith.andi %eq3A_561, %gt3A_662 : vector<16xi1>
        %jit3A_664 = arith.constant 1.000000e+00 : f32
        %broadcast_in_dim3A_665 = vector.broadcast %jit3A_664 : f32 to vector<16xf32>
        %select_n3A_666 = arith.select %and3A_663, %broadcast_in_dim3A_665, %get3A_645 : vector<16xi1>, vector<16xf32>
        %lt3A_667 = arith.constant 1.000000e+00 : f32
        %lt3A_668 = vector.broadcast %lt3A_667 : f32 to vector<16xf32>
        %lt3A_669 = arith.cmpf olt, %select_n3A_666, %lt3A_668 : vector<16xf32>
        %and3A_670 = arith.andi %eq3A_564, %lt3A_669 : vector<16xi1>
        %jit3A_671 = arith.constant 0.000000e+00 : f32
        %broadcast_in_dim3A_672 = vector.broadcast %jit3A_671 : f32 to vector<16xf32>
        %select_n3A_673 = arith.select %and3A_670, %broadcast_in_dim3A_672, %select_n3A_666 : vector<16xi1>, vector<16xf32>
        %mul3A_674 = arith.mulf %add3A_548, %select_n3A_659 : vector<16xf32>
        %mul3A_675 = arith.mulf %sub3A_551, %select_n3A_673 : vector<16xf32>
        %sub3A_676 = arith.subf %mul3A_674, %mul3A_675 : vector<16xf32>
        %max3A_677 = arith.constant 0.000000e+00 : f32
        %max3A_678 = vector.broadcast %max3A_677 : f32 to vector<16xf32>
        %max3A_679 = arith.maximumf %sub3A_676, %max3A_678 : vector<16xf32>
        %get3A_680 = arith.index_cast %scan3A_534 : i32 to index
        %get3A_681 = arith.constant 48 : index
        %get3A_682 = tpu.vector_load %arg12[%get3A_680, %get3A_681] {strides = array<i32>} : memref<128x128xf32, #tpu.memory_space<vmem>>, vector<16xf32>,
        %get3A_683 = arith.index_cast %scan3A_534 : i32 to index
        %get3A_684 = arith.constant 48 : index
        %get3A_685 = tpu.vector_load %arg13[%get3A_683, %get3A_684] {strides = array<i32>} : memref<128x128xf32, #tpu.memory_space<vmem>>, vector<16xf32>,
        %gt3A_686 = arith.constant 0.000000e+00 : f32
        %gt3A_687 = vector.broadcast %gt3A_686 : f32 to vector<16xf32>
        %gt3A_688 = arith.cmpf ogt, %get3A_682, %gt3A_687 : vector<16xf32>
        %and3A_689 = arith.andi %eq3A_555, %gt3A_688 : vector<16xi1>
        %jit3A_690 = arith.constant 1.000000e+00 : f32
        %broadcast_in_dim3A_691 = vector.broadcast %jit3A_690 : f32 to vector<16xf32>
        %select_n3A_692 = arith.select %and3A_689, %broadcast_in_dim3A_691, %get3A_682 : vector<16xi1>, vector<16xf32>
        %lt3A_693 = arith.constant 1.000000e+00 : f32
        %lt3A_694 = vector.broadcast %lt3A_693 : f32 to vector<16xf32>
        %lt3A_695 = arith.cmpf olt, %select_n3A_692, %lt3A_694 : vector<16xf32>
        %and3A_696 = arith.andi %eq3A_558, %lt3A_695 : vector<16xi1>
        %jit3A_697 = arith.constant 0.000000e+00 : f32
        %broadcast_in_dim3A_698 = vector.broadcast %jit3A_697 : f32 to vector<16xf32>
        %select_n3A_699 = arith.select %and3A_696, %broadcast_in_dim3A_698, %select_n3A_692 : vector<16xi1>, vector<16xf32>
        %gt3A_700 = arith.constant 0.000000e+00 : f32
        %gt3A_701 = vector.broadcast %gt3A_700 : f32 to vector<16xf32>
        %gt3A_702 = arith.cmpf ogt, %get3A_685, %gt3A_701 : vector<16xf32>
        %and3A_703 = arith.andi %eq3A_561, %gt3A_702 : vector<16xi1>
        %jit3A_704 = arith.constant 1.000000e+00 : f32
        %broadcast_in_dim3A_705 = vector.broadcast %jit3A_704 : f32 to vector<16xf32>
        %select_n3A_706 = arith.select %and3A_703, %broadcast_in_dim3A_705, %get3A_685 : vector<16xi1>, vector<16xf32>
        %lt3A_707 = arith.constant 1.000000e+00 : f32
        %lt3A_708 = vector.broadcast %lt3A_707 : f32 to vector<16xf32>
        %lt3A_709 = arith.cmpf olt, %select_n3A_706, %lt3A_708 : vector<16xf32>
        %and3A_710 = arith.andi %eq3A_564, %lt3A_709 : vector<16xi1>
        %jit3A_711 = arith.constant 0.000000e+00 : f32
        %broadcast_in_dim3A_712 = vector.broadcast %jit3A_711 : f32 to vector<16xf32>
        %select_n3A_713 = arith.select %and3A_710, %broadcast_in_dim3A_712, %select_n3A_706 : vector<16xi1>, vector<16xf32>
        %mul3A_714 = arith.mulf %add3A_548, %select_n3A_699 : vector<16xf32>
        %mul3A_715 = arith.mulf %sub3A_551, %select_n3A_713 : vector<16xf32>
        %sub3A_716 = arith.subf %mul3A_714, %mul3A_715 : vector<16xf32>
        %max3A_717 = arith.constant 0.000000e+00 : f32
        %max3A_718 = vector.broadcast %max3A_717 : f32 to vector<16xf32>
        %max3A_719 = arith.maximumf %sub3A_716, %max3A_718 : vector<16xf32>
        %get3A_720 = arith.index_cast %scan3A_534 : i32 to index
        %get3A_721 = arith.constant 64 : index
        %get3A_722 = tpu.vector_load %arg12[%get3A_720, %get3A_721] {strides = array<i32>} : memref<128x128xf32, #tpu.memory_space<vmem>>, vector<16xf32>,
        %get3A_723 = arith.index_cast %scan3A_534 : i32 to index
        %get3A_724 = arith.constant 64 : index
        %get3A_725 = tpu.vector_load %arg13[%get3A_723, %get3A_724] {strides = array<i32>} : memref<128x128xf32, #tpu.memory_space<vmem>>, vector<16xf32>,
        %gt3A_726 = arith.constant 0.000000e+00 : f32
        %gt3A_727 = vector.broadcast %gt3A_726 : f32 to vector<16xf32>
        %gt3A_728 = arith.cmpf ogt, %get3A_722, %gt3A_727 : vector<16xf32>
        %and3A_729 = arith.andi %eq3A_555, %gt3A_728 : vector<16xi1>
        %jit3A_730 = arith.constant 1.000000e+00 : f32
        %broadcast_in_dim3A_731 = vector.broadcast %jit3A_730 : f32 to vector<16xf32>
        %select_n3A_732 = arith.select %and3A_729, %broadcast_in_dim3A_731, %get3A_722 : vector<16xi1>, vector<16xf32>
        %lt3A_733 = arith.constant 1.000000e+00 : f32
        %lt3A_734 = vector.broadcast %lt3A_733 : f32 to vector<16xf32>
        %lt3A_735 = arith.cmpf olt, %select_n3A_732, %lt3A_734 : vector<16xf32>
        %and3A_736 = arith.andi %eq3A_558, %lt3A_735 : vector<16xi1>
        %jit3A_737 = arith.constant 0.000000e+00 : f32
        %broadcast_in_dim3A_738 = vector.broadcast %jit3A_737 : f32 to vector<16xf32>
        %select_n3A_739 = arith.select %and3A_736, %broadcast_in_dim3A_738, %select_n3A_732 : vector<16xi1>, vector<16xf32>
        %gt3A_740 = arith.constant 0.000000e+00 : f32
        %gt3A_741 = vector.broadcast %gt3A_740 : f32 to vector<16xf32>
        %gt3A_742 = arith.cmpf ogt, %get3A_725, %gt3A_741 : vector<16xf32>
        %and3A_743 = arith.andi %eq3A_561, %gt3A_742 : vector<16xi1>
        %jit3A_744 = arith.constant 1.000000e+00 : f32
        %broadcast_in_dim3A_745 = vector.broadcast %jit3A_744 : f32 to vector<16xf32>
        %select_n3A_746 = arith.select %and3A_743, %broadcast_in_dim3A_745, %get3A_725 : vector<16xi1>, vector<16xf32>
        %lt3A_747 = arith.constant 1.000000e+00 : f32
        %lt3A_748 = vector.broadcast %lt3A_747 : f32 to vector<16xf32>
        %lt3A_749 = arith.cmpf olt, %select_n3A_746, %lt3A_748 : vector<16xf32>
        %and3A_750 = arith.andi %eq3A_564, %lt3A_749 : vector<16xi1>
        %jit3A_751 = arith.constant 0.000000e+00 : f32
        %broadcast_in_dim3A_752 = vector.broadcast %jit3A_751 : f32 to vector<16xf32>
        %select_n3A_753 = arith.select %and3A_750, %broadcast_in_dim3A_752, %select_n3A_746 : vector<16xi1>, vector<16xf32>
        %mul3A_754 = arith.mulf %add3A_548, %select_n3A_739 : vector<16xf32>
        %mul3A_755 = arith.mulf %sub3A_551, %select_n3A_753 : vector<16xf32>
        %sub3A_756 = arith.subf %mul3A_754, %mul3A_755 : vector<16xf32>
        %max3A_757 = arith.constant 0.000000e+00 : f32
        %max3A_758 = vector.broadcast %max3A_757 : f32 to vector<16xf32>
        %max3A_759 = arith.maximumf %sub3A_756, %max3A_758 : vector<16xf32>
        %get3A_760 = arith.index_cast %scan3A_534 : i32 to index
        %get3A_761 = arith.constant 80 : index
        %get3A_762 = tpu.vector_load %arg12[%get3A_760, %get3A_761] {strides = array<i32>} : memref<128x128xf32, #tpu.memory_space<vmem>>, vector<16xf32>,
        %get3A_763 = arith.index_cast %scan3A_534 : i32 to index
        %get3A_764 = arith.constant 80 : index
        %get3A_765 = tpu.vector_load %arg13[%get3A_763, %get3A_764] {strides = array<i32>} : memref<128x128xf32, #tpu.memory_space<vmem>>, vector<16xf32>,
        %gt3A_766 = arith.constant 0.000000e+00 : f32
        %gt3A_767 = vector.broadcast %gt3A_766 : f32 to vector<16xf32>
        %gt3A_768 = arith.cmpf ogt, %get3A_762, %gt3A_767 : vector<16xf32>
        %and3A_769 = arith.andi %eq3A_555, %gt3A_768 : vector<16xi1>
        %jit3A_770 = arith.constant 1.000000e+00 : f32
        %broadcast_in_dim3A_771 = vector.broadcast %jit3A_770 : f32 to vector<16xf32>
        %select_n3A_772 = arith.select %and3A_769, %broadcast_in_dim3A_771, %get3A_762 : vector<16xi1>, vector<16xf32>
        %lt3A_773 = arith.constant 1.000000e+00 : f32
        %lt3A_774 = vector.broadcast %lt3A_773 : f32 to vector<16xf32>
        %lt3A_775 = arith.cmpf olt, %select_n3A_772, %lt3A_774 : vector<16xf32>
        %and3A_776 = arith.andi %eq3A_558, %lt3A_775 : vector<16xi1>
        %jit3A_777 = arith.constant 0.000000e+00 : f32
        %broadcast_in_dim3A_778 = vector.broadcast %jit3A_777 : f32 to vector<16xf32>
        %select_n3A_779 = arith.select %and3A_776, %broadcast_in_dim3A_778, %select_n3A_772 : vector<16xi1>, vector<16xf32>
        %gt3A_780 = arith.constant 0.000000e+00 : f32
        %gt3A_781 = vector.broadcast %gt3A_780 : f32 to vector<16xf32>
        %gt3A_782 = arith.cmpf ogt, %get3A_765, %gt3A_781 : vector<16xf32>
        %and3A_783 = arith.andi %eq3A_561, %gt3A_782 : vector<16xi1>
        %jit3A_784 = arith.constant 1.000000e+00 : f32
        %broadcast_in_dim3A_785 = vector.broadcast %jit3A_784 : f32 to vector<16xf32>
        %select_n3A_786 = arith.select %and3A_783, %broadcast_in_dim3A_785, %get3A_765 : vector<16xi1>, vector<16xf32>
        %lt3A_787 = arith.constant 1.000000e+00 : f32
        %lt3A_788 = vector.broadcast %lt3A_787 : f32 to vector<16xf32>
        %lt3A_789 = arith.cmpf olt, %select_n3A_786, %lt3A_788 : vector<16xf32>
        %and3A_790 = arith.andi %eq3A_564, %lt3A_789 : vector<16xi1>
        %jit3A_791 = arith.constant 0.000000e+00 : f32
        %broadcast_in_dim3A_792 = vector.broadcast %jit3A_791 : f32 to vector<16xf32>
        %select_n3A_793 = arith.select %and3A_790, %broadcast_in_dim3A_792, %select_n3A_786 : vector<16xi1>, vector<16xf32>
        %mul3A_794 = arith.mulf %add3A_548, %select_n3A_779 : vector<16xf32>
        %mul3A_795 = arith.mulf %sub3A_551, %select_n3A_793 : vector<16xf32>
        %sub3A_796 = arith.subf %mul3A_794, %mul3A_795 : vector<16xf32>
        %max3A_797 = arith.constant 0.000000e+00 : f32
        %max3A_798 = vector.broadcast %max3A_797 : f32 to vector<16xf32>
        %max3A_799 = arith.maximumf %sub3A_796, %max3A_798 : vector<16xf32>
        %get3A_800 = arith.index_cast %scan3A_534 : i32 to index
        %get3A_801 = arith.constant 96 : index
        %get3A_802 = tpu.vector_load %arg12[%get3A_800, %get3A_801] {strides = array<i32>} : memref<128x128xf32, #tpu.memory_space<vmem>>, vector<16xf32>,
        %get3A_803 = arith.index_cast %scan3A_534 : i32 to index
        %get3A_804 = arith.constant 96 : index
        %get3A_805 = tpu.vector_load %arg13[%get3A_803, %get3A_804] {strides = array<i32>} : memref<128x128xf32, #tpu.memory_space<vmem>>, vector<16xf32>,
        %gt3A_806 = arith.constant 0.000000e+00 : f32
        %gt3A_807 = vector.broadcast %gt3A_806 : f32 to vector<16xf32>
        %gt3A_808 = arith.cmpf ogt, %get3A_802, %gt3A_807 : vector<16xf32>
        %and3A_809 = arith.andi %eq3A_555, %gt3A_808 : vector<16xi1>
        %jit3A_810 = arith.constant 1.000000e+00 : f32
        %broadcast_in_dim3A_811 = vector.broadcast %jit3A_810 : f32 to vector<16xf32>
        %select_n3A_812 = arith.select %and3A_809, %broadcast_in_dim3A_811, %get3A_802 : vector<16xi1>, vector<16xf32>
        %lt3A_813 = arith.constant 1.000000e+00 : f32
        %lt3A_814 = vector.broadcast %lt3A_813 : f32 to vector<16xf32>
        %lt3A_815 = arith.cmpf olt, %select_n3A_812, %lt3A_814 : vector<16xf32>
        %and3A_816 = arith.andi %eq3A_558, %lt3A_815 : vector<16xi1>
        %jit3A_817 = arith.constant 0.000000e+00 : f32
        %broadcast_in_dim3A_818 = vector.broadcast %jit3A_817 : f32 to vector<16xf32>
        %select_n3A_819 = arith.select %and3A_816, %broadcast_in_dim3A_818, %select_n3A_812 : vector<16xi1>, vector<16xf32>
        %gt3A_820 = arith.constant 0.000000e+00 : f32
        %gt3A_821 = vector.broadcast %gt3A_820 : f32 to vector<16xf32>
        %gt3A_822 = arith.cmpf ogt, %get3A_805, %gt3A_821 : vector<16xf32>
        %and3A_823 = arith.andi %eq3A_561, %gt3A_822 : vector<16xi1>
        %jit3A_824 = arith.constant 1.000000e+00 : f32
        %broadcast_in_dim3A_825 = vector.broadcast %jit3A_824 : f32 to vector<16xf32>
        %select_n3A_826 = arith.select %and3A_823, %broadcast_in_dim3A_825, %get3A_805 : vector<16xi1>, vector<16xf32>
        %lt3A_827 = arith.constant 1.000000e+00 : f32
        %lt3A_828 = vector.broadcast %lt3A_827 : f32 to vector<16xf32>
        %lt3A_829 = arith.cmpf olt, %select_n3A_826, %lt3A_828 : vector<16xf32>
        %and3A_830 = arith.andi %eq3A_564, %lt3A_829 : vector<16xi1>
        %jit3A_831 = arith.constant 0.000000e+00 : f32
        %broadcast_in_dim3A_832 = vector.broadcast %jit3A_831 : f32 to vector<16xf32>
        %select_n3A_833 = arith.select %and3A_830, %broadcast_in_dim3A_832, %select_n3A_826 : vector<16xi1>, vector<16xf32>
        %mul3A_834 = arith.mulf %add3A_548, %select_n3A_819 : vector<16xf32>
        %mul3A_835 = arith.mulf %sub3A_551, %select_n3A_833 : vector<16xf32>
        %sub3A_836 = arith.subf %mul3A_834, %mul3A_835 : vector<16xf32>
        %max3A_837 = arith.constant 0.000000e+00 : f32
        %max3A_838 = vector.broadcast %max3A_837 : f32 to vector<16xf32>
        %max3A_839 = arith.maximumf %sub3A_836, %max3A_838 : vector<16xf32>
        %get3A_840 = arith.index_cast %scan3A_534 : i32 to index
        %get3A_841 = arith.constant 112 : index
        %get3A_842 = tpu.vector_load %arg12[%get3A_840, %get3A_841] {strides = array<i32>} : memref<128x128xf32, #tpu.memory_space<vmem>>, vector<16xf32>,
        %get3A_843 = arith.index_cast %scan3A_534 : i32 to index
        %get3A_844 = arith.constant 112 : index
        %get3A_845 = tpu.vector_load %arg13[%get3A_843, %get3A_844] {strides = array<i32>} : memref<128x128xf32, #tpu.memory_space<vmem>>, vector<16xf32>,
        %gt3A_846 = arith.constant 0.000000e+00 : f32
        %gt3A_847 = vector.broadcast %gt3A_846 : f32 to vector<16xf32>
        %gt3A_848 = arith.cmpf ogt, %get3A_842, %gt3A_847 : vector<16xf32>
        %and3A_849 = arith.andi %eq3A_555, %gt3A_848 : vector<16xi1>
        %jit3A_850 = arith.constant 1.000000e+00 : f32
        %broadcast_in_dim3A_851 = vector.broadcast %jit3A_850 : f32 to vector<16xf32>
        %select_n3A_852 = arith.select %and3A_849, %broadcast_in_dim3A_851, %get3A_842 : vector<16xi1>, vector<16xf32>
        %lt3A_853 = arith.constant 1.000000e+00 : f32
        %lt3A_854 = vector.broadcast %lt3A_853 : f32 to vector<16xf32>
        %lt3A_855 = arith.cmpf olt, %select_n3A_852, %lt3A_854 : vector<16xf32>
        %and3A_856 = arith.andi %eq3A_558, %lt3A_855 : vector<16xi1>
        %jit3A_857 = arith.constant 0.000000e+00 : f32
        %broadcast_in_dim3A_858 = vector.broadcast %jit3A_857 : f32 to vector<16xf32>
        %select_n3A_859 = arith.select %and3A_856, %broadcast_in_dim3A_858, %select_n3A_852 : vector<16xi1>, vector<16xf32>
        %gt3A_860 = arith.constant 0.000000e+00 : f32
        %gt3A_861 = vector.broadcast %gt3A_860 : f32 to vector<16xf32>
        %gt3A_862 = arith.cmpf ogt, %get3A_845, %gt3A_861 : vector<16xf32>
        %and3A_863 = arith.andi %eq3A_561, %gt3A_862 : vector<16xi1>
        %jit3A_864 = arith.constant 1.000000e+00 : f32
        %broadcast_in_dim3A_865 = vector.broadcast %jit3A_864 : f32 to vector<16xf32>
        %select_n3A_866 = arith.select %and3A_863, %broadcast_in_dim3A_865, %get3A_845 : vector<16xi1>, vector<16xf32>
        %lt3A_867 = arith.constant 1.000000e+00 : f32
        %lt3A_868 = vector.broadcast %lt3A_867 : f32 to vector<16xf32>
        %lt3A_869 = arith.cmpf olt, %select_n3A_866, %lt3A_868 : vector<16xf32>
        %and3A_870 = arith.andi %eq3A_564, %lt3A_869 : vector<16xi1>
        %jit3A_871 = arith.constant 0.000000e+00 : f32
        %broadcast_in_dim3A_872 = vector.broadcast %jit3A_871 : f32 to vector<16xf32>
        %select_n3A_873 = arith.select %and3A_870, %broadcast_in_dim3A_872, %select_n3A_866 : vector<16xi1>, vector<16xf32>
        %mul3A_874 = arith.mulf %add3A_548, %select_n3A_859 : vector<16xf32>
        %mul3A_875 = arith.mulf %sub3A_551, %select_n3A_873 : vector<16xf32>
        %sub3A_876 = arith.subf %mul3A_874, %mul3A_875 : vector<16xf32>
        %max3A_877 = arith.constant 0.000000e+00 : f32
        %max3A_878 = vector.broadcast %max3A_877 : f32 to vector<16xf32>
        %max3A_879 = arith.maximumf %sub3A_876, %max3A_878 : vector<16xf32>
        %add3A_880 = arith.addf %max3A_599, %max3A_639 : vector<16xf32>
        %add3A_881 = arith.addf %max3A_679, %max3A_719 : vector<16xf32>
        %add3A_882 = arith.addf %max3A_759, %max3A_799 : vector<16xf32>
        %add3A_883 = arith.addf %max3A_839, %max3A_879 : vector<16xf32>
        %add3A_884 = arith.addf %add3A_880, %add3A_881 : vector<16xf32>
        %add3A_885 = arith.addf %add3A_882, %add3A_883 : vector<16xf32>
        %add3A_886 = arith.addf %add3A_884, %add3A_885 : vector<16xf32>
        %add3A_887 = arith.addf %scan3A_535, %add3A_886 : vector<16xf32>
        scf.yield %add3A_887 : vector<16xf32>
      }
      %scan3A_533 = arith.constant 128 : i32
      scf.yield %scan3A_532 : vector<16xf32>
    } else {
      %scan3A = arith.constant 0 : i32
      %scan3A_529 = arith.constant 128 : i32
      %scan3A_530 = arith.addi %scan3A, %scan3A_529 : i32
      %scan3A_531 = arith.constant 1 : i32
      %scan3A_532 = scf.for %scan3A_534 = %scan3A to %scan3A_530 step %scan3A_531 iter_args(%scan3A_535 = %cond3A_138) -> (vector<16xf32>)  : i32 {
        %add3A_536 = arith.constant 128 : i32
        %add3A_537 = arith.addi %add3A_536, %scan3A_534 : i32
        %broadcast_in_dim3A_538 = vector.broadcast %add3A_537 : i32 to vector<16xi32>
        %gather3A = tpu.vector_load_idx %arg9[%broadcast_in_dim3A_538] : memref<512xi32, #tpu.memory_space<vmem>>[vector<16xi32>], vector<16xi32>,
        %shift_right_arithmetic3A = arith.constant 1 : i32
        %shift_right_arithmetic3A_539 = vector.broadcast %shift_right_arithmetic3A : i32 to vector<16xi32>
        %shift_right_arithmetic3A_540 = arith.shrsi %gather3A, %shift_right_arithmetic3A_539 : vector<16xi32>
        %convert_element_type3A_541 = arith.sitofp %shift_right_arithmetic3A_540 : vector<16xi32> to vector<16xf32>
        %and3A = arith.constant 1 : i32
        %and3A_542 = vector.broadcast %and3A : i32 to vector<16xi32>
        %and3A_543 = arith.andi %gather3A, %and3A_542 : vector<16xi32>
        %convert_element_type3A_544 = arith.sitofp %and3A_543 : vector<16xi32> to vector<16xf32>
        %add3A_545 = arith.addf %convert_element_type3A_541, %convert_element_type3A_541 : vector<16xf32>
        %add3A_546 = arith.constant 1.000000e+00 : f32
        %add3A_547 = vector.broadcast %add3A_546 : f32 to vector<16xf32>
        %add3A_548 = arith.addf %add3A_547, %add3A_545 : vector<16xf32>
        %add3A_549 = arith.addf %convert_element_type3A_544, %convert_element_type3A_544 : vector<16xf32>
        %sub3A = arith.constant 1.000000e+00 : f32
        %sub3A_550 = vector.broadcast %sub3A : f32 to vector<16xf32>
        %sub3A_551 = arith.subf %sub3A_550, %add3A_549 : vector<16xf32>
        %get3A_552 = arith.index_cast %scan3A_534 : i32 to index
        %get3A_553 = arith.constant 0 : index
        %get3A_554 = tpu.vector_load %arg12[%get3A_552, %get3A_553] {strides = array<i32>} : memref<128x128xf32, #tpu.memory_space<vmem>>, vector<16xf32>,
        %get3A_555 = arith.index_cast %scan3A_534 : i32 to index
        %get3A_556 = arith.constant 0 : index
        %get3A_557 = tpu.vector_load %arg13[%get3A_555, %get3A_556] {strides = array<i32>} : memref<128x128xf32, #tpu.memory_space<vmem>>, vector<16xf32>,
        %mul3A_558 = arith.mulf %add3A_548, %get3A_554 : vector<16xf32>
        %mul3A_559 = arith.mulf %sub3A_551, %get3A_557 : vector<16xf32>
        %sub3A_560 = arith.subf %mul3A_558, %mul3A_559 : vector<16xf32>
        %max3A = arith.constant 0.000000e+00 : f32
        %max3A_561 = vector.broadcast %max3A : f32 to vector<16xf32>
        %max3A_562 = arith.maximumf %sub3A_560, %max3A_561 : vector<16xf32>
        %get3A_563 = arith.index_cast %scan3A_534 : i32 to index
        %get3A_564 = arith.constant 16 : index
        %get3A_565 = tpu.vector_load %arg12[%get3A_563, %get3A_564] {strides = array<i32>} : memref<128x128xf32, #tpu.memory_space<vmem>>, vector<16xf32>,
        %get3A_566 = arith.index_cast %scan3A_534 : i32 to index
        %get3A_567 = arith.constant 16 : index
        %get3A_568 = tpu.vector_load %arg13[%get3A_566, %get3A_567] {strides = array<i32>} : memref<128x128xf32, #tpu.memory_space<vmem>>, vector<16xf32>,
        %mul3A_569 = arith.mulf %add3A_548, %get3A_565 : vector<16xf32>
        %mul3A_570 = arith.mulf %sub3A_551, %get3A_568 : vector<16xf32>
        %sub3A_571 = arith.subf %mul3A_569, %mul3A_570 : vector<16xf32>
        %max3A_572 = arith.constant 0.000000e+00 : f32
        %max3A_573 = vector.broadcast %max3A_572 : f32 to vector<16xf32>
        %max3A_574 = arith.maximumf %sub3A_571, %max3A_573 : vector<16xf32>
        %get3A_575 = arith.index_cast %scan3A_534 : i32 to index
        %get3A_576 = arith.constant 32 : index
        %get3A_577 = tpu.vector_load %arg12[%get3A_575, %get3A_576] {strides = array<i32>} : memref<128x128xf32, #tpu.memory_space<vmem>>, vector<16xf32>,
        %get3A_578 = arith.index_cast %scan3A_534 : i32 to index
        %get3A_579 = arith.constant 32 : index
        %get3A_580 = tpu.vector_load %arg13[%get3A_578, %get3A_579] {strides = array<i32>} : memref<128x128xf32, #tpu.memory_space<vmem>>, vector<16xf32>,
        %mul3A_581 = arith.mulf %add3A_548, %get3A_577 : vector<16xf32>
        %mul3A_582 = arith.mulf %sub3A_551, %get3A_580 : vector<16xf32>
        %sub3A_583 = arith.subf %mul3A_581, %mul3A_582 : vector<16xf32>
        %max3A_584 = arith.constant 0.000000e+00 : f32
        %max3A_585 = vector.broadcast %max3A_584 : f32 to vector<16xf32>
        %max3A_586 = arith.maximumf %sub3A_583, %max3A_585 : vector<16xf32>
        %get3A_587 = arith.index_cast %scan3A_534 : i32 to index
        %get3A_588 = arith.constant 48 : index
        %get3A_589 = tpu.vector_load %arg12[%get3A_587, %get3A_588] {strides = array<i32>} : memref<128x128xf32, #tpu.memory_space<vmem>>, vector<16xf32>,
        %get3A_590 = arith.index_cast %scan3A_534 : i32 to index
        %get3A_591 = arith.constant 48 : index
        %get3A_592 = tpu.vector_load %arg13[%get3A_590, %get3A_591] {strides = array<i32>} : memref<128x128xf32, #tpu.memory_space<vmem>>, vector<16xf32>,
        %mul3A_593 = arith.mulf %add3A_548, %get3A_589 : vector<16xf32>
        %mul3A_594 = arith.mulf %sub3A_551, %get3A_592 : vector<16xf32>
        %sub3A_595 = arith.subf %mul3A_593, %mul3A_594 : vector<16xf32>
        %max3A_596 = arith.constant 0.000000e+00 : f32
        %max3A_597 = vector.broadcast %max3A_596 : f32 to vector<16xf32>
        %max3A_598 = arith.maximumf %sub3A_595, %max3A_597 : vector<16xf32>
        %get3A_599 = arith.index_cast %scan3A_534 : i32 to index
        %get3A_600 = arith.constant 64 : index
        %get3A_601 = tpu.vector_load %arg12[%get3A_599, %get3A_600] {strides = array<i32>} : memref<128x128xf32, #tpu.memory_space<vmem>>, vector<16xf32>,
        %get3A_602 = arith.index_cast %scan3A_534 : i32 to index
        %get3A_603 = arith.constant 64 : index
        %get3A_604 = tpu.vector_load %arg13[%get3A_602, %get3A_603] {strides = array<i32>} : memref<128x128xf32, #tpu.memory_space<vmem>>, vector<16xf32>,
        %mul3A_605 = arith.mulf %add3A_548, %get3A_601 : vector<16xf32>
        %mul3A_606 = arith.mulf %sub3A_551, %get3A_604 : vector<16xf32>
        %sub3A_607 = arith.subf %mul3A_605, %mul3A_606 : vector<16xf32>
        %max3A_608 = arith.constant 0.000000e+00 : f32
        %max3A_609 = vector.broadcast %max3A_608 : f32 to vector<16xf32>
        %max3A_610 = arith.maximumf %sub3A_607, %max3A_609 : vector<16xf32>
        %get3A_611 = arith.index_cast %scan3A_534 : i32 to index
        %get3A_612 = arith.constant 80 : index
        %get3A_613 = tpu.vector_load %arg12[%get3A_611, %get3A_612] {strides = array<i32>} : memref<128x128xf32, #tpu.memory_space<vmem>>, vector<16xf32>,
        %get3A_614 = arith.index_cast %scan3A_534 : i32 to index
        %get3A_615 = arith.constant 80 : index
        %get3A_616 = tpu.vector_load %arg13[%get3A_614, %get3A_615] {strides = array<i32>} : memref<128x128xf32, #tpu.memory_space<vmem>>, vector<16xf32>,
        %mul3A_617 = arith.mulf %add3A_548, %get3A_613 : vector<16xf32>
        %mul3A_618 = arith.mulf %sub3A_551, %get3A_616 : vector<16xf32>
        %sub3A_619 = arith.subf %mul3A_617, %mul3A_618 : vector<16xf32>
        %max3A_620 = arith.constant 0.000000e+00 : f32
        %max3A_621 = vector.broadcast %max3A_620 : f32 to vector<16xf32>
        %max3A_622 = arith.maximumf %sub3A_619, %max3A_621 : vector<16xf32>
        %get3A_623 = arith.index_cast %scan3A_534 : i32 to index
        %get3A_624 = arith.constant 96 : index
        %get3A_625 = tpu.vector_load %arg12[%get3A_623, %get3A_624] {strides = array<i32>} : memref<128x128xf32, #tpu.memory_space<vmem>>, vector<16xf32>,
        %get3A_626 = arith.index_cast %scan3A_534 : i32 to index
        %get3A_627 = arith.constant 96 : index
        %get3A_628 = tpu.vector_load %arg13[%get3A_626, %get3A_627] {strides = array<i32>} : memref<128x128xf32, #tpu.memory_space<vmem>>, vector<16xf32>,
        %mul3A_629 = arith.mulf %add3A_548, %get3A_625 : vector<16xf32>
        %mul3A_630 = arith.mulf %sub3A_551, %get3A_628 : vector<16xf32>
        %sub3A_631 = arith.subf %mul3A_629, %mul3A_630 : vector<16xf32>
        %max3A_632 = arith.constant 0.000000e+00 : f32
        %max3A_633 = vector.broadcast %max3A_632 : f32 to vector<16xf32>
        %max3A_634 = arith.maximumf %sub3A_631, %max3A_633 : vector<16xf32>
        %get3A_635 = arith.index_cast %scan3A_534 : i32 to index
        %get3A_636 = arith.constant 112 : index
        %get3A_637 = tpu.vector_load %arg12[%get3A_635, %get3A_636] {strides = array<i32>} : memref<128x128xf32, #tpu.memory_space<vmem>>, vector<16xf32>,
        %get3A_638 = arith.index_cast %scan3A_534 : i32 to index
        %get3A_639 = arith.constant 112 : index
        %get3A_640 = tpu.vector_load %arg13[%get3A_638, %get3A_639] {strides = array<i32>} : memref<128x128xf32, #tpu.memory_space<vmem>>, vector<16xf32>,
        %mul3A_641 = arith.mulf %add3A_548, %get3A_637 : vector<16xf32>
        %mul3A_642 = arith.mulf %sub3A_551, %get3A_640 : vector<16xf32>
        %sub3A_643 = arith.subf %mul3A_641, %mul3A_642 : vector<16xf32>
        %max3A_644 = arith.constant 0.000000e+00 : f32
        %max3A_645 = vector.broadcast %max3A_644 : f32 to vector<16xf32>
        %max3A_646 = arith.maximumf %sub3A_643, %max3A_645 : vector<16xf32>
        %add3A_647 = arith.addf %max3A_562, %max3A_574 : vector<16xf32>
        %add3A_648 = arith.addf %max3A_586, %max3A_598 : vector<16xf32>
        %add3A_649 = arith.addf %max3A_610, %max3A_622 : vector<16xf32>
        %add3A_650 = arith.addf %max3A_634, %max3A_646 : vector<16xf32>
        %add3A_651 = arith.addf %add3A_647, %add3A_648 : vector<16xf32>
        %add3A_652 = arith.addf %add3A_649, %add3A_650 : vector<16xf32>
        %add3A_653 = arith.addf %add3A_651, %add3A_652 : vector<16xf32>
        %add3A_654 = arith.addf %scan3A_535, %add3A_653 : vector<16xf32>
        scf.yield %add3A_654 : vector<16xf32>
      }
      %scan3A_533 = arith.constant 128 : i32
      scf.yield %scan3A_532 : vector<16xf32>
    }
    %dma_start3A_272 = arith.constant 384 : i32
    %dma_start3A_273 = tpu.memref_slice %arg7[%dma_start3A_272] : memref<512xi32, #tpu.memory_space<vmem>> -> memref<128xi32, #tpu.memory_space<vmem>>
    %dma_start3A_274 = arith.constant 0 : i32
    %dma_start3A_275 = arith.constant 0 : i32
    %dma_start3A_276 = tpu.memref_slice %arg2[%dma_start3A_274, %dma_start3A_275] : memref<100000x128xf32, #tpu.memory_space<hbm>> -> memref<100000x128xf32, #tpu.memory_space<hbm>>
    tpu.enqueue_indirect_dma source(%dma_start3A_276 : memref<100000x128xf32, #tpu.memory_space<hbm>>) target(%arg12 : memref<128x128xf32, #tpu.memory_space<vmem>>) offsets(%dma_start3A_273 : memref<128xi32, #tpu.memory_space<vmem>>) semaphore(%arg16 : memref<!tpu.dma_semaphore, #tpu.memory_space<semaphore_mem>>)
    %dma_start3A_277 = arith.constant 384 : i32
    %dma_start3A_278 = tpu.memref_slice %arg8[%dma_start3A_277] : memref<512xi32, #tpu.memory_space<vmem>> -> memref<128xi32, #tpu.memory_space<vmem>>
    %dma_start3A_279 = arith.constant 0 : i32
    %dma_start3A_280 = arith.constant 0 : i32
    %dma_start3A_281 = tpu.memref_slice %arg2[%dma_start3A_279, %dma_start3A_280] : memref<100000x128xf32, #tpu.memory_space<hbm>> -> memref<100000x128xf32, #tpu.memory_space<hbm>>
    tpu.enqueue_indirect_dma source(%dma_start3A_281 : memref<100000x128xf32, #tpu.memory_space<hbm>>) target(%arg13 : memref<128x128xf32, #tpu.memory_space<vmem>>) offsets(%dma_start3A_278 : memref<128xi32, #tpu.memory_space<vmem>>) semaphore(%arg16 : memref<!tpu.dma_semaphore, #tpu.memory_space<semaphore_mem>>)
    %dma_wait3A_282 = arith.constant 256 : i32
    %dma_wait3A_283 = tpu.memref_slice %arg7[%dma_wait3A_282] : memref<512xi32, #tpu.memory_space<vmem>> -> memref<128xi32, #tpu.memory_space<vmem>>
    %dma_wait3A_284 = arith.constant 0 : i32
    %dma_wait3A_285 = arith.constant 0 : i32
    %dma_wait3A_286 = tpu.memref_slice %arg2[%dma_wait3A_284, %dma_wait3A_285] : memref<100000x128xf32, #tpu.memory_space<hbm>> -> memref<100000x128xf32, #tpu.memory_space<hbm>>
    tpu.wait_indirect_dma semaphore(%arg15 : memref<!tpu.dma_semaphore, #tpu.memory_space<semaphore_mem>>) src(%dma_wait3A_286 : memref<100000x128xf32, #tpu.memory_space<hbm>>) dst(%arg10 : memref<128x128xf32, #tpu.memory_space<vmem>>)
    %dma_wait3A_287 = arith.constant 256 : i32
    %dma_wait3A_288 = tpu.memref_slice %arg8[%dma_wait3A_287] : memref<512xi32, #tpu.memory_space<vmem>> -> memref<128xi32, #tpu.memory_space<vmem>>
    %dma_wait3A_289 = arith.constant 0 : i32
    %dma_wait3A_290 = arith.constant 0 : i32
    %dma_wait3A_291 = tpu.memref_slice %arg2[%dma_wait3A_289, %dma_wait3A_290] : memref<100000x128xf32, #tpu.memory_space<hbm>> -> memref<100000x128xf32, #tpu.memory_space<hbm>>
    tpu.wait_indirect_dma semaphore(%arg15 : memref<!tpu.dma_semaphore, #tpu.memory_space<semaphore_mem>>) src(%dma_wait3A_291 : memref<100000x128xf32, #tpu.memory_space<hbm>>) dst(%arg11 : memref<128x128xf32, #tpu.memory_space<vmem>>)
    %broadcast_in_dim3A_292 = arith.constant false
    %broadcast_in_dim3A_293 = vector.broadcast %broadcast_in_dim3A_292 : i1 to vector<16xi1>
    %get3A_294 = arith.constant 256 : index
    %get3A_295 = tpu.vector_load %arg7[%get3A_294] {strides = array<i32>} : memref<512xi32, #tpu.memory_space<vmem>>, vector<16xi32>,
    %ge3A_296 = arith.constant 99998 : i32
    %ge3A_297 = vector.broadcast %ge3A_296 : i32 to vector<16xi32>
    %ge3A_298 = arith.cmpi sge, %get3A_295, %ge3A_297 : vector<16xi32>
    %or3A_299 = arith.ori %broadcast_in_dim3A_293, %ge3A_298 : vector<16xi1>
    %get3A_300 = arith.constant 256 : index
    %get3A_301 = tpu.vector_load %arg8[%get3A_300] {strides = array<i32>} : memref<512xi32, #tpu.memory_space<vmem>>, vector<16xi32>,
    %ge3A_302 = arith.constant 99998 : i32
    %ge3A_303 = vector.broadcast %ge3A_302 : i32 to vector<16xi32>
    %ge3A_304 = arith.cmpi sge, %get3A_301, %ge3A_303 : vector<16xi32>
    %or3A_305 = arith.ori %or3A_299, %ge3A_304 : vector<16xi1>
    %get3A_306 = arith.constant 272 : index
    %get3A_307 = tpu.vector_load %arg7[%get3A_306] {strides = array<i32>} : memref<512xi32, #tpu.memory_space<vmem>>, vector<16xi32>,
    %ge3A_308 = arith.constant 99998 : i32
    %ge3A_309 = vector.broadcast %ge3A_308 : i32 to vector<16xi32>
    %ge3A_310 = arith.cmpi sge, %get3A_307, %ge3A_309 : vector<16xi32>
    %or3A_311 = arith.ori %or3A_305, %ge3A_310 : vector<16xi1>
    %get3A_312 = arith.constant 272 : index
    %get3A_313 = tpu.vector_load %arg8[%get3A_312] {strides = array<i32>} : memref<512xi32, #tpu.memory_space<vmem>>, vector<16xi32>,
    %ge3A_314 = arith.constant 99998 : i32
    %ge3A_315 = vector.broadcast %ge3A_314 : i32 to vector<16xi32>
    %ge3A_316 = arith.cmpi sge, %get3A_313, %ge3A_315 : vector<16xi32>
    %or3A_317 = arith.ori %or3A_311, %ge3A_316 : vector<16xi1>
    %get3A_318 = arith.constant 288 : index
    %get3A_319 = tpu.vector_load %arg7[%get3A_318] {strides = array<i32>} : memref<512xi32, #tpu.memory_space<vmem>>, vector<16xi32>,
    %ge3A_320 = arith.constant 99998 : i32
    %ge3A_321 = vector.broadcast %ge3A_320 : i32 to vector<16xi32>
    %ge3A_322 = arith.cmpi sge, %get3A_319, %ge3A_321 : vector<16xi32>
    %or3A_323 = arith.ori %or3A_317, %ge3A_322 : vector<16xi1>
    %get3A_324 = arith.constant 288 : index
    %get3A_325 = tpu.vector_load %arg8[%get3A_324] {strides = array<i32>} : memref<512xi32, #tpu.memory_space<vmem>>, vector<16xi32>,
    %ge3A_326 = arith.constant 99998 : i32
    %ge3A_327 = vector.broadcast %ge3A_326 : i32 to vector<16xi32>
    %ge3A_328 = arith.cmpi sge, %get3A_325, %ge3A_327 : vector<16xi32>
    %or3A_329 = arith.ori %or3A_323, %ge3A_328 : vector<16xi1>
    %get3A_330 = arith.constant 304 : index
    %get3A_331 = tpu.vector_load %arg7[%get3A_330] {strides = array<i32>} : memref<512xi32, #tpu.memory_space<vmem>>, vector<16xi32>,
    %ge3A_332 = arith.constant 99998 : i32
    %ge3A_333 = vector.broadcast %ge3A_332 : i32 to vector<16xi32>
    %ge3A_334 = arith.cmpi sge, %get3A_331, %ge3A_333 : vector<16xi32>
    %or3A_335 = arith.ori %or3A_329, %ge3A_334 : vector<16xi1>
    %get3A_336 = arith.constant 304 : index
    %get3A_337 = tpu.vector_load %arg8[%get3A_336] {strides = array<i32>} : memref<512xi32, #tpu.memory_space<vmem>>, vector<16xi32>,
    %ge3A_338 = arith.constant 99998 : i32
    %ge3A_339 = vector.broadcast %ge3A_338 : i32 to vector<16xi32>
    %ge3A_340 = arith.cmpi sge, %get3A_337, %ge3A_339 : vector<16xi32>
    %or3A_341 = arith.ori %or3A_335, %ge3A_340 : vector<16xi1>
    %get3A_342 = arith.constant 320 : index
    %get3A_343 = tpu.vector_load %arg7[%get3A_342] {strides = array<i32>} : memref<512xi32, #tpu.memory_space<vmem>>, vector<16xi32>,
    %ge3A_344 = arith.constant 99998 : i32
    %ge3A_345 = vector.broadcast %ge3A_344 : i32 to vector<16xi32>
    %ge3A_346 = arith.cmpi sge, %get3A_343, %ge3A_345 : vector<16xi32>
    %or3A_347 = arith.ori %or3A_341, %ge3A_346 : vector<16xi1>
    %get3A_348 = arith.constant 320 : index
    %get3A_349 = tpu.vector_load %arg8[%get3A_348] {strides = array<i32>} : memref<512xi32, #tpu.memory_space<vmem>>, vector<16xi32>,
    %ge3A_350 = arith.constant 99998 : i32
    %ge3A_351 = vector.broadcast %ge3A_350 : i32 to vector<16xi32>
    %ge3A_352 = arith.cmpi sge, %get3A_349, %ge3A_351 : vector<16xi32>
    %or3A_353 = arith.ori %or3A_347, %ge3A_352 : vector<16xi1>
    %get3A_354 = arith.constant 336 : index
    %get3A_355 = tpu.vector_load %arg7[%get3A_354] {strides = array<i32>} : memref<512xi32, #tpu.memory_space<vmem>>, vector<16xi32>,
    %ge3A_356 = arith.constant 99998 : i32
    %ge3A_357 = vector.broadcast %ge3A_356 : i32 to vector<16xi32>
    %ge3A_358 = arith.cmpi sge, %get3A_355, %ge3A_357 : vector<16xi32>
    %or3A_359 = arith.ori %or3A_353, %ge3A_358 : vector<16xi1>
    %get3A_360 = arith.constant 336 : index
    %get3A_361 = tpu.vector_load %arg8[%get3A_360] {strides = array<i32>} : memref<512xi32, #tpu.memory_space<vmem>>, vector<16xi32>,
    %ge3A_362 = arith.constant 99998 : i32
    %ge3A_363 = vector.broadcast %ge3A_362 : i32 to vector<16xi32>
    %ge3A_364 = arith.cmpi sge, %get3A_361, %ge3A_363 : vector<16xi32>
    %or3A_365 = arith.ori %or3A_359, %ge3A_364 : vector<16xi1>
    %get3A_366 = arith.constant 352 : index
    %get3A_367 = tpu.vector_load %arg7[%get3A_366] {strides = array<i32>} : memref<512xi32, #tpu.memory_space<vmem>>, vector<16xi32>,
    %ge3A_368 = arith.constant 99998 : i32
    %ge3A_369 = vector.broadcast %ge3A_368 : i32 to vector<16xi32>
    %ge3A_370 = arith.cmpi sge, %get3A_367, %ge3A_369 : vector<16xi32>
    %or3A_371 = arith.ori %or3A_365, %ge3A_370 : vector<16xi1>
    %get3A_372 = arith.constant 352 : index
    %get3A_373 = tpu.vector_load %arg8[%get3A_372] {strides = array<i32>} : memref<512xi32, #tpu.memory_space<vmem>>, vector<16xi32>,
    %ge3A_374 = arith.constant 99998 : i32
    %ge3A_375 = vector.broadcast %ge3A_374 : i32 to vector<16xi32>
    %ge3A_376 = arith.cmpi sge, %get3A_373, %ge3A_375 : vector<16xi32>
    %or3A_377 = arith.ori %or3A_371, %ge3A_376 : vector<16xi1>
    %get3A_378 = arith.constant 368 : index
    %get3A_379 = tpu.vector_load %arg7[%get3A_378] {strides = array<i32>} : memref<512xi32, #tpu.memory_space<vmem>>, vector<16xi32>,
    %ge3A_380 = arith.constant 99998 : i32
    %ge3A_381 = vector.broadcast %ge3A_380 : i32 to vector<16xi32>
    %ge3A_382 = arith.cmpi sge, %get3A_379, %ge3A_381 : vector<16xi32>
    %or3A_383 = arith.ori %or3A_377, %ge3A_382 : vector<16xi1>
    %get3A_384 = arith.constant 368 : index
    %get3A_385 = tpu.vector_load %arg8[%get3A_384] {strides = array<i32>} : memref<512xi32, #tpu.memory_space<vmem>>, vector<16xi32>,
    %ge3A_386 = arith.constant 99998 : i32
    %ge3A_387 = vector.broadcast %ge3A_386 : i32 to vector<16xi32>
    %ge3A_388 = arith.cmpi sge, %get3A_385, %ge3A_387 : vector<16xi32>
    %or3A_389 = arith.ori %or3A_383, %ge3A_388 : vector<16xi1>
    %reduce_or3A_390 = arith.constant 1.000000e+00 : f32
    %reduce_or3A_391 = arith.constant 0.000000e+00 : f32
    %reduce_or3A_392 = vector.broadcast %reduce_or3A_390 : f32 to vector<16xf32>
    %reduce_or3A_393 = vector.broadcast %reduce_or3A_391 : f32 to vector<16xf32>
    %reduce_or3A_394 = arith.select %or3A_389, %reduce_or3A_392, %reduce_or3A_393 : vector<16xi1>, vector<16xf32>
    %reduce_or3A_395 = arith.constant true
    %reduce_or3A_396 = vector.broadcast %reduce_or3A_395 : i1 to vector<16xi1>
    %reduce_or3A_397 = tpu.scan <max>, %reduce_or3A_394 masked %reduce_or3A_396 : vector<16xf32>, vector<16xi1> -> vector<16xf32>
    %reduce_or3A_398 = vector.extract %reduce_or3A_397[15] : f32 from vector<16xf32>
    %reduce_or3A_399 = arith.constant 0.000000e+00 : f32
    %reduce_or3A_400 = arith.cmpf ogt, %reduce_or3A_398, %reduce_or3A_399 : f32
    %convert_element_type3A_401 = arith.extui %reduce_or3A_400 : i1 to i32
    %cond3A_402 = arith.constant 0 : i32
    %cond3A_403 = arith.cmpi ne, %convert_element_type3A_401, %cond3A_402 : i32
    %cond3A_404 = scf.if %cond3A_403 -> (vector<16xf32>) {
      %scan3A = arith.constant 0 : i32
      %scan3A_529 = arith.constant 128 : i32
      %scan3A_530 = arith.addi %scan3A, %scan3A_529 : i32
      %scan3A_531 = arith.constant 1 : i32
      %scan3A_532 = scf.for %scan3A_534 = %scan3A to %scan3A_530 step %scan3A_531 iter_args(%scan3A_535 = %cond3A_271) -> (vector<16xf32>)  : i32 {
        %add3A_536 = arith.constant 256 : i32
        %add3A_537 = arith.addi %add3A_536, %scan3A_534 : i32
        %broadcast_in_dim3A_538 = vector.broadcast %add3A_537 : i32 to vector<16xi32>
        %gather3A = tpu.vector_load_idx %arg9[%broadcast_in_dim3A_538] : memref<512xi32, #tpu.memory_space<vmem>>[vector<16xi32>], vector<16xi32>,
        %shift_right_arithmetic3A = arith.constant 1 : i32
        %shift_right_arithmetic3A_539 = vector.broadcast %shift_right_arithmetic3A : i32 to vector<16xi32>
        %shift_right_arithmetic3A_540 = arith.shrsi %gather3A, %shift_right_arithmetic3A_539 : vector<16xi32>
        %convert_element_type3A_541 = arith.sitofp %shift_right_arithmetic3A_540 : vector<16xi32> to vector<16xf32>
        %and3A = arith.constant 1 : i32
        %and3A_542 = vector.broadcast %and3A : i32 to vector<16xi32>
        %and3A_543 = arith.andi %gather3A, %and3A_542 : vector<16xi32>
        %convert_element_type3A_544 = arith.sitofp %and3A_543 : vector<16xi32> to vector<16xf32>
        %add3A_545 = arith.addf %convert_element_type3A_541, %convert_element_type3A_541 : vector<16xf32>
        %add3A_546 = arith.constant 1.000000e+00 : f32
        %add3A_547 = vector.broadcast %add3A_546 : f32 to vector<16xf32>
        %add3A_548 = arith.addf %add3A_547, %add3A_545 : vector<16xf32>
        %add3A_549 = arith.addf %convert_element_type3A_544, %convert_element_type3A_544 : vector<16xf32>
        %sub3A = arith.constant 1.000000e+00 : f32
        %sub3A_550 = vector.broadcast %sub3A : f32 to vector<16xf32>
        %sub3A_551 = arith.subf %sub3A_550, %add3A_549 : vector<16xf32>
        %gather3A_552 = tpu.vector_load_idx %arg7[%broadcast_in_dim3A_538] : memref<512xi32, #tpu.memory_space<vmem>>[vector<16xi32>], vector<16xi32>,
        %gather3A_553 = tpu.vector_load_idx %arg8[%broadcast_in_dim3A_538] : memref<512xi32, #tpu.memory_space<vmem>>[vector<16xi32>], vector<16xi32>,
        %eq3A = arith.constant 99999 : i32
        %eq3A_554 = vector.broadcast %eq3A : i32 to vector<16xi32>
        %eq3A_555 = arith.cmpi eq, %gather3A_552, %eq3A_554 : vector<16xi32>
        %eq3A_556 = arith.constant 99998 : i32
        %eq3A_557 = vector.broadcast %eq3A_556 : i32 to vector<16xi32>
        %eq3A_558 = arith.cmpi eq, %gather3A_552, %eq3A_557 : vector<16xi32>
        %eq3A_559 = arith.constant 99999 : i32
        %eq3A_560 = vector.broadcast %eq3A_559 : i32 to vector<16xi32>
        %eq3A_561 = arith.cmpi eq, %gather3A_553, %eq3A_560 : vector<16xi32>
        %eq3A_562 = arith.constant 99998 : i32
        %eq3A_563 = vector.broadcast %eq3A_562 : i32 to vector<16xi32>
        %eq3A_564 = arith.cmpi eq, %gather3A_553, %eq3A_563 : vector<16xi32>
        %get3A_565 = arith.index_cast %scan3A_534 : i32 to index
        %get3A_566 = arith.constant 0 : index
        %get3A_567 = tpu.vector_load %arg10[%get3A_565, %get3A_566] {strides = array<i32>} : memref<128x128xf32, #tpu.memory_space<vmem>>, vector<16xf32>,
        %get3A_568 = arith.index_cast %scan3A_534 : i32 to index
        %get3A_569 = arith.constant 0 : index
        %get3A_570 = tpu.vector_load %arg11[%get3A_568, %get3A_569] {strides = array<i32>} : memref<128x128xf32, #tpu.memory_space<vmem>>, vector<16xf32>,
        %gt3A = arith.constant 0.000000e+00 : f32
        %gt3A_571 = vector.broadcast %gt3A : f32 to vector<16xf32>
        %gt3A_572 = arith.cmpf ogt, %get3A_567, %gt3A_571 : vector<16xf32>
        %and3A_573 = arith.andi %eq3A_555, %gt3A_572 : vector<16xi1>
        %jit3A = arith.constant 1.000000e+00 : f32
        %broadcast_in_dim3A_574 = vector.broadcast %jit3A : f32 to vector<16xf32>
        %select_n3A = arith.select %and3A_573, %broadcast_in_dim3A_574, %get3A_567 : vector<16xi1>, vector<16xf32>
        %lt3A = arith.constant 1.000000e+00 : f32
        %lt3A_575 = vector.broadcast %lt3A : f32 to vector<16xf32>
        %lt3A_576 = arith.cmpf olt, %select_n3A, %lt3A_575 : vector<16xf32>
        %and3A_577 = arith.andi %eq3A_558, %lt3A_576 : vector<16xi1>
        %jit3A_578 = arith.constant 0.000000e+00 : f32
        %broadcast_in_dim3A_579 = vector.broadcast %jit3A_578 : f32 to vector<16xf32>
        %select_n3A_580 = arith.select %and3A_577, %broadcast_in_dim3A_579, %select_n3A : vector<16xi1>, vector<16xf32>
        %gt3A_581 = arith.constant 0.000000e+00 : f32
        %gt3A_582 = vector.broadcast %gt3A_581 : f32 to vector<16xf32>
        %gt3A_583 = arith.cmpf ogt, %get3A_570, %gt3A_582 : vector<16xf32>
        %and3A_584 = arith.andi %eq3A_561, %gt3A_583 : vector<16xi1>
        %jit3A_585 = arith.constant 1.000000e+00 : f32
        %broadcast_in_dim3A_586 = vector.broadcast %jit3A_585 : f32 to vector<16xf32>
        %select_n3A_587 = arith.select %and3A_584, %broadcast_in_dim3A_586, %get3A_570 : vector<16xi1>, vector<16xf32>
        %lt3A_588 = arith.constant 1.000000e+00 : f32
        %lt3A_589 = vector.broadcast %lt3A_588 : f32 to vector<16xf32>
        %lt3A_590 = arith.cmpf olt, %select_n3A_587, %lt3A_589 : vector<16xf32>
        %and3A_591 = arith.andi %eq3A_564, %lt3A_590 : vector<16xi1>
        %jit3A_592 = arith.constant 0.000000e+00 : f32
        %broadcast_in_dim3A_593 = vector.broadcast %jit3A_592 : f32 to vector<16xf32>
        %select_n3A_594 = arith.select %and3A_591, %broadcast_in_dim3A_593, %select_n3A_587 : vector<16xi1>, vector<16xf32>
        %mul3A_595 = arith.mulf %add3A_548, %select_n3A_580 : vector<16xf32>
        %mul3A_596 = arith.mulf %sub3A_551, %select_n3A_594 : vector<16xf32>
        %sub3A_597 = arith.subf %mul3A_595, %mul3A_596 : vector<16xf32>
        %max3A = arith.constant 0.000000e+00 : f32
        %max3A_598 = vector.broadcast %max3A : f32 to vector<16xf32>
        %max3A_599 = arith.maximumf %sub3A_597, %max3A_598 : vector<16xf32>
        %get3A_600 = arith.index_cast %scan3A_534 : i32 to index
        %get3A_601 = arith.constant 16 : index
        %get3A_602 = tpu.vector_load %arg10[%get3A_600, %get3A_601] {strides = array<i32>} : memref<128x128xf32, #tpu.memory_space<vmem>>, vector<16xf32>,
        %get3A_603 = arith.index_cast %scan3A_534 : i32 to index
        %get3A_604 = arith.constant 16 : index
        %get3A_605 = tpu.vector_load %arg11[%get3A_603, %get3A_604] {strides = array<i32>} : memref<128x128xf32, #tpu.memory_space<vmem>>, vector<16xf32>,
        %gt3A_606 = arith.constant 0.000000e+00 : f32
        %gt3A_607 = vector.broadcast %gt3A_606 : f32 to vector<16xf32>
        %gt3A_608 = arith.cmpf ogt, %get3A_602, %gt3A_607 : vector<16xf32>
        %and3A_609 = arith.andi %eq3A_555, %gt3A_608 : vector<16xi1>
        %jit3A_610 = arith.constant 1.000000e+00 : f32
        %broadcast_in_dim3A_611 = vector.broadcast %jit3A_610 : f32 to vector<16xf32>
        %select_n3A_612 = arith.select %and3A_609, %broadcast_in_dim3A_611, %get3A_602 : vector<16xi1>, vector<16xf32>
        %lt3A_613 = arith.constant 1.000000e+00 : f32
        %lt3A_614 = vector.broadcast %lt3A_613 : f32 to vector<16xf32>
        %lt3A_615 = arith.cmpf olt, %select_n3A_612, %lt3A_614 : vector<16xf32>
        %and3A_616 = arith.andi %eq3A_558, %lt3A_615 : vector<16xi1>
        %jit3A_617 = arith.constant 0.000000e+00 : f32
        %broadcast_in_dim3A_618 = vector.broadcast %jit3A_617 : f32 to vector<16xf32>
        %select_n3A_619 = arith.select %and3A_616, %broadcast_in_dim3A_618, %select_n3A_612 : vector<16xi1>, vector<16xf32>
        %gt3A_620 = arith.constant 0.000000e+00 : f32
        %gt3A_621 = vector.broadcast %gt3A_620 : f32 to vector<16xf32>
        %gt3A_622 = arith.cmpf ogt, %get3A_605, %gt3A_621 : vector<16xf32>
        %and3A_623 = arith.andi %eq3A_561, %gt3A_622 : vector<16xi1>
        %jit3A_624 = arith.constant 1.000000e+00 : f32
        %broadcast_in_dim3A_625 = vector.broadcast %jit3A_624 : f32 to vector<16xf32>
        %select_n3A_626 = arith.select %and3A_623, %broadcast_in_dim3A_625, %get3A_605 : vector<16xi1>, vector<16xf32>
        %lt3A_627 = arith.constant 1.000000e+00 : f32
        %lt3A_628 = vector.broadcast %lt3A_627 : f32 to vector<16xf32>
        %lt3A_629 = arith.cmpf olt, %select_n3A_626, %lt3A_628 : vector<16xf32>
        %and3A_630 = arith.andi %eq3A_564, %lt3A_629 : vector<16xi1>
        %jit3A_631 = arith.constant 0.000000e+00 : f32
        %broadcast_in_dim3A_632 = vector.broadcast %jit3A_631 : f32 to vector<16xf32>
        %select_n3A_633 = arith.select %and3A_630, %broadcast_in_dim3A_632, %select_n3A_626 : vector<16xi1>, vector<16xf32>
        %mul3A_634 = arith.mulf %add3A_548, %select_n3A_619 : vector<16xf32>
        %mul3A_635 = arith.mulf %sub3A_551, %select_n3A_633 : vector<16xf32>
        %sub3A_636 = arith.subf %mul3A_634, %mul3A_635 : vector<16xf32>
        %max3A_637 = arith.constant 0.000000e+00 : f32
        %max3A_638 = vector.broadcast %max3A_637 : f32 to vector<16xf32>
        %max3A_639 = arith.maximumf %sub3A_636, %max3A_638 : vector<16xf32>
        %get3A_640 = arith.index_cast %scan3A_534 : i32 to index
        %get3A_641 = arith.constant 32 : index
        %get3A_642 = tpu.vector_load %arg10[%get3A_640, %get3A_641] {strides = array<i32>} : memref<128x128xf32, #tpu.memory_space<vmem>>, vector<16xf32>,
        %get3A_643 = arith.index_cast %scan3A_534 : i32 to index
        %get3A_644 = arith.constant 32 : index
        %get3A_645 = tpu.vector_load %arg11[%get3A_643, %get3A_644] {strides = array<i32>} : memref<128x128xf32, #tpu.memory_space<vmem>>, vector<16xf32>,
        %gt3A_646 = arith.constant 0.000000e+00 : f32
        %gt3A_647 = vector.broadcast %gt3A_646 : f32 to vector<16xf32>
        %gt3A_648 = arith.cmpf ogt, %get3A_642, %gt3A_647 : vector<16xf32>
        %and3A_649 = arith.andi %eq3A_555, %gt3A_648 : vector<16xi1>
        %jit3A_650 = arith.constant 1.000000e+00 : f32
        %broadcast_in_dim3A_651 = vector.broadcast %jit3A_650 : f32 to vector<16xf32>
        %select_n3A_652 = arith.select %and3A_649, %broadcast_in_dim3A_651, %get3A_642 : vector<16xi1>, vector<16xf32>
        %lt3A_653 = arith.constant 1.000000e+00 : f32
        %lt3A_654 = vector.broadcast %lt3A_653 : f32 to vector<16xf32>
        %lt3A_655 = arith.cmpf olt, %select_n3A_652, %lt3A_654 : vector<16xf32>
        %and3A_656 = arith.andi %eq3A_558, %lt3A_655 : vector<16xi1>
        %jit3A_657 = arith.constant 0.000000e+00 : f32
        %broadcast_in_dim3A_658 = vector.broadcast %jit3A_657 : f32 to vector<16xf32>
        %select_n3A_659 = arith.select %and3A_656, %broadcast_in_dim3A_658, %select_n3A_652 : vector<16xi1>, vector<16xf32>
        %gt3A_660 = arith.constant 0.000000e+00 : f32
        %gt3A_661 = vector.broadcast %gt3A_660 : f32 to vector<16xf32>
        %gt3A_662 = arith.cmpf ogt, %get3A_645, %gt3A_661 : vector<16xf32>
        %and3A_663 = arith.andi %eq3A_561, %gt3A_662 : vector<16xi1>
        %jit3A_664 = arith.constant 1.000000e+00 : f32
        %broadcast_in_dim3A_665 = vector.broadcast %jit3A_664 : f32 to vector<16xf32>
        %select_n3A_666 = arith.select %and3A_663, %broadcast_in_dim3A_665, %get3A_645 : vector<16xi1>, vector<16xf32>
        %lt3A_667 = arith.constant 1.000000e+00 : f32
        %lt3A_668 = vector.broadcast %lt3A_667 : f32 to vector<16xf32>
        %lt3A_669 = arith.cmpf olt, %select_n3A_666, %lt3A_668 : vector<16xf32>
        %and3A_670 = arith.andi %eq3A_564, %lt3A_669 : vector<16xi1>
        %jit3A_671 = arith.constant 0.000000e+00 : f32
        %broadcast_in_dim3A_672 = vector.broadcast %jit3A_671 : f32 to vector<16xf32>
        %select_n3A_673 = arith.select %and3A_670, %broadcast_in_dim3A_672, %select_n3A_666 : vector<16xi1>, vector<16xf32>
        %mul3A_674 = arith.mulf %add3A_548, %select_n3A_659 : vector<16xf32>
        %mul3A_675 = arith.mulf %sub3A_551, %select_n3A_673 : vector<16xf32>
        %sub3A_676 = arith.subf %mul3A_674, %mul3A_675 : vector<16xf32>
        %max3A_677 = arith.constant 0.000000e+00 : f32
        %max3A_678 = vector.broadcast %max3A_677 : f32 to vector<16xf32>
        %max3A_679 = arith.maximumf %sub3A_676, %max3A_678 : vector<16xf32>
        %get3A_680 = arith.index_cast %scan3A_534 : i32 to index
        %get3A_681 = arith.constant 48 : index
        %get3A_682 = tpu.vector_load %arg10[%get3A_680, %get3A_681] {strides = array<i32>} : memref<128x128xf32, #tpu.memory_space<vmem>>, vector<16xf32>,
        %get3A_683 = arith.index_cast %scan3A_534 : i32 to index
        %get3A_684 = arith.constant 48 : index
        %get3A_685 = tpu.vector_load %arg11[%get3A_683, %get3A_684] {strides = array<i32>} : memref<128x128xf32, #tpu.memory_space<vmem>>, vector<16xf32>,
        %gt3A_686 = arith.constant 0.000000e+00 : f32
        %gt3A_687 = vector.broadcast %gt3A_686 : f32 to vector<16xf32>
        %gt3A_688 = arith.cmpf ogt, %get3A_682, %gt3A_687 : vector<16xf32>
        %and3A_689 = arith.andi %eq3A_555, %gt3A_688 : vector<16xi1>
        %jit3A_690 = arith.constant 1.000000e+00 : f32
        %broadcast_in_dim3A_691 = vector.broadcast %jit3A_690 : f32 to vector<16xf32>
        %select_n3A_692 = arith.select %and3A_689, %broadcast_in_dim3A_691, %get3A_682 : vector<16xi1>, vector<16xf32>
        %lt3A_693 = arith.constant 1.000000e+00 : f32
        %lt3A_694 = vector.broadcast %lt3A_693 : f32 to vector<16xf32>
        %lt3A_695 = arith.cmpf olt, %select_n3A_692, %lt3A_694 : vector<16xf32>
        %and3A_696 = arith.andi %eq3A_558, %lt3A_695 : vector<16xi1>
        %jit3A_697 = arith.constant 0.000000e+00 : f32
        %broadcast_in_dim3A_698 = vector.broadcast %jit3A_697 : f32 to vector<16xf32>
        %select_n3A_699 = arith.select %and3A_696, %broadcast_in_dim3A_698, %select_n3A_692 : vector<16xi1>, vector<16xf32>
        %gt3A_700 = arith.constant 0.000000e+00 : f32
        %gt3A_701 = vector.broadcast %gt3A_700 : f32 to vector<16xf32>
        %gt3A_702 = arith.cmpf ogt, %get3A_685, %gt3A_701 : vector<16xf32>
        %and3A_703 = arith.andi %eq3A_561, %gt3A_702 : vector<16xi1>
        %jit3A_704 = arith.constant 1.000000e+00 : f32
        %broadcast_in_dim3A_705 = vector.broadcast %jit3A_704 : f32 to vector<16xf32>
        %select_n3A_706 = arith.select %and3A_703, %broadcast_in_dim3A_705, %get3A_685 : vector<16xi1>, vector<16xf32>
        %lt3A_707 = arith.constant 1.000000e+00 : f32
        %lt3A_708 = vector.broadcast %lt3A_707 : f32 to vector<16xf32>
        %lt3A_709 = arith.cmpf olt, %select_n3A_706, %lt3A_708 : vector<16xf32>
        %and3A_710 = arith.andi %eq3A_564, %lt3A_709 : vector<16xi1>
        %jit3A_711 = arith.constant 0.000000e+00 : f32
        %broadcast_in_dim3A_712 = vector.broadcast %jit3A_711 : f32 to vector<16xf32>
        %select_n3A_713 = arith.select %and3A_710, %broadcast_in_dim3A_712, %select_n3A_706 : vector<16xi1>, vector<16xf32>
        %mul3A_714 = arith.mulf %add3A_548, %select_n3A_699 : vector<16xf32>
        %mul3A_715 = arith.mulf %sub3A_551, %select_n3A_713 : vector<16xf32>
        %sub3A_716 = arith.subf %mul3A_714, %mul3A_715 : vector<16xf32>
        %max3A_717 = arith.constant 0.000000e+00 : f32
        %max3A_718 = vector.broadcast %max3A_717 : f32 to vector<16xf32>
        %max3A_719 = arith.maximumf %sub3A_716, %max3A_718 : vector<16xf32>
        %get3A_720 = arith.index_cast %scan3A_534 : i32 to index
        %get3A_721 = arith.constant 64 : index
        %get3A_722 = tpu.vector_load %arg10[%get3A_720, %get3A_721] {strides = array<i32>} : memref<128x128xf32, #tpu.memory_space<vmem>>, vector<16xf32>,
        %get3A_723 = arith.index_cast %scan3A_534 : i32 to index
        %get3A_724 = arith.constant 64 : index
        %get3A_725 = tpu.vector_load %arg11[%get3A_723, %get3A_724] {strides = array<i32>} : memref<128x128xf32, #tpu.memory_space<vmem>>, vector<16xf32>,
        %gt3A_726 = arith.constant 0.000000e+00 : f32
        %gt3A_727 = vector.broadcast %gt3A_726 : f32 to vector<16xf32>
        %gt3A_728 = arith.cmpf ogt, %get3A_722, %gt3A_727 : vector<16xf32>
        %and3A_729 = arith.andi %eq3A_555, %gt3A_728 : vector<16xi1>
        %jit3A_730 = arith.constant 1.000000e+00 : f32
        %broadcast_in_dim3A_731 = vector.broadcast %jit3A_730 : f32 to vector<16xf32>
        %select_n3A_732 = arith.select %and3A_729, %broadcast_in_dim3A_731, %get3A_722 : vector<16xi1>, vector<16xf32>
        %lt3A_733 = arith.constant 1.000000e+00 : f32
        %lt3A_734 = vector.broadcast %lt3A_733 : f32 to vector<16xf32>
        %lt3A_735 = arith.cmpf olt, %select_n3A_732, %lt3A_734 : vector<16xf32>
        %and3A_736 = arith.andi %eq3A_558, %lt3A_735 : vector<16xi1>
        %jit3A_737 = arith.constant 0.000000e+00 : f32
        %broadcast_in_dim3A_738 = vector.broadcast %jit3A_737 : f32 to vector<16xf32>
        %select_n3A_739 = arith.select %and3A_736, %broadcast_in_dim3A_738, %select_n3A_732 : vector<16xi1>, vector<16xf32>
        %gt3A_740 = arith.constant 0.000000e+00 : f32
        %gt3A_741 = vector.broadcast %gt3A_740 : f32 to vector<16xf32>
        %gt3A_742 = arith.cmpf ogt, %get3A_725, %gt3A_741 : vector<16xf32>
        %and3A_743 = arith.andi %eq3A_561, %gt3A_742 : vector<16xi1>
        %jit3A_744 = arith.constant 1.000000e+00 : f32
        %broadcast_in_dim3A_745 = vector.broadcast %jit3A_744 : f32 to vector<16xf32>
        %select_n3A_746 = arith.select %and3A_743, %broadcast_in_dim3A_745, %get3A_725 : vector<16xi1>, vector<16xf32>
        %lt3A_747 = arith.constant 1.000000e+00 : f32
        %lt3A_748 = vector.broadcast %lt3A_747 : f32 to vector<16xf32>
        %lt3A_749 = arith.cmpf olt, %select_n3A_746, %lt3A_748 : vector<16xf32>
        %and3A_750 = arith.andi %eq3A_564, %lt3A_749 : vector<16xi1>
        %jit3A_751 = arith.constant 0.000000e+00 : f32
        %broadcast_in_dim3A_752 = vector.broadcast %jit3A_751 : f32 to vector<16xf32>
        %select_n3A_753 = arith.select %and3A_750, %broadcast_in_dim3A_752, %select_n3A_746 : vector<16xi1>, vector<16xf32>
        %mul3A_754 = arith.mulf %add3A_548, %select_n3A_739 : vector<16xf32>
        %mul3A_755 = arith.mulf %sub3A_551, %select_n3A_753 : vector<16xf32>
        %sub3A_756 = arith.subf %mul3A_754, %mul3A_755 : vector<16xf32>
        %max3A_757 = arith.constant 0.000000e+00 : f32
        %max3A_758 = vector.broadcast %max3A_757 : f32 to vector<16xf32>
        %max3A_759 = arith.maximumf %sub3A_756, %max3A_758 : vector<16xf32>
        %get3A_760 = arith.index_cast %scan3A_534 : i32 to index
        %get3A_761 = arith.constant 80 : index
        %get3A_762 = tpu.vector_load %arg10[%get3A_760, %get3A_761] {strides = array<i32>} : memref<128x128xf32, #tpu.memory_space<vmem>>, vector<16xf32>,
        %get3A_763 = arith.index_cast %scan3A_534 : i32 to index
        %get3A_764 = arith.constant 80 : index
        %get3A_765 = tpu.vector_load %arg11[%get3A_763, %get3A_764] {strides = array<i32>} : memref<128x128xf32, #tpu.memory_space<vmem>>, vector<16xf32>,
        %gt3A_766 = arith.constant 0.000000e+00 : f32
        %gt3A_767 = vector.broadcast %gt3A_766 : f32 to vector<16xf32>
        %gt3A_768 = arith.cmpf ogt, %get3A_762, %gt3A_767 : vector<16xf32>
        %and3A_769 = arith.andi %eq3A_555, %gt3A_768 : vector<16xi1>
        %jit3A_770 = arith.constant 1.000000e+00 : f32
        %broadcast_in_dim3A_771 = vector.broadcast %jit3A_770 : f32 to vector<16xf32>
        %select_n3A_772 = arith.select %and3A_769, %broadcast_in_dim3A_771, %get3A_762 : vector<16xi1>, vector<16xf32>
        %lt3A_773 = arith.constant 1.000000e+00 : f32
        %lt3A_774 = vector.broadcast %lt3A_773 : f32 to vector<16xf32>
        %lt3A_775 = arith.cmpf olt, %select_n3A_772, %lt3A_774 : vector<16xf32>
        %and3A_776 = arith.andi %eq3A_558, %lt3A_775 : vector<16xi1>
        %jit3A_777 = arith.constant 0.000000e+00 : f32
        %broadcast_in_dim3A_778 = vector.broadcast %jit3A_777 : f32 to vector<16xf32>
        %select_n3A_779 = arith.select %and3A_776, %broadcast_in_dim3A_778, %select_n3A_772 : vector<16xi1>, vector<16xf32>
        %gt3A_780 = arith.constant 0.000000e+00 : f32
        %gt3A_781 = vector.broadcast %gt3A_780 : f32 to vector<16xf32>
        %gt3A_782 = arith.cmpf ogt, %get3A_765, %gt3A_781 : vector<16xf32>
        %and3A_783 = arith.andi %eq3A_561, %gt3A_782 : vector<16xi1>
        %jit3A_784 = arith.constant 1.000000e+00 : f32
        %broadcast_in_dim3A_785 = vector.broadcast %jit3A_784 : f32 to vector<16xf32>
        %select_n3A_786 = arith.select %and3A_783, %broadcast_in_dim3A_785, %get3A_765 : vector<16xi1>, vector<16xf32>
        %lt3A_787 = arith.constant 1.000000e+00 : f32
        %lt3A_788 = vector.broadcast %lt3A_787 : f32 to vector<16xf32>
        %lt3A_789 = arith.cmpf olt, %select_n3A_786, %lt3A_788 : vector<16xf32>
        %and3A_790 = arith.andi %eq3A_564, %lt3A_789 : vector<16xi1>
        %jit3A_791 = arith.constant 0.000000e+00 : f32
        %broadcast_in_dim3A_792 = vector.broadcast %jit3A_791 : f32 to vector<16xf32>
        %select_n3A_793 = arith.select %and3A_790, %broadcast_in_dim3A_792, %select_n3A_786 : vector<16xi1>, vector<16xf32>
        %mul3A_794 = arith.mulf %add3A_548, %select_n3A_779 : vector<16xf32>
        %mul3A_795 = arith.mulf %sub3A_551, %select_n3A_793 : vector<16xf32>
        %sub3A_796 = arith.subf %mul3A_794, %mul3A_795 : vector<16xf32>
        %max3A_797 = arith.constant 0.000000e+00 : f32
        %max3A_798 = vector.broadcast %max3A_797 : f32 to vector<16xf32>
        %max3A_799 = arith.maximumf %sub3A_796, %max3A_798 : vector<16xf32>
        %get3A_800 = arith.index_cast %scan3A_534 : i32 to index
        %get3A_801 = arith.constant 96 : index
        %get3A_802 = tpu.vector_load %arg10[%get3A_800, %get3A_801] {strides = array<i32>} : memref<128x128xf32, #tpu.memory_space<vmem>>, vector<16xf32>,
        %get3A_803 = arith.index_cast %scan3A_534 : i32 to index
        %get3A_804 = arith.constant 96 : index
        %get3A_805 = tpu.vector_load %arg11[%get3A_803, %get3A_804] {strides = array<i32>} : memref<128x128xf32, #tpu.memory_space<vmem>>, vector<16xf32>,
        %gt3A_806 = arith.constant 0.000000e+00 : f32
        %gt3A_807 = vector.broadcast %gt3A_806 : f32 to vector<16xf32>
        %gt3A_808 = arith.cmpf ogt, %get3A_802, %gt3A_807 : vector<16xf32>
        %and3A_809 = arith.andi %eq3A_555, %gt3A_808 : vector<16xi1>
        %jit3A_810 = arith.constant 1.000000e+00 : f32
        %broadcast_in_dim3A_811 = vector.broadcast %jit3A_810 : f32 to vector<16xf32>
        %select_n3A_812 = arith.select %and3A_809, %broadcast_in_dim3A_811, %get3A_802 : vector<16xi1>, vector<16xf32>
        %lt3A_813 = arith.constant 1.000000e+00 : f32
        %lt3A_814 = vector.broadcast %lt3A_813 : f32 to vector<16xf32>
        %lt3A_815 = arith.cmpf olt, %select_n3A_812, %lt3A_814 : vector<16xf32>
        %and3A_816 = arith.andi %eq3A_558, %lt3A_815 : vector<16xi1>
        %jit3A_817 = arith.constant 0.000000e+00 : f32
        %broadcast_in_dim3A_818 = vector.broadcast %jit3A_817 : f32 to vector<16xf32>
        %select_n3A_819 = arith.select %and3A_816, %broadcast_in_dim3A_818, %select_n3A_812 : vector<16xi1>, vector<16xf32>
        %gt3A_820 = arith.constant 0.000000e+00 : f32
        %gt3A_821 = vector.broadcast %gt3A_820 : f32 to vector<16xf32>
        %gt3A_822 = arith.cmpf ogt, %get3A_805, %gt3A_821 : vector<16xf32>
        %and3A_823 = arith.andi %eq3A_561, %gt3A_822 : vector<16xi1>
        %jit3A_824 = arith.constant 1.000000e+00 : f32
        %broadcast_in_dim3A_825 = vector.broadcast %jit3A_824 : f32 to vector<16xf32>
        %select_n3A_826 = arith.select %and3A_823, %broadcast_in_dim3A_825, %get3A_805 : vector<16xi1>, vector<16xf32>
        %lt3A_827 = arith.constant 1.000000e+00 : f32
        %lt3A_828 = vector.broadcast %lt3A_827 : f32 to vector<16xf32>
        %lt3A_829 = arith.cmpf olt, %select_n3A_826, %lt3A_828 : vector<16xf32>
        %and3A_830 = arith.andi %eq3A_564, %lt3A_829 : vector<16xi1>
        %jit3A_831 = arith.constant 0.000000e+00 : f32
        %broadcast_in_dim3A_832 = vector.broadcast %jit3A_831 : f32 to vector<16xf32>
        %select_n3A_833 = arith.select %and3A_830, %broadcast_in_dim3A_832, %select_n3A_826 : vector<16xi1>, vector<16xf32>
        %mul3A_834 = arith.mulf %add3A_548, %select_n3A_819 : vector<16xf32>
        %mul3A_835 = arith.mulf %sub3A_551, %select_n3A_833 : vector<16xf32>
        %sub3A_836 = arith.subf %mul3A_834, %mul3A_835 : vector<16xf32>
        %max3A_837 = arith.constant 0.000000e+00 : f32
        %max3A_838 = vector.broadcast %max3A_837 : f32 to vector<16xf32>
        %max3A_839 = arith.maximumf %sub3A_836, %max3A_838 : vector<16xf32>
        %get3A_840 = arith.index_cast %scan3A_534 : i32 to index
        %get3A_841 = arith.constant 112 : index
        %get3A_842 = tpu.vector_load %arg10[%get3A_840, %get3A_841] {strides = array<i32>} : memref<128x128xf32, #tpu.memory_space<vmem>>, vector<16xf32>,
        %get3A_843 = arith.index_cast %scan3A_534 : i32 to index
        %get3A_844 = arith.constant 112 : index
        %get3A_845 = tpu.vector_load %arg11[%get3A_843, %get3A_844] {strides = array<i32>} : memref<128x128xf32, #tpu.memory_space<vmem>>, vector<16xf32>,
        %gt3A_846 = arith.constant 0.000000e+00 : f32
        %gt3A_847 = vector.broadcast %gt3A_846 : f32 to vector<16xf32>
        %gt3A_848 = arith.cmpf ogt, %get3A_842, %gt3A_847 : vector<16xf32>
        %and3A_849 = arith.andi %eq3A_555, %gt3A_848 : vector<16xi1>
        %jit3A_850 = arith.constant 1.000000e+00 : f32
        %broadcast_in_dim3A_851 = vector.broadcast %jit3A_850 : f32 to vector<16xf32>
        %select_n3A_852 = arith.select %and3A_849, %broadcast_in_dim3A_851, %get3A_842 : vector<16xi1>, vector<16xf32>
        %lt3A_853 = arith.constant 1.000000e+00 : f32
        %lt3A_854 = vector.broadcast %lt3A_853 : f32 to vector<16xf32>
        %lt3A_855 = arith.cmpf olt, %select_n3A_852, %lt3A_854 : vector<16xf32>
        %and3A_856 = arith.andi %eq3A_558, %lt3A_855 : vector<16xi1>
        %jit3A_857 = arith.constant 0.000000e+00 : f32
        %broadcast_in_dim3A_858 = vector.broadcast %jit3A_857 : f32 to vector<16xf32>
        %select_n3A_859 = arith.select %and3A_856, %broadcast_in_dim3A_858, %select_n3A_852 : vector<16xi1>, vector<16xf32>
        %gt3A_860 = arith.constant 0.000000e+00 : f32
        %gt3A_861 = vector.broadcast %gt3A_860 : f32 to vector<16xf32>
        %gt3A_862 = arith.cmpf ogt, %get3A_845, %gt3A_861 : vector<16xf32>
        %and3A_863 = arith.andi %eq3A_561, %gt3A_862 : vector<16xi1>
        %jit3A_864 = arith.constant 1.000000e+00 : f32
        %broadcast_in_dim3A_865 = vector.broadcast %jit3A_864 : f32 to vector<16xf32>
        %select_n3A_866 = arith.select %and3A_863, %broadcast_in_dim3A_865, %get3A_845 : vector<16xi1>, vector<16xf32>
        %lt3A_867 = arith.constant 1.000000e+00 : f32
        %lt3A_868 = vector.broadcast %lt3A_867 : f32 to vector<16xf32>
        %lt3A_869 = arith.cmpf olt, %select_n3A_866, %lt3A_868 : vector<16xf32>
        %and3A_870 = arith.andi %eq3A_564, %lt3A_869 : vector<16xi1>
        %jit3A_871 = arith.constant 0.000000e+00 : f32
        %broadcast_in_dim3A_872 = vector.broadcast %jit3A_871 : f32 to vector<16xf32>
        %select_n3A_873 = arith.select %and3A_870, %broadcast_in_dim3A_872, %select_n3A_866 : vector<16xi1>, vector<16xf32>
        %mul3A_874 = arith.mulf %add3A_548, %select_n3A_859 : vector<16xf32>
        %mul3A_875 = arith.mulf %sub3A_551, %select_n3A_873 : vector<16xf32>
        %sub3A_876 = arith.subf %mul3A_874, %mul3A_875 : vector<16xf32>
        %max3A_877 = arith.constant 0.000000e+00 : f32
        %max3A_878 = vector.broadcast %max3A_877 : f32 to vector<16xf32>
        %max3A_879 = arith.maximumf %sub3A_876, %max3A_878 : vector<16xf32>
        %add3A_880 = arith.addf %max3A_599, %max3A_639 : vector<16xf32>
        %add3A_881 = arith.addf %max3A_679, %max3A_719 : vector<16xf32>
        %add3A_882 = arith.addf %max3A_759, %max3A_799 : vector<16xf32>
        %add3A_883 = arith.addf %max3A_839, %max3A_879 : vector<16xf32>
        %add3A_884 = arith.addf %add3A_880, %add3A_881 : vector<16xf32>
        %add3A_885 = arith.addf %add3A_882, %add3A_883 : vector<16xf32>
        %add3A_886 = arith.addf %add3A_884, %add3A_885 : vector<16xf32>
        %add3A_887 = arith.addf %scan3A_535, %add3A_886 : vector<16xf32>
        scf.yield %add3A_887 : vector<16xf32>
      }
      %scan3A_533 = arith.constant 128 : i32
      scf.yield %scan3A_532 : vector<16xf32>
    } else {
      %scan3A = arith.constant 0 : i32
      %scan3A_529 = arith.constant 128 : i32
      %scan3A_530 = arith.addi %scan3A, %scan3A_529 : i32
      %scan3A_531 = arith.constant 1 : i32
      %scan3A_532 = scf.for %scan3A_534 = %scan3A to %scan3A_530 step %scan3A_531 iter_args(%scan3A_535 = %cond3A_271) -> (vector<16xf32>)  : i32 {
        %add3A_536 = arith.constant 256 : i32
        %add3A_537 = arith.addi %add3A_536, %scan3A_534 : i32
        %broadcast_in_dim3A_538 = vector.broadcast %add3A_537 : i32 to vector<16xi32>
        %gather3A = tpu.vector_load_idx %arg9[%broadcast_in_dim3A_538] : memref<512xi32, #tpu.memory_space<vmem>>[vector<16xi32>], vector<16xi32>,
        %shift_right_arithmetic3A = arith.constant 1 : i32
        %shift_right_arithmetic3A_539 = vector.broadcast %shift_right_arithmetic3A : i32 to vector<16xi32>
        %shift_right_arithmetic3A_540 = arith.shrsi %gather3A, %shift_right_arithmetic3A_539 : vector<16xi32>
        %convert_element_type3A_541 = arith.sitofp %shift_right_arithmetic3A_540 : vector<16xi32> to vector<16xf32>
        %and3A = arith.constant 1 : i32
        %and3A_542 = vector.broadcast %and3A : i32 to vector<16xi32>
        %and3A_543 = arith.andi %gather3A, %and3A_542 : vector<16xi32>
        %convert_element_type3A_544 = arith.sitofp %and3A_543 : vector<16xi32> to vector<16xf32>
        %add3A_545 = arith.addf %convert_element_type3A_541, %convert_element_type3A_541 : vector<16xf32>
        %add3A_546 = arith.constant 1.000000e+00 : f32
        %add3A_547 = vector.broadcast %add3A_546 : f32 to vector<16xf32>
        %add3A_548 = arith.addf %add3A_547, %add3A_545 : vector<16xf32>
        %add3A_549 = arith.addf %convert_element_type3A_544, %convert_element_type3A_544 : vector<16xf32>
        %sub3A = arith.constant 1.000000e+00 : f32
        %sub3A_550 = vector.broadcast %sub3A : f32 to vector<16xf32>
        %sub3A_551 = arith.subf %sub3A_550, %add3A_549 : vector<16xf32>
        %get3A_552 = arith.index_cast %scan3A_534 : i32 to index
        %get3A_553 = arith.constant 0 : index
        %get3A_554 = tpu.vector_load %arg10[%get3A_552, %get3A_553] {strides = array<i32>} : memref<128x128xf32, #tpu.memory_space<vmem>>, vector<16xf32>,
        %get3A_555 = arith.index_cast %scan3A_534 : i32 to index
        %get3A_556 = arith.constant 0 : index
        %get3A_557 = tpu.vector_load %arg11[%get3A_555, %get3A_556] {strides = array<i32>} : memref<128x128xf32, #tpu.memory_space<vmem>>, vector<16xf32>,
        %mul3A_558 = arith.mulf %add3A_548, %get3A_554 : vector<16xf32>
        %mul3A_559 = arith.mulf %sub3A_551, %get3A_557 : vector<16xf32>
        %sub3A_560 = arith.subf %mul3A_558, %mul3A_559 : vector<16xf32>
        %max3A = arith.constant 0.000000e+00 : f32
        %max3A_561 = vector.broadcast %max3A : f32 to vector<16xf32>
        %max3A_562 = arith.maximumf %sub3A_560, %max3A_561 : vector<16xf32>
        %get3A_563 = arith.index_cast %scan3A_534 : i32 to index
        %get3A_564 = arith.constant 16 : index
        %get3A_565 = tpu.vector_load %arg10[%get3A_563, %get3A_564] {strides = array<i32>} : memref<128x128xf32, #tpu.memory_space<vmem>>, vector<16xf32>,
        %get3A_566 = arith.index_cast %scan3A_534 : i32 to index
        %get3A_567 = arith.constant 16 : index
        %get3A_568 = tpu.vector_load %arg11[%get3A_566, %get3A_567] {strides = array<i32>} : memref<128x128xf32, #tpu.memory_space<vmem>>, vector<16xf32>,
        %mul3A_569 = arith.mulf %add3A_548, %get3A_565 : vector<16xf32>
        %mul3A_570 = arith.mulf %sub3A_551, %get3A_568 : vector<16xf32>
        %sub3A_571 = arith.subf %mul3A_569, %mul3A_570 : vector<16xf32>
        %max3A_572 = arith.constant 0.000000e+00 : f32
        %max3A_573 = vector.broadcast %max3A_572 : f32 to vector<16xf32>
        %max3A_574 = arith.maximumf %sub3A_571, %max3A_573 : vector<16xf32>
        %get3A_575 = arith.index_cast %scan3A_534 : i32 to index
        %get3A_576 = arith.constant 32 : index
        %get3A_577 = tpu.vector_load %arg10[%get3A_575, %get3A_576] {strides = array<i32>} : memref<128x128xf32, #tpu.memory_space<vmem>>, vector<16xf32>,
        %get3A_578 = arith.index_cast %scan3A_534 : i32 to index
        %get3A_579 = arith.constant 32 : index
        %get3A_580 = tpu.vector_load %arg11[%get3A_578, %get3A_579] {strides = array<i32>} : memref<128x128xf32, #tpu.memory_space<vmem>>, vector<16xf32>,
        %mul3A_581 = arith.mulf %add3A_548, %get3A_577 : vector<16xf32>
        %mul3A_582 = arith.mulf %sub3A_551, %get3A_580 : vector<16xf32>
        %sub3A_583 = arith.subf %mul3A_581, %mul3A_582 : vector<16xf32>
        %max3A_584 = arith.constant 0.000000e+00 : f32
        %max3A_585 = vector.broadcast %max3A_584 : f32 to vector<16xf32>
        %max3A_586 = arith.maximumf %sub3A_583, %max3A_585 : vector<16xf32>
        %get3A_587 = arith.index_cast %scan3A_534 : i32 to index
        %get3A_588 = arith.constant 48 : index
        %get3A_589 = tpu.vector_load %arg10[%get3A_587, %get3A_588] {strides = array<i32>} : memref<128x128xf32, #tpu.memory_space<vmem>>, vector<16xf32>,
        %get3A_590 = arith.index_cast %scan3A_534 : i32 to index
        %get3A_591 = arith.constant 48 : index
        %get3A_592 = tpu.vector_load %arg11[%get3A_590, %get3A_591] {strides = array<i32>} : memref<128x128xf32, #tpu.memory_space<vmem>>, vector<16xf32>,
        %mul3A_593 = arith.mulf %add3A_548, %get3A_589 : vector<16xf32>
        %mul3A_594 = arith.mulf %sub3A_551, %get3A_592 : vector<16xf32>
        %sub3A_595 = arith.subf %mul3A_593, %mul3A_594 : vector<16xf32>
        %max3A_596 = arith.constant 0.000000e+00 : f32
        %max3A_597 = vector.broadcast %max3A_596 : f32 to vector<16xf32>
        %max3A_598 = arith.maximumf %sub3A_595, %max3A_597 : vector<16xf32>
        %get3A_599 = arith.index_cast %scan3A_534 : i32 to index
        %get3A_600 = arith.constant 64 : index
        %get3A_601 = tpu.vector_load %arg10[%get3A_599, %get3A_600] {strides = array<i32>} : memref<128x128xf32, #tpu.memory_space<vmem>>, vector<16xf32>,
        %get3A_602 = arith.index_cast %scan3A_534 : i32 to index
        %get3A_603 = arith.constant 64 : index
        %get3A_604 = tpu.vector_load %arg11[%get3A_602, %get3A_603] {strides = array<i32>} : memref<128x128xf32, #tpu.memory_space<vmem>>, vector<16xf32>,
        %mul3A_605 = arith.mulf %add3A_548, %get3A_601 : vector<16xf32>
        %mul3A_606 = arith.mulf %sub3A_551, %get3A_604 : vector<16xf32>
        %sub3A_607 = arith.subf %mul3A_605, %mul3A_606 : vector<16xf32>
        %max3A_608 = arith.constant 0.000000e+00 : f32
        %max3A_609 = vector.broadcast %max3A_608 : f32 to vector<16xf32>
        %max3A_610 = arith.maximumf %sub3A_607, %max3A_609 : vector<16xf32>
        %get3A_611 = arith.index_cast %scan3A_534 : i32 to index
        %get3A_612 = arith.constant 80 : index
        %get3A_613 = tpu.vector_load %arg10[%get3A_611, %get3A_612] {strides = array<i32>} : memref<128x128xf32, #tpu.memory_space<vmem>>, vector<16xf32>,
        %get3A_614 = arith.index_cast %scan3A_534 : i32 to index
        %get3A_615 = arith.constant 80 : index
        %get3A_616 = tpu.vector_load %arg11[%get3A_614, %get3A_615] {strides = array<i32>} : memref<128x128xf32, #tpu.memory_space<vmem>>, vector<16xf32>,
        %mul3A_617 = arith.mulf %add3A_548, %get3A_613 : vector<16xf32>
        %mul3A_618 = arith.mulf %sub3A_551, %get3A_616 : vector<16xf32>
        %sub3A_619 = arith.subf %mul3A_617, %mul3A_618 : vector<16xf32>
        %max3A_620 = arith.constant 0.000000e+00 : f32
        %max3A_621 = vector.broadcast %max3A_620 : f32 to vector<16xf32>
        %max3A_622 = arith.maximumf %sub3A_619, %max3A_621 : vector<16xf32>
        %get3A_623 = arith.index_cast %scan3A_534 : i32 to index
        %get3A_624 = arith.constant 96 : index
        %get3A_625 = tpu.vector_load %arg10[%get3A_623, %get3A_624] {strides = array<i32>} : memref<128x128xf32, #tpu.memory_space<vmem>>, vector<16xf32>,
        %get3A_626 = arith.index_cast %scan3A_534 : i32 to index
        %get3A_627 = arith.constant 96 : index
        %get3A_628 = tpu.vector_load %arg11[%get3A_626, %get3A_627] {strides = array<i32>} : memref<128x128xf32, #tpu.memory_space<vmem>>, vector<16xf32>,
        %mul3A_629 = arith.mulf %add3A_548, %get3A_625 : vector<16xf32>
        %mul3A_630 = arith.mulf %sub3A_551, %get3A_628 : vector<16xf32>
        %sub3A_631 = arith.subf %mul3A_629, %mul3A_630 : vector<16xf32>
        %max3A_632 = arith.constant 0.000000e+00 : f32
        %max3A_633 = vector.broadcast %max3A_632 : f32 to vector<16xf32>
        %max3A_634 = arith.maximumf %sub3A_631, %max3A_633 : vector<16xf32>
        %get3A_635 = arith.index_cast %scan3A_534 : i32 to index
        %get3A_636 = arith.constant 112 : index
        %get3A_637 = tpu.vector_load %arg10[%get3A_635, %get3A_636] {strides = array<i32>} : memref<128x128xf32, #tpu.memory_space<vmem>>, vector<16xf32>,
        %get3A_638 = arith.index_cast %scan3A_534 : i32 to index
        %get3A_639 = arith.constant 112 : index
        %get3A_640 = tpu.vector_load %arg11[%get3A_638, %get3A_639] {strides = array<i32>} : memref<128x128xf32, #tpu.memory_space<vmem>>, vector<16xf32>,
        %mul3A_641 = arith.mulf %add3A_548, %get3A_637 : vector<16xf32>
        %mul3A_642 = arith.mulf %sub3A_551, %get3A_640 : vector<16xf32>
        %sub3A_643 = arith.subf %mul3A_641, %mul3A_642 : vector<16xf32>
        %max3A_644 = arith.constant 0.000000e+00 : f32
        %max3A_645 = vector.broadcast %max3A_644 : f32 to vector<16xf32>
        %max3A_646 = arith.maximumf %sub3A_643, %max3A_645 : vector<16xf32>
        %add3A_647 = arith.addf %max3A_562, %max3A_574 : vector<16xf32>
        %add3A_648 = arith.addf %max3A_586, %max3A_598 : vector<16xf32>
        %add3A_649 = arith.addf %max3A_610, %max3A_622 : vector<16xf32>
        %add3A_650 = arith.addf %max3A_634, %max3A_646 : vector<16xf32>
        %add3A_651 = arith.addf %add3A_647, %add3A_648 : vector<16xf32>
        %add3A_652 = arith.addf %add3A_649, %add3A_650 : vector<16xf32>
        %add3A_653 = arith.addf %add3A_651, %add3A_652 : vector<16xf32>
        %add3A_654 = arith.addf %scan3A_535, %add3A_653 : vector<16xf32>
        scf.yield %add3A_654 : vector<16xf32>
      }
      %scan3A_533 = arith.constant 128 : i32
      scf.yield %scan3A_532 : vector<16xf32>
    }
    %dma_wait3A_405 = arith.constant 384 : i32
    %dma_wait3A_406 = tpu.memref_slice %arg7[%dma_wait3A_405] : memref<512xi32, #tpu.memory_space<vmem>> -> memref<128xi32, #tpu.memory_space<vmem>>
    %dma_wait3A_407 = arith.constant 0 : i32
    %dma_wait3A_408 = arith.constant 0 : i32
    %dma_wait3A_409 = tpu.memref_slice %arg2[%dma_wait3A_407, %dma_wait3A_408] : memref<100000x128xf32, #tpu.memory_space<hbm>> -> memref<100000x128xf32, #tpu.memory_space<hbm>>
    tpu.wait_indirect_dma semaphore(%arg16 : memref<!tpu.dma_semaphore, #tpu.memory_space<semaphore_mem>>) src(%dma_wait3A_409 : memref<100000x128xf32, #tpu.memory_space<hbm>>) dst(%arg12 : memref<128x128xf32, #tpu.memory_space<vmem>>)
    %dma_wait3A_410 = arith.constant 384 : i32
    %dma_wait3A_411 = tpu.memref_slice %arg8[%dma_wait3A_410] : memref<512xi32, #tpu.memory_space<vmem>> -> memref<128xi32, #tpu.memory_space<vmem>>
    %dma_wait3A_412 = arith.constant 0 : i32
    %dma_wait3A_413 = arith.constant 0 : i32
    %dma_wait3A_414 = tpu.memref_slice %arg2[%dma_wait3A_412, %dma_wait3A_413] : memref<100000x128xf32, #tpu.memory_space<hbm>> -> memref<100000x128xf32, #tpu.memory_space<hbm>>
    tpu.wait_indirect_dma semaphore(%arg16 : memref<!tpu.dma_semaphore, #tpu.memory_space<semaphore_mem>>) src(%dma_wait3A_414 : memref<100000x128xf32, #tpu.memory_space<hbm>>) dst(%arg13 : memref<128x128xf32, #tpu.memory_space<vmem>>)
    %broadcast_in_dim3A_415 = arith.constant false
    %broadcast_in_dim3A_416 = vector.broadcast %broadcast_in_dim3A_415 : i1 to vector<16xi1>
    %get3A_417 = arith.constant 384 : index
    %get3A_418 = tpu.vector_load %arg7[%get3A_417] {strides = array<i32>} : memref<512xi32, #tpu.memory_space<vmem>>, vector<16xi32>,
    %ge3A_419 = arith.constant 99998 : i32
    %ge3A_420 = vector.broadcast %ge3A_419 : i32 to vector<16xi32>
    %ge3A_421 = arith.cmpi sge, %get3A_418, %ge3A_420 : vector<16xi32>
    %or3A_422 = arith.ori %broadcast_in_dim3A_416, %ge3A_421 : vector<16xi1>
    %get3A_423 = arith.constant 384 : index
    %get3A_424 = tpu.vector_load %arg8[%get3A_423] {strides = array<i32>} : memref<512xi32, #tpu.memory_space<vmem>>, vector<16xi32>,
    %ge3A_425 = arith.constant 99998 : i32
    %ge3A_426 = vector.broadcast %ge3A_425 : i32 to vector<16xi32>
    %ge3A_427 = arith.cmpi sge, %get3A_424, %ge3A_426 : vector<16xi32>
    %or3A_428 = arith.ori %or3A_422, %ge3A_427 : vector<16xi1>
    %get3A_429 = arith.constant 400 : index
    %get3A_430 = tpu.vector_load %arg7[%get3A_429] {strides = array<i32>} : memref<512xi32, #tpu.memory_space<vmem>>, vector<16xi32>,
    %ge3A_431 = arith.constant 99998 : i32
    %ge3A_432 = vector.broadcast %ge3A_431 : i32 to vector<16xi32>
    %ge3A_433 = arith.cmpi sge, %get3A_430, %ge3A_432 : vector<16xi32>
    %or3A_434 = arith.ori %or3A_428, %ge3A_433 : vector<16xi1>
    %get3A_435 = arith.constant 400 : index
    %get3A_436 = tpu.vector_load %arg8[%get3A_435] {strides = array<i32>} : memref<512xi32, #tpu.memory_space<vmem>>, vector<16xi32>,
    %ge3A_437 = arith.constant 99998 : i32
    %ge3A_438 = vector.broadcast %ge3A_437 : i32 to vector<16xi32>
    %ge3A_439 = arith.cmpi sge, %get3A_436, %ge3A_438 : vector<16xi32>
    %or3A_440 = arith.ori %or3A_434, %ge3A_439 : vector<16xi1>
    %get3A_441 = arith.constant 416 : index
    %get3A_442 = tpu.vector_load %arg7[%get3A_441] {strides = array<i32>} : memref<512xi32, #tpu.memory_space<vmem>>, vector<16xi32>,
    %ge3A_443 = arith.constant 99998 : i32
    %ge3A_444 = vector.broadcast %ge3A_443 : i32 to vector<16xi32>
    %ge3A_445 = arith.cmpi sge, %get3A_442, %ge3A_444 : vector<16xi32>
    %or3A_446 = arith.ori %or3A_440, %ge3A_445 : vector<16xi1>
    %get3A_447 = arith.constant 416 : index
    %get3A_448 = tpu.vector_load %arg8[%get3A_447] {strides = array<i32>} : memref<512xi32, #tpu.memory_space<vmem>>, vector<16xi32>,
    %ge3A_449 = arith.constant 99998 : i32
    %ge3A_450 = vector.broadcast %ge3A_449 : i32 to vector<16xi32>
    %ge3A_451 = arith.cmpi sge, %get3A_448, %ge3A_450 : vector<16xi32>
    %or3A_452 = arith.ori %or3A_446, %ge3A_451 : vector<16xi1>
    %get3A_453 = arith.constant 432 : index
    %get3A_454 = tpu.vector_load %arg7[%get3A_453] {strides = array<i32>} : memref<512xi32, #tpu.memory_space<vmem>>, vector<16xi32>,
    %ge3A_455 = arith.constant 99998 : i32
    %ge3A_456 = vector.broadcast %ge3A_455 : i32 to vector<16xi32>
    %ge3A_457 = arith.cmpi sge, %get3A_454, %ge3A_456 : vector<16xi32>
    %or3A_458 = arith.ori %or3A_452, %ge3A_457 : vector<16xi1>
    %get3A_459 = arith.constant 432 : index
    %get3A_460 = tpu.vector_load %arg8[%get3A_459] {strides = array<i32>} : memref<512xi32, #tpu.memory_space<vmem>>, vector<16xi32>,
    %ge3A_461 = arith.constant 99998 : i32
    %ge3A_462 = vector.broadcast %ge3A_461 : i32 to vector<16xi32>
    %ge3A_463 = arith.cmpi sge, %get3A_460, %ge3A_462 : vector<16xi32>
    %or3A_464 = arith.ori %or3A_458, %ge3A_463 : vector<16xi1>
    %get3A_465 = arith.constant 448 : index
    %get3A_466 = tpu.vector_load %arg7[%get3A_465] {strides = array<i32>} : memref<512xi32, #tpu.memory_space<vmem>>, vector<16xi32>,
    %ge3A_467 = arith.constant 99998 : i32
    %ge3A_468 = vector.broadcast %ge3A_467 : i32 to vector<16xi32>
    %ge3A_469 = arith.cmpi sge, %get3A_466, %ge3A_468 : vector<16xi32>
    %or3A_470 = arith.ori %or3A_464, %ge3A_469 : vector<16xi1>
    %get3A_471 = arith.constant 448 : index
    %get3A_472 = tpu.vector_load %arg8[%get3A_471] {strides = array<i32>} : memref<512xi32, #tpu.memory_space<vmem>>, vector<16xi32>,
    %ge3A_473 = arith.constant 99998 : i32
    %ge3A_474 = vector.broadcast %ge3A_473 : i32 to vector<16xi32>
    %ge3A_475 = arith.cmpi sge, %get3A_472, %ge3A_474 : vector<16xi32>
    %or3A_476 = arith.ori %or3A_470, %ge3A_475 : vector<16xi1>
    %get3A_477 = arith.constant 464 : index
    %get3A_478 = tpu.vector_load %arg7[%get3A_477] {strides = array<i32>} : memref<512xi32, #tpu.memory_space<vmem>>, vector<16xi32>,
    %ge3A_479 = arith.constant 99998 : i32
    %ge3A_480 = vector.broadcast %ge3A_479 : i32 to vector<16xi32>
    %ge3A_481 = arith.cmpi sge, %get3A_478, %ge3A_480 : vector<16xi32>
    %or3A_482 = arith.ori %or3A_476, %ge3A_481 : vector<16xi1>
    %get3A_483 = arith.constant 464 : index
    %get3A_484 = tpu.vector_load %arg8[%get3A_483] {strides = array<i32>} : memref<512xi32, #tpu.memory_space<vmem>>, vector<16xi32>,
    %ge3A_485 = arith.constant 99998 : i32
    %ge3A_486 = vector.broadcast %ge3A_485 : i32 to vector<16xi32>
    %ge3A_487 = arith.cmpi sge, %get3A_484, %ge3A_486 : vector<16xi32>
    %or3A_488 = arith.ori %or3A_482, %ge3A_487 : vector<16xi1>
    %get3A_489 = arith.constant 480 : index
    %get3A_490 = tpu.vector_load %arg7[%get3A_489] {strides = array<i32>} : memref<512xi32, #tpu.memory_space<vmem>>, vector<16xi32>,
    %ge3A_491 = arith.constant 99998 : i32
    %ge3A_492 = vector.broadcast %ge3A_491 : i32 to vector<16xi32>
    %ge3A_493 = arith.cmpi sge, %get3A_490, %ge3A_492 : vector<16xi32>
    %or3A_494 = arith.ori %or3A_488, %ge3A_493 : vector<16xi1>
    %get3A_495 = arith.constant 480 : index
    %get3A_496 = tpu.vector_load %arg8[%get3A_495] {strides = array<i32>} : memref<512xi32, #tpu.memory_space<vmem>>, vector<16xi32>,
    %ge3A_497 = arith.constant 99998 : i32
    %ge3A_498 = vector.broadcast %ge3A_497 : i32 to vector<16xi32>
    %ge3A_499 = arith.cmpi sge, %get3A_496, %ge3A_498 : vector<16xi32>
    %or3A_500 = arith.ori %or3A_494, %ge3A_499 : vector<16xi1>
    %get3A_501 = arith.constant 496 : index
    %get3A_502 = tpu.vector_load %arg7[%get3A_501] {strides = array<i32>} : memref<512xi32, #tpu.memory_space<vmem>>, vector<16xi32>,
    %ge3A_503 = arith.constant 99998 : i32
    %ge3A_504 = vector.broadcast %ge3A_503 : i32 to vector<16xi32>
    %ge3A_505 = arith.cmpi sge, %get3A_502, %ge3A_504 : vector<16xi32>
    %or3A_506 = arith.ori %or3A_500, %ge3A_505 : vector<16xi1>
    %get3A_507 = arith.constant 496 : index
    %get3A_508 = tpu.vector_load %arg8[%get3A_507] {strides = array<i32>} : memref<512xi32, #tpu.memory_space<vmem>>, vector<16xi32>,
    %ge3A_509 = arith.constant 99998 : i32
    %ge3A_510 = vector.broadcast %ge3A_509 : i32 to vector<16xi32>
    %ge3A_511 = arith.cmpi sge, %get3A_508, %ge3A_510 : vector<16xi32>
    %or3A_512 = arith.ori %or3A_506, %ge3A_511 : vector<16xi1>
    %reduce_or3A_513 = arith.constant 1.000000e+00 : f32
    %reduce_or3A_514 = arith.constant 0.000000e+00 : f32
    %reduce_or3A_515 = vector.broadcast %reduce_or3A_513 : f32 to vector<16xf32>
    %reduce_or3A_516 = vector.broadcast %reduce_or3A_514 : f32 to vector<16xf32>
    %reduce_or3A_517 = arith.select %or3A_512, %reduce_or3A_515, %reduce_or3A_516 : vector<16xi1>, vector<16xf32>
    %reduce_or3A_518 = arith.constant true
    %reduce_or3A_519 = vector.broadcast %reduce_or3A_518 : i1 to vector<16xi1>
    %reduce_or3A_520 = tpu.scan <max>, %reduce_or3A_517 masked %reduce_or3A_519 : vector<16xf32>, vector<16xi1> -> vector<16xf32>
    %reduce_or3A_521 = vector.extract %reduce_or3A_520[15] : f32 from vector<16xf32>
    %reduce_or3A_522 = arith.constant 0.000000e+00 : f32
    %reduce_or3A_523 = arith.cmpf ogt, %reduce_or3A_521, %reduce_or3A_522 : f32
    %convert_element_type3A_524 = arith.extui %reduce_or3A_523 : i1 to i32
    %cond3A_525 = arith.constant 0 : i32
    %cond3A_526 = arith.cmpi ne, %convert_element_type3A_524, %cond3A_525 : i32
    %cond3A_527 = scf.if %cond3A_526 -> (vector<16xf32>) {
      %scan3A = arith.constant 0 : i32
      %scan3A_529 = arith.constant 128 : i32
      %scan3A_530 = arith.addi %scan3A, %scan3A_529 : i32
      %scan3A_531 = arith.constant 1 : i32
      %scan3A_532 = scf.for %scan3A_534 = %scan3A to %scan3A_530 step %scan3A_531 iter_args(%scan3A_535 = %cond3A_404) -> (vector<16xf32>)  : i32 {
        %add3A_536 = arith.constant 384 : i32
        %add3A_537 = arith.addi %add3A_536, %scan3A_534 : i32
        %broadcast_in_dim3A_538 = vector.broadcast %add3A_537 : i32 to vector<16xi32>
        %gather3A = tpu.vector_load_idx %arg9[%broadcast_in_dim3A_538] : memref<512xi32, #tpu.memory_space<vmem>>[vector<16xi32>], vector<16xi32>,
        %shift_right_arithmetic3A = arith.constant 1 : i32
        %shift_right_arithmetic3A_539 = vector.broadcast %shift_right_arithmetic3A : i32 to vector<16xi32>
        %shift_right_arithmetic3A_540 = arith.shrsi %gather3A, %shift_right_arithmetic3A_539 : vector<16xi32>
        %convert_element_type3A_541 = arith.sitofp %shift_right_arithmetic3A_540 : vector<16xi32> to vector<16xf32>
        %and3A = arith.constant 1 : i32
        %and3A_542 = vector.broadcast %and3A : i32 to vector<16xi32>
        %and3A_543 = arith.andi %gather3A, %and3A_542 : vector<16xi32>
        %convert_element_type3A_544 = arith.sitofp %and3A_543 : vector<16xi32> to vector<16xf32>
        %add3A_545 = arith.addf %convert_element_type3A_541, %convert_element_type3A_541 : vector<16xf32>
        %add3A_546 = arith.constant 1.000000e+00 : f32
        %add3A_547 = vector.broadcast %add3A_546 : f32 to vector<16xf32>
        %add3A_548 = arith.addf %add3A_547, %add3A_545 : vector<16xf32>
        %add3A_549 = arith.addf %convert_element_type3A_544, %convert_element_type3A_544 : vector<16xf32>
        %sub3A = arith.constant 1.000000e+00 : f32
        %sub3A_550 = vector.broadcast %sub3A : f32 to vector<16xf32>
        %sub3A_551 = arith.subf %sub3A_550, %add3A_549 : vector<16xf32>
        %gather3A_552 = tpu.vector_load_idx %arg7[%broadcast_in_dim3A_538] : memref<512xi32, #tpu.memory_space<vmem>>[vector<16xi32>], vector<16xi32>,
        %gather3A_553 = tpu.vector_load_idx %arg8[%broadcast_in_dim3A_538] : memref<512xi32, #tpu.memory_space<vmem>>[vector<16xi32>], vector<16xi32>,
        %eq3A = arith.constant 99999 : i32
        %eq3A_554 = vector.broadcast %eq3A : i32 to vector<16xi32>
        %eq3A_555 = arith.cmpi eq, %gather3A_552, %eq3A_554 : vector<16xi32>
        %eq3A_556 = arith.constant 99998 : i32
        %eq3A_557 = vector.broadcast %eq3A_556 : i32 to vector<16xi32>
        %eq3A_558 = arith.cmpi eq, %gather3A_552, %eq3A_557 : vector<16xi32>
        %eq3A_559 = arith.constant 99999 : i32
        %eq3A_560 = vector.broadcast %eq3A_559 : i32 to vector<16xi32>
        %eq3A_561 = arith.cmpi eq, %gather3A_553, %eq3A_560 : vector<16xi32>
        %eq3A_562 = arith.constant 99998 : i32
        %eq3A_563 = vector.broadcast %eq3A_562 : i32 to vector<16xi32>
        %eq3A_564 = arith.cmpi eq, %gather3A_553, %eq3A_563 : vector<16xi32>
        %get3A_565 = arith.index_cast %scan3A_534 : i32 to index
        %get3A_566 = arith.constant 0 : index
        %get3A_567 = tpu.vector_load %arg12[%get3A_565, %get3A_566] {strides = array<i32>} : memref<128x128xf32, #tpu.memory_space<vmem>>, vector<16xf32>,
        %get3A_568 = arith.index_cast %scan3A_534 : i32 to index
        %get3A_569 = arith.constant 0 : index
        %get3A_570 = tpu.vector_load %arg13[%get3A_568, %get3A_569] {strides = array<i32>} : memref<128x128xf32, #tpu.memory_space<vmem>>, vector<16xf32>,
        %gt3A = arith.constant 0.000000e+00 : f32
        %gt3A_571 = vector.broadcast %gt3A : f32 to vector<16xf32>
        %gt3A_572 = arith.cmpf ogt, %get3A_567, %gt3A_571 : vector<16xf32>
        %and3A_573 = arith.andi %eq3A_555, %gt3A_572 : vector<16xi1>
        %jit3A = arith.constant 1.000000e+00 : f32
        %broadcast_in_dim3A_574 = vector.broadcast %jit3A : f32 to vector<16xf32>
        %select_n3A = arith.select %and3A_573, %broadcast_in_dim3A_574, %get3A_567 : vector<16xi1>, vector<16xf32>
        %lt3A = arith.constant 1.000000e+00 : f32
        %lt3A_575 = vector.broadcast %lt3A : f32 to vector<16xf32>
        %lt3A_576 = arith.cmpf olt, %select_n3A, %lt3A_575 : vector<16xf32>
        %and3A_577 = arith.andi %eq3A_558, %lt3A_576 : vector<16xi1>
        %jit3A_578 = arith.constant 0.000000e+00 : f32
        %broadcast_in_dim3A_579 = vector.broadcast %jit3A_578 : f32 to vector<16xf32>
        %select_n3A_580 = arith.select %and3A_577, %broadcast_in_dim3A_579, %select_n3A : vector<16xi1>, vector<16xf32>
        %gt3A_581 = arith.constant 0.000000e+00 : f32
        %gt3A_582 = vector.broadcast %gt3A_581 : f32 to vector<16xf32>
        %gt3A_583 = arith.cmpf ogt, %get3A_570, %gt3A_582 : vector<16xf32>
        %and3A_584 = arith.andi %eq3A_561, %gt3A_583 : vector<16xi1>
        %jit3A_585 = arith.constant 1.000000e+00 : f32
        %broadcast_in_dim3A_586 = vector.broadcast %jit3A_585 : f32 to vector<16xf32>
        %select_n3A_587 = arith.select %and3A_584, %broadcast_in_dim3A_586, %get3A_570 : vector<16xi1>, vector<16xf32>
        %lt3A_588 = arith.constant 1.000000e+00 : f32
        %lt3A_589 = vector.broadcast %lt3A_588 : f32 to vector<16xf32>
        %lt3A_590 = arith.cmpf olt, %select_n3A_587, %lt3A_589 : vector<16xf32>
        %and3A_591 = arith.andi %eq3A_564, %lt3A_590 : vector<16xi1>
        %jit3A_592 = arith.constant 0.000000e+00 : f32
        %broadcast_in_dim3A_593 = vector.broadcast %jit3A_592 : f32 to vector<16xf32>
        %select_n3A_594 = arith.select %and3A_591, %broadcast_in_dim3A_593, %select_n3A_587 : vector<16xi1>, vector<16xf32>
        %mul3A_595 = arith.mulf %add3A_548, %select_n3A_580 : vector<16xf32>
        %mul3A_596 = arith.mulf %sub3A_551, %select_n3A_594 : vector<16xf32>
        %sub3A_597 = arith.subf %mul3A_595, %mul3A_596 : vector<16xf32>
        %max3A = arith.constant 0.000000e+00 : f32
        %max3A_598 = vector.broadcast %max3A : f32 to vector<16xf32>
        %max3A_599 = arith.maximumf %sub3A_597, %max3A_598 : vector<16xf32>
        %get3A_600 = arith.index_cast %scan3A_534 : i32 to index
        %get3A_601 = arith.constant 16 : index
        %get3A_602 = tpu.vector_load %arg12[%get3A_600, %get3A_601] {strides = array<i32>} : memref<128x128xf32, #tpu.memory_space<vmem>>, vector<16xf32>,
        %get3A_603 = arith.index_cast %scan3A_534 : i32 to index
        %get3A_604 = arith.constant 16 : index
        %get3A_605 = tpu.vector_load %arg13[%get3A_603, %get3A_604] {strides = array<i32>} : memref<128x128xf32, #tpu.memory_space<vmem>>, vector<16xf32>,
        %gt3A_606 = arith.constant 0.000000e+00 : f32
        %gt3A_607 = vector.broadcast %gt3A_606 : f32 to vector<16xf32>
        %gt3A_608 = arith.cmpf ogt, %get3A_602, %gt3A_607 : vector<16xf32>
        %and3A_609 = arith.andi %eq3A_555, %gt3A_608 : vector<16xi1>
        %jit3A_610 = arith.constant 1.000000e+00 : f32
        %broadcast_in_dim3A_611 = vector.broadcast %jit3A_610 : f32 to vector<16xf32>
        %select_n3A_612 = arith.select %and3A_609, %broadcast_in_dim3A_611, %get3A_602 : vector<16xi1>, vector<16xf32>
        %lt3A_613 = arith.constant 1.000000e+00 : f32
        %lt3A_614 = vector.broadcast %lt3A_613 : f32 to vector<16xf32>
        %lt3A_615 = arith.cmpf olt, %select_n3A_612, %lt3A_614 : vector<16xf32>
        %and3A_616 = arith.andi %eq3A_558, %lt3A_615 : vector<16xi1>
        %jit3A_617 = arith.constant 0.000000e+00 : f32
        %broadcast_in_dim3A_618 = vector.broadcast %jit3A_617 : f32 to vector<16xf32>
        %select_n3A_619 = arith.select %and3A_616, %broadcast_in_dim3A_618, %select_n3A_612 : vector<16xi1>, vector<16xf32>
        %gt3A_620 = arith.constant 0.000000e+00 : f32
        %gt3A_621 = vector.broadcast %gt3A_620 : f32 to vector<16xf32>
        %gt3A_622 = arith.cmpf ogt, %get3A_605, %gt3A_621 : vector<16xf32>
        %and3A_623 = arith.andi %eq3A_561, %gt3A_622 : vector<16xi1>
        %jit3A_624 = arith.constant 1.000000e+00 : f32
        %broadcast_in_dim3A_625 = vector.broadcast %jit3A_624 : f32 to vector<16xf32>
        %select_n3A_626 = arith.select %and3A_623, %broadcast_in_dim3A_625, %get3A_605 : vector<16xi1>, vector<16xf32>
        %lt3A_627 = arith.constant 1.000000e+00 : f32
        %lt3A_628 = vector.broadcast %lt3A_627 : f32 to vector<16xf32>
        %lt3A_629 = arith.cmpf olt, %select_n3A_626, %lt3A_628 : vector<16xf32>
        %and3A_630 = arith.andi %eq3A_564, %lt3A_629 : vector<16xi1>
        %jit3A_631 = arith.constant 0.000000e+00 : f32
        %broadcast_in_dim3A_632 = vector.broadcast %jit3A_631 : f32 to vector<16xf32>
        %select_n3A_633 = arith.select %and3A_630, %broadcast_in_dim3A_632, %select_n3A_626 : vector<16xi1>, vector<16xf32>
        %mul3A_634 = arith.mulf %add3A_548, %select_n3A_619 : vector<16xf32>
        %mul3A_635 = arith.mulf %sub3A_551, %select_n3A_633 : vector<16xf32>
        %sub3A_636 = arith.subf %mul3A_634, %mul3A_635 : vector<16xf32>
        %max3A_637 = arith.constant 0.000000e+00 : f32
        %max3A_638 = vector.broadcast %max3A_637 : f32 to vector<16xf32>
        %max3A_639 = arith.maximumf %sub3A_636, %max3A_638 : vector<16xf32>
        %get3A_640 = arith.index_cast %scan3A_534 : i32 to index
        %get3A_641 = arith.constant 32 : index
        %get3A_642 = tpu.vector_load %arg12[%get3A_640, %get3A_641] {strides = array<i32>} : memref<128x128xf32, #tpu.memory_space<vmem>>, vector<16xf32>,
        %get3A_643 = arith.index_cast %scan3A_534 : i32 to index
        %get3A_644 = arith.constant 32 : index
        %get3A_645 = tpu.vector_load %arg13[%get3A_643, %get3A_644] {strides = array<i32>} : memref<128x128xf32, #tpu.memory_space<vmem>>, vector<16xf32>,
        %gt3A_646 = arith.constant 0.000000e+00 : f32
        %gt3A_647 = vector.broadcast %gt3A_646 : f32 to vector<16xf32>
        %gt3A_648 = arith.cmpf ogt, %get3A_642, %gt3A_647 : vector<16xf32>
        %and3A_649 = arith.andi %eq3A_555, %gt3A_648 : vector<16xi1>
        %jit3A_650 = arith.constant 1.000000e+00 : f32
        %broadcast_in_dim3A_651 = vector.broadcast %jit3A_650 : f32 to vector<16xf32>
        %select_n3A_652 = arith.select %and3A_649, %broadcast_in_dim3A_651, %get3A_642 : vector<16xi1>, vector<16xf32>
        %lt3A_653 = arith.constant 1.000000e+00 : f32
        %lt3A_654 = vector.broadcast %lt3A_653 : f32 to vector<16xf32>
        %lt3A_655 = arith.cmpf olt, %select_n3A_652, %lt3A_654 : vector<16xf32>
        %and3A_656 = arith.andi %eq3A_558, %lt3A_655 : vector<16xi1>
        %jit3A_657 = arith.constant 0.000000e+00 : f32
        %broadcast_in_dim3A_658 = vector.broadcast %jit3A_657 : f32 to vector<16xf32>
        %select_n3A_659 = arith.select %and3A_656, %broadcast_in_dim3A_658, %select_n3A_652 : vector<16xi1>, vector<16xf32>
        %gt3A_660 = arith.constant 0.000000e+00 : f32
        %gt3A_661 = vector.broadcast %gt3A_660 : f32 to vector<16xf32>
        %gt3A_662 = arith.cmpf ogt, %get3A_645, %gt3A_661 : vector<16xf32>
        %and3A_663 = arith.andi %eq3A_561, %gt3A_662 : vector<16xi1>
        %jit3A_664 = arith.constant 1.000000e+00 : f32
        %broadcast_in_dim3A_665 = vector.broadcast %jit3A_664 : f32 to vector<16xf32>
        %select_n3A_666 = arith.select %and3A_663, %broadcast_in_dim3A_665, %get3A_645 : vector<16xi1>, vector<16xf32>
        %lt3A_667 = arith.constant 1.000000e+00 : f32
        %lt3A_668 = vector.broadcast %lt3A_667 : f32 to vector<16xf32>
        %lt3A_669 = arith.cmpf olt, %select_n3A_666, %lt3A_668 : vector<16xf32>
        %and3A_670 = arith.andi %eq3A_564, %lt3A_669 : vector<16xi1>
        %jit3A_671 = arith.constant 0.000000e+00 : f32
        %broadcast_in_dim3A_672 = vector.broadcast %jit3A_671 : f32 to vector<16xf32>
        %select_n3A_673 = arith.select %and3A_670, %broadcast_in_dim3A_672, %select_n3A_666 : vector<16xi1>, vector<16xf32>
        %mul3A_674 = arith.mulf %add3A_548, %select_n3A_659 : vector<16xf32>
        %mul3A_675 = arith.mulf %sub3A_551, %select_n3A_673 : vector<16xf32>
        %sub3A_676 = arith.subf %mul3A_674, %mul3A_675 : vector<16xf32>
        %max3A_677 = arith.constant 0.000000e+00 : f32
        %max3A_678 = vector.broadcast %max3A_677 : f32 to vector<16xf32>
        %max3A_679 = arith.maximumf %sub3A_676, %max3A_678 : vector<16xf32>
        %get3A_680 = arith.index_cast %scan3A_534 : i32 to index
        %get3A_681 = arith.constant 48 : index
        %get3A_682 = tpu.vector_load %arg12[%get3A_680, %get3A_681] {strides = array<i32>} : memref<128x128xf32, #tpu.memory_space<vmem>>, vector<16xf32>,
        %get3A_683 = arith.index_cast %scan3A_534 : i32 to index
        %get3A_684 = arith.constant 48 : index
        %get3A_685 = tpu.vector_load %arg13[%get3A_683, %get3A_684] {strides = array<i32>} : memref<128x128xf32, #tpu.memory_space<vmem>>, vector<16xf32>,
        %gt3A_686 = arith.constant 0.000000e+00 : f32
        %gt3A_687 = vector.broadcast %gt3A_686 : f32 to vector<16xf32>
        %gt3A_688 = arith.cmpf ogt, %get3A_682, %gt3A_687 : vector<16xf32>
        %and3A_689 = arith.andi %eq3A_555, %gt3A_688 : vector<16xi1>
        %jit3A_690 = arith.constant 1.000000e+00 : f32
        %broadcast_in_dim3A_691 = vector.broadcast %jit3A_690 : f32 to vector<16xf32>
        %select_n3A_692 = arith.select %and3A_689, %broadcast_in_dim3A_691, %get3A_682 : vector<16xi1>, vector<16xf32>
        %lt3A_693 = arith.constant 1.000000e+00 : f32
        %lt3A_694 = vector.broadcast %lt3A_693 : f32 to vector<16xf32>
        %lt3A_695 = arith.cmpf olt, %select_n3A_692, %lt3A_694 : vector<16xf32>
        %and3A_696 = arith.andi %eq3A_558, %lt3A_695 : vector<16xi1>
        %jit3A_697 = arith.constant 0.000000e+00 : f32
        %broadcast_in_dim3A_698 = vector.broadcast %jit3A_697 : f32 to vector<16xf32>
        %select_n3A_699 = arith.select %and3A_696, %broadcast_in_dim3A_698, %select_n3A_692 : vector<16xi1>, vector<16xf32>
        %gt3A_700 = arith.constant 0.000000e+00 : f32
        %gt3A_701 = vector.broadcast %gt3A_700 : f32 to vector<16xf32>
        %gt3A_702 = arith.cmpf ogt, %get3A_685, %gt3A_701 : vector<16xf32>
        %and3A_703 = arith.andi %eq3A_561, %gt3A_702 : vector<16xi1>
        %jit3A_704 = arith.constant 1.000000e+00 : f32
        %broadcast_in_dim3A_705 = vector.broadcast %jit3A_704 : f32 to vector<16xf32>
        %select_n3A_706 = arith.select %and3A_703, %broadcast_in_dim3A_705, %get3A_685 : vector<16xi1>, vector<16xf32>
        %lt3A_707 = arith.constant 1.000000e+00 : f32
        %lt3A_708 = vector.broadcast %lt3A_707 : f32 to vector<16xf32>
        %lt3A_709 = arith.cmpf olt, %select_n3A_706, %lt3A_708 : vector<16xf32>
        %and3A_710 = arith.andi %eq3A_564, %lt3A_709 : vector<16xi1>
        %jit3A_711 = arith.constant 0.000000e+00 : f32
        %broadcast_in_dim3A_712 = vector.broadcast %jit3A_711 : f32 to vector<16xf32>
        %select_n3A_713 = arith.select %and3A_710, %broadcast_in_dim3A_712, %select_n3A_706 : vector<16xi1>, vector<16xf32>
        %mul3A_714 = arith.mulf %add3A_548, %select_n3A_699 : vector<16xf32>
        %mul3A_715 = arith.mulf %sub3A_551, %select_n3A_713 : vector<16xf32>
        %sub3A_716 = arith.subf %mul3A_714, %mul3A_715 : vector<16xf32>
        %max3A_717 = arith.constant 0.000000e+00 : f32
        %max3A_718 = vector.broadcast %max3A_717 : f32 to vector<16xf32>
        %max3A_719 = arith.maximumf %sub3A_716, %max3A_718 : vector<16xf32>
        %get3A_720 = arith.index_cast %scan3A_534 : i32 to index
        %get3A_721 = arith.constant 64 : index
        %get3A_722 = tpu.vector_load %arg12[%get3A_720, %get3A_721] {strides = array<i32>} : memref<128x128xf32, #tpu.memory_space<vmem>>, vector<16xf32>,
        %get3A_723 = arith.index_cast %scan3A_534 : i32 to index
        %get3A_724 = arith.constant 64 : index
        %get3A_725 = tpu.vector_load %arg13[%get3A_723, %get3A_724] {strides = array<i32>} : memref<128x128xf32, #tpu.memory_space<vmem>>, vector<16xf32>,
        %gt3A_726 = arith.constant 0.000000e+00 : f32
        %gt3A_727 = vector.broadcast %gt3A_726 : f32 to vector<16xf32>
        %gt3A_728 = arith.cmpf ogt, %get3A_722, %gt3A_727 : vector<16xf32>
        %and3A_729 = arith.andi %eq3A_555, %gt3A_728 : vector<16xi1>
        %jit3A_730 = arith.constant 1.000000e+00 : f32
        %broadcast_in_dim3A_731 = vector.broadcast %jit3A_730 : f32 to vector<16xf32>
        %select_n3A_732 = arith.select %and3A_729, %broadcast_in_dim3A_731, %get3A_722 : vector<16xi1>, vector<16xf32>
        %lt3A_733 = arith.constant 1.000000e+00 : f32
        %lt3A_734 = vector.broadcast %lt3A_733 : f32 to vector<16xf32>
        %lt3A_735 = arith.cmpf olt, %select_n3A_732, %lt3A_734 : vector<16xf32>
        %and3A_736 = arith.andi %eq3A_558, %lt3A_735 : vector<16xi1>
        %jit3A_737 = arith.constant 0.000000e+00 : f32
        %broadcast_in_dim3A_738 = vector.broadcast %jit3A_737 : f32 to vector<16xf32>
        %select_n3A_739 = arith.select %and3A_736, %broadcast_in_dim3A_738, %select_n3A_732 : vector<16xi1>, vector<16xf32>
        %gt3A_740 = arith.constant 0.000000e+00 : f32
        %gt3A_741 = vector.broadcast %gt3A_740 : f32 to vector<16xf32>
        %gt3A_742 = arith.cmpf ogt, %get3A_725, %gt3A_741 : vector<16xf32>
        %and3A_743 = arith.andi %eq3A_561, %gt3A_742 : vector<16xi1>
        %jit3A_744 = arith.constant 1.000000e+00 : f32
        %broadcast_in_dim3A_745 = vector.broadcast %jit3A_744 : f32 to vector<16xf32>
        %select_n3A_746 = arith.select %and3A_743, %broadcast_in_dim3A_745, %get3A_725 : vector<16xi1>, vector<16xf32>
        %lt3A_747 = arith.constant 1.000000e+00 : f32
        %lt3A_748 = vector.broadcast %lt3A_747 : f32 to vector<16xf32>
        %lt3A_749 = arith.cmpf olt, %select_n3A_746, %lt3A_748 : vector<16xf32>
        %and3A_750 = arith.andi %eq3A_564, %lt3A_749 : vector<16xi1>
        %jit3A_751 = arith.constant 0.000000e+00 : f32
        %broadcast_in_dim3A_752 = vector.broadcast %jit3A_751 : f32 to vector<16xf32>
        %select_n3A_753 = arith.select %and3A_750, %broadcast_in_dim3A_752, %select_n3A_746 : vector<16xi1>, vector<16xf32>
        %mul3A_754 = arith.mulf %add3A_548, %select_n3A_739 : vector<16xf32>
        %mul3A_755 = arith.mulf %sub3A_551, %select_n3A_753 : vector<16xf32>
        %sub3A_756 = arith.subf %mul3A_754, %mul3A_755 : vector<16xf32>
        %max3A_757 = arith.constant 0.000000e+00 : f32
        %max3A_758 = vector.broadcast %max3A_757 : f32 to vector<16xf32>
        %max3A_759 = arith.maximumf %sub3A_756, %max3A_758 : vector<16xf32>
        %get3A_760 = arith.index_cast %scan3A_534 : i32 to index
        %get3A_761 = arith.constant 80 : index
        %get3A_762 = tpu.vector_load %arg12[%get3A_760, %get3A_761] {strides = array<i32>} : memref<128x128xf32, #tpu.memory_space<vmem>>, vector<16xf32>,
        %get3A_763 = arith.index_cast %scan3A_534 : i32 to index
        %get3A_764 = arith.constant 80 : index
        %get3A_765 = tpu.vector_load %arg13[%get3A_763, %get3A_764] {strides = array<i32>} : memref<128x128xf32, #tpu.memory_space<vmem>>, vector<16xf32>,
        %gt3A_766 = arith.constant 0.000000e+00 : f32
        %gt3A_767 = vector.broadcast %gt3A_766 : f32 to vector<16xf32>
        %gt3A_768 = arith.cmpf ogt, %get3A_762, %gt3A_767 : vector<16xf32>
        %and3A_769 = arith.andi %eq3A_555, %gt3A_768 : vector<16xi1>
        %jit3A_770 = arith.constant 1.000000e+00 : f32
        %broadcast_in_dim3A_771 = vector.broadcast %jit3A_770 : f32 to vector<16xf32>
        %select_n3A_772 = arith.select %and3A_769, %broadcast_in_dim3A_771, %get3A_762 : vector<16xi1>, vector<16xf32>
        %lt3A_773 = arith.constant 1.000000e+00 : f32
        %lt3A_774 = vector.broadcast %lt3A_773 : f32 to vector<16xf32>
        %lt3A_775 = arith.cmpf olt, %select_n3A_772, %lt3A_774 : vector<16xf32>
        %and3A_776 = arith.andi %eq3A_558, %lt3A_775 : vector<16xi1>
        %jit3A_777 = arith.constant 0.000000e+00 : f32
        %broadcast_in_dim3A_778 = vector.broadcast %jit3A_777 : f32 to vector<16xf32>
        %select_n3A_779 = arith.select %and3A_776, %broadcast_in_dim3A_778, %select_n3A_772 : vector<16xi1>, vector<16xf32>
        %gt3A_780 = arith.constant 0.000000e+00 : f32
        %gt3A_781 = vector.broadcast %gt3A_780 : f32 to vector<16xf32>
        %gt3A_782 = arith.cmpf ogt, %get3A_765, %gt3A_781 : vector<16xf32>
        %and3A_783 = arith.andi %eq3A_561, %gt3A_782 : vector<16xi1>
        %jit3A_784 = arith.constant 1.000000e+00 : f32
        %broadcast_in_dim3A_785 = vector.broadcast %jit3A_784 : f32 to vector<16xf32>
        %select_n3A_786 = arith.select %and3A_783, %broadcast_in_dim3A_785, %get3A_765 : vector<16xi1>, vector<16xf32>
        %lt3A_787 = arith.constant 1.000000e+00 : f32
        %lt3A_788 = vector.broadcast %lt3A_787 : f32 to vector<16xf32>
        %lt3A_789 = arith.cmpf olt, %select_n3A_786, %lt3A_788 : vector<16xf32>
        %and3A_790 = arith.andi %eq3A_564, %lt3A_789 : vector<16xi1>
        %jit3A_791 = arith.constant 0.000000e+00 : f32
        %broadcast_in_dim3A_792 = vector.broadcast %jit3A_791 : f32 to vector<16xf32>
        %select_n3A_793 = arith.select %and3A_790, %broadcast_in_dim3A_792, %select_n3A_786 : vector<16xi1>, vector<16xf32>
        %mul3A_794 = arith.mulf %add3A_548, %select_n3A_779 : vector<16xf32>
        %mul3A_795 = arith.mulf %sub3A_551, %select_n3A_793 : vector<16xf32>
        %sub3A_796 = arith.subf %mul3A_794, %mul3A_795 : vector<16xf32>
        %max3A_797 = arith.constant 0.000000e+00 : f32
        %max3A_798 = vector.broadcast %max3A_797 : f32 to vector<16xf32>
        %max3A_799 = arith.maximumf %sub3A_796, %max3A_798 : vector<16xf32>
        %get3A_800 = arith.index_cast %scan3A_534 : i32 to index
        %get3A_801 = arith.constant 96 : index
        %get3A_802 = tpu.vector_load %arg12[%get3A_800, %get3A_801] {strides = array<i32>} : memref<128x128xf32, #tpu.memory_space<vmem>>, vector<16xf32>,
        %get3A_803 = arith.index_cast %scan3A_534 : i32 to index
        %get3A_804 = arith.constant 96 : index
        %get3A_805 = tpu.vector_load %arg13[%get3A_803, %get3A_804] {strides = array<i32>} : memref<128x128xf32, #tpu.memory_space<vmem>>, vector<16xf32>,
        %gt3A_806 = arith.constant 0.000000e+00 : f32
        %gt3A_807 = vector.broadcast %gt3A_806 : f32 to vector<16xf32>
        %gt3A_808 = arith.cmpf ogt, %get3A_802, %gt3A_807 : vector<16xf32>
        %and3A_809 = arith.andi %eq3A_555, %gt3A_808 : vector<16xi1>
        %jit3A_810 = arith.constant 1.000000e+00 : f32
        %broadcast_in_dim3A_811 = vector.broadcast %jit3A_810 : f32 to vector<16xf32>
        %select_n3A_812 = arith.select %and3A_809, %broadcast_in_dim3A_811, %get3A_802 : vector<16xi1>, vector<16xf32>
        %lt3A_813 = arith.constant 1.000000e+00 : f32
        %lt3A_814 = vector.broadcast %lt3A_813 : f32 to vector<16xf32>
        %lt3A_815 = arith.cmpf olt, %select_n3A_812, %lt3A_814 : vector<16xf32>
        %and3A_816 = arith.andi %eq3A_558, %lt3A_815 : vector<16xi1>
        %jit3A_817 = arith.constant 0.000000e+00 : f32
        %broadcast_in_dim3A_818 = vector.broadcast %jit3A_817 : f32 to vector<16xf32>
        %select_n3A_819 = arith.select %and3A_816, %broadcast_in_dim3A_818, %select_n3A_812 : vector<16xi1>, vector<16xf32>
        %gt3A_820 = arith.constant 0.000000e+00 : f32
        %gt3A_821 = vector.broadcast %gt3A_820 : f32 to vector<16xf32>
        %gt3A_822 = arith.cmpf ogt, %get3A_805, %gt3A_821 : vector<16xf32>
        %and3A_823 = arith.andi %eq3A_561, %gt3A_822 : vector<16xi1>
        %jit3A_824 = arith.constant 1.000000e+00 : f32
        %broadcast_in_dim3A_825 = vector.broadcast %jit3A_824 : f32 to vector<16xf32>
        %select_n3A_826 = arith.select %and3A_823, %broadcast_in_dim3A_825, %get3A_805 : vector<16xi1>, vector<16xf32>
        %lt3A_827 = arith.constant 1.000000e+00 : f32
        %lt3A_828 = vector.broadcast %lt3A_827 : f32 to vector<16xf32>
        %lt3A_829 = arith.cmpf olt, %select_n3A_826, %lt3A_828 : vector<16xf32>
        %and3A_830 = arith.andi %eq3A_564, %lt3A_829 : vector<16xi1>
        %jit3A_831 = arith.constant 0.000000e+00 : f32
        %broadcast_in_dim3A_832 = vector.broadcast %jit3A_831 : f32 to vector<16xf32>
        %select_n3A_833 = arith.select %and3A_830, %broadcast_in_dim3A_832, %select_n3A_826 : vector<16xi1>, vector<16xf32>
        %mul3A_834 = arith.mulf %add3A_548, %select_n3A_819 : vector<16xf32>
        %mul3A_835 = arith.mulf %sub3A_551, %select_n3A_833 : vector<16xf32>
        %sub3A_836 = arith.subf %mul3A_834, %mul3A_835 : vector<16xf32>
        %max3A_837 = arith.constant 0.000000e+00 : f32
        %max3A_838 = vector.broadcast %max3A_837 : f32 to vector<16xf32>
        %max3A_839 = arith.maximumf %sub3A_836, %max3A_838 : vector<16xf32>
        %get3A_840 = arith.index_cast %scan3A_534 : i32 to index
        %get3A_841 = arith.constant 112 : index
        %get3A_842 = tpu.vector_load %arg12[%get3A_840, %get3A_841] {strides = array<i32>} : memref<128x128xf32, #tpu.memory_space<vmem>>, vector<16xf32>,
        %get3A_843 = arith.index_cast %scan3A_534 : i32 to index
        %get3A_844 = arith.constant 112 : index
        %get3A_845 = tpu.vector_load %arg13[%get3A_843, %get3A_844] {strides = array<i32>} : memref<128x128xf32, #tpu.memory_space<vmem>>, vector<16xf32>,
        %gt3A_846 = arith.constant 0.000000e+00 : f32
        %gt3A_847 = vector.broadcast %gt3A_846 : f32 to vector<16xf32>
        %gt3A_848 = arith.cmpf ogt, %get3A_842, %gt3A_847 : vector<16xf32>
        %and3A_849 = arith.andi %eq3A_555, %gt3A_848 : vector<16xi1>
        %jit3A_850 = arith.constant 1.000000e+00 : f32
        %broadcast_in_dim3A_851 = vector.broadcast %jit3A_850 : f32 to vector<16xf32>
        %select_n3A_852 = arith.select %and3A_849, %broadcast_in_dim3A_851, %get3A_842 : vector<16xi1>, vector<16xf32>
        %lt3A_853 = arith.constant 1.000000e+00 : f32
        %lt3A_854 = vector.broadcast %lt3A_853 : f32 to vector<16xf32>
        %lt3A_855 = arith.cmpf olt, %select_n3A_852, %lt3A_854 : vector<16xf32>
        %and3A_856 = arith.andi %eq3A_558, %lt3A_855 : vector<16xi1>
        %jit3A_857 = arith.constant 0.000000e+00 : f32
        %broadcast_in_dim3A_858 = vector.broadcast %jit3A_857 : f32 to vector<16xf32>
        %select_n3A_859 = arith.select %and3A_856, %broadcast_in_dim3A_858, %select_n3A_852 : vector<16xi1>, vector<16xf32>
        %gt3A_860 = arith.constant 0.000000e+00 : f32
        %gt3A_861 = vector.broadcast %gt3A_860 : f32 to vector<16xf32>
        %gt3A_862 = arith.cmpf ogt, %get3A_845, %gt3A_861 : vector<16xf32>
        %and3A_863 = arith.andi %eq3A_561, %gt3A_862 : vector<16xi1>
        %jit3A_864 = arith.constant 1.000000e+00 : f32
        %broadcast_in_dim3A_865 = vector.broadcast %jit3A_864 : f32 to vector<16xf32>
        %select_n3A_866 = arith.select %and3A_863, %broadcast_in_dim3A_865, %get3A_845 : vector<16xi1>, vector<16xf32>
        %lt3A_867 = arith.constant 1.000000e+00 : f32
        %lt3A_868 = vector.broadcast %lt3A_867 : f32 to vector<16xf32>
        %lt3A_869 = arith.cmpf olt, %select_n3A_866, %lt3A_868 : vector<16xf32>
        %and3A_870 = arith.andi %eq3A_564, %lt3A_869 : vector<16xi1>
        %jit3A_871 = arith.constant 0.000000e+00 : f32
        %broadcast_in_dim3A_872 = vector.broadcast %jit3A_871 : f32 to vector<16xf32>
        %select_n3A_873 = arith.select %and3A_870, %broadcast_in_dim3A_872, %select_n3A_866 : vector<16xi1>, vector<16xf32>
        %mul3A_874 = arith.mulf %add3A_548, %select_n3A_859 : vector<16xf32>
        %mul3A_875 = arith.mulf %sub3A_551, %select_n3A_873 : vector<16xf32>
        %sub3A_876 = arith.subf %mul3A_874, %mul3A_875 : vector<16xf32>
        %max3A_877 = arith.constant 0.000000e+00 : f32
        %max3A_878 = vector.broadcast %max3A_877 : f32 to vector<16xf32>
        %max3A_879 = arith.maximumf %sub3A_876, %max3A_878 : vector<16xf32>
        %add3A_880 = arith.addf %max3A_599, %max3A_639 : vector<16xf32>
        %add3A_881 = arith.addf %max3A_679, %max3A_719 : vector<16xf32>
        %add3A_882 = arith.addf %max3A_759, %max3A_799 : vector<16xf32>
        %add3A_883 = arith.addf %max3A_839, %max3A_879 : vector<16xf32>
        %add3A_884 = arith.addf %add3A_880, %add3A_881 : vector<16xf32>
        %add3A_885 = arith.addf %add3A_882, %add3A_883 : vector<16xf32>
        %add3A_886 = arith.addf %add3A_884, %add3A_885 : vector<16xf32>
        %add3A_887 = arith.addf %scan3A_535, %add3A_886 : vector<16xf32>
        scf.yield %add3A_887 : vector<16xf32>
      }
      %scan3A_533 = arith.constant 128 : i32
      scf.yield %scan3A_532 : vector<16xf32>
    } else {
      %scan3A = arith.constant 0 : i32
      %scan3A_529 = arith.constant 128 : i32
      %scan3A_530 = arith.addi %scan3A, %scan3A_529 : i32
      %scan3A_531 = arith.constant 1 : i32
      %scan3A_532 = scf.for %scan3A_534 = %scan3A to %scan3A_530 step %scan3A_531 iter_args(%scan3A_535 = %cond3A_404) -> (vector<16xf32>)  : i32 {
        %add3A_536 = arith.constant 384 : i32
        %add3A_537 = arith.addi %add3A_536, %scan3A_534 : i32
        %broadcast_in_dim3A_538 = vector.broadcast %add3A_537 : i32 to vector<16xi32>
        %gather3A = tpu.vector_load_idx %arg9[%broadcast_in_dim3A_538] : memref<512xi32, #tpu.memory_space<vmem>>[vector<16xi32>], vector<16xi32>,
        %shift_right_arithmetic3A = arith.constant 1 : i32
        %shift_right_arithmetic3A_539 = vector.broadcast %shift_right_arithmetic3A : i32 to vector<16xi32>
        %shift_right_arithmetic3A_540 = arith.shrsi %gather3A, %shift_right_arithmetic3A_539 : vector<16xi32>
        %convert_element_type3A_541 = arith.sitofp %shift_right_arithmetic3A_540 : vector<16xi32> to vector<16xf32>
        %and3A = arith.constant 1 : i32
        %and3A_542 = vector.broadcast %and3A : i32 to vector<16xi32>
        %and3A_543 = arith.andi %gather3A, %and3A_542 : vector<16xi32>
        %convert_element_type3A_544 = arith.sitofp %and3A_543 : vector<16xi32> to vector<16xf32>
        %add3A_545 = arith.addf %convert_element_type3A_541, %convert_element_type3A_541 : vector<16xf32>
        %add3A_546 = arith.constant 1.000000e+00 : f32
        %add3A_547 = vector.broadcast %add3A_546 : f32 to vector<16xf32>
        %add3A_548 = arith.addf %add3A_547, %add3A_545 : vector<16xf32>
        %add3A_549 = arith.addf %convert_element_type3A_544, %convert_element_type3A_544 : vector<16xf32>
        %sub3A = arith.constant 1.000000e+00 : f32
        %sub3A_550 = vector.broadcast %sub3A : f32 to vector<16xf32>
        %sub3A_551 = arith.subf %sub3A_550, %add3A_549 : vector<16xf32>
        %get3A_552 = arith.index_cast %scan3A_534 : i32 to index
        %get3A_553 = arith.constant 0 : index
        %get3A_554 = tpu.vector_load %arg12[%get3A_552, %get3A_553] {strides = array<i32>} : memref<128x128xf32, #tpu.memory_space<vmem>>, vector<16xf32>,
        %get3A_555 = arith.index_cast %scan3A_534 : i32 to index
        %get3A_556 = arith.constant 0 : index
        %get3A_557 = tpu.vector_load %arg13[%get3A_555, %get3A_556] {strides = array<i32>} : memref<128x128xf32, #tpu.memory_space<vmem>>, vector<16xf32>,
        %mul3A_558 = arith.mulf %add3A_548, %get3A_554 : vector<16xf32>
        %mul3A_559 = arith.mulf %sub3A_551, %get3A_557 : vector<16xf32>
        %sub3A_560 = arith.subf %mul3A_558, %mul3A_559 : vector<16xf32>
        %max3A = arith.constant 0.000000e+00 : f32
        %max3A_561 = vector.broadcast %max3A : f32 to vector<16xf32>
        %max3A_562 = arith.maximumf %sub3A_560, %max3A_561 : vector<16xf32>
        %get3A_563 = arith.index_cast %scan3A_534 : i32 to index
        %get3A_564 = arith.constant 16 : index
        %get3A_565 = tpu.vector_load %arg12[%get3A_563, %get3A_564] {strides = array<i32>} : memref<128x128xf32, #tpu.memory_space<vmem>>, vector<16xf32>,
        %get3A_566 = arith.index_cast %scan3A_534 : i32 to index
        %get3A_567 = arith.constant 16 : index
        %get3A_568 = tpu.vector_load %arg13[%get3A_566, %get3A_567] {strides = array<i32>} : memref<128x128xf32, #tpu.memory_space<vmem>>, vector<16xf32>,
        %mul3A_569 = arith.mulf %add3A_548, %get3A_565 : vector<16xf32>
        %mul3A_570 = arith.mulf %sub3A_551, %get3A_568 : vector<16xf32>
        %sub3A_571 = arith.subf %mul3A_569, %mul3A_570 : vector<16xf32>
        %max3A_572 = arith.constant 0.000000e+00 : f32
        %max3A_573 = vector.broadcast %max3A_572 : f32 to vector<16xf32>
        %max3A_574 = arith.maximumf %sub3A_571, %max3A_573 : vector<16xf32>
        %get3A_575 = arith.index_cast %scan3A_534 : i32 to index
        %get3A_576 = arith.constant 32 : index
        %get3A_577 = tpu.vector_load %arg12[%get3A_575, %get3A_576] {strides = array<i32>} : memref<128x128xf32, #tpu.memory_space<vmem>>, vector<16xf32>,
        %get3A_578 = arith.index_cast %scan3A_534 : i32 to index
        %get3A_579 = arith.constant 32 : index
        %get3A_580 = tpu.vector_load %arg13[%get3A_578, %get3A_579] {strides = array<i32>} : memref<128x128xf32, #tpu.memory_space<vmem>>, vector<16xf32>,
        %mul3A_581 = arith.mulf %add3A_548, %get3A_577 : vector<16xf32>
        %mul3A_582 = arith.mulf %sub3A_551, %get3A_580 : vector<16xf32>
        %sub3A_583 = arith.subf %mul3A_581, %mul3A_582 : vector<16xf32>
        %max3A_584 = arith.constant 0.000000e+00 : f32
        %max3A_585 = vector.broadcast %max3A_584 : f32 to vector<16xf32>
        %max3A_586 = arith.maximumf %sub3A_583, %max3A_585 : vector<16xf32>
        %get3A_587 = arith.index_cast %scan3A_534 : i32 to index
        %get3A_588 = arith.constant 48 : index
        %get3A_589 = tpu.vector_load %arg12[%get3A_587, %get3A_588] {strides = array<i32>} : memref<128x128xf32, #tpu.memory_space<vmem>>, vector<16xf32>,
        %get3A_590 = arith.index_cast %scan3A_534 : i32 to index
        %get3A_591 = arith.constant 48 : index
        %get3A_592 = tpu.vector_load %arg13[%get3A_590, %get3A_591] {strides = array<i32>} : memref<128x128xf32, #tpu.memory_space<vmem>>, vector<16xf32>,
        %mul3A_593 = arith.mulf %add3A_548, %get3A_589 : vector<16xf32>
        %mul3A_594 = arith.mulf %sub3A_551, %get3A_592 : vector<16xf32>
        %sub3A_595 = arith.subf %mul3A_593, %mul3A_594 : vector<16xf32>
        %max3A_596 = arith.constant 0.000000e+00 : f32
        %max3A_597 = vector.broadcast %max3A_596 : f32 to vector<16xf32>
        %max3A_598 = arith.maximumf %sub3A_595, %max3A_597 : vector<16xf32>
        %get3A_599 = arith.index_cast %scan3A_534 : i32 to index
        %get3A_600 = arith.constant 64 : index
        %get3A_601 = tpu.vector_load %arg12[%get3A_599, %get3A_600] {strides = array<i32>} : memref<128x128xf32, #tpu.memory_space<vmem>>, vector<16xf32>,
        %get3A_602 = arith.index_cast %scan3A_534 : i32 to index
        %get3A_603 = arith.constant 64 : index
        %get3A_604 = tpu.vector_load %arg13[%get3A_602, %get3A_603] {strides = array<i32>} : memref<128x128xf32, #tpu.memory_space<vmem>>, vector<16xf32>,
        %mul3A_605 = arith.mulf %add3A_548, %get3A_601 : vector<16xf32>
        %mul3A_606 = arith.mulf %sub3A_551, %get3A_604 : vector<16xf32>
        %sub3A_607 = arith.subf %mul3A_605, %mul3A_606 : vector<16xf32>
        %max3A_608 = arith.constant 0.000000e+00 : f32
        %max3A_609 = vector.broadcast %max3A_608 : f32 to vector<16xf32>
        %max3A_610 = arith.maximumf %sub3A_607, %max3A_609 : vector<16xf32>
        %get3A_611 = arith.index_cast %scan3A_534 : i32 to index
        %get3A_612 = arith.constant 80 : index
        %get3A_613 = tpu.vector_load %arg12[%get3A_611, %get3A_612] {strides = array<i32>} : memref<128x128xf32, #tpu.memory_space<vmem>>, vector<16xf32>,
        %get3A_614 = arith.index_cast %scan3A_534 : i32 to index
        %get3A_615 = arith.constant 80 : index
        %get3A_616 = tpu.vector_load %arg13[%get3A_614, %get3A_615] {strides = array<i32>} : memref<128x128xf32, #tpu.memory_space<vmem>>, vector<16xf32>,
        %mul3A_617 = arith.mulf %add3A_548, %get3A_613 : vector<16xf32>
        %mul3A_618 = arith.mulf %sub3A_551, %get3A_616 : vector<16xf32>
        %sub3A_619 = arith.subf %mul3A_617, %mul3A_618 : vector<16xf32>
        %max3A_620 = arith.constant 0.000000e+00 : f32
        %max3A_621 = vector.broadcast %max3A_620 : f32 to vector<16xf32>
        %max3A_622 = arith.maximumf %sub3A_619, %max3A_621 : vector<16xf32>
        %get3A_623 = arith.index_cast %scan3A_534 : i32 to index
        %get3A_624 = arith.constant 96 : index
        %get3A_625 = tpu.vector_load %arg12[%get3A_623, %get3A_624] {strides = array<i32>} : memref<128x128xf32, #tpu.memory_space<vmem>>, vector<16xf32>,
        %get3A_626 = arith.index_cast %scan3A_534 : i32 to index
        %get3A_627 = arith.constant 96 : index
        %get3A_628 = tpu.vector_load %arg13[%get3A_626, %get3A_627] {strides = array<i32>} : memref<128x128xf32, #tpu.memory_space<vmem>>, vector<16xf32>,
        %mul3A_629 = arith.mulf %add3A_548, %get3A_625 : vector<16xf32>
        %mul3A_630 = arith.mulf %sub3A_551, %get3A_628 : vector<16xf32>
        %sub3A_631 = arith.subf %mul3A_629, %mul3A_630 : vector<16xf32>
        %max3A_632 = arith.constant 0.000000e+00 : f32
        %max3A_633 = vector.broadcast %max3A_632 : f32 to vector<16xf32>
        %max3A_634 = arith.maximumf %sub3A_631, %max3A_633 : vector<16xf32>
        %get3A_635 = arith.index_cast %scan3A_534 : i32 to index
        %get3A_636 = arith.constant 112 : index
        %get3A_637 = tpu.vector_load %arg12[%get3A_635, %get3A_636] {strides = array<i32>} : memref<128x128xf32, #tpu.memory_space<vmem>>, vector<16xf32>,
        %get3A_638 = arith.index_cast %scan3A_534 : i32 to index
        %get3A_639 = arith.constant 112 : index
        %get3A_640 = tpu.vector_load %arg13[%get3A_638, %get3A_639] {strides = array<i32>} : memref<128x128xf32, #tpu.memory_space<vmem>>, vector<16xf32>,
        %mul3A_641 = arith.mulf %add3A_548, %get3A_637 : vector<16xf32>
        %mul3A_642 = arith.mulf %sub3A_551, %get3A_640 : vector<16xf32>
        %sub3A_643 = arith.subf %mul3A_641, %mul3A_642 : vector<16xf32>
        %max3A_644 = arith.constant 0.000000e+00 : f32
        %max3A_645 = vector.broadcast %max3A_644 : f32 to vector<16xf32>
        %max3A_646 = arith.maximumf %sub3A_643, %max3A_645 : vector<16xf32>
        %add3A_647 = arith.addf %max3A_562, %max3A_574 : vector<16xf32>
        %add3A_648 = arith.addf %max3A_586, %max3A_598 : vector<16xf32>
        %add3A_649 = arith.addf %max3A_610, %max3A_622 : vector<16xf32>
        %add3A_650 = arith.addf %max3A_634, %max3A_646 : vector<16xf32>
        %add3A_651 = arith.addf %add3A_647, %add3A_648 : vector<16xf32>
        %add3A_652 = arith.addf %add3A_649, %add3A_650 : vector<16xf32>
        %add3A_653 = arith.addf %add3A_651, %add3A_652 : vector<16xf32>
        %add3A_654 = arith.addf %scan3A_535, %add3A_653 : vector<16xf32>
        scf.yield %add3A_654 : vector<16xf32>
      }
      %scan3A_533 = arith.constant 128 : i32
      scf.yield %scan3A_532 : vector<16xf32>
    }
    %swap3A = arith.constant 0 : index
    %swap3A_528 = tpu.vector_load %arg14[%swap3A] {strides = array<i32>} : memref<16xf32, #tpu.memory_space<vmem>>, vector<16xf32>,
    tpu.vector_store %arg14[%swap3A], %cond3A_527 {strides = array<i32>} : memref<16xf32, #tpu.memory_space<vmem>>, vector<16xf32>,
    "tpu.region"() ({
      %run_scoped3A = tpu.sem_alloc : memref<!tpu.dma_semaphore, #tpu.memory_space<semaphore_mem>>
      %dma_start3A_529 = arith.constant 0 : i32
      %dma_start3A_530 = tpu.memref_slice %arg6[%add3A, %dma_start3A_529] : memref<32x16xf32, #tpu.memory_space<hbm>> -> memref<1x16xf32, #tpu.memory_space<hbm>>
      %dma_start3A_531 = tpu.memref_squeeze %dma_start3A_530 : memref<1x16xf32, #tpu.memory_space<hbm>> -> memref<16xf32, #tpu.memory_space<hbm>>
      %dma_start3A_532 = arith.constant 0 : i32
      %dma_start3A_533 = tpu.memref_slice %arg6[%add3A, %dma_start3A_532] : memref<32x16xf32, #tpu.memory_space<hbm>> -> memref<1x16xf32, #tpu.memory_space<hbm>>
      %dma_start3A_534 = tpu.memref_squeeze %dma_start3A_533 : memref<1x16xf32, #tpu.memory_space<hbm>> -> memref<16xf32, #tpu.memory_space<hbm>>
      tpu.enqueue_dma source(%arg14 : memref<16xf32, #tpu.memory_space<vmem>>) target(%dma_start3A_534 : memref<16xf32, #tpu.memory_space<hbm>>) target_semaphore(%run_scoped3A : memref<!tpu.dma_semaphore, #tpu.memory_space<semaphore_mem>>)
      %dma_wait3A_535 = arith.constant 0 : i32
      %dma_wait3A_536 = tpu.memref_slice %arg6[%add3A, %dma_wait3A_535] : memref<32x16xf32, #tpu.memory_space<hbm>> -> memref<1x16xf32, #tpu.memory_space<hbm>>
      %dma_wait3A_537 = tpu.memref_squeeze %dma_wait3A_536 : memref<1x16xf32, #tpu.memory_space<hbm>> -> memref<16xf32, #tpu.memory_space<hbm>>
      %dma_wait3A_538 = arith.constant 0 : i32
      %dma_wait3A_539 = tpu.memref_slice %arg6[%add3A, %dma_wait3A_538] : memref<32x16xf32, #tpu.memory_space<hbm>> -> memref<1x16xf32, #tpu.memory_space<hbm>>
      %dma_wait3A_540 = tpu.memref_squeeze %dma_wait3A_539 : memref<1x16xf32, #tpu.memory_space<hbm>> -> memref<16xf32, #tpu.memory_space<hbm>>
      tpu.wait_dma2 semaphore(%run_scoped3A : memref<!tpu.dma_semaphore, #tpu.memory_space<semaphore_mem>>) src(%arg14 : memref<16xf32, #tpu.memory_space<vmem>>) dst(%dma_wait3A_540 : memref<16xf32, #tpu.memory_space<hbm>>)
      tpu.yield
    }) : () -> ()
    return
  }
}

</mosaic_0001>

<sc_bundles>
// kernel: kernel.3.cloned.1.call-start
scs
__scs_entry_jumppad:
0x0: {  	(pc) =	sbr.rel $0x88, $3  }
0x1: {  	(tag) =	ssettag $0x0;
	lr =	simm.s32 $0x1  }
0x2: {  	[smem:$0x3F9D] =	sst lr;
	_ =	strace $0xD0000000  }
0x3: {  	_ = 	snop  }
0x4: {  	_ = 	snop  }
0x5: {  	_ = 	snop  }
0x6: {  	_ = 	snop  }
0x7: {  	_ = 	snop  }
__scs_overlays_trampoline_lowered:
0x8: {  	[smem:$0x3FAC] =	sst s0  }
0x9: {  	[smem:$0x3FAD] =	sst s1  }
0xa: {  	[smem:$0x3FAE] =	sst s2  }
0xb: {  	[smem:$0x3FAF] =	sst s3  }
0xc: {  	[smem:$0x3FB0] =	sst s4  }
0xd: {  	[smem:$0x3FB1] =	sst s5  }
0xe: {  	[smem:$0x3FB2] =	sst s6  }
0xf: {  	[smem:$0x3FB3] =	sst s7  }
0x10: {  	[smem:$0x3FB4] =	sst s8  }
0x11: {  	[smem:$0x3FB5] =	sst s9;
	s0 =	simm.s32 @!p0 $0x0  }
0x12: {  	s1 =	sld [smem:$0x3F9B];
	s0 =	simm.s32 @p0 $0x1  }
0x13: {  	[smem:$0x3FB6] =	sst s0;
	s0 =	simm.s32 @!p1 $0x0  }
0x14: {  	s2 =	sld [smem:$0x3F9A];
	s0 =	simm.s32 @p1 $0x1  }
0x15: {  	[smem:$0x3FB7] =	sst s0;
	s0 =	simm.s32 @!p2 $0x0  }
0x16: {  	s3 =	sld [smem:$0x3FDB];
	s0 =	simm.s32 @p2 $0x1  }
0x17: {  	s4 =	simm.s32 $0x1BF5;
	[smem:$0x3FB9] =	sst s0  }
0x18: {  	s0 =	sld [smem:$0x3F9C];
	_ =	swait.ge [sflag:s4], $0x0  }
0x19: {  	s7 =	sld [smem:$0x3F9D]  }
0x1a: {  	s8 =	sadd.s32 $0xFFFFE003, lr  }
0x1b: {  	s9 =	sadd.s32 $0xFFFFFEF7, lr;
	s5 =	simm.s32 $0xFFFFFFFF;
	p2 =	slt.u32 s8, $0xFFFFF086  }
0x1c: {  	p1 =	slt.u32 s9, $0xF7A;
	s5 =	simm.s32 @!p2 $0x0  }
0x1d: {  	s5 =	simm.s32 @p1 $0x1;
	p0 =	seq.s32 s7, s2  }
0x1e: {  	s7 =	smul.u32 @!p0 $0xF7A, s2;
	p2 =	seq.s32 @!p0 s5, $0x0  }
0x1f: {  	s9 =	smul.u32 $0xF7A, s1;
	s8 =	simm.s32 @!p0 $0x1BF5;
	p2 =	por !p2, p0  }
0x20: {  	[sflag:s8] =	ssyncset.s32 @!p0 $0xFFFFF086;
	s6 =	sadd.s32 @!p0 s3, s7;
	s7 =	simm.s32 @!p0 $0x108  }
0x21: {  	s3 =	sadd.s32 s3, s9;
	s6 =	sadd.s32 @!p0 $0x88, s6;
	s7 =	simm.s32 @p2 $0x1082  }
0x22: {  	[simem:s7], [sflag:s8] =	dma.local @!p0 [hbm:s6], $0xF7A  }
0x23: {  	s9 =	sor.u32 $0xD0000000, s2;
	s6 =	simm.s32 $0x108;
	_ =	swait.ge @!p0 [sflag:s8], $0x0  }
0x24: {  	s3 =	sadd.s32 $0x88, s3;
	s6 =	simm.s32 @!p1 $0x1082;
	[sflag:s4] =	ssyncset.s32 $0xFFFFF086  }
0x25: {  	[simem:s6], [sflag:s4] =	dma.local [hbm:s3], $0xF7A  }
0x26: {  	[smem:$0x3F9D] =	sst s1;
	(tag) =	ssettag s2;
	_ =	strace s9  }
0x27: {  	s1 =	sld [smem:$0x3FAD]  }
0x28: {  	s2 =	sld [smem:$0x3FAE]  }
0x29: {  	s4 =	sld [smem:$0x3FB0]  }
0x2a: {  	p0 =	seq.s32 s5, $0x0;
	s5 =	sld [smem:$0x3FB1]  }
0x2b: {  	s6 =	sld [smem:$0x3FB2]  }
0x2c: {  	s7 =	sld [smem:$0x3FB3]  }
0x2d: {  	s3 =	simm.s32 $0x108;
	s8 =	sld [smem:$0x3FB4]  }
0x2e: {  	s3 =	simm.s32 @!p0 $0x1082;
	s9 =	sld [smem:$0x3FB5]  }
0x2f: {  	lr =	sadd.s32 s0, s3;
	s0 =	sld [smem:$0x3FAC]  }
0x30: {  	s3 =	sld [smem:$0x3FAF]  }
0x31: {  	[smem:$0x3FB8] =	sst s10  }
0x32: {  	s10 =	sld [smem:$0x3FB6];
	_ =	sdelay $0x3  }
0x33: {  	p0 =	seq.s32 s10, $0x1;
	s10 =	sld [smem:$0x3FB8];
	_ =	sdelay $0x3  }
0x34: {  	[smem:$0x3FB8] =	sst s10  }
0x35: {  	s10 =	sld [smem:$0x3FB7];
	_ =	sdelay $0x3  }
0x36: {  	p1 =	seq.s32 s10, $0x1;
	s10 =	sld [smem:$0x3FB8];
	_ =	sdelay $0x3  }
0x37: {  	[smem:$0x3FB8] =	sst s10  }
0x38: {  	s10 =	sld [smem:$0x3FB9]  }
0x39: {  	_ = 	snop;
	(pc) =	sbr.ind lr, $3  }
0x3a: {  	_ = 	snop  }
0x3b: {  	_ = 	snop  }
0x3c: {  	p2 =	seq.s32 s10, $0x1;
	s10 =	sld [smem:$0x3FB8]  }
0x3d: {  	_ =	shalt  }
0x3e: {  	_ =	shalt  }
0x3f: {  	_ =	shalt  }
0x40: {  	_ =	shalt  }
0x41: {  	_ =	shalt  }
0x42: {  	_ =	shalt  }
0x43: {  	_ =	shalt  }
0x44: {  	_ =	shalt  }
0x45: {  	_ =	shalt  }
0x46: {  	_ =	shalt  }
0x47: {  	_ =	shalt  }
0x48: {  	_ =	shalt  }
0x49: {  	_ =	shalt  }
0x4a: {  	_ =	shalt  }
0x4b: {  	_ =	shalt  }
0x4c: {  	_ =	shalt  }
0x4d: {  	_ =	shalt  }
0x4e: {  	_ =	shalt  }
0x4f: {  	_ =	shalt  }
0x50: {  	_ =	shalt  }
0x51: {  	_ =	shalt  }
0x52: {  	_ =	shalt  }
0x53: {  	_ =	shalt  }
0x54: {  	_ =	shalt  }
0x55: {  	_ =	shalt  }
0x56: {  	_ =	shalt  }
0x57: {  	_ =	shalt  }
0x58: {  	_ =	shalt  }
0x59: {  	_ =	shalt  }
0x5a: {  	_ =	shalt  }
0x5b: {  	_ =	shalt  }
0x5c: {  	_ =	shalt  }
0x5d: {  	_ =	shalt  }
0x5e: {  	_ =	shalt  }
0x5f: {  	_ =	shalt  }
0x60: {  	_ =	shalt  }
0x61: {  	_ =	shalt  }
0x62: {  	_ =	shalt  }
0x63: {  	_ =	shalt  }
0x64: {  	_ =	shalt  }
0x65: {  	_ =	shalt  }
0x66: {  	_ =	shalt  }
0x67: {  	_ =	shalt  }
0x68: {  	_ =	shalt  }
0x69: {  	_ =	shalt  }
0x6a: {  	_ =	shalt  }
0x6b: {  	_ =	shalt  }
0x6c: {  	_ =	shalt  }
0x6d: {  	_ =	shalt  }
0x6e: {  	_ =	shalt  }
0x6f: {  	_ =	shalt  }
0x70: {  	_ =	shalt  }
0x71: {  	_ =	shalt  }
0x72: {  	_ =	shalt  }
0x73: {  	_ =	shalt  }
0x74: {  	_ =	shalt  }
0x75: {  	_ =	shalt  }
0x76: {  	_ =	shalt  }
0x77: {  	_ =	shalt  }
0x78: {  	_ =	shalt  }
0x79: {  	_ =	shalt  }
0x7a: {  	_ =	shalt  }
0x7b: {  	_ =	shalt  }
0x7c: {  	_ =	shalt  }
0x7d: {  	_ =	shalt  }
0x7e: {  	_ =	shalt  }
0x7f: {  	_ =	shalt  }
0x80: {  	_ =	shalt  }
0x81: {  	_ =	shalt  }
0x82: {  	_ =	shalt  }
0x83: {  	_ =	shalt  }
0x84: {  	_ =	shalt  }
0x85: {  	_ =	shalt  }
0x86: {  	_ =	shalt  }
0x87: {  	_ =	shalt  }
.Lfunc_end0:
.L_simem_size_0:
called_computation_lowered:
.L_overlay_start_0:
0x88: {  	s2 =	sld [smem:$0x3FD9]  }
0x89: {  	s3 =	sld [smem:$0x3FFE];
	_ =	sdelay $0x1  }
0x8a: {  	s1 =	srdreg.scid  }
0x8b: {  	s0 =	sand.u32 $0x1, s1  }
0x8c: {  	s17 =	sshll.u32 s0, $0xA;
	s2 =	sadd.s32 s3, s2  }
0x8d: {  	s2 =	sadd.s32 s2, s17  }
0x8e: {  	[smem:$0x3FC4] =	sst s2  }
0x8f: {  	_ = 	snop  }
0x90: {  	s2 =	sld [smem:$0x3FC9]  }
0x91: {  	s18 =	sld [smem:$0x3FC8]  }
0x92: {  	s4 =	sld [smem:$0x3FC6];
	(tm) =	ssettm $0x1  }
0x93: {  	s5 =	sld [smem:$0x3FFB];
	_ =	sdelay $0x3  }
0x94: {  	_ =	strace s5  }
0x95: {  	s5 =	sld [smem:$0x3FFC];
	_ =	sdelay $0x3  }
0x96: {  	_ =	strace s5  }
0x97: {  	s5 =	sld [smem:$0x3FFD];
	_ =	sdelay $0x3  }
0x98: {  	_ =	strace s5  }
0x99: {  	_ =	strace $0x8FFFFFFF  }
0x9a: {  	s19 =	sld [smem:$0x3FDB];
	_ =	sdelay $0x1  }
0x9b: {  	s6 =	simm.s32 $_scs_section_size  }
0x9c: {  	s7 =	simm.s32 $_size__tile_overlayer_lowered;
	s8 =	simm.s32 $_tile_overlayer_lowered  }
0x9d: {  	s22 =	simm.s32 $0x1BFF;
	s21 =	sshll.u32 s8, $0x1;
	s5 =	sadd.s32 s6, s19  }
0x9e: {  	s9 =	simm.s32 $0x0;
	s20 =	sshll.u32 s7, $0x1;
	s7 =	sadd.s32 s21, s5  }
0x9f: {  	[timem:s9], [sflag:s22] =	dma.local [hbm:s7], s20  }
0xa0: {  	_ =	swait.ge [sflag:s22], s20  }
0xa1: {  	s6 =	ssub.s32 $0x0, s20;
	[sflag:s22] =	ssyncset.done $0x0  }
0xa2: {  	[sflag:s22] =	ssyncadd.s32 s6;
	_ =	sdelay $0x1  }
0xa3: {  	s23 =	simm.s32 $0x1B8B  }
0xa4: {  	_ =	swait.ge [sflag:s23], $0x1  }
0xa5: {  	[sflag:s23] =	ssyncset.done $0x0  }
0xa6: {  	s25 =	simm.s32 $0x1B8E;
	s24 =	sld [smem:$0x3FFE];
	[sflag:s23] =	ssyncadd.s32 $0xFFFFFFFF  }
0xa7: {  	s26 =	simm.s32 $execute0_lowered;
	[smem:$0x3FD2] =	sst s25  }
0xa8: {  	s7 =	sshll.u32 s26, $0x1;
	_ =	strace $0x80000046;
	[dreg:$0x1] =	wrdreg $0xFFFFFFFF  }
0xa9: {  	s28 =	simm.s32 $_size_execute0_lowered;
	s5 =	sadd.s32 s5, s7;
	[dreg:$0x0] =	wrdreg $0x0  }
0xaa: {  	s7 =	sshll.u32 s28, $0x1;
	[dreg:$0x2] =	wrdreg s5  }
0xab: {  	[dreg:$0x3] =	wrdreg s7  }
0xac: {  	[dreg:$0x4] =	wrdreg $0xC0  }
0xad: {  	_ =	task [dreg:s9], $0x5FFFF  }
0xae: {  	[dreg:$0x1] =	wrdreg $0xFFFFFFFF  }
0xaf: {  	[dreg:$0x0] =	wrdreg $0x60  }
0xb0: {  	[dreg:$0x2] =	wrdreg s4  }
0xb1: {  	[dreg:$0x3] =	wrdreg s2  }
0xb2: {  	[dreg:$0x4] =	wrdreg s18  }
0xb3: {  	[dreg:$0x5] =	wrdreg s24  }
0xb4: {  	[dreg:$0x6] =	wrdreg $0x9  }
0xb5: {  	_ =	task.clear_ibuf [dreg:s9], $0x7FFFF;
	_ =	strace $0x90000046  }
0xb6: {  	s29 =	simm.s32 $0x9;
	_ =	strace $0x80000048  }
0xb7: {  	_ =	swait.ge [sflag:s29], $0x1  }
0xb8: {  	[sflag:s29] =	ssyncadd.s32 $0xFFFFFFFF  }
0xb9: {  	_ =	strace $0x90000048  }
0xba: {  	_ =	sfence  }
0xbb: {  	s30 =	sld [smem:$0x0];
	_ =	sdelay $0x2  }
0xbc: {  	s31 =	sshll.u32 s1, $0xD;
	s1 =	sshrl.u32 s1, $0x2  }
0xbd: {  	s3 =	sand.u32 $0x4000, s31;
	s1 =	sadd.s32 s1, s30  }
0xbe: {  	s0 =	sor.u32 s3, s0;
	s1 =	sshll.u32 s1, $0x11  }
0xbf: {  	s0 =	sor.u32 s1, s0  }
0xc0: {  	s0 =	sadd.s32 $0x8F2B, s0  }
0xc1: {  	[sflag:s0] =	ssyncadd.remote.s32 $0x1  }
0xc2: {  	_ =	sfence.sel $0xFFFF  }
0xc3: {  	[dreg:$0x0] =	wrdreg $0xFFFFFFFF;
	(pc) =	sbr.abs _section_cstart, $3  }
0xc4: {  	[dreg:$0x1] =	wrdreg $0xFFFFFFFF  }
0xc5: {  	_ =	task.clear_ibuf [dreg:s9], $0x2FFFF;
	_ =	strace $0x9FFFFFFF  }
0xc6: {  	(tm) =	ssettm $0x7FFFFFFF  }
0xc7: {  	_ =	shalt  }
tec
execute0_lowered:
.L_overlay_start_1:
0x0: {  	(tag) =	ssettag $0x1  }
0x1: {  	s1 =	rddreg [dreg:$0x0]  }
0x2: {  	s4 =	rddreg [dreg:$0x1]  }
0x3: {  	s5 =	rddreg [dreg:$0x2]  }
0x4: {  	s6 =	rddreg [dreg:$0x3]  }
0x5: {  	s0 =	rddreg [dreg:$0x4];
	s3 =	simm.s32 $0x0  }
0x6: {  	s7 =	srdreg.scid;
	s2 =	stileid.u32;
	s11 =	simm.s32 $0x400  }
0x7: {  	s12 =	simm.s32 $0x80;
	s13 =	simm.s32 $0x600;
	s14 =	simm.s32 $0x4600  }
0x8: {  	s15 =	simm.s32 $0x8600;
	s16 =	simm.s32 $0x280;
	s17 =	simm.s32 $0xC600  }
0x9: {  	s18 =	simm.s32 $0x1;
	s19 =	simm.s32 $0x100;
	s20 =	simm.s32 $0x300  }
0xa: {  	s21 =	simm.s32 $0x2;
	s22 =	simm.s32 $0x180;
	s23 =	simm.s32 $0x380  }
0xb: {  	s24 =	simm.s32 $0x10600;
	s25 =	simm.s32 $0x0;
	[smem:$0x7FF] =	sst s3  }
0xc: {  	s7 =	sand.u32 $0x1, s7;
	s8 =	sshll.u32 s2, $0x1;
	_ =	strace $0x80000047  }
.Ltmp0:
0xd: {  	s8 =	sor.u32 s7, s8;
	s7 =	ssub.s32 $0x2, s7;
	(pc) =	sbr.rel .LBB2_1-.Ltmp0, $4  }
0xe: {  	s9 =	sshll.u32 s8, $0x4;
	s10 =	sshrl.u32 s7, $0x1;
	s8 =	sshll.u32 s8, $0x6  }
0xf: {  	s9 =	sadd.s32 s9, s6;
	s10 =	ssub.s32 s7, s10;
	s4 =	sadd.s32 s4, s8  }
0x10: {  	s5 =	sadd.s32 s5, s8;
	s6 =	sadd.s32 s6, s8;
	s7 =	sadd.s32 $0x800, s9  }
0x11: {  	v0 =	vimm.f32 $0.0e+00;
	s8 =	smax.u32 s10, $0x1;
	s9 =	simm.s32 $0x3;
	s10 =	simm.s32 $0x200  }
.LBB2_28:
0x12: {  	v21 =	vld [tilespmem:s28+$0xFFFFFFD0]  }
0x13: {  	v22 =	vld [tilespmem:s28+$0xFFFFFFC0]  }
0x14: {  	v19 =	vcvt.s32.f32 v19;
	v23 =	vld [tilespmem:s28+$0x30]  }
0x15: {  	v20 =	vcvt.s32.f32 v20;
	v5 =	vsub.f32 v5, v16;
	v44 =	vld [tilespmem:s26+$0xFFFFFFF0]  }
0x16: {  	v6 =	vsub.f32 v6, v15;
	v47 =	vld [tilespmem:s26+$0x0];
	v46 =	vadd.f32 v19, v19  }
0x17: {  	v17 =	vmax.f32 v17, $0.0e+00;
	v12 =	vsub.f32 v14, v12;
	v49 =	vld [tilespmem:s28+$0xFFFFFFF0];
	v48 =	vadd.f32 v20, v20  }
0x18: {  	v45 =	vmax.f32 v18, $0.0e+00;
	v7 =	vsub.f32 v13, v7;
	v50 =	vld [tilespmem:s28+$0x10];
	v18 =	vadd.f32 $1.000000000e+00, v46  }
0x19: {  	v52 =	vld [tilespmem:s26+$0xFFFFFFE0];
	v6 =	vmax.f32 v6, $0.0e+00;
	v5 =	vmax.f32 v5, $0.0e+00;
	v51 =	vsub.f32 $1.000000000e+00, v48  }
0x1a: {  	v54 =	vld [tilespmem:s26+$0xFFFFFFD0];
	v12 =	vmax.f32 v12, $0.0e+00;
	v22 =	vmul.f32 v18, v22;
	v53 =	vmul.f32 v18, v21  }
0x1b: {  	v55 =	vld [tilespmem:s28+$0xFFFFFFE0];
	v7 =	vmax.f32 v7, $0.0e+00;
	v23 =	vmul.f32 v23, v18;
	v15 =	vmul.f32 v44, v51  }
0x1c: {  	v5 =	vadd.f32 v6, v5;
	v9 =	vmul.f32 v9, v51;
	v56 =	vmul.f32 v11, v18  }
0x1d: {  	v7 =	vadd.f32 v45, v7;
	v57 =	vmul.f32 v47, v51;
	v4 =	vmul.f32 v4, v51  }
0x1e: {  	v12 =	vadd.f32 v17, v12;
	v58 =	vmul.f32 v49, v18;
	v59 =	vmul.f32 v50, v18  }
0x1f: {  	v7 =	vadd.f32 v10, v7;
	v60 =	vmul.f32 v52, v51;
	v3 =	vmul.f32 v3, v51  }
0x20: {  	v5 =	vadd.f32 v12, v5;
	v61 =	vmul.f32 v54, v51;
	v17 =	vmul.f32 v55, v18  }
0x21: {  	v2 =	vmul.f32 v51, v2;
	v9 =	vsub.f32 v56, v9;
	v4 =	vsub.f32 v23, v4  }
0x22: {  	v8 =	vmul.f32 v8, v18;
	v62 =	vsub.f32 v58, v15;
	v3 =	vsub.f32 v59, v3  }
0x23: {  	v2 =	vsub.f32 v22, v2;
	v63 =	vsub.f32 v53, v61  }
0x24: {  	v10 =	vsub.f32 v17, v60;
	v8 =	vsub.f32 v8, v57;
	v9 =	vmax.f32 v9, $0.0e+00  }
0x25: {  	v4 =	vmax.f32 v4, $0.0e+00;
	v6 =	vmax.f32 v62, $0.0e+00;
	v3 =	vmax.f32 v3, $0.0e+00  }
0x26: {  	v2 =	vmax.f32 v2, $0.0e+00;
	v10 =	vmax.f32 v10, $0.0e+00;
	v8 =	vmax.f32 v8, $0.0e+00  }
0x27: {  	v4 =	vadd.f32 v4, v9;
	v9 =	vmax.f32 v63, $0.0e+00;
	v3 =	vadd.f32 v3, v8  }
0x28: {  	v6 =	vadd.f32 v6, v10;
	v2 =	vadd.f32 v9, v2  }
0x29: {  	v5 =	vadd.f32 v7, v5  }
0x2a: {  	v3 =	vadd.f32 v4, v3;
	v2 =	vadd.f32 v6, v2;
	_ =	sdelay $0x1  }
0x2b: {  	v1 =	vadd.f32 v5, v1;
	v2 =	vadd.f32 v3, v2;
	_ =	sdelay $0x1  }
0x2c: {  	v1 =	vadd.f32 v2, v1  }
.LBB2_29:
0x2d: {  	s25 =	sadd.s32 $0x1, s25  }
0x2e: {  	p0 =	sne.s32 s25, s8  }
.Ltmp1:
0x2f: {  	[tilespmem:$0x10600] =	vst v1;
	(pc) =	sbr.rel @!p0 .LBB2_30-.Ltmp1, $4  }
0x30: {  	[hbm4b:s7+s3] =	stream.linear.scatter [tilespmem:s24], [sflag:$0x3], $0x80, $0x38;
	[tilespmem:$0x10680] =	vst v63  }
0x31: {  	_ =	swait.ge [sflag:s9], $0x80  }
0x32: {  	[sflag:s9] =	ssyncset.done $0x0  }
0x33: {  	[sflag:s9] =	ssyncadd.s32 $0xFFFFFF80  }
.LBB2_1:
0x34: {  	[tilespmem:s3], [sflag:$0x3] =	stream.linear.gather [hbm4b:s4+s3], $0x200, $0x38;
	[tilespmem:$0x10680] =	vst v63  }
0x35: {  	_ =	swait.ge [sflag:s9], $0x200  }
0x36: {  	[sflag:s9] =	ssyncset.done $0x0  }
0x37: {  	[sflag:s9] =	ssyncadd.s32 $0xFFFFFE00  }
0x38: {  	[tilespmem:s10], [sflag:$0x3] =	stream.linear.gather [hbm4b:s5+s3], $0x200, $0x38;
	[tilespmem:$0x10680] =	vst v63  }
0x39: {  	_ =	swait.ge [sflag:s9], $0x200  }
0x3a: {  	[sflag:s9] =	ssyncset.done $0x0  }
0x3b: {  	[sflag:s9] =	ssyncadd.s32 $0xFFFFFE00  }
0x3c: {  	[tilespmem:s11], [sflag:$0x3] =	stream.linear.gather [hbm4b:s6+s3], $0x200, $0x38;
	[tilespmem:$0x10680] =	vst v63  }
0x3d: {  	_ =	swait.ge [sflag:s9], $0x200  }
0x3e: {  	[sflag:s9] =	ssyncset.done $0x0  }
0x3f: {  	[sflag:s9] =	ssyncadd.s32 $0xFFFFFE00  }
0x40: {  	[tilespmem:s13], [sflag:$0x1] =	stream.indirect.gather [hbm4b:s1+s12], $0x80, s3, s12, $0xb8;
	[tilespmem:$0x10680] =	vst v63  }
0x41: {  	_ = 	snop  }
0x42: {  	[tilespmem:s14], [sflag:$0x1] =	stream.indirect.gather [hbm4b:s1+s12], $0x80, s10, s12, $0xb8;
	[tilespmem:$0x10680] =	vst v63  }
0x43: {  	_ = 	snop  }
0x44: {  	[tilespmem:s15], [sflag:$0x2] =	stream.indirect.gather [hbm4b:s1+s12], $0x80, s12, s12, $0xb8;
	[tilespmem:$0x10680] =	vst v63  }
0x45: {  	_ = 	snop  }
0x46: {  	[tilespmem:s17], [sflag:$0x2] =	stream.indirect.gather [hbm4b:s1+s12], $0x80, s16, s12, $0xb8;
	[tilespmem:$0x10680] =	vst v63  }
0x47: {  	_ =	swait.ge [sflag:s18], $0x4000  }
0x48: {  	[sflag:s18] =	ssyncset.done $0x0  }
0x49: {  	[sflag:s18] =	ssyncadd.s32 $0xFFFFC000  }
0x4a: {  	_ =	swait.ge [sflag:s18], $0x4000  }
0x4b: {  	[sflag:s18] =	ssyncset.done $0x0  }
0x4c: {  	[sflag:s18] =	ssyncadd.s32 $0xFFFFC000  }
0x4d: {  	v1 =	vld [tilespmem:$0x0]  }
0x4e: {  	v2 =	vld [tilespmem:$0x200]  }
0x4f: {  	v3 =	vld [tilespmem:$0x10]  }
0x50: {  	v4 =	vld [tilespmem:$0x210]  }
0x51: {  	v5 =	vld [tilespmem:$0x20]  }
0x52: {  	v6 =	vld [tilespmem:$0x220]  }
0x53: {  	vm0 =	vgt.s32 v1, $0x1869D;
	vm1 =	vgt.s32 v2, $0x1869D;
	v1 =	vld [tilespmem:$0x30]  }
0x54: {  	vm14 =	vgt.s32 v3, $0x1869D;
	v2 =	vld [tilespmem:$0x230];
	vm0 =	vmor vm0, vm1  }
0x55: {  	vm15 =	vgt.s32 v4, $0x1869D;
	v3 =	vld [tilespmem:$0x40];
	vm0 =	vmor vm0, vm14  }
0x56: {  	v60 =	vld [tilespmem:$0x240];
	vm4 =	vgt.s32 v5, $0x1869D;
	vm0 =	vmor vm0, vm15  }
0x57: {  	v61 =	vld [tilespmem:$0x50];
	vm5 =	vgt.s32 v6, $0x1869D;
	vm0 =	vmor vm0, vm4  }
0x58: {  	vm0 =	vmor vm0, vm5;
	vm6 =	vgt.s32 v1, $0x1869D;
	v1 =	vld [tilespmem:$0x250]  }
0x59: {  	vm7 =	vgt.s32 v2, $0x1869D;
	v2 =	vld [tilespmem:$0x60];
	vm0 =	vmor vm0, vm6  }
0x5a: {  	vm8 =	vgt.s32 v3, $0x1869D;
	v3 =	vld [tilespmem:$0x260];
	vm0 =	vmor vm0, vm7  }
0x5b: {  	v62 =	vld [tilespmem:$0x70];
	vm9 =	vgt.s32 v60, $0x1869D;
	vm0 =	vmor vm0, vm8  }
0x5c: {  	v63 =	vld [tilespmem:$0x270];
	vm10 =	vgt.s32 v61, $0x1869D;
	vm0 =	vmor vm0, vm9  }
0x5d: {  	vm0 =	vmor vm0, vm10;
	vm11 =	vgt.s32 v1, $0x1869D  }
0x5e: {  	vm12 =	vgt.s32 v2, $0x1869D;
	vm0 =	vmor vm0, vm11  }
0x5f: {  	vm13 =	vgt.s32 v3, $0x1869D;
	vm0 =	vmor vm0, vm12  }
0x60: {  	vm14 =	vgt.s32 v62, $0x1869D;
	vm0 =	vmor vm0, vm13  }
0x61: {  	vm15 =	vgt.s32 v63, $0x1869D;
	vm0 =	vmor vm0, vm14  }
0x62: {  	vm0 =	vmor vm0, vm15  }
0x63: {  	v1 =	vsel vm0, $0x3F800000, v0  }
0x64: {  	(xrf0) =	vmax.scan.msk.f32 $0xffff, v1;
	_ =	sdelay $0x5  }
0x65: {  	v1, _, _ =	vpop (xrf0)  }
0x66: {  	(v2sf) =	vpush v1, $0xF;
	_ =	sdelay $0xe  }
0x67: {  	s26 =	spop (v2sf)  }
0x68: {  	p0 =	sgt.f32 s26, $0.0e+00  }
.Ltmp2:
0x69: {  	_ = 	snop;
	(pc) =	sbr.rel @!p0 .LBB2_5-.Ltmp2, $2  }
0x6a: {  	_ =	sdelay $0x2  }
0x6b: {  	s28 =	simm.s32 $0x4640;
	s26 =	simm.s32 $0x640  }
0x6c: {  	v1 =	vld [tilespmem:s26+$0xFFFFFFC0]  }
0x6d: {  	v2 =	vld [tilespmem:s28+$0xFFFFFFC0]  }
0x6e: {  	v3 =	vld [tilespmem:s26+$0xFFFFFFD0]  }
0x6f: {  	v4 =	vld [tilespmem:s28+$0xFFFFFFD0]  }
0x70: {  	v5 =	vld [tilespmem:s26+$0xFFFFFFE0];
	v7 =	vmov s3  }
0x71: {  	v6 =	vld [tilespmem:s28+$0xFFFFFFE0]  }
0x72: {  	v8 =	vld [tilespmem:s26+$0xFFFFFFF0]  }
0x73: {  	v10 =	vld [tilespmem:s28+$0xFFFFFFF0]  }
0x74: {  	v12 =	vld [tilespmem:s26+$0x0]  }
0x75: {  	v9 =	vld.idx.msk [tilespmem:v7+s3+$0x0], $0xffff  }
0x76: {  	v18 =	vld [tilespmem:s28+$0x0]  }
0x77: {  	v22 =	vld [tilespmem:s26+$0x30]  }
0x78: {  	v19 =	vld [tilespmem:s26+$0x10]  }
0x79: {  	v20 =	vld [tilespmem:s28+$0x10];
	v11 =	vimm.s32 $0x0;
	v13 =	vimm.s32 $0x0;
	vm0 =	vgt.f32 v1, $0.0e+00  }
0x7a: {  	v21 =	vld [tilespmem:s26+$0x20];
	vm1 =	vgt.f32 v2, $0.0e+00;
	vm4 =	vgt.f32 v5, $0.0e+00;
	vm14 =	veq.s32 v9, $0x1869F  }
0x7b: {  	v23 =	vld [tilespmem:s28+$0x20];
	v11 =	vsel vm1, $0xFFFFFFFF, v11;
	vm1 =	vmand vm14, vm0;
	vm0 =	vmand vm14, vm4  }
0x7c: {  	v24 =	vld [tilespmem:s28+$0x30];
	vm2 =	vgt.f32 v3, $0.0e+00;
	vm13 =	vgt.f32 v22, $0.0e+00;
	[tilespmem:$0x1FFA0] =	vst v11;
	v13 =	vsel vm0, $0xFFFFFFFF, v13  }
0x7d: {  	vm3 =	vgt.f32 v4, $0.0e+00;
	v11 =	vld.idx.msk [tilespmem:v7+s10+$0x0], $0xffff;
	vm0 =	vmand vm14, vm13;
	[tilespmem:$0x1FFB0] =	vst v13;
	v13 =	vimm.s32 $0x0  }
0x7e: {  	vm5 =	vgt.f32 v6, $0.0e+00;
	vm6 =	vgt.f32 v8, $0.0e+00;
	v7 =	vld.idx.msk [tilespmem:v7+s11+$0x0], $0xffff;
	v13 =	vsel vm0, $0xFFFFFFFF, v13  }
0x7f: {  	vm7 =	vgt.f32 v10, $0.0e+00;
	vm8 =	vgt.f32 v12, $0.0e+00;
	vm9 =	vgt.f32 v18, $0.0e+00;
	[tilespmem:$0x1FFC0] =	vst v13;
	v13 =	vld [tilespmem:$0x1FFA0]  }
0x80: {  	vm10 =	vgt.f32 v19, $0.0e+00;
	vm11 =	vgt.f32 v20, $0.0e+00;
	vm12 =	vgt.f32 v21, $0.0e+00  }
0x81: {  	vm2 =	vmand vm14, vm2;
	vm6 =	vmand vm14, vm6;
	vm8 =	vmand vm14, vm8  }
0x82: {  	vm10 =	vmand vm14, vm10;
	vm12 =	vmand vm14, vm12;
	vm15 =	veq.s32 v11, $0x1869F  }
0x83: {  	vm14 =	vgt.f32 v23, $0.0e+00;
	vm13 =	vgt.f32 v24, $0.0e+00;
	v16 =	vsel vm1, $0x3F800000, v1  }
0x84: {  	vm1 =	veq.s32 v9, $0x1869E;
	v1 =	vshra.s32 v7, $0x1;
	vm0 =	vnez.u8 v13  }
0x85: {  	v7 =	vand.u32 $0x1, v7;
	v9 =	vsel vm6, $0x3F800000, v8;
	vm0 =	vmand vm15, vm0  }
0x86: {  	v12 =	vsel vm8, $0x3F800000, v12;
	v8 =	vsel vm10, $0x3F800000, v19;
	v17 =	vsel vm0, $0x3F800000, v2;
	v2 =	vld [tilespmem:$0x1FFB0]  }
0x87: {  	vm3 =	vmand vm15, vm3;
	vm4 =	vmand vm15, vm5;
	vm7 =	vmand vm15, vm7  }
0x88: {  	vm9 =	vmand vm15, vm9;
	vm11 =	vmand vm15, vm11;
	vm14 =	vmand vm15, vm14  }
0x89: {  	vm13 =	vmand vm15, vm13;
	vm5 =	veq.s32 v11, $0x1869E;
	v1 =	vcvt.s32.f32 v1  }
0x8a: {  	v25 =	vcvt.s32.f32 v7;
	v14 =	vsel vm3, $0x3F800000, v4;
	v7 =	vsel vm4, $0x3F800000, v6  }
0x8b: {  	v11 =	vsel vm7, $0x3F800000, v10;
	v10 =	vsel vm9, $0x3F800000, v18;
	vm0 =	vnez.u8 v2;
	v2 =	vld [tilespmem:$0x1FFC0]  }
0x8c: {  	v6 =	vsel vm11, $0x3F800000, v20;
	v4 =	vsel vm14, $0x3F800000, v23;
	v18 =	vimm.s32 $0x0  }
0x8d: {  	vm9 =	vlt.f32 v9, $1.000000000e+00;
	vm11 =	vlt.f32 v12, $1.000000000e+00;
	vm4 =	vlt.f32 v11, $1.000000000e+00  }
0x8e: {  	vm6 =	vlt.f32 v10, $1.000000000e+00;
	vm7 =	vlt.f32 v6, $1.000000000e+00;
	vm8 =	vlt.f32 v4, $1.000000000e+00  }
0x8f: {  	v19 =	vadd.f32 v25, v25;
	v13 =	vsel vm2, $0x3F800000, v3;
	vm2 =	vlt.f32 v16, $1.000000000e+00  }
0x90: {  	vm10 =	vlt.f32 v13, $1.000000000e+00;
	v15 =	vsel vm0, $0x3F800000, v5;
	vm0 =	vnez.u8 v2  }
0x91: {  	vm15 =	vmand vm1, vm2;
	v3 =	vsel vm0, $0x3F800000, v22;
	vm0 =	vlt.f32 v14, $1.000000000e+00  }
0x92: {  	vm10 =	vmand vm1, vm10;
	vm3 =	vlt.f32 v17, $1.000000000e+00;
	v18 =	vsel vm0, $0xFFFFFFFF, v18  }
0x93: {  	vm2 =	vmand vm5, vm3;
	vm0 =	vlt.f32 v15, $1.000000000e+00;
	[tilespmem:$0x1FFD0] =	vst v18;
	v18 =	vimm.s32 $0x0  }
0x94: {  	v5 =	vsel vm12, $0x3F800000, v21;
	vm12 =	vlt.f32 v8, $1.000000000e+00;
	v18 =	vsel vm0, $0xFFFFFFFF, v18  }
0x95: {  	v2 =	vsel vm13, $0x3F800000, v24;
	vm13 =	vlt.f32 v5, $1.000000000e+00;
	[tilespmem:$0x1FFE0] =	vst v18;
	v18 =	vimm.s32 $0x0  }
0x96: {  	vm14 =	vlt.f32 v2, $1.000000000e+00;
	vm3 =	vlt.f32 v3, $1.000000000e+00;
	v18 =	vsel vm8, $0xFFFFFFFF, v18  }
0x97: {  	s29 =	sadd.s32 $0x1, s3;
	vm0 =	vlt.f32 v7, $1.000000000e+00;
	[tilespmem:$0x1FFF0] =	vst v18;
	v18 =	vadd.f32 v1, v1;
	v1 =	vimm.f32 $0.0e+00  }
.LBB2_3:
0x98: {  	v20 =	vld [tilespmem:$0x1FFD0];
	_ =	sdelay $0x3  }
0x99: {  	vm8 =	vmmov vm7;
	vm7 =	vmmov vm6  }
0x9a: {  	vm6 =	vmmov vm4;
	vm4 =	vmmov vm0;
	vm0 =	vnez.u8 v20  }
0x9b: {  	v20 =	vimm.s32 $0x0;
	vm0 =	vmand vm5, vm0  }
0x9c: {  	v20 =	vsel vm0, $0xFFFFFFFF, v20  }
0x9d: {  	[tilespmem:$0x1FF10] =	vst v20;
	v20 =	vld [tilespmem:$0x1FFE0];
	_ =	sdelay $0x4  }
0x9e: {  	vm4 =	vmand vm5, vm4;
	vm0 =	vnez.u8 v20;
	v20 =	vimm.s32 $0x0  }
0x9f: {  	vm9 =	vmand vm1, vm9;
	v20 =	vsel vm4, $0xFFFFFFFF, v20  }
0xa0: {  	vm11 =	vmand vm1, vm11;
	vm12 =	vmand vm1, vm12;
	vm13 =	vmand vm1, vm13;
	[tilespmem:$0x1FF20] =	vst v20;
	v20 =	vld [tilespmem:$0x1FFF0]  }
0xa1: {  	v16 =	vsel vm15, $0x0, v16;
	v17 =	vsel vm2, $0x0, v17;
	vm2 =	vmand vm5, vm14  }
0xa2: {  	v13 =	vsel vm10, $0x0, v13;
	vm6 =	vmand vm5, vm6;
	vm8 =	vmand vm5, vm8  }
0xa3: {  	v18 =	vadd.f32 $1.000000000e+00, v18;
	v19 =	vsub.f32 $1.000000000e+00, v19;
	v21 =	vsel vm9, $0x0, v9  }
0xa4: {  	v12 =	vsel vm11, $0x0, v12;
	v23 =	vsel vm12, $0x0, v8;
	v5 =	vsel vm13, $0x0, v5  }
0xa5: {  	v16 =	vmul.f32 v16, v18;
	vm4 =	vmand vm5, vm7;
	vm7 =	vnez.u8 v20;
	v20 =	vld [tilespmem:$0x1FF10]  }
0xa6: {  	v11 =	vsel vm6, $0x0, v11;
	v17 =	vmul.f32 v17, v19;
	v13 =	vmul.f32 v13, v18  }
0xa7: {  	v2 =	vsel vm2, $0x0, v2;
	v21 =	vmul.f32 v21, v18;
	v11 =	vmul.f32 v11, v19  }
0xa8: {  	v6 =	vsel vm8, $0x0, v6;
	v12 =	vmul.f32 v12, v18;
	v23 =	vmul.f32 v23, v18  }
0xa9: {  	v6 =	vmul.f32 v6, v19;
	v16 =	vsub.f32 v16, v17;
	v11 =	vsub.f32 v21, v11  }
0xaa: {  	vm0 =	vmand vm1, vm0;
	vm1 =	vmand vm1, vm3;
	vm3 =	vnez.u8 v20;
	v20 =	vld [tilespmem:$0x1FF20]  }
0xab: {  	v5 =	vmul.f32 v5, v18;
	v2 =	vmul.f32 v2, v19  }
0xac: {  	v6 =	vsub.f32 v23, v6;
	v16 =	vmax.f32 v16, $0.0e+00;
	v11 =	vmax.f32 v11, $0.0e+00  }
0xad: {  	v15 =	vsel vm0, $0x0, v15;
	v22 =	vsel vm4, $0x0, v10;
	v3 =	vsel vm1, $0x0, v3  }
0xae: {  	v15 =	vmul.f32 v15, v18;
	v22 =	vmul.f32 v22, v19;
	vm7 =	vmand vm5, vm7  }
0xaf: {  	v3 =	vmul.f32 v3, v18;
	v4 =	vsel vm7, $0x0, v4;
	vm0 =	vnez.u8 v20  }
0xb0: {  	v4 =	vmul.f32 v4, v19;
	v14 =	vsel vm3, $0x0, v14;
	v20 =	vsel vm0, $0x0, v7  }
0xb1: {  	v12 =	vsub.f32 v12, v22;
	v14 =	vmul.f32 v14, v19;
	v20 =	vmul.f32 v20, v19  }
0xb2: {  	v6 =	vmax.f32 v6, $0.0e+00;
	v2 =	vsub.f32 v3, v2;
	v4 =	vsub.f32 v5, v4  }
0xb3: {  	v12 =	vmax.f32 v12, $0.0e+00;
	v13 =	vsub.f32 v13, v14;
	v14 =	vsub.f32 v15, v20  }
0xb4: {  	s26 =	sadd.s32 $0x80, s26;
	v2 =	vmax.f32 v2, $0.0e+00;
	v6 =	vadd.f32 v6, v12;
	v4 =	vmax.f32 v4, $0.0e+00  }
0xb5: {  	v3 =	vld [tilespmem:s26+$0x20];
	v2 =	vadd.f32 v2, v4;
	v5 =	vmax.f32 v13, $0.0e+00;
	v13 =	vmax.f32 v14, $0.0e+00  }
0xb6: {  	s28 =	sadd.s32 $0x80, s28;
	v5 =	vadd.f32 v5, v16;
	v15 =	vmov s29;
	v11 =	vadd.f32 v11, v13  }
0xb7: {  	v61 =	vld [tilespmem:s28+$0x20]  }
0xb8: {  	v62 =	vld [tilespmem:s26+$0x30];
	v2 =	vadd.f32 v2, v6;
	v5 =	vadd.f32 v11, v5  }
0xb9: {  	v63 =	vld [tilespmem:s28+$0x30]  }
0xba: {  	v7 =	vld [tilespmem:s26+$0xFFFFFFC0];
	vm0 =	vgt.f32 v3, $0.0e+00;
	v2 =	vadd.f32 v2, v5;
	v5 =	vimm.s32 $0x0  }
0xbb: {  	v4 =	vld.idx.msk [tilespmem:v15+s3+$0x0], $0xffff;
	v5 =	vsel vm0, $0xFFFFFFFF, v5  }
0xbc: {  	vm0 =	vgt.f32 v61, $0.0e+00;
	[tilespmem:$0x1FF30] =	vst v5;
	v5 =	vimm.s32 $0x0;
	v1 =	vadd.f32 v2, v1  }
0xbd: {  	v2 =	vimm.s32 $0x0;
	v5 =	vsel vm0, $0xFFFFFFFF, v5;
	vm0 =	vgt.f32 v62, $0.0e+00  }
0xbe: {  	v2 =	vsel vm0, $0xFFFFFFFF, v2  }
0xbf: {  	vm0 =	vgt.f32 v63, $0.0e+00;
	[tilespmem:$0x1FF50] =	vst v2;
	v2 =	vimm.s32 $0x0  }
0xc0: {  	vm2 =	vgt.f32 v7, $0.0e+00;
	v2 =	vsel vm0, $0xFFFFFFFF, v2;
	vm0 =	veq.s32 v4, $0x1869F  }
0xc1: {  	[tilespmem:$0x1FF40] =	vst v5;
	v5 =	vimm.s32 $0x0;
	vm2 =	vmand vm0, vm2  }
0xc2: {  	v5 =	vsel vm2, $0xFFFFFFFF, v5  }
0xc3: {  	[tilespmem:$0x1FF70] =	vst v5;
	v5 =	vld [tilespmem:$0x1FF30];
	_ =	sdelay $0x1  }
0xc4: {  	v9 =	vld [tilespmem:s28+$0xFFFFFFC0]  }
0xc5: {  	v8 =	vld [tilespmem:s28+$0xFFFFFFD0]  }
0xc6: {  	v24 =	vld [tilespmem:s26+$0xFFFFFFE0]  }
0xc7: {  	v25 =	vld [tilespmem:s28+$0xFFFFFFE0];
	vm2 =	vnez.u8 v5  }
0xc8: {  	v26 =	vld [tilespmem:s26+$0xFFFFFFF0];
	v5 =	vimm.s32 $0x0;
	vm2 =	vmand vm0, vm2  }
0xc9: {  	v12 =	vld.idx.msk [tilespmem:v15+s10+$0x0], $0xffff;
	v5 =	vsel vm2, $0xFFFFFFFF, v5  }
0xca: {  	[tilespmem:$0x1FF80] =	vst v5;
	v5 =	vld [tilespmem:$0x1FF40]  }
0xcb: {  	v27 =	vld [tilespmem:s28+$0xFFFFFFF0]  }
0xcc: {  	v28 =	vld [tilespmem:s26+$0x0]  }
0xcd: {  	v10 =	vld [tilespmem:s26+$0xFFFFFFD0]  }
0xce: {  	v18 =	vld [tilespmem:s28+$0x0]  }
0xcf: {  	v19 =	vld [tilespmem:s26+$0x10];
	vm4 =	veq.s32 v12, $0x1869F;
	vm2 =	vnez.u8 v5  }
0xd0: {  	v20 =	vld [tilespmem:s28+$0x10];
	v5 =	vimm.s32 $0x0;
	vm2 =	vmand vm4, vm2  }
0xd1: {  	v6 =	vld.idx.msk [tilespmem:v15+s11+$0x0], $0xffff;
	v5 =	vsel vm2, $0xFFFFFFFF, v5  }
0xd2: {  	vm8 =	vgt.f32 v24, $0.0e+00;
	vm9 =	vgt.f32 v25, $0.0e+00;
	vm10 =	vgt.f32 v26, $0.0e+00;
	[tilespmem:$0x1FF90] =	vst v5;
	v5 =	vld [tilespmem:$0x1FF50]  }
0xd3: {  	vm11 =	vgt.f32 v27, $0.0e+00;
	vm12 =	vgt.f32 v28, $0.0e+00;
	vm6 =	vgt.f32 v10, $0.0e+00  }
0xd4: {  	vm15 =	vgt.f32 v18, $0.0e+00;
	vm7 =	vgt.f32 v8, $0.0e+00;
	vm3 =	vgt.f32 v9, $0.0e+00  }
0xd5: {  	vm13 =	vgt.f32 v19, $0.0e+00;
	vm14 =	vgt.f32 v20, $0.0e+00;
	vm1 =	veq.s32 v4, $0x1869E  }
0xd6: {  	vm5 =	veq.s32 v12, $0x1869E;
	vm3 =	vmand vm4, vm3;
	vm7 =	vmand vm4, vm7;
	[tilespmem:$0x1FF60] =	vst v2  }
0xd7: {  	vm9 =	vmand vm4, vm9;
	v2 =	vshra.s32 v6, $0x1;
	vm2 =	vnez.u8 v5;
	v5 =	vld [tilespmem:$0x1FF60]  }
0xd8: {  	vm11 =	vmand vm4, vm11;
	vm15 =	vmand vm4, vm15;
	v29 =	vcvt.s32.f32 v2;
	v2 =	vld [tilespmem:$0x1FF70]  }
0xd9: {  	vm14 =	vmand vm4, vm14;
	v17 =	vsel vm3, $0x3F800000, v9;
	v14 =	vsel vm7, $0x3F800000, v8  }
0xda: {  	v11 =	vsel vm11, $0x3F800000, v27;
	v4 =	vand.u32 $0x1, v6;
	vm6 =	vmand vm0, vm6  }
0xdb: {  	vm8 =	vmand vm0, vm8;
	vm10 =	vmand vm0, vm10;
	vm12 =	vmand vm0, vm12  }
0xdc: {  	vm13 =	vmand vm0, vm13;
	vm0 =	vmand vm0, vm2;
	vm2 =	vnez.u8 v5  }
0xdd: {  	v30 =	vcvt.s32.f32 v4;
	vm4 =	vmand vm4, vm2;
	vm2 =	vnez.u8 v2;
	v2 =	vld [tilespmem:$0x1FF80]  }
0xde: {  	v6 =	vsel vm14, $0x3F800000, v20;
	v13 =	vsel vm6, $0x3F800000, v10;
	v15 =	vsel vm8, $0x3F800000, v24  }
0xdf: {  	v9 =	vsel vm10, $0x3F800000, v26;
	v12 =	vsel vm12, $0x3F800000, v28;
	v10 =	vsel vm15, $0x3F800000, v18  }
0xe0: {  	v8 =	vsel vm13, $0x3F800000, v19;
	vm10 =	vlt.f32 v17, $1.000000000e+00;
	v18 =	vimm.s32 $0x0  }
0xe1: {  	vm7 =	vlt.f32 v6, $1.000000000e+00;
	vm8 =	vlt.f32 v13, $1.000000000e+00;
	vm11 =	vlt.f32 v12, $1.000000000e+00  }
0xe2: {  	vm6 =	vlt.f32 v10, $1.000000000e+00;
	v16 =	vsel vm2, $0x3F800000, v7;
	vm2 =	vnez.u8 v2;
	v2 =	vld [tilespmem:$0x1FF90]  }
0xe3: {  	v5 =	vsel vm2, $0x3F800000, v3;
	v3 =	vsel vm0, $0x3F800000, v62;
	vm0 =	vlt.f32 v14, $1.000000000e+00  }
0xe4: {  	vm12 =	vlt.f32 v8, $1.000000000e+00;
	v19 =	vadd.f32 v30, v30;
	v18 =	vsel vm0, $0xFFFFFFFF, v18  }
0xe5: {  	v7 =	vsel vm9, $0x3F800000, v25;
	vm0 =	vlt.f32 v15, $1.000000000e+00;
	[tilespmem:$0x1FFD0] =	vst v18;
	v18 =	vimm.s32 $0x0  }
0xe6: {  	p0 =	seq.s32 s29, $0x7F;
	vm9 =	vlt.f32 v9, $1.000000000e+00;
	vm13 =	vlt.f32 v5, $1.000000000e+00;
	v18 =	vsel vm0, $0xFFFFFFFF, v18  }
.Ltmp3:
0xe7: {  	vm0 =	vlt.f32 v7, $1.000000000e+00;
	vm2 =	vnez.u8 v2;
	v2 =	vsel vm4, $0x3F800000, v63;
	(pc) =	sbr.rel @!p0 .LBB2_3-.Ltmp3, $4  }
0xe8: {  	[tilespmem:$0x1FFE0] =	vst v18;
	vm4 =	vlt.f32 v11, $1.000000000e+00;
	v18 =	vimm.s32 $0x0;
	v4 =	vsel vm2, $0x3F800000, v61  }
0xe9: {  	vm2 =	vlt.f32 v16, $1.000000000e+00;
	vm14 =	vlt.f32 v2, $1.000000000e+00;
	vm3 =	vlt.f32 v4, $1.000000000e+00  }
0xea: {  	vm15 =	vmand vm1, vm2;
	vm2 =	vmand vm5, vm10;
	v18 =	vsel vm3, $0xFFFFFFFF, v18  }
0xeb: {  	s29 =	sadd.s32 $0x1, s29;
	vm10 =	vmand vm1, vm8;
	vm3 =	vlt.f32 v3, $1.000000000e+00;
	[tilespmem:$0x1FFF0] =	vst v18;
	v18 =	vadd.f32 v29, v29  }
0xec: {  	vm9 =	vmand vm1, vm9;
	vm11 =	vmand vm1, vm11;
	vm12 =	vmand vm1, vm12  }
0xed: {  	v20 =	vld [tilespmem:$0x1FFE0];
	vm13 =	vmand vm1, vm13;
	v16 =	vsel vm15, $0x0, v16;
	v19 =	vsub.f32 $1.000000000e+00, v19  }
0xee: {  	v17 =	vsel vm2, $0x0, v17;
	v58 =	vld [tilespmem:$0x1FFD0];
	v13 =	vsel vm10, $0x0, v13;
	v18 =	vadd.f32 $1.000000000e+00, v18  }
0xef: {  	v9 =	vsel vm9, $0x0, v9;
	v12 =	vsel vm11, $0x0, v12;
	v17 =	vmul.f32 v17, v19  }
0xf0: {  	v59 =	vld [tilespmem:$0x1FFF0];
	v8 =	vsel vm12, $0x0, v8;
	v16 =	vmul.f32 v16, v18;
	v13 =	vmul.f32 v13, v18  }
0xf1: {  	v5 =	vsel vm13, $0x0, v5;
	v9 =	vmul.f32 v9, v18;
	v12 =	vmul.f32 v12, v18  }
0xf2: {  	v8 =	vmul.f32 v8, v18;
	v5 =	vmul.f32 v5, v18;
	vm8 =	vnez.u8 v20  }
0xf3: {  	vm15 =	vnez.u8 v58;
	v16 =	vsub.f32 v16, v17;
	vm8 =	vmand vm1, vm8  }
0xf4: {  	vm1 =	vmand vm1, vm3;
	vm2 =	vmand vm5, vm15;
	vm3 =	vmand vm5, vm0  }
0xf5: {  	vm0 =	vmand vm5, vm4;
	vm4 =	vmand vm5, vm6;
	vm15 =	vnez.u8 v59  }
0xf6: {  	vm6 =	vmand vm5, vm7;
	vm7 =	vmand vm5, vm15;
	vm15 =	vmand vm5, vm14  }
0xf7: {  	v14 =	vsel vm2, $0x0, v14;
	v15 =	vsel vm8, $0x0, v15;
	v7 =	vsel vm3, $0x0, v7  }
0xf8: {  	v11 =	vsel vm0, $0x0, v11;
	v10 =	vsel vm4, $0x0, v10;
	v6 =	vsel vm6, $0x0, v6  }
0xf9: {  	v3 =	vsel vm1, $0x0, v3;
	v14 =	vmul.f32 v14, v19;
	v15 =	vmul.f32 v15, v18  }
0xfa: {  	v7 =	vmul.f32 v7, v19;
	v11 =	vmul.f32 v11, v19;
	v4 =	vsel vm7, $0x0, v4  }
0xfb: {  	v10 =	vmul.f32 v10, v19;
	v6 =	vmul.f32 v6, v19;
	v2 =	vsel vm15, $0x0, v2  }
0xfc: {  	v3 =	vmul.f32 v3, v18;
	v4 =	vmul.f32 v4, v19;
	v13 =	vsub.f32 v13, v14  }
0xfd: {  	v2 =	vmul.f32 v2, v19;
	v7 =	vsub.f32 v15, v7;
	v9 =	vsub.f32 v9, v11  }
0xfe: {  	v10 =	vsub.f32 v12, v10;
	v6 =	vsub.f32 v8, v6  }
0xff: {  	v60 =	vmax.f32 v16, $0.0e+00;
	v4 =	vsub.f32 v5, v4;
	v2 =	vsub.f32 v3, v2  }
0x100: {  	v3 =	vmax.f32 v13, $0.0e+00;
	v61 =	vmax.f32 v7, $0.0e+00;
	v62 =	vmax.f32 v9, $0.0e+00  }
0x101: {  	v63 =	vmax.f32 v10, $0.0e+00;
	v6 =	vmax.f32 v6, $0.0e+00;
	v4 =	vmax.f32 v4, $0.0e+00  }
0x102: {  	v2 =	vmax.f32 v2, $0.0e+00;
	v3 =	vadd.f32 v3, v60;
	v5 =	vadd.f32 v62, v61  }
0x103: {  	v6 =	vadd.f32 v6, v63;
	v2 =	vadd.f32 v2, v4;
	_ =	sdelay $0x1  }
.Ltmp4:
0x104: {  	v3 =	vadd.f32 v5, v3;
	v2 =	vadd.f32 v2, v6;
	(pc) =	sbr.rel .LBB2_8-.Ltmp4, $3  }
0x105: {  	_ = 	snop  }
0x106: {  	v2 =	vadd.f32 v2, v3;
	_ =	sdelay $0x1  }
0x107: {  	v1 =	vadd.f32 v2, v1  }
.LBB2_5:
0x108: {  	v1 =	vmov s3;
	_ =	sdelay $0x2  }
0x109: {  	v9 =	vld [tilespmem:s28+$0xFFFFFFC0]  }
0x10a: {  	v3 =	vld [tilespmem:s28+$0x10]  }
0x10b: {  	v1 =	vld.idx.msk [tilespmem:v1+s11+$0x0], $0xffff  }
0x10c: {  	v2 =	vld [tilespmem:s28+$0x30]  }
0x10d: {  	v4 =	vld [tilespmem:s28+$0x20]  }
0x10e: {  	v7 =	vld [tilespmem:s26+$0x20]  }
0x10f: {  	v6 =	vld [tilespmem:s26+$0xFFFFFFD0]  }
0x110: {  	v8 =	vld [tilespmem:s26+$0xFFFFFFC0];
	v5 =	vshra.s32 v1, $0x1  }
0x111: {  	v10 =	vld [tilespmem:s26+$0x30];
	v5 =	vcvt.s32.f32 v5  }
0x112: {  	v11 =	vld [tilespmem:s28+$0xFFFFFFF0];
	v1 =	vand.u32 $0x1, v1  }
0x113: {  	v12 =	vld [tilespmem:s28+$0x0];
	s29 =	simm.s32 $0x1;
	v1 =	vcvt.s32.f32 v1;
	v5 =	vadd.f32 v5, v5  }
0x114: {  	v13 =	vld [tilespmem:s26+$0xFFFFFFF0];
	v14 =	vmov s29  }
0x115: {  	v15 =	vld [tilespmem:s26+$0x10];
	v1 =	vadd.f32 v1, v1;
	v16 =	vadd.f32 $1.000000000e+00, v5  }
0x116: {  	v17 =	vld [tilespmem:s28+$0xFFFFFFE0]  }
0x117: {  	v18 =	vld [tilespmem:s28+$0xFFFFFFD0];
	v1 =	vsub.f32 $1.000000000e+00, v1;
	v5 =	vmul.f32 v16, v8  }
0x118: {  	v20 =	vld [tilespmem:s26+$0x0];
	v6 =	vmul.f32 v16, v6;
	v10 =	vmul.f32 v10, v16  }
0x119: {  	v21 =	vld.idx.msk [tilespmem:v14+s11+$0x0], $0xffff;
	v11 =	vmul.f32 v11, v1;
	v4 =	vmul.f32 v4, v1  }
0x11a: {  	v19 =	vld [tilespmem:s26+$0xFFFFFFE0];
	v8 =	vmul.f32 v7, v16;
	v7 =	vmul.f32 v12, v1  }
0x11b: {  	s26 =	simm.s32 $0x46C0;
	v14 =	vmul.f32 v2, v1;
	v22 =	vmul.f32 v13, v16  }
0x11c: {  	s28 =	simm.s32 $0x6C0;
	v2 =	vld [tilespmem:s26+$0xFFFFFFC0];
	v23 =	vmul.f32 v15, v16;
	v12 =	vmul.f32 v17, v1  }
0x11d: {  	v24 =	vmul.f32 v3, v1;
	v15 =	vmul.f32 v18, v1;
	v4 =	vsub.f32 v8, v4;
	v8 =	vld [tilespmem:s28+$0x0]  }
0x11e: {  	v3 =	vld [tilespmem:s26+$0x10];
	v13 =	vmul.f32 v20, v16;
	v20 =	vand.u32 $0x1, v21;
	v10 =	vsub.f32 v10, v14  }
0x11f: {  	v14 =	vmul.f32 v19, v16;
	v16 =	vmul.f32 v1, v9;
	v9 =	vld [tilespmem:s26+$0x20];
	v17 =	vsub.f32 v22, v11  }
0x120: {  	v19 =	vshra.s32 v21, $0x1;
	v11 =	vld [tilespmem:s28+$0x20];
	v18 =	vmax.f32 v4, $0.0e+00;
	v10 =	vmax.f32 v10, $0.0e+00  }
0x121: {  	s29 =	simm.s32 $0x2;
	v1 =	vimm.f32 $0.0e+00;
	v4 =	vld [tilespmem:s26+$0x30];
	v10 =	vadd.f32 v10, v18;
	v18 =	vsub.f32 v23, v24  }
.LBB2_6:
0x122: {  	p0 =	sne.s32 s29, $0x7F;
	v19 =	vcvt.s32.f32 v19;
	v20 =	vcvt.s32.f32 v20;
	v21 =	vld [tilespmem:s28+$0xFFFFFFD0];
	v17 =	vmax.f32 v17, $0.0e+00;
	v22 =	vmovc v8;
	s30 =	smov.u32 s29;
	s29 =	sadd.s32 $0x1, s29  }
0x123: {  	v5 =	vsub.f32 v5, v16;
	v6 =	vsub.f32 v6, v15;
	v8 =	vld [tilespmem:s28+$0xFFFFFFC0];
	v15 =	vmax.f32 v18, $0.0e+00  }
0x124: {  	v12 =	vsub.f32 v14, v12;
	v16 =	vadd.f32 v19, v19;
	v18 =	vld [tilespmem:s28+$0x30]  }
0x125: {  	v7 =	vsub.f32 v13, v7;
	v14 =	vadd.f32 v20, v20;
	v6 =	vmax.f32 v6, $0.0e+00;
	v19 =	vld [tilespmem:s26+$0xFFFFFFF0]  }
0x126: {  	v5 =	vmax.f32 v5, $0.0e+00;
	v12 =	vmax.f32 v12, $0.0e+00;
	v13 =	vadd.f32 $1.000000000e+00, v16;
	v16 =	vld [tilespmem:s26+$0x0]  }
0x127: {  	v20 =	vmov s30;
	v7 =	vmax.f32 v7, $0.0e+00;
	v24 =	vadd.f32 v6, v5;
	v23 =	vld [tilespmem:s28+$0xFFFFFFF0]  }
0x128: {  	v7 =	vadd.f32 v15, v7;
	v25 =	vsub.f32 $1.000000000e+00, v14;
	v5 =	vmul.f32 v13, v8;
	v8 =	vld [tilespmem:s28+$0x10]  }
0x129: {  	v12 =	vadd.f32 v17, v12;
	v6 =	vmul.f32 v13, v21;
	v14 =	vld [tilespmem:s26+$0xFFFFFFE0];
	v15 =	vmul.f32 v18, v13  }
0x12a: {  	v10 =	vadd.f32 v10, v7;
	v9 =	vmul.f32 v9, v25;
	v17 =	vld [tilespmem:s26+$0xFFFFFFD0];
	v18 =	vmul.f32 v19, v25  }
0x12b: {  	v12 =	vadd.f32 v12, v24;
	v11 =	vmul.f32 v11, v13;
	v19 =	vld [tilespmem:s28+$0xFFFFFFE0];
	v7 =	vmul.f32 v16, v25  }
0x12c: {  	v4 =	vmul.f32 v4, v25;
	s26 =	sadd.s32 $0x80, s26;
	v20 =	vld.idx.msk [tilespmem:v20+s11+$0x0], $0xffff;
	v21 =	vmul.f32 v23, v13  }
0x12d: {  	v10 =	vadd.f32 v10, v12;
	v9 =	vsub.f32 v11, v9;
	s28 =	sadd.s32 $0x80, s28;
	v23 =	vld [tilespmem:s26+$0xFFFFFFC0];
	v24 =	vmul.f32 v8, v13  }
.Ltmp5:
0x12e: {  	v26 =	vmul.f32 v3, v25;
	v11 =	vsub.f32 v15, v4;
	v8 =	vld [tilespmem:s28+$0x0];
	v12 =	vmul.f32 v14, v25;
	(pc) =	sbr.rel @p0 .LBB2_6-.Ltmp5, $4  }
0x12f: {  	v1 =	vadd.f32 v10, v1;
	v27 =	vmax.f32 v9, $0.0e+00;
	v3 =	vld [tilespmem:s26+$0x10];
	v15 =	vmul.f32 v17, v25  }
0x130: {  	v10 =	vmax.f32 v11, $0.0e+00;
	v4 =	vld [tilespmem:s26+$0x30];
	v14 =	vmul.f32 v19, v13;
	v13 =	vmul.f32 v22, v13  }
0x131: {  	v16 =	vmul.f32 v25, v2;
	v10 =	vadd.f32 v10, v27;
	v17 =	vsub.f32 v21, v18;
	v9 =	vld [tilespmem:s26+$0x20]  }
0x132: {  	v18 =	vsub.f32 v24, v26;
	v19 =	vshra.s32 v20, $0x1;
	v20 =	vand.u32 $0x1, v20;
	v11 =	vld [tilespmem:s28+$0x20];
	v2 =	vmovc v23  }
0x133: {  	v21 =	vld [tilespmem:s28+$0xFFFFFFD0]  }
0x134: {  	v22 =	vld [tilespmem:s28+$0xFFFFFFC0]  }
0x135: {  	v19 =	vcvt.s32.f32 v19;
	v23 =	vld [tilespmem:s28+$0x30]  }
0x136: {  	v20 =	vcvt.s32.f32 v20;
	v5 =	vsub.f32 v5, v16;
	v44 =	vld [tilespmem:s26+$0xFFFFFFF0]  }
0x137: {  	v6 =	vsub.f32 v6, v15;
	v47 =	vld [tilespmem:s26+$0x0];
	v46 =	vadd.f32 v19, v19  }
0x138: {  	v17 =	vmax.f32 v17, $0.0e+00;
	v12 =	vsub.f32 v14, v12;
	v49 =	vld [tilespmem:s28+$0xFFFFFFF0];
	v48 =	vadd.f32 v20, v20  }
0x139: {  	v7 =	vsub.f32 v13, v7;
	v50 =	vld [tilespmem:s28+$0x10];
	v45 =	vmax.f32 v18, $0.0e+00;
	v18 =	vadd.f32 $1.000000000e+00, v46  }
0x13a: {  	v52 =	vld [tilespmem:s26+$0xFFFFFFE0];
	v6 =	vmax.f32 v6, $0.0e+00;
	v5 =	vmax.f32 v5, $0.0e+00;
	v51 =	vsub.f32 $1.000000000e+00, v48  }
0x13b: {  	v54 =	vld [tilespmem:s26+$0xFFFFFFD0];
	v12 =	vmax.f32 v12, $0.0e+00;
	v22 =	vmul.f32 v18, v22;
	v53 =	vmul.f32 v18, v21  }
0x13c: {  	v55 =	vld [tilespmem:s28+$0xFFFFFFE0];
	v7 =	vmax.f32 v7, $0.0e+00;
	v23 =	vmul.f32 v23, v18;
	v15 =	vmul.f32 v44, v51  }
0x13d: {  	v5 =	vadd.f32 v6, v5;
	v9 =	vmul.f32 v9, v51;
	v56 =	vmul.f32 v11, v18  }
0x13e: {  	v7 =	vadd.f32 v45, v7;
	v57 =	vmul.f32 v47, v51;
	v4 =	vmul.f32 v4, v51  }
0x13f: {  	v12 =	vadd.f32 v17, v12;
	v58 =	vmul.f32 v49, v18;
	v59 =	vmul.f32 v50, v18  }
0x140: {  	v7 =	vadd.f32 v10, v7;
	v60 =	vmul.f32 v52, v51;
	v3 =	vmul.f32 v3, v51  }
0x141: {  	v5 =	vadd.f32 v12, v5;
	v61 =	vmul.f32 v54, v51;
	v17 =	vmul.f32 v55, v18  }
0x142: {  	v2 =	vmul.f32 v51, v2;
	v9 =	vsub.f32 v56, v9;
	v4 =	vsub.f32 v23, v4  }
0x143: {  	v8 =	vmul.f32 v8, v18;
	v62 =	vsub.f32 v58, v15;
	v3 =	vsub.f32 v59, v3  }
0x144: {  	v2 =	vsub.f32 v22, v2;
	v63 =	vsub.f32 v53, v61  }
0x145: {  	v10 =	vsub.f32 v17, v60;
	v8 =	vsub.f32 v8, v57;
	v9 =	vmax.f32 v9, $0.0e+00  }
0x146: {  	v4 =	vmax.f32 v4, $0.0e+00;
	v6 =	vmax.f32 v62, $0.0e+00;
	v3 =	vmax.f32 v3, $0.0e+00  }
0x147: {  	v2 =	vmax.f32 v2, $0.0e+00;
	v10 =	vmax.f32 v10, $0.0e+00;
	v8 =	vmax.f32 v8, $0.0e+00  }
0x148: {  	v4 =	vadd.f32 v4, v9;
	v9 =	vmax.f32 v63, $0.0e+00;
	v3 =	vadd.f32 v3, v8  }
0x149: {  	v6 =	vadd.f32 v6, v10;
	v2 =	vadd.f32 v9, v2  }
0x14a: {  	v5 =	vadd.f32 v7, v5  }
0x14b: {  	v3 =	vadd.f32 v4, v3;
	v2 =	vadd.f32 v6, v2;
	_ =	sdelay $0x1  }
0x14c: {  	v1 =	vadd.f32 v5, v1;
	v2 =	vadd.f32 v3, v2;
	_ =	sdelay $0x1  }
0x14d: {  	v1 =	vadd.f32 v2, v1  }
.LBB2_8:
0x14e: {  	s29 =	simm.s32 $0x80  }
0x14f: {  	[tilespmem:s13], [sflag:$0x1] =	stream.indirect.gather [hbm4b:s1+s29], $0x80, s19, s29, $0xb8;
	[tilespmem:$0x10680] =	vst v63  }
0x150: {  	_ = 	snop  }
0x151: {  	[tilespmem:s14], [sflag:$0x1] =	stream.indirect.gather [hbm4b:s1+s29], $0x80, s20, s29, $0xb8;
	[tilespmem:$0x10680] =	vst v63  }
0x152: {  	_ =	swait.ge [sflag:s21], $0x4000  }
0x153: {  	[sflag:s21] =	ssyncset.done $0x0  }
0x154: {  	[sflag:s21] =	ssyncadd.s32 $0xFFFFC000  }
0x155: {  	_ =	swait.ge [sflag:s21], $0x4000  }
0x156: {  	[sflag:s21] =	ssyncset.done $0x0  }
0x157: {  	[sflag:s21] =	ssyncadd.s32 $0xFFFFC000  }
0x158: {  	v2 =	vld [tilespmem:$0x80]  }
0x159: {  	v3 =	vld [tilespmem:$0x280]  }
0x15a: {  	v4 =	vld [tilespmem:$0x90]  }
0x15b: {  	v5 =	vld [tilespmem:$0x290]  }
0x15c: {  	v6 =	vld [tilespmem:$0xA0]  }
0x15d: {  	v7 =	vld [tilespmem:$0x2A0]  }
0x15e: {  	vm0 =	vgt.s32 v2, $0x1869D;
	vm1 =	vgt.s32 v3, $0x1869D;
	v2 =	vld [tilespmem:$0xB0]  }
0x15f: {  	vm14 =	vgt.s32 v4, $0x1869D;
	v3 =	vld [tilespmem:$0x2B0];
	vm0 =	vmor vm0, vm1  }
0x160: {  	v58 =	vld [tilespmem:$0xC0];
	vm15 =	vgt.s32 v5, $0x1869D;
	vm0 =	vmor vm0, vm14  }
0x161: {  	v59 =	vld [tilespmem:$0x2C0];
	vm4 =	vgt.s32 v6, $0x1869D;
	vm0 =	vmor vm0, vm15  }
0x162: {  	v60 =	vld [tilespmem:$0xD0];
	vm5 =	vgt.s32 v7, $0x1869D;
	vm0 =	vmor vm0, vm4  }
0x163: {  	vm0 =	vmor vm0, vm5;
	vm6 =	vgt.s32 v2, $0x1869D;
	v2 =	vld [tilespmem:$0x2D0]  }
0x164: {  	vm7 =	vgt.s32 v3, $0x1869D;
	v3 =	vld [tilespmem:$0xE0];
	vm0 =	vmor vm0, vm6  }
0x165: {  	v61 =	vld [tilespmem:$0x2E0];
	vm8 =	vgt.s32 v58, $0x1869D;
	vm0 =	vmor vm0, vm7  }
0x166: {  	v62 =	vld [tilespmem:$0xF0];
	vm9 =	vgt.s32 v59, $0x1869D;
	vm0 =	vmor vm0, vm8  }
0x167: {  	v63 =	vld [tilespmem:$0x2F0];
	vm10 =	vgt.s32 v60, $0x1869D;
	vm0 =	vmor vm0, vm9  }
0x168: {  	vm0 =	vmor vm0, vm10;
	vm11 =	vgt.s32 v2, $0x1869D  }
0x169: {  	vm12 =	vgt.s32 v3, $0x1869D;
	vm0 =	vmor vm0, vm11  }
0x16a: {  	vm13 =	vgt.s32 v61, $0x1869D;
	vm0 =	vmor vm0, vm12  }
0x16b: {  	vm14 =	vgt.s32 v62, $0x1869D;
	vm0 =	vmor vm0, vm13  }
0x16c: {  	vm15 =	vgt.s32 v63, $0x1869D;
	vm0 =	vmor vm0, vm14  }
0x16d: {  	vm0 =	vmor vm0, vm15  }
0x16e: {  	v2 =	vsel vm0, $0x3F800000, v0  }
0x16f: {  	(xrf0) =	vmax.scan.msk.f32 $0xffff, v2;
	_ =	sdelay $0x5  }
0x170: {  	v2, _, _ =	vpop (xrf0)  }
0x171: {  	(v2sf) =	vpush v2, $0xF;
	_ =	sdelay $0xe  }
0x172: {  	s26 =	spop (v2sf)  }
0x173: {  	p0 =	sgt.f32 s26, $0.0e+00  }
.Ltmp6:
0x174: {  	_ = 	snop;
	(pc) =	sbr.rel @!p0 .LBB2_12-.Ltmp6, $2  }
0x175: {  	_ =	sdelay $0x2  }
0x176: {  	s28 =	simm.s32 $0xC640;
	s26 =	simm.s32 $0x8640  }
0x177: {  	v2 =	vld [tilespmem:s26+$0xFFFFFFC0]  }
0x178: {  	v3 =	vld [tilespmem:s28+$0xFFFFFFC0]  }
0x179: {  	v4 =	vld [tilespmem:s26+$0xFFFFFFD0]  }
0x17a: {  	v5 =	vld [tilespmem:s28+$0xFFFFFFD0]  }
0x17b: {  	v6 =	vld [tilespmem:s26+$0xFFFFFFE0]  }
0x17c: {  	v7 =	vld [tilespmem:s28+$0xFFFFFFE0]  }
0x17d: {  	v8 =	vld [tilespmem:s26+$0xFFFFFFF0]  }
0x17e: {  	v10 =	vld [tilespmem:s28+$0xFFFFFFF0]  }
0x17f: {  	v12 =	vld [tilespmem:s26+$0x0];
	v9 =	vmov s29  }
0x180: {  	v18 =	vld [tilespmem:s28+$0x0]  }
0x181: {  	v19 =	vld [tilespmem:s26+$0x10]  }
0x182: {  	v20 =	vld [tilespmem:s28+$0x10]  }
0x183: {  	v21 =	vld [tilespmem:s26+$0x20]  }
0x184: {  	v13 =	vimm.s32 $0x0;
	v14 =	vimm.s32 $0x0;
	v11 =	vld.idx.msk [tilespmem:v9+s3+$0x0], $0xffff  }
0x185: {  	v22 =	vld [tilespmem:s26+$0x30];
	vm0 =	vgt.f32 v2, $0.0e+00;
	vm1 =	vgt.f32 v3, $0.0e+00;
	vm2 =	vgt.f32 v4, $0.0e+00  }
0x186: {  	vm3 =	vgt.f32 v5, $0.0e+00;
	vm4 =	vgt.f32 v6, $0.0e+00;
	v13 =	vsel vm1, $0xFFFFFFFF, v13  }
0x187: {  	vm5 =	vgt.f32 v7, $0.0e+00;
	vm6 =	vgt.f32 v8, $0.0e+00;
	vm7 =	vgt.f32 v10, $0.0e+00;
	[tilespmem:$0x1FEB0] =	vst v13;
	v13 =	vld.idx.msk [tilespmem:v9+s10+$0x0], $0xffff  }
0x188: {  	vm8 =	vgt.f32 v12, $0.0e+00;
	vm9 =	vgt.f32 v18, $0.0e+00;
	vm10 =	vgt.f32 v19, $0.0e+00  }
0x189: {  	v23 =	vld [tilespmem:s28+$0x20];
	vm11 =	vgt.f32 v20, $0.0e+00;
	vm12 =	vgt.f32 v21, $0.0e+00;
	vm13 =	veq.s32 v11, $0x1869F  }
0x18a: {  	vm14 =	vgt.f32 v22, $0.0e+00;
	v9 =	vld.idx.msk [tilespmem:v9+s11+$0x0], $0xffff;
	vm1 =	vmand vm13, vm0;
	vm0 =	vmand vm13, vm2  }
0x18b: {  	vm6 =	vmand vm13, vm6;
	vm8 =	vmand vm13, vm8;
	vm10 =	vmand vm13, vm10  }
0x18c: {  	vm12 =	vmand vm13, vm12;
	vm15 =	veq.s32 v13, $0x1869F;
	v14 =	vsel vm0, $0xFFFFFFFF, v14  }
0x18d: {  	vm0 =	vmand vm13, vm4;
	vm13 =	vmand vm13, vm14;
	[tilespmem:$0x1FEC0] =	vst v14;
	v14 =	vimm.s32 $0x0  }
0x18e: {  	vm14 =	vgt.f32 v23, $0.0e+00;
	v16 =	vsel vm1, $0x3F800000, v2;
	v14 =	vsel vm0, $0xFFFFFFFF, v14  }
0x18f: {  	vm1 =	veq.s32 v11, $0x1869E;
	v2 =	vshra.s32 v9, $0x1;
	v12 =	vsel vm8, $0x3F800000, v12;
	[tilespmem:$0x1FED0] =	vst v14;
	v14 =	vld [tilespmem:$0x1FEB0]  }
0x190: {  	v24 =	vld [tilespmem:s28+$0x30];
	vm3 =	vmand vm15, vm3;
	vm4 =	vmand vm15, vm5;
	vm7 =	vmand vm15, vm7  }
0x191: {  	vm9 =	vmand vm15, vm9;
	vm11 =	vmand vm15, vm11;
	v25 =	vcvt.s32.f32 v2;
	v2 =	vld [tilespmem:$0x1FEC0]  }
0x192: {  	vm14 =	vmand vm15, vm14;
	vm5 =	veq.s32 v13, $0x1869E;
	v7 =	vsel vm4, $0x3F800000, v7  }
0x193: {  	v11 =	vsel vm7, $0x3F800000, v10;
	v10 =	vsel vm9, $0x3F800000, v18;
	v18 =	vimm.s32 $0x0  }
0x194: {  	vm4 =	vlt.f32 v11, $1.000000000e+00;
	vm0 =	vnez.u8 v14;
	v14 =	vsel vm3, $0x3F800000, v5  }
0x195: {  	v5 =	vsel vm12, $0x3F800000, v21;
	vm2 =	vmand vm15, vm0;
	vm0 =	vgt.f32 v24, $0.0e+00  }
0x196: {  	vm15 =	vmand vm15, vm0;
	v17 =	vsel vm2, $0x3F800000, v3;
	vm0 =	vnez.u8 v2;
	v2 =	vld [tilespmem:$0x1FED0]  }
0x197: {  	v3 =	vand.u32 $0x1, v9;
	v9 =	vsel vm6, $0x3F800000, v8;
	v8 =	vsel vm10, $0x3F800000, v19  }
0x198: {  	vm2 =	vlt.f32 v16, $1.000000000e+00;
	vm6 =	vlt.f32 v10, $1.000000000e+00;
	v26 =	vcvt.s32.f32 v3  }
0x199: {  	v13 =	vsel vm0, $0x3F800000, v4;
	v4 =	vsel vm14, $0x3F800000, v23;
	v3 =	vsel vm13, $0x3F800000, v22  }
0x19a: {  	vm3 =	vlt.f32 v17, $1.000000000e+00;
	vm9 =	vlt.f32 v9, $1.000000000e+00;
	vm12 =	vlt.f32 v8, $1.000000000e+00  }
0x19b: {  	vm14 =	vlt.f32 v5, $1.000000000e+00;
	vm10 =	vlt.f32 v13, $1.000000000e+00;
	vm0 =	vnez.u8 v2  }
0x19c: {  	vm8 =	vlt.f32 v4, $1.000000000e+00;
	v15 =	vsel vm0, $0x3F800000, v6;
	vm0 =	vlt.f32 v14, $1.000000000e+00  }
0x19d: {  	v19 =	vadd.f32 v26, v26;
	vm10 =	vmand vm1, vm10;
	v18 =	vsel vm0, $0xFFFFFFFF, v18  }
0x19e: {  	v2 =	vsel vm15, $0x3F800000, v24;
	vm0 =	vlt.f32 v15, $1.000000000e+00;
	[tilespmem:$0x1FEE0] =	vst v18;
	v18 =	vimm.s32 $0x0  }
0x19f: {  	vm15 =	vmand vm1, vm2;
	vm2 =	vmand vm5, vm3;
	v18 =	vsel vm0, $0xFFFFFFFF, v18  }
0x1a0: {  	vm3 =	vlt.f32 v3, $1.000000000e+00;
	v6 =	vsel vm11, $0x3F800000, v20;
	[tilespmem:$0x1FEF0] =	vst v18;
	v18 =	vimm.s32 $0x0  }
0x1a1: {  	vm11 =	vlt.f32 v12, $1.000000000e+00;
	vm13 =	vlt.f32 v2, $1.000000000e+00;
	v18 =	vsel vm8, $0xFFFFFFFF, v18  }
0x1a2: {  	s29 =	sadd.s32 $0x1, s29;
	vm7 =	vlt.f32 v6, $1.000000000e+00;
	vm0 =	vlt.f32 v7, $1.000000000e+00;
	[tilespmem:$0x1FF00] =	vst v18;
	v18 =	vadd.f32 v25, v25  }
.LBB2_10:
0x1a3: {  	v20 =	vld [tilespmem:$0x1FEE0];
	_ =	sdelay $0x3  }
0x1a4: {  	vm8 =	vmmov vm7;
	vm7 =	vmmov vm6  }
0x1a5: {  	vm6 =	vmmov vm4;
	vm4 =	vmmov vm0;
	vm0 =	vnez.u8 v20  }
0x1a6: {  	v20 =	vimm.s32 $0x0;
	vm0 =	vmand vm5, vm0  }
0x1a7: {  	v20 =	vsel vm0, $0xFFFFFFFF, v20  }
0x1a8: {  	[tilespmem:$0x1FE20] =	vst v20;
	v20 =	vld [tilespmem:$0x1FEF0];
	_ =	sdelay $0x4  }
0x1a9: {  	vm4 =	vmand vm5, vm4;
	vm0 =	vnez.u8 v20;
	v20 =	vimm.s32 $0x0  }
0x1aa: {  	vm9 =	vmand vm1, vm9;
	v20 =	vsel vm4, $0xFFFFFFFF, v20  }
0x1ab: {  	vm11 =	vmand vm1, vm11;
	vm12 =	vmand vm1, vm12;
	vm14 =	vmand vm1, vm14;
	[tilespmem:$0x1FE30] =	vst v20;
	v20 =	vld [tilespmem:$0x1FF00]  }
0x1ac: {  	v16 =	vsel vm15, $0x0, v16;
	v17 =	vsel vm2, $0x0, v17;
	vm2 =	vmand vm5, vm13  }
0x1ad: {  	v13 =	vsel vm10, $0x0, v13;
	vm6 =	vmand vm5, vm6;
	vm8 =	vmand vm5, vm8  }
0x1ae: {  	v18 =	vadd.f32 $1.000000000e+00, v18;
	v19 =	vsub.f32 $1.000000000e+00, v19;
	v21 =	vsel vm9, $0x0, v9  }
0x1af: {  	v12 =	vsel vm11, $0x0, v12;
	v23 =	vsel vm12, $0x0, v8;
	v5 =	vsel vm14, $0x0, v5  }
0x1b0: {  	v16 =	vmul.f32 v16, v18;
	vm4 =	vmand vm5, vm7;
	vm7 =	vnez.u8 v20;
	v20 =	vld [tilespmem:$0x1FE20]  }
0x1b1: {  	v11 =	vsel vm6, $0x0, v11;
	v17 =	vmul.f32 v17, v19;
	v13 =	vmul.f32 v13, v18  }
0x1b2: {  	v2 =	vsel vm2, $0x0, v2;
	v21 =	vmul.f32 v21, v18;
	v11 =	vmul.f32 v11, v19  }
0x1b3: {  	v6 =	vsel vm8, $0x0, v6;
	v12 =	vmul.f32 v12, v18;
	v23 =	vmul.f32 v23, v18  }
0x1b4: {  	v6 =	vmul.f32 v6, v19;
	v16 =	vsub.f32 v16, v17;
	v11 =	vsub.f32 v21, v11  }
0x1b5: {  	vm0 =	vmand vm1, vm0;
	vm1 =	vmand vm1, vm3;
	vm3 =	vnez.u8 v20;
	v20 =	vld [tilespmem:$0x1FE30]  }
0x1b6: {  	v5 =	vmul.f32 v5, v18;
	v2 =	vmul.f32 v2, v19  }
0x1b7: {  	v6 =	vsub.f32 v23, v6;
	v16 =	vmax.f32 v16, $0.0e+00;
	v11 =	vmax.f32 v11, $0.0e+00  }
0x1b8: {  	v15 =	vsel vm0, $0x0, v15;
	v22 =	vsel vm4, $0x0, v10;
	v3 =	vsel vm1, $0x0, v3  }
0x1b9: {  	v15 =	vmul.f32 v15, v18;
	v22 =	vmul.f32 v22, v19;
	vm7 =	vmand vm5, vm7  }
0x1ba: {  	v3 =	vmul.f32 v3, v18;
	v4 =	vsel vm7, $0x0, v4;
	vm0 =	vnez.u8 v20  }
0x1bb: {  	v4 =	vmul.f32 v4, v19;
	v14 =	vsel vm3, $0x0, v14;
	v20 =	vsel vm0, $0x0, v7  }
0x1bc: {  	v12 =	vsub.f32 v12, v22;
	v14 =	vmul.f32 v14, v19;
	v20 =	vmul.f32 v20, v19  }
0x1bd: {  	v6 =	vmax.f32 v6, $0.0e+00;
	v2 =	vsub.f32 v3, v2;
	v4 =	vsub.f32 v5, v4  }
0x1be: {  	v12 =	vmax.f32 v12, $0.0e+00;
	v13 =	vsub.f32 v13, v14;
	v14 =	vsub.f32 v15, v20  }
0x1bf: {  	s26 =	sadd.s32 $0x80, s26;
	v2 =	vmax.f32 v2, $0.0e+00;
	v6 =	vadd.f32 v6, v12;
	v4 =	vmax.f32 v4, $0.0e+00  }
0x1c0: {  	v3 =	vld [tilespmem:s26+$0x20];
	v2 =	vadd.f32 v2, v4;
	v5 =	vmax.f32 v13, $0.0e+00;
	v13 =	vmax.f32 v14, $0.0e+00  }
0x1c1: {  	s28 =	sadd.s32 $0x80, s28;
	v5 =	vadd.f32 v5, v16;
	v15 =	vmov s29;
	v11 =	vadd.f32 v11, v13  }
0x1c2: {  	v61 =	vld [tilespmem:s28+$0x20]  }
0x1c3: {  	v62 =	vld [tilespmem:s26+$0x30];
	v2 =	vadd.f32 v2, v6;
	v5 =	vadd.f32 v11, v5  }
0x1c4: {  	v63 =	vld [tilespmem:s28+$0x30]  }
0x1c5: {  	v7 =	vld [tilespmem:s26+$0xFFFFFFC0];
	vm0 =	vgt.f32 v3, $0.0e+00;
	v2 =	vadd.f32 v2, v5;
	v5 =	vimm.s32 $0x0  }
0x1c6: {  	v4 =	vld.idx.msk [tilespmem:v15+s3+$0x0], $0xffff;
	v5 =	vsel vm0, $0xFFFFFFFF, v5  }
0x1c7: {  	vm0 =	vgt.f32 v61, $0.0e+00;
	[tilespmem:$0x1FE40] =	vst v5;
	v5 =	vimm.s32 $0x0;
	v1 =	vadd.f32 v2, v1  }
0x1c8: {  	v2 =	vimm.s32 $0x0;
	v5 =	vsel vm0, $0xFFFFFFFF, v5;
	vm0 =	vgt.f32 v62, $0.0e+00  }
0x1c9: {  	v2 =	vsel vm0, $0xFFFFFFFF, v2  }
0x1ca: {  	vm0 =	vgt.f32 v63, $0.0e+00;
	[tilespmem:$0x1FE60] =	vst v2;
	v2 =	vimm.s32 $0x0  }
0x1cb: {  	vm2 =	vgt.f32 v7, $0.0e+00;
	v2 =	vsel vm0, $0xFFFFFFFF, v2;
	vm0 =	veq.s32 v4, $0x1869F  }
0x1cc: {  	[tilespmem:$0x1FE50] =	vst v5;
	v5 =	vimm.s32 $0x0;
	vm2 =	vmand vm0, vm2  }
0x1cd: {  	v5 =	vsel vm2, $0xFFFFFFFF, v5  }
0x1ce: {  	[tilespmem:$0x1FE80] =	vst v5;
	v5 =	vld [tilespmem:$0x1FE40];
	_ =	sdelay $0x1  }
0x1cf: {  	v9 =	vld [tilespmem:s28+$0xFFFFFFC0]  }
0x1d0: {  	v8 =	vld [tilespmem:s28+$0xFFFFFFD0]  }
0x1d1: {  	v24 =	vld [tilespmem:s26+$0xFFFFFFE0]  }
0x1d2: {  	v25 =	vld [tilespmem:s28+$0xFFFFFFE0];
	vm2 =	vnez.u8 v5  }
0x1d3: {  	v26 =	vld [tilespmem:s26+$0xFFFFFFF0];
	v5 =	vimm.s32 $0x0;
	vm2 =	vmand vm0, vm2  }
0x1d4: {  	v12 =	vld.idx.msk [tilespmem:v15+s10+$0x0], $0xffff;
	v5 =	vsel vm2, $0xFFFFFFFF, v5  }
0x1d5: {  	[tilespmem:$0x1FE90] =	vst v5;
	v5 =	vld [tilespmem:$0x1FE50]  }
0x1d6: {  	v27 =	vld [tilespmem:s28+$0xFFFFFFF0]  }
0x1d7: {  	v28 =	vld [tilespmem:s26+$0x0]  }
0x1d8: {  	v10 =	vld [tilespmem:s26+$0xFFFFFFD0]  }
0x1d9: {  	v18 =	vld [tilespmem:s28+$0x0]  }
0x1da: {  	v19 =	vld [tilespmem:s26+$0x10];
	vm4 =	veq.s32 v12, $0x1869F;
	vm2 =	vnez.u8 v5  }
0x1db: {  	v20 =	vld [tilespmem:s28+$0x10];
	v5 =	vimm.s32 $0x0;
	vm2 =	vmand vm4, vm2  }
0x1dc: {  	v6 =	vld.idx.msk [tilespmem:v15+s11+$0x0], $0xffff;
	v5 =	vsel vm2, $0xFFFFFFFF, v5  }
0x1dd: {  	vm8 =	vgt.f32 v24, $0.0e+00;
	vm9 =	vgt.f32 v25, $0.0e+00;
	vm10 =	vgt.f32 v26, $0.0e+00;
	[tilespmem:$0x1FEA0] =	vst v5;
	v5 =	vld [tilespmem:$0x1FE60]  }
0x1de: {  	vm11 =	vgt.f32 v27, $0.0e+00;
	vm12 =	vgt.f32 v28, $0.0e+00;
	vm6 =	vgt.f32 v10, $0.0e+00  }
0x1df: {  	vm15 =	vgt.f32 v18, $0.0e+00;
	vm7 =	vgt.f32 v8, $0.0e+00;
	vm3 =	vgt.f32 v9, $0.0e+00  }
0x1e0: {  	vm13 =	vgt.f32 v19, $0.0e+00;
	vm14 =	vgt.f32 v20, $0.0e+00;
	vm1 =	veq.s32 v4, $0x1869E  }
0x1e1: {  	vm5 =	veq.s32 v12, $0x1869E;
	vm3 =	vmand vm4, vm3;
	vm7 =	vmand vm4, vm7;
	[tilespmem:$0x1FE70] =	vst v2  }
0x1e2: {  	vm9 =	vmand vm4, vm9;
	v2 =	vshra.s32 v6, $0x1;
	vm2 =	vnez.u8 v5;
	v5 =	vld [tilespmem:$0x1FE70]  }
0x1e3: {  	vm11 =	vmand vm4, vm11;
	vm15 =	vmand vm4, vm15;
	v29 =	vcvt.s32.f32 v2;
	v2 =	vld [tilespmem:$0x1FE80]  }
0x1e4: {  	vm14 =	vmand vm4, vm14;
	v17 =	vsel vm3, $0x3F800000, v9;
	v14 =	vsel vm7, $0x3F800000, v8  }
0x1e5: {  	v11 =	vsel vm11, $0x3F800000, v27;
	v4 =	vand.u32 $0x1, v6;
	vm6 =	vmand vm0, vm6  }
0x1e6: {  	vm8 =	vmand vm0, vm8;
	vm10 =	vmand vm0, vm10;
	vm12 =	vmand vm0, vm12  }
0x1e7: {  	vm13 =	vmand vm0, vm13;
	vm0 =	vmand vm0, vm2;
	vm2 =	vnez.u8 v5  }
0x1e8: {  	v30 =	vcvt.s32.f32 v4;
	vm4 =	vmand vm4, vm2;
	vm2 =	vnez.u8 v2;
	v2 =	vld [tilespmem:$0x1FE90]  }
0x1e9: {  	v6 =	vsel vm14, $0x3F800000, v20;
	v13 =	vsel vm6, $0x3F800000, v10;
	v15 =	vsel vm8, $0x3F800000, v24  }
0x1ea: {  	v9 =	vsel vm10, $0x3F800000, v26;
	v12 =	vsel vm12, $0x3F800000, v28;
	v10 =	vsel vm15, $0x3F800000, v18  }
0x1eb: {  	v8 =	vsel vm13, $0x3F800000, v19;
	vm10 =	vlt.f32 v17, $1.000000000e+00;
	v18 =	vimm.s32 $0x0  }
0x1ec: {  	vm7 =	vlt.f32 v6, $1.000000000e+00;
	vm8 =	vlt.f32 v13, $1.000000000e+00;
	vm11 =	vlt.f32 v12, $1.000000000e+00  }
0x1ed: {  	vm6 =	vlt.f32 v10, $1.000000000e+00;
	v16 =	vsel vm2, $0x3F800000, v7;
	vm2 =	vnez.u8 v2;
	v2 =	vld [tilespmem:$0x1FEA0]  }
0x1ee: {  	v5 =	vsel vm2, $0x3F800000, v3;
	v3 =	vsel vm0, $0x3F800000, v62;
	vm0 =	vlt.f32 v14, $1.000000000e+00  }
0x1ef: {  	vm12 =	vlt.f32 v8, $1.000000000e+00;
	v19 =	vadd.f32 v30, v30;
	v18 =	vsel vm0, $0xFFFFFFFF, v18  }
0x1f0: {  	v7 =	vsel vm9, $0x3F800000, v25;
	vm0 =	vlt.f32 v15, $1.000000000e+00;
	[tilespmem:$0x1FEE0] =	vst v18;
	v18 =	vimm.s32 $0x0  }
0x1f1: {  	p0 =	seq.s32 s29, $0xFF;
	vm9 =	vlt.f32 v9, $1.000000000e+00;
	vm14 =	vlt.f32 v5, $1.000000000e+00;
	v18 =	vsel vm0, $0xFFFFFFFF, v18  }
.Ltmp7:
0x1f2: {  	vm0 =	vlt.f32 v7, $1.000000000e+00;
	vm2 =	vnez.u8 v2;
	v2 =	vsel vm4, $0x3F800000, v63;
	(pc) =	sbr.rel @!p0 .LBB2_10-.Ltmp7, $4  }
0x1f3: {  	[tilespmem:$0x1FEF0] =	vst v18;
	vm4 =	vlt.f32 v11, $1.000000000e+00;
	v18 =	vimm.s32 $0x0;
	v4 =	vsel vm2, $0x3F800000, v61  }
0x1f4: {  	vm2 =	vlt.f32 v16, $1.000000000e+00;
	vm13 =	vlt.f32 v2, $1.000000000e+00;
	vm3 =	vlt.f32 v4, $1.000000000e+00  }
0x1f5: {  	vm15 =	vmand vm1, vm2;
	vm2 =	vmand vm5, vm10;
	v18 =	vsel vm3, $0xFFFFFFFF, v18  }
0x1f6: {  	s29 =	sadd.s32 $0x1, s29;
	vm10 =	vmand vm1, vm8;
	vm3 =	vlt.f32 v3, $1.000000000e+00;
	[tilespmem:$0x1FF00] =	vst v18;
	v18 =	vadd.f32 v29, v29  }
0x1f7: {  	vm9 =	vmand vm1, vm9;
	vm11 =	vmand vm1, vm11;
	vm12 =	vmand vm1, vm12  }
0x1f8: {  	v20 =	vld [tilespmem:$0x1FEF0];
	vm14 =	vmand vm1, vm14;
	v16 =	vsel vm15, $0x0, v16;
	v19 =	vsub.f32 $1.000000000e+00, v19  }
0x1f9: {  	v17 =	vsel vm2, $0x0, v17;
	v58 =	vld [tilespmem:$0x1FEE0];
	v13 =	vsel vm10, $0x0, v13;
	v18 =	vadd.f32 $1.000000000e+00, v18  }
0x1fa: {  	v9 =	vsel vm9, $0x0, v9;
	v12 =	vsel vm11, $0x0, v12;
	v17 =	vmul.f32 v17, v19  }
0x1fb: {  	v59 =	vld [tilespmem:$0x1FF00];
	v8 =	vsel vm12, $0x0, v8;
	v16 =	vmul.f32 v16, v18;
	v13 =	vmul.f32 v13, v18  }
0x1fc: {  	v5 =	vsel vm14, $0x0, v5;
	v9 =	vmul.f32 v9, v18;
	v12 =	vmul.f32 v12, v18  }
0x1fd: {  	v8 =	vmul.f32 v8, v18;
	v5 =	vmul.f32 v5, v18;
	vm8 =	vnez.u8 v20  }
0x1fe: {  	vm15 =	vnez.u8 v58;
	v16 =	vsub.f32 v16, v17;
	vm8 =	vmand vm1, vm8  }
0x1ff: {  	vm1 =	vmand vm1, vm3;
	vm2 =	vmand vm5, vm15;
	vm3 =	vmand vm5, vm0  }
0x200: {  	vm0 =	vmand vm5, vm4;
	vm4 =	vmand vm5, vm6;
	vm15 =	vnez.u8 v59  }
0x201: {  	vm6 =	vmand vm5, vm7;
	vm7 =	vmand vm5, vm15;
	vm15 =	vmand vm5, vm13  }
0x202: {  	v14 =	vsel vm2, $0x0, v14;
	v15 =	vsel vm8, $0x0, v15;
	v7 =	vsel vm3, $0x0, v7  }
0x203: {  	v11 =	vsel vm0, $0x0, v11;
	v10 =	vsel vm4, $0x0, v10;
	v6 =	vsel vm6, $0x0, v6  }
0x204: {  	v3 =	vsel vm1, $0x0, v3;
	v14 =	vmul.f32 v14, v19;
	v15 =	vmul.f32 v15, v18  }
0x205: {  	v7 =	vmul.f32 v7, v19;
	v11 =	vmul.f32 v11, v19;
	v4 =	vsel vm7, $0x0, v4  }
0x206: {  	v10 =	vmul.f32 v10, v19;
	v6 =	vmul.f32 v6, v19;
	v2 =	vsel vm15, $0x0, v2  }
0x207: {  	v3 =	vmul.f32 v3, v18;
	v4 =	vmul.f32 v4, v19;
	v13 =	vsub.f32 v13, v14  }
0x208: {  	v2 =	vmul.f32 v2, v19;
	v7 =	vsub.f32 v15, v7;
	v9 =	vsub.f32 v9, v11  }
0x209: {  	v10 =	vsub.f32 v12, v10;
	v6 =	vsub.f32 v8, v6  }
0x20a: {  	v60 =	vmax.f32 v16, $0.0e+00;
	v4 =	vsub.f32 v5, v4;
	v2 =	vsub.f32 v3, v2  }
0x20b: {  	v3 =	vmax.f32 v13, $0.0e+00;
	v61 =	vmax.f32 v7, $0.0e+00;
	v62 =	vmax.f32 v9, $0.0e+00  }
0x20c: {  	v63 =	vmax.f32 v10, $0.0e+00;
	v6 =	vmax.f32 v6, $0.0e+00;
	v4 =	vmax.f32 v4, $0.0e+00  }
0x20d: {  	v2 =	vmax.f32 v2, $0.0e+00;
	v3 =	vadd.f32 v3, v60;
	v5 =	vadd.f32 v62, v61  }
0x20e: {  	v6 =	vadd.f32 v6, v63;
	v2 =	vadd.f32 v2, v4;
	_ =	sdelay $0x1  }
.Ltmp8:
0x20f: {  	v3 =	vadd.f32 v5, v3;
	v2 =	vadd.f32 v2, v6;
	(pc) =	sbr.rel .LBB2_15-.Ltmp8, $3  }
0x210: {  	_ = 	snop  }
0x211: {  	v2 =	vadd.f32 v2, v3;
	_ =	sdelay $0x1  }
0x212: {  	v1 =	vadd.f32 v2, v1  }
.LBB2_12:
0x213: {  	v2 =	vmov s29;
	_ =	sdelay $0x2  }
0x214: {  	v10 =	vld [tilespmem:s28+$0xFFFFFFC0]  }
0x215: {  	v3 =	vld [tilespmem:s28+$0x10]  }
0x216: {  	v2 =	vld.idx.msk [tilespmem:v2+s11+$0x0], $0xffff  }
0x217: {  	v4 =	vld [tilespmem:s28+$0x30]  }
0x218: {  	v7 =	vld [tilespmem:s28+$0x20]  }
0x219: {  	v8 =	vld [tilespmem:s26+$0x20]  }
0x21a: {  	v6 =	vld [tilespmem:s26+$0xFFFFFFD0]  }
0x21b: {  	v11 =	vld [tilespmem:s26+$0xFFFFFFC0];
	v5 =	vshra.s32 v2, $0x1  }
0x21c: {  	v12 =	vld [tilespmem:s26+$0x30];
	v2 =	vand.u32 $0x1, v2;
	v5 =	vcvt.s32.f32 v5  }
0x21d: {  	v13 =	vld [tilespmem:s28+$0xFFFFFFF0];
	v2 =	vcvt.s32.f32 v2  }
0x21e: {  	v14 =	vld [tilespmem:s28+$0x0];
	v5 =	vadd.f32 v5, v5  }
0x21f: {  	s29 =	simm.s32 $0x81;
	v17 =	vld [tilespmem:s26+$0xFFFFFFF0];
	v2 =	vadd.f32 v2, v2  }
0x220: {  	v18 =	vld [tilespmem:s26+$0x10];
	v15 =	vmov s29;
	v16 =	vadd.f32 $1.000000000e+00, v5  }
0x221: {  	v21 =	vld [tilespmem:s28+$0xFFFFFFD0];
	v19 =	vsub.f32 $1.000000000e+00, v2  }
0x222: {  	v22 =	vld [tilespmem:s26+$0xFFFFFFE0];
	v5 =	vmul.f32 v16, v11;
	v6 =	vmul.f32 v16, v6  }
0x223: {  	v11 =	vld [tilespmem:s28+$0xFFFFFFE0];
	v20 =	vmul.f32 v12, v16;
	v12 =	vmul.f32 v7, v19  }
0x224: {  	v9 =	vld [tilespmem:s26+$0x0];
	v8 =	vmul.f32 v8, v16;
	v23 =	vmul.f32 v13, v19  }
0x225: {  	s26 =	simm.s32 $0xC6C0;
	v24 =	vld.idx.msk [tilespmem:v15+s11+$0x0], $0xffff;
	v4 =	vmul.f32 v4, v19;
	v7 =	vmul.f32 v14, v19  }
0x226: {  	v2 =	vld [tilespmem:s26+$0xFFFFFFC0];
	v17 =	vmul.f32 v17, v16;
	s28 =	simm.s32 $0x86C0;
	v18 =	vmul.f32 v18, v16  }
0x227: {  	v25 =	vmul.f32 v3, v19;
	v15 =	vmul.f32 v21, v19;
	v13 =	vsub.f32 v8, v12;
	v8 =	vld [tilespmem:s28+$0x0]  }
0x228: {  	v3 =	vld [tilespmem:s26+$0x10];
	v14 =	vmul.f32 v22, v16;
	v12 =	vmul.f32 v11, v19;
	v11 =	vsub.f32 v20, v4  }
0x229: {  	v17 =	vsub.f32 v17, v23;
	v18 =	vsub.f32 v18, v25;
	v20 =	vmax.f32 v13, $0.0e+00;
	v4 =	vld [tilespmem:s26+$0x30]  }
0x22a: {  	v13 =	vmul.f32 v9, v16;
	v9 =	vld [tilespmem:s26+$0x20];
	v16 =	vmul.f32 v19, v10;
	v11 =	vmax.f32 v11, $0.0e+00  }
0x22b: {  	s29 =	simm.s32 $0x82;
	v19 =	vshra.s32 v24, $0x1;
	v10 =	vadd.f32 v11, v20;
	v20 =	vand.u32 $0x1, v24;
	v11 =	vld [tilespmem:s28+$0x20]  }
.LBB2_13:
0x22c: {  	p0 =	sne.s32 s29, $0xFF;
	v19 =	vcvt.s32.f32 v19;
	v20 =	vcvt.s32.f32 v20;
	v21 =	vld [tilespmem:s28+$0xFFFFFFD0];
	v17 =	vmax.f32 v17, $0.0e+00;
	v22 =	vmovc v8;
	s30 =	smov.u32 s29;
	s29 =	sadd.s32 $0x1, s29  }
0x22d: {  	v5 =	vsub.f32 v5, v16;
	v6 =	vsub.f32 v6, v15;
	v8 =	vld [tilespmem:s28+$0xFFFFFFC0];
	v15 =	vmax.f32 v18, $0.0e+00  }
0x22e: {  	v12 =	vsub.f32 v14, v12;
	v16 =	vadd.f32 v19, v19;
	v18 =	vld [tilespmem:s28+$0x30]  }
0x22f: {  	v7 =	vsub.f32 v13, v7;
	v14 =	vadd.f32 v20, v20;
	v6 =	vmax.f32 v6, $0.0e+00;
	v19 =	vld [tilespmem:s26+$0xFFFFFFF0]  }
0x230: {  	v5 =	vmax.f32 v5, $0.0e+00;
	v12 =	vmax.f32 v12, $0.0e+00;
	v13 =	vadd.f32 $1.000000000e+00, v16;
	v16 =	vld [tilespmem:s26+$0x0]  }
0x231: {  	v20 =	vmov s30;
	v7 =	vmax.f32 v7, $0.0e+00;
	v24 =	vadd.f32 v6, v5;
	v23 =	vld [tilespmem:s28+$0xFFFFFFF0]  }
0x232: {  	v7 =	vadd.f32 v15, v7;
	v25 =	vsub.f32 $1.000000000e+00, v14;
	v5 =	vmul.f32 v13, v8;
	v8 =	vld [tilespmem:s28+$0x10]  }
0x233: {  	v12 =	vadd.f32 v17, v12;
	v6 =	vmul.f32 v13, v21;
	v14 =	vld [tilespmem:s26+$0xFFFFFFE0];
	v15 =	vmul.f32 v18, v13  }
0x234: {  	v10 =	vadd.f32 v10, v7;
	v9 =	vmul.f32 v9, v25;
	v17 =	vld [tilespmem:s26+$0xFFFFFFD0];
	v18 =	vmul.f32 v19, v25  }
0x235: {  	v12 =	vadd.f32 v12, v24;
	v11 =	vmul.f32 v11, v13;
	v19 =	vld [tilespmem:s28+$0xFFFFFFE0];
	v7 =	vmul.f32 v16, v25  }
0x236: {  	v4 =	vmul.f32 v4, v25;
	s26 =	sadd.s32 $0x80, s26;
	v20 =	vld.idx.msk [tilespmem:v20+s11+$0x0], $0xffff;
	v21 =	vmul.f32 v23, v13  }
0x237: {  	v10 =	vadd.f32 v10, v12;
	v9 =	vsub.f32 v11, v9;
	s28 =	sadd.s32 $0x80, s28;
	v23 =	vld [tilespmem:s26+$0xFFFFFFC0];
	v24 =	vmul.f32 v8, v13  }
.Ltmp9:
0x238: {  	v26 =	vmul.f32 v3, v25;
	v11 =	vsub.f32 v15, v4;
	v8 =	vld [tilespmem:s28+$0x0];
	v12 =	vmul.f32 v14, v25;
	(pc) =	sbr.rel @p0 .LBB2_13-.Ltmp9, $4  }
0x239: {  	v1 =	vadd.f32 v10, v1;
	v27 =	vmax.f32 v9, $0.0e+00;
	v3 =	vld [tilespmem:s26+$0x10];
	v15 =	vmul.f32 v17, v25  }
0x23a: {  	v10 =	vmax.f32 v11, $0.0e+00;
	v4 =	vld [tilespmem:s26+$0x30];
	v14 =	vmul.f32 v19, v13;
	v13 =	vmul.f32 v22, v13  }
0x23b: {  	v16 =	vmul.f32 v25, v2;
	v10 =	vadd.f32 v10, v27;
	v17 =	vsub.f32 v21, v18;
	v9 =	vld [tilespmem:s26+$0x20]  }
0x23c: {  	v18 =	vsub.f32 v24, v26;
	v19 =	vshra.s32 v20, $0x1;
	v20 =	vand.u32 $0x1, v20;
	v11 =	vld [tilespmem:s28+$0x20];
	v2 =	vmovc v23  }
0x23d: {  	v21 =	vld [tilespmem:s28+$0xFFFFFFD0]  }
0x23e: {  	v22 =	vld [tilespmem:s28+$0xFFFFFFC0]  }
0x23f: {  	v19 =	vcvt.s32.f32 v19;
	v23 =	vld [tilespmem:s28+$0x30]  }
0x240: {  	v20 =	vcvt.s32.f32 v20;
	v5 =	vsub.f32 v5, v16;
	v44 =	vld [tilespmem:s26+$0xFFFFFFF0]  }
0x241: {  	v6 =	vsub.f32 v6, v15;
	v47 =	vld [tilespmem:s26+$0x0];
	v46 =	vadd.f32 v19, v19  }
0x242: {  	v17 =	vmax.f32 v17, $0.0e+00;
	v12 =	vsub.f32 v14, v12;
	v49 =	vld [tilespmem:s28+$0xFFFFFFF0];
	v48 =	vadd.f32 v20, v20  }
0x243: {  	v7 =	vsub.f32 v13, v7;
	v50 =	vld [tilespmem:s28+$0x10];
	v45 =	vmax.f32 v18, $0.0e+00;
	v18 =	vadd.f32 $1.000000000e+00, v46  }
0x244: {  	v52 =	vld [tilespmem:s26+$0xFFFFFFE0];
	v6 =	vmax.f32 v6, $0.0e+00;
	v5 =	vmax.f32 v5, $0.0e+00;
	v51 =	vsub.f32 $1.000000000e+00, v48  }
0x245: {  	v54 =	vld [tilespmem:s26+$0xFFFFFFD0];
	v12 =	vmax.f32 v12, $0.0e+00;
	v22 =	vmul.f32 v18, v22;
	v53 =	vmul.f32 v18, v21  }
0x246: {  	v55 =	vld [tilespmem:s28+$0xFFFFFFE0];
	v7 =	vmax.f32 v7, $0.0e+00;
	v23 =	vmul.f32 v23, v18;
	v15 =	vmul.f32 v44, v51  }
0x247: {  	v5 =	vadd.f32 v6, v5;
	v9 =	vmul.f32 v9, v51;
	v56 =	vmul.f32 v11, v18  }
0x248: {  	v7 =	vadd.f32 v45, v7;
	v57 =	vmul.f32 v47, v51;
	v4 =	vmul.f32 v4, v51  }
0x249: {  	v12 =	vadd.f32 v17, v12;
	v58 =	vmul.f32 v49, v18;
	v59 =	vmul.f32 v50, v18  }
0x24a: {  	v7 =	vadd.f32 v10, v7;
	v60 =	vmul.f32 v52, v51;
	v3 =	vmul.f32 v3, v51  }
0x24b: {  	v5 =	vadd.f32 v12, v5;
	v61 =	vmul.f32 v54, v51;
	v17 =	vmul.f32 v55, v18  }
0x24c: {  	v2 =	vmul.f32 v51, v2;
	v9 =	vsub.f32 v56, v9;
	v4 =	vsub.f32 v23, v4  }
0x24d: {  	v8 =	vmul.f32 v8, v18;
	v62 =	vsub.f32 v58, v15;
	v3 =	vsub.f32 v59, v3  }
0x24e: {  	v2 =	vsub.f32 v22, v2;
	v63 =	vsub.f32 v53, v61  }
0x24f: {  	v10 =	vsub.f32 v17, v60;
	v8 =	vsub.f32 v8, v57;
	v9 =	vmax.f32 v9, $0.0e+00  }
0x250: {  	v4 =	vmax.f32 v4, $0.0e+00;
	v6 =	vmax.f32 v62, $0.0e+00;
	v3 =	vmax.f32 v3, $0.0e+00  }
0x251: {  	v2 =	vmax.f32 v2, $0.0e+00;
	v10 =	vmax.f32 v10, $0.0e+00;
	v8 =	vmax.f32 v8, $0.0e+00  }
0x252: {  	v4 =	vadd.f32 v4, v9;
	v9 =	vmax.f32 v63, $0.0e+00;
	v3 =	vadd.f32 v3, v8  }
0x253: {  	v6 =	vadd.f32 v6, v10;
	v2 =	vadd.f32 v9, v2  }
0x254: {  	v5 =	vadd.f32 v7, v5  }
0x255: {  	v3 =	vadd.f32 v4, v3;
	v2 =	vadd.f32 v6, v2;
	_ =	sdelay $0x1  }
0x256: {  	v1 =	vadd.f32 v5, v1;
	v2 =	vadd.f32 v3, v2;
	_ =	sdelay $0x1  }
0x257: {  	v1 =	vadd.f32 v2, v1  }
.LBB2_15:
0x258: {  	[tilespmem:s15], [sflag:$0x2] =	stream.indirect.gather [hbm4b:s1+s12], $0x80, s22, s12, $0xb8;
	[tilespmem:$0x10680] =	vst v63  }
0x259: {  	_ = 	snop  }
0x25a: {  	[tilespmem:s17], [sflag:$0x2] =	stream.indirect.gather [hbm4b:s1+s12], $0x80, s23, s12, $0xb8;
	[tilespmem:$0x10680] =	vst v63  }
0x25b: {  	_ =	swait.ge [sflag:s18], $0x4000  }
0x25c: {  	[sflag:s18] =	ssyncset.done $0x0  }
0x25d: {  	[sflag:s18] =	ssyncadd.s32 $0xFFFFC000  }
0x25e: {  	_ =	swait.ge [sflag:s18], $0x4000  }
0x25f: {  	[sflag:s18] =	ssyncset.done $0x0  }
0x260: {  	[sflag:s18] =	ssyncadd.s32 $0xFFFFC000  }
0x261: {  	v2 =	vld [tilespmem:$0x100]  }
0x262: {  	v3 =	vld [tilespmem:$0x300]  }
0x263: {  	v4 =	vld [tilespmem:$0x110]  }
0x264: {  	v5 =	vld [tilespmem:$0x310]  }
0x265: {  	v6 =	vld [tilespmem:$0x120]  }
0x266: {  	v7 =	vld [tilespmem:$0x320]  }
0x267: {  	vm0 =	vgt.s32 v2, $0x1869D;
	vm1 =	vgt.s32 v3, $0x1869D;
	v2 =	vld [tilespmem:$0x130]  }
0x268: {  	vm14 =	vgt.s32 v4, $0x1869D;
	v3 =	vld [tilespmem:$0x330];
	vm0 =	vmor vm0, vm1  }
0x269: {  	v58 =	vld [tilespmem:$0x140];
	vm15 =	vgt.s32 v5, $0x1869D;
	vm0 =	vmor vm0, vm14  }
0x26a: {  	v59 =	vld [tilespmem:$0x340];
	vm4 =	vgt.s32 v6, $0x1869D;
	vm0 =	vmor vm0, vm15  }
0x26b: {  	v60 =	vld [tilespmem:$0x150];
	vm5 =	vgt.s32 v7, $0x1869D;
	vm0 =	vmor vm0, vm4  }
0x26c: {  	vm0 =	vmor vm0, vm5;
	vm6 =	vgt.s32 v2, $0x1869D;
	v2 =	vld [tilespmem:$0x350]  }
0x26d: {  	vm7 =	vgt.s32 v3, $0x1869D;
	v3 =	vld [tilespmem:$0x160];
	vm0 =	vmor vm0, vm6  }
0x26e: {  	v61 =	vld [tilespmem:$0x360];
	vm8 =	vgt.s32 v58, $0x1869D;
	vm0 =	vmor vm0, vm7  }
0x26f: {  	v62 =	vld [tilespmem:$0x170];
	vm9 =	vgt.s32 v59, $0x1869D;
	vm0 =	vmor vm0, vm8  }
0x270: {  	v63 =	vld [tilespmem:$0x370];
	vm10 =	vgt.s32 v60, $0x1869D;
	vm0 =	vmor vm0, vm9  }
0x271: {  	vm0 =	vmor vm0, vm10;
	vm11 =	vgt.s32 v2, $0x1869D  }
0x272: {  	vm12 =	vgt.s32 v3, $0x1869D;
	vm0 =	vmor vm0, vm11  }
0x273: {  	vm13 =	vgt.s32 v61, $0x1869D;
	vm0 =	vmor vm0, vm12  }
0x274: {  	vm14 =	vgt.s32 v62, $0x1869D;
	vm0 =	vmor vm0, vm13  }
0x275: {  	vm15 =	vgt.s32 v63, $0x1869D;
	vm0 =	vmor vm0, vm14  }
0x276: {  	vm0 =	vmor vm0, vm15  }
0x277: {  	v2 =	vsel vm0, $0x3F800000, v0  }
0x278: {  	(xrf0) =	vmax.scan.msk.f32 $0xffff, v2;
	_ =	sdelay $0x5  }
0x279: {  	v2, _, _ =	vpop (xrf0)  }
0x27a: {  	(v2sf) =	vpush v2, $0xF;
	_ =	sdelay $0xe  }
0x27b: {  	s26 =	spop (v2sf)  }
0x27c: {  	p0 =	sgt.f32 s26, $0.0e+00  }
.Ltmp10:
0x27d: {  	_ = 	snop;
	(pc) =	sbr.rel @!p0 .LBB2_19-.Ltmp10, $2  }
0x27e: {  	_ =	sdelay $0x2  }
0x27f: {  	s29 =	simm.s32 $0x100;
	s28 =	simm.s32 $0x4640;
	s26 =	simm.s32 $0x640  }
0x280: {  	v2 =	vld [tilespmem:s26+$0xFFFFFFC0]  }
0x281: {  	v3 =	vld [tilespmem:s28+$0xFFFFFFC0]  }
0x282: {  	v4 =	vld [tilespmem:s26+$0xFFFFFFD0]  }
0x283: {  	v5 =	vld [tilespmem:s28+$0xFFFFFFD0]  }
0x284: {  	v6 =	vld [tilespmem:s26+$0xFFFFFFE0]  }
0x285: {  	v7 =	vld [tilespmem:s28+$0xFFFFFFE0]  }
0x286: {  	v8 =	vld [tilespmem:s26+$0xFFFFFFF0]  }
0x287: {  	v10 =	vld [tilespmem:s28+$0xFFFFFFF0]  }
0x288: {  	v12 =	vld [tilespmem:s26+$0x0];
	v9 =	vmov s29  }
0x289: {  	v18 =	vld [tilespmem:s28+$0x0]  }
0x28a: {  	v19 =	vld [tilespmem:s26+$0x10]  }
0x28b: {  	v20 =	vld [tilespmem:s28+$0x10]  }
0x28c: {  	v21 =	vld [tilespmem:s26+$0x20]  }
0x28d: {  	v13 =	vimm.s32 $0x0;
	v14 =	vimm.s32 $0x0;
	v11 =	vld.idx.msk [tilespmem:v9+s3+$0x0], $0xffff  }
0x28e: {  	v22 =	vld [tilespmem:s26+$0x30];
	vm0 =	vgt.f32 v2, $0.0e+00;
	vm1 =	vgt.f32 v3, $0.0e+00;
	vm2 =	vgt.f32 v4, $0.0e+00  }
0x28f: {  	vm3 =	vgt.f32 v5, $0.0e+00;
	vm4 =	vgt.f32 v6, $0.0e+00;
	v13 =	vsel vm1, $0xFFFFFFFF, v13  }
0x290: {  	vm5 =	vgt.f32 v7, $0.0e+00;
	vm6 =	vgt.f32 v8, $0.0e+00;
	vm7 =	vgt.f32 v10, $0.0e+00;
	[tilespmem:$0x1FDC0] =	vst v13;
	v13 =	vld.idx.msk [tilespmem:v9+s10+$0x0], $0xffff  }
0x291: {  	vm8 =	vgt.f32 v12, $0.0e+00;
	vm9 =	vgt.f32 v18, $0.0e+00;
	vm10 =	vgt.f32 v19, $0.0e+00  }
0x292: {  	v23 =	vld [tilespmem:s28+$0x20];
	vm11 =	vgt.f32 v20, $0.0e+00;
	vm12 =	vgt.f32 v21, $0.0e+00;
	vm13 =	veq.s32 v11, $0x1869F  }
0x293: {  	vm14 =	vgt.f32 v22, $0.0e+00;
	v9 =	vld.idx.msk [tilespmem:v9+s11+$0x0], $0xffff;
	vm1 =	vmand vm13, vm0;
	vm0 =	vmand vm13, vm2  }
0x294: {  	vm6 =	vmand vm13, vm6;
	vm8 =	vmand vm13, vm8;
	vm10 =	vmand vm13, vm10  }
0x295: {  	vm12 =	vmand vm13, vm12;
	vm15 =	veq.s32 v13, $0x1869F;
	v14 =	vsel vm0, $0xFFFFFFFF, v14  }
0x296: {  	vm0 =	vmand vm13, vm4;
	vm13 =	vmand vm13, vm14;
	[tilespmem:$0x1FDD0] =	vst v14;
	v14 =	vimm.s32 $0x0  }
0x297: {  	vm14 =	vgt.f32 v23, $0.0e+00;
	v16 =	vsel vm1, $0x3F800000, v2;
	v14 =	vsel vm0, $0xFFFFFFFF, v14  }
0x298: {  	vm1 =	veq.s32 v11, $0x1869E;
	v2 =	vshra.s32 v9, $0x1;
	v12 =	vsel vm8, $0x3F800000, v12;
	[tilespmem:$0x1FDE0] =	vst v14;
	v14 =	vld [tilespmem:$0x1FDC0]  }
0x299: {  	v24 =	vld [tilespmem:s28+$0x30];
	vm3 =	vmand vm15, vm3;
	vm4 =	vmand vm15, vm5;
	vm7 =	vmand vm15, vm7  }
0x29a: {  	vm9 =	vmand vm15, vm9;
	vm11 =	vmand vm15, vm11;
	v25 =	vcvt.s32.f32 v2;
	v2 =	vld [tilespmem:$0x1FDD0]  }
0x29b: {  	vm14 =	vmand vm15, vm14;
	vm5 =	veq.s32 v13, $0x1869E;
	v7 =	vsel vm4, $0x3F800000, v7  }
0x29c: {  	v11 =	vsel vm7, $0x3F800000, v10;
	v10 =	vsel vm9, $0x3F800000, v18;
	v18 =	vimm.s32 $0x0  }
0x29d: {  	vm4 =	vlt.f32 v11, $1.000000000e+00;
	vm0 =	vnez.u8 v14;
	v14 =	vsel vm3, $0x3F800000, v5  }
0x29e: {  	v5 =	vsel vm12, $0x3F800000, v21;
	vm2 =	vmand vm15, vm0;
	vm0 =	vgt.f32 v24, $0.0e+00  }
0x29f: {  	vm15 =	vmand vm15, vm0;
	v17 =	vsel vm2, $0x3F800000, v3;
	vm0 =	vnez.u8 v2;
	v2 =	vld [tilespmem:$0x1FDE0]  }
0x2a0: {  	v3 =	vand.u32 $0x1, v9;
	v9 =	vsel vm6, $0x3F800000, v8;
	v8 =	vsel vm10, $0x3F800000, v19  }
0x2a1: {  	vm2 =	vlt.f32 v16, $1.000000000e+00;
	vm6 =	vlt.f32 v10, $1.000000000e+00;
	v26 =	vcvt.s32.f32 v3  }
0x2a2: {  	v13 =	vsel vm0, $0x3F800000, v4;
	v4 =	vsel vm14, $0x3F800000, v23;
	v3 =	vsel vm13, $0x3F800000, v22  }
0x2a3: {  	vm3 =	vlt.f32 v17, $1.000000000e+00;
	vm9 =	vlt.f32 v9, $1.000000000e+00;
	vm12 =	vlt.f32 v8, $1.000000000e+00  }
0x2a4: {  	vm14 =	vlt.f32 v5, $1.000000000e+00;
	vm10 =	vlt.f32 v13, $1.000000000e+00;
	vm0 =	vnez.u8 v2  }
0x2a5: {  	vm8 =	vlt.f32 v4, $1.000000000e+00;
	v15 =	vsel vm0, $0x3F800000, v6;
	vm0 =	vlt.f32 v14, $1.000000000e+00  }
0x2a6: {  	v19 =	vadd.f32 v26, v26;
	vm10 =	vmand vm1, vm10;
	v18 =	vsel vm0, $0xFFFFFFFF, v18  }
0x2a7: {  	v2 =	vsel vm15, $0x3F800000, v24;
	vm0 =	vlt.f32 v15, $1.000000000e+00;
	[tilespmem:$0x1FDF0] =	vst v18;
	v18 =	vimm.s32 $0x0  }
0x2a8: {  	vm15 =	vmand vm1, vm2;
	vm2 =	vmand vm5, vm3;
	v18 =	vsel vm0, $0xFFFFFFFF, v18  }
0x2a9: {  	vm3 =	vlt.f32 v3, $1.000000000e+00;
	v6 =	vsel vm11, $0x3F800000, v20;
	[tilespmem:$0x1FE00] =	vst v18;
	v18 =	vimm.s32 $0x0  }
0x2aa: {  	vm11 =	vlt.f32 v12, $1.000000000e+00;
	vm13 =	vlt.f32 v2, $1.000000000e+00;
	v18 =	vsel vm8, $0xFFFFFFFF, v18  }
0x2ab: {  	s29 =	sadd.s32 $0x1, s29;
	vm7 =	vlt.f32 v6, $1.000000000e+00;
	vm0 =	vlt.f32 v7, $1.000000000e+00;
	[tilespmem:$0x1FE10] =	vst v18;
	v18 =	vadd.f32 v25, v25  }
.LBB2_17:
0x2ac: {  	v20 =	vld [tilespmem:$0x1FDF0];
	_ =	sdelay $0x3  }
0x2ad: {  	vm8 =	vmmov vm7;
	vm7 =	vmmov vm6  }
0x2ae: {  	vm6 =	vmmov vm4;
	vm4 =	vmmov vm0;
	vm0 =	vnez.u8 v20  }
0x2af: {  	v20 =	vimm.s32 $0x0;
	vm0 =	vmand vm5, vm0  }
0x2b0: {  	v20 =	vsel vm0, $0xFFFFFFFF, v20  }
0x2b1: {  	[tilespmem:$0x1FD30] =	vst v20;
	v20 =	vld [tilespmem:$0x1FE00];
	_ =	sdelay $0x4  }
0x2b2: {  	vm4 =	vmand vm5, vm4;
	vm0 =	vnez.u8 v20;
	v20 =	vimm.s32 $0x0  }
0x2b3: {  	vm9 =	vmand vm1, vm9;
	v20 =	vsel vm4, $0xFFFFFFFF, v20  }
0x2b4: {  	vm11 =	vmand vm1, vm11;
	vm12 =	vmand vm1, vm12;
	vm14 =	vmand vm1, vm14;
	[tilespmem:$0x1FD40] =	vst v20;
	v20 =	vld [tilespmem:$0x1FE10]  }
0x2b5: {  	v16 =	vsel vm15, $0x0, v16;
	v17 =	vsel vm2, $0x0, v17;
	vm2 =	vmand vm5, vm13  }
0x2b6: {  	v13 =	vsel vm10, $0x0, v13;
	vm6 =	vmand vm5, vm6;
	vm8 =	vmand vm5, vm8  }
0x2b7: {  	v18 =	vadd.f32 $1.000000000e+00, v18;
	v19 =	vsub.f32 $1.000000000e+00, v19;
	v21 =	vsel vm9, $0x0, v9  }
0x2b8: {  	v12 =	vsel vm11, $0x0, v12;
	v23 =	vsel vm12, $0x0, v8;
	v5 =	vsel vm14, $0x0, v5  }
0x2b9: {  	v16 =	vmul.f32 v16, v18;
	vm4 =	vmand vm5, vm7;
	vm7 =	vnez.u8 v20;
	v20 =	vld [tilespmem:$0x1FD30]  }
0x2ba: {  	v11 =	vsel vm6, $0x0, v11;
	v17 =	vmul.f32 v17, v19;
	v13 =	vmul.f32 v13, v18  }
0x2bb: {  	v2 =	vsel vm2, $0x0, v2;
	v21 =	vmul.f32 v21, v18;
	v11 =	vmul.f32 v11, v19  }
0x2bc: {  	v6 =	vsel vm8, $0x0, v6;
	v12 =	vmul.f32 v12, v18;
	v23 =	vmul.f32 v23, v18  }
0x2bd: {  	v6 =	vmul.f32 v6, v19;
	v16 =	vsub.f32 v16, v17;
	v11 =	vsub.f32 v21, v11  }
0x2be: {  	vm0 =	vmand vm1, vm0;
	vm1 =	vmand vm1, vm3;
	vm3 =	vnez.u8 v20;
	v20 =	vld [tilespmem:$0x1FD40]  }
0x2bf: {  	v5 =	vmul.f32 v5, v18;
	v2 =	vmul.f32 v2, v19  }
0x2c0: {  	v6 =	vsub.f32 v23, v6;
	v16 =	vmax.f32 v16, $0.0e+00;
	v11 =	vmax.f32 v11, $0.0e+00  }
0x2c1: {  	v15 =	vsel vm0, $0x0, v15;
	v22 =	vsel vm4, $0x0, v10;
	v3 =	vsel vm1, $0x0, v3  }
0x2c2: {  	v15 =	vmul.f32 v15, v18;
	v22 =	vmul.f32 v22, v19;
	vm7 =	vmand vm5, vm7  }
0x2c3: {  	v3 =	vmul.f32 v3, v18;
	v4 =	vsel vm7, $0x0, v4;
	vm0 =	vnez.u8 v20  }
0x2c4: {  	v4 =	vmul.f32 v4, v19;
	v14 =	vsel vm3, $0x0, v14;
	v20 =	vsel vm0, $0x0, v7  }
0x2c5: {  	v12 =	vsub.f32 v12, v22;
	v14 =	vmul.f32 v14, v19;
	v20 =	vmul.f32 v20, v19  }
0x2c6: {  	v6 =	vmax.f32 v6, $0.0e+00;
	v2 =	vsub.f32 v3, v2;
	v4 =	vsub.f32 v5, v4  }
0x2c7: {  	v12 =	vmax.f32 v12, $0.0e+00;
	v13 =	vsub.f32 v13, v14;
	v14 =	vsub.f32 v15, v20  }
0x2c8: {  	s26 =	sadd.s32 $0x80, s26;
	v2 =	vmax.f32 v2, $0.0e+00;
	v6 =	vadd.f32 v6, v12;
	v4 =	vmax.f32 v4, $0.0e+00  }
0x2c9: {  	v3 =	vld [tilespmem:s26+$0x20];
	v2 =	vadd.f32 v2, v4;
	v5 =	vmax.f32 v13, $0.0e+00;
	v13 =	vmax.f32 v14, $0.0e+00  }
0x2ca: {  	s28 =	sadd.s32 $0x80, s28;
	v5 =	vadd.f32 v5, v16;
	v15 =	vmov s29;
	v11 =	vadd.f32 v11, v13  }
0x2cb: {  	v61 =	vld [tilespmem:s28+$0x20]  }
0x2cc: {  	v62 =	vld [tilespmem:s26+$0x30];
	v2 =	vadd.f32 v2, v6;
	v5 =	vadd.f32 v11, v5  }
0x2cd: {  	v63 =	vld [tilespmem:s28+$0x30]  }
0x2ce: {  	v7 =	vld [tilespmem:s26+$0xFFFFFFC0];
	vm0 =	vgt.f32 v3, $0.0e+00;
	v2 =	vadd.f32 v2, v5;
	v5 =	vimm.s32 $0x0  }
0x2cf: {  	v4 =	vld.idx.msk [tilespmem:v15+s3+$0x0], $0xffff;
	v5 =	vsel vm0, $0xFFFFFFFF, v5  }
0x2d0: {  	vm0 =	vgt.f32 v61, $0.0e+00;
	[tilespmem:$0x1FD50] =	vst v5;
	v5 =	vimm.s32 $0x0;
	v1 =	vadd.f32 v2, v1  }
0x2d1: {  	v2 =	vimm.s32 $0x0;
	v5 =	vsel vm0, $0xFFFFFFFF, v5;
	vm0 =	vgt.f32 v62, $0.0e+00  }
0x2d2: {  	v2 =	vsel vm0, $0xFFFFFFFF, v2  }
0x2d3: {  	vm0 =	vgt.f32 v63, $0.0e+00;
	[tilespmem:$0x1FD70] =	vst v2;
	v2 =	vimm.s32 $0x0  }
0x2d4: {  	vm2 =	vgt.f32 v7, $0.0e+00;
	v2 =	vsel vm0, $0xFFFFFFFF, v2;
	vm0 =	veq.s32 v4, $0x1869F  }
0x2d5: {  	[tilespmem:$0x1FD60] =	vst v5;
	v5 =	vimm.s32 $0x0;
	vm2 =	vmand vm0, vm2  }
0x2d6: {  	v5 =	vsel vm2, $0xFFFFFFFF, v5  }
0x2d7: {  	[tilespmem:$0x1FD90] =	vst v5;
	v5 =	vld [tilespmem:$0x1FD50];
	_ =	sdelay $0x1  }
0x2d8: {  	v9 =	vld [tilespmem:s28+$0xFFFFFFC0]  }
0x2d9: {  	v8 =	vld [tilespmem:s28+$0xFFFFFFD0]  }
0x2da: {  	v24 =	vld [tilespmem:s26+$0xFFFFFFE0]  }
0x2db: {  	v25 =	vld [tilespmem:s28+$0xFFFFFFE0];
	vm2 =	vnez.u8 v5  }
0x2dc: {  	v26 =	vld [tilespmem:s26+$0xFFFFFFF0];
	v5 =	vimm.s32 $0x0;
	vm2 =	vmand vm0, vm2  }
0x2dd: {  	v12 =	vld.idx.msk [tilespmem:v15+s10+$0x0], $0xffff;
	v5 =	vsel vm2, $0xFFFFFFFF, v5  }
0x2de: {  	[tilespmem:$0x1FDA0] =	vst v5;
	v5 =	vld [tilespmem:$0x1FD60]  }
0x2df: {  	v27 =	vld [tilespmem:s28+$0xFFFFFFF0]  }
0x2e0: {  	v28 =	vld [tilespmem:s26+$0x0]  }
0x2e1: {  	v10 =	vld [tilespmem:s26+$0xFFFFFFD0]  }
0x2e2: {  	v18 =	vld [tilespmem:s28+$0x0]  }
0x2e3: {  	v19 =	vld [tilespmem:s26+$0x10];
	vm4 =	veq.s32 v12, $0x1869F;
	vm2 =	vnez.u8 v5  }
0x2e4: {  	v20 =	vld [tilespmem:s28+$0x10];
	v5 =	vimm.s32 $0x0;
	vm2 =	vmand vm4, vm2  }
0x2e5: {  	v6 =	vld.idx.msk [tilespmem:v15+s11+$0x0], $0xffff;
	v5 =	vsel vm2, $0xFFFFFFFF, v5  }
0x2e6: {  	vm8 =	vgt.f32 v24, $0.0e+00;
	vm9 =	vgt.f32 v25, $0.0e+00;
	vm10 =	vgt.f32 v26, $0.0e+00;
	[tilespmem:$0x1FDB0] =	vst v5;
	v5 =	vld [tilespmem:$0x1FD70]  }
0x2e7: {  	vm11 =	vgt.f32 v27, $0.0e+00;
	vm12 =	vgt.f32 v28, $0.0e+00;
	vm6 =	vgt.f32 v10, $0.0e+00  }
0x2e8: {  	vm15 =	vgt.f32 v18, $0.0e+00;
	vm7 =	vgt.f32 v8, $0.0e+00;
	vm3 =	vgt.f32 v9, $0.0e+00  }
0x2e9: {  	vm13 =	vgt.f32 v19, $0.0e+00;
	vm14 =	vgt.f32 v20, $0.0e+00;
	vm1 =	veq.s32 v4, $0x1869E  }
0x2ea: {  	vm5 =	veq.s32 v12, $0x1869E;
	vm3 =	vmand vm4, vm3;
	vm7 =	vmand vm4, vm7;
	[tilespmem:$0x1FD80] =	vst v2  }
0x2eb: {  	vm9 =	vmand vm4, vm9;
	v2 =	vshra.s32 v6, $0x1;
	vm2 =	vnez.u8 v5;
	v5 =	vld [tilespmem:$0x1FD80]  }
0x2ec: {  	vm11 =	vmand vm4, vm11;
	vm15 =	vmand vm4, vm15;
	v29 =	vcvt.s32.f32 v2;
	v2 =	vld [tilespmem:$0x1FD90]  }
0x2ed: {  	vm14 =	vmand vm4, vm14;
	v17 =	vsel vm3, $0x3F800000, v9;
	v14 =	vsel vm7, $0x3F800000, v8  }
0x2ee: {  	v11 =	vsel vm11, $0x3F800000, v27;
	v4 =	vand.u32 $0x1, v6;
	vm6 =	vmand vm0, vm6  }
0x2ef: {  	vm8 =	vmand vm0, vm8;
	vm10 =	vmand vm0, vm10;
	vm12 =	vmand vm0, vm12  }
0x2f0: {  	vm13 =	vmand vm0, vm13;
	vm0 =	vmand vm0, vm2;
	vm2 =	vnez.u8 v5  }
0x2f1: {  	v30 =	vcvt.s32.f32 v4;
	vm4 =	vmand vm4, vm2;
	vm2 =	vnez.u8 v2;
	v2 =	vld [tilespmem:$0x1FDA0]  }
0x2f2: {  	v6 =	vsel vm14, $0x3F800000, v20;
	v13 =	vsel vm6, $0x3F800000, v10;
	v15 =	vsel vm8, $0x3F800000, v24  }
0x2f3: {  	v9 =	vsel vm10, $0x3F800000, v26;
	v12 =	vsel vm12, $0x3F800000, v28;
	v10 =	vsel vm15, $0x3F800000, v18  }
0x2f4: {  	v8 =	vsel vm13, $0x3F800000, v19;
	vm10 =	vlt.f32 v17, $1.000000000e+00;
	v18 =	vimm.s32 $0x0  }
0x2f5: {  	vm7 =	vlt.f32 v6, $1.000000000e+00;
	vm8 =	vlt.f32 v13, $1.000000000e+00;
	vm11 =	vlt.f32 v12, $1.000000000e+00  }
0x2f6: {  	vm6 =	vlt.f32 v10, $1.000000000e+00;
	v16 =	vsel vm2, $0x3F800000, v7;
	vm2 =	vnez.u8 v2;
	v2 =	vld [tilespmem:$0x1FDB0]  }
0x2f7: {  	v5 =	vsel vm2, $0x3F800000, v3;
	v3 =	vsel vm0, $0x3F800000, v62;
	vm0 =	vlt.f32 v14, $1.000000000e+00  }
0x2f8: {  	vm12 =	vlt.f32 v8, $1.000000000e+00;
	v19 =	vadd.f32 v30, v30;
	v18 =	vsel vm0, $0xFFFFFFFF, v18  }
0x2f9: {  	v7 =	vsel vm9, $0x3F800000, v25;
	vm0 =	vlt.f32 v15, $1.000000000e+00;
	[tilespmem:$0x1FDF0] =	vst v18;
	v18 =	vimm.s32 $0x0  }
0x2fa: {  	p0 =	seq.s32 s29, $0x17F;
	vm9 =	vlt.f32 v9, $1.000000000e+00;
	vm14 =	vlt.f32 v5, $1.000000000e+00;
	v18 =	vsel vm0, $0xFFFFFFFF, v18  }
.Ltmp11:
0x2fb: {  	vm0 =	vlt.f32 v7, $1.000000000e+00;
	vm2 =	vnez.u8 v2;
	v2 =	vsel vm4, $0x3F800000, v63;
	(pc) =	sbr.rel @!p0 .LBB2_17-.Ltmp11, $4  }
0x2fc: {  	[tilespmem:$0x1FE00] =	vst v18;
	vm4 =	vlt.f32 v11, $1.000000000e+00;
	v18 =	vimm.s32 $0x0;
	v4 =	vsel vm2, $0x3F800000, v61  }
0x2fd: {  	vm2 =	vlt.f32 v16, $1.000000000e+00;
	vm13 =	vlt.f32 v2, $1.000000000e+00;
	vm3 =	vlt.f32 v4, $1.000000000e+00  }
0x2fe: {  	vm15 =	vmand vm1, vm2;
	vm2 =	vmand vm5, vm10;
	v18 =	vsel vm3, $0xFFFFFFFF, v18  }
0x2ff: {  	s29 =	sadd.s32 $0x1, s29;
	vm10 =	vmand vm1, vm8;
	vm3 =	vlt.f32 v3, $1.000000000e+00;
	[tilespmem:$0x1FE10] =	vst v18;
	v18 =	vadd.f32 v29, v29  }
0x300: {  	vm9 =	vmand vm1, vm9;
	vm11 =	vmand vm1, vm11;
	vm12 =	vmand vm1, vm12  }
0x301: {  	v20 =	vld [tilespmem:$0x1FE00];
	vm14 =	vmand vm1, vm14;
	v16 =	vsel vm15, $0x0, v16;
	v19 =	vsub.f32 $1.000000000e+00, v19  }
0x302: {  	v17 =	vsel vm2, $0x0, v17;
	v58 =	vld [tilespmem:$0x1FDF0];
	v13 =	vsel vm10, $0x0, v13;
	v18 =	vadd.f32 $1.000000000e+00, v18  }
0x303: {  	v9 =	vsel vm9, $0x0, v9;
	v12 =	vsel vm11, $0x0, v12;
	v17 =	vmul.f32 v17, v19  }
0x304: {  	v59 =	vld [tilespmem:$0x1FE10];
	v8 =	vsel vm12, $0x0, v8;
	v16 =	vmul.f32 v16, v18;
	v13 =	vmul.f32 v13, v18  }
0x305: {  	v5 =	vsel vm14, $0x0, v5;
	v9 =	vmul.f32 v9, v18;
	v12 =	vmul.f32 v12, v18  }
0x306: {  	v8 =	vmul.f32 v8, v18;
	v5 =	vmul.f32 v5, v18;
	vm8 =	vnez.u8 v20  }
0x307: {  	vm15 =	vnez.u8 v58;
	v16 =	vsub.f32 v16, v17;
	vm8 =	vmand vm1, vm8  }
0x308: {  	vm1 =	vmand vm1, vm3;
	vm2 =	vmand vm5, vm15;
	vm3 =	vmand vm5, vm0  }
0x309: {  	vm0 =	vmand vm5, vm4;
	vm4 =	vmand vm5, vm6;
	vm15 =	vnez.u8 v59  }
0x30a: {  	vm6 =	vmand vm5, vm7;
	vm7 =	vmand vm5, vm15;
	vm15 =	vmand vm5, vm13  }
0x30b: {  	v14 =	vsel vm2, $0x0, v14;
	v15 =	vsel vm8, $0x0, v15;
	v7 =	vsel vm3, $0x0, v7  }
0x30c: {  	v11 =	vsel vm0, $0x0, v11;
	v10 =	vsel vm4, $0x0, v10;
	v6 =	vsel vm6, $0x0, v6  }
0x30d: {  	v3 =	vsel vm1, $0x0, v3;
	v14 =	vmul.f32 v14, v19;
	v15 =	vmul.f32 v15, v18  }
0x30e: {  	v7 =	vmul.f32 v7, v19;
	v11 =	vmul.f32 v11, v19;
	v4 =	vsel vm7, $0x0, v4  }
0x30f: {  	v10 =	vmul.f32 v10, v19;
	v6 =	vmul.f32 v6, v19;
	v2 =	vsel vm15, $0x0, v2  }
0x310: {  	v3 =	vmul.f32 v3, v18;
	v4 =	vmul.f32 v4, v19;
	v13 =	vsub.f32 v13, v14  }
0x311: {  	v2 =	vmul.f32 v2, v19;
	v7 =	vsub.f32 v15, v7;
	v9 =	vsub.f32 v9, v11  }
0x312: {  	v10 =	vsub.f32 v12, v10;
	v6 =	vsub.f32 v8, v6  }
0x313: {  	v60 =	vmax.f32 v16, $0.0e+00;
	v4 =	vsub.f32 v5, v4;
	v2 =	vsub.f32 v3, v2  }
0x314: {  	v3 =	vmax.f32 v13, $0.0e+00;
	v61 =	vmax.f32 v7, $0.0e+00;
	v62 =	vmax.f32 v9, $0.0e+00  }
0x315: {  	v63 =	vmax.f32 v10, $0.0e+00;
	v6 =	vmax.f32 v6, $0.0e+00;
	v4 =	vmax.f32 v4, $0.0e+00  }
0x316: {  	v2 =	vmax.f32 v2, $0.0e+00;
	v3 =	vadd.f32 v3, v60;
	v5 =	vadd.f32 v62, v61  }
0x317: {  	v6 =	vadd.f32 v6, v63;
	v2 =	vadd.f32 v2, v4;
	_ =	sdelay $0x1  }
.Ltmp12:
0x318: {  	v3 =	vadd.f32 v5, v3;
	v2 =	vadd.f32 v2, v6;
	(pc) =	sbr.rel .LBB2_22-.Ltmp12, $3  }
0x319: {  	_ = 	snop  }
0x31a: {  	v2 =	vadd.f32 v2, v3;
	_ =	sdelay $0x1  }
0x31b: {  	v1 =	vadd.f32 v2, v1  }
.LBB2_19:
0x31c: {  	v2 =	vmov s29;
	_ =	sdelay $0x2  }
0x31d: {  	v10 =	vld [tilespmem:s28+$0xFFFFFFC0]  }
0x31e: {  	v3 =	vld [tilespmem:s28+$0x10]  }
0x31f: {  	v2 =	vld.idx.msk [tilespmem:v2+s11+$0x0], $0xffff  }
0x320: {  	v4 =	vld [tilespmem:s28+$0x30]  }
0x321: {  	v7 =	vld [tilespmem:s28+$0x20]  }
0x322: {  	v8 =	vld [tilespmem:s26+$0x20]  }
0x323: {  	v6 =	vld [tilespmem:s26+$0xFFFFFFD0]  }
0x324: {  	v11 =	vld [tilespmem:s26+$0xFFFFFFC0];
	v5 =	vshra.s32 v2, $0x1  }
0x325: {  	v12 =	vld [tilespmem:s26+$0x30];
	v2 =	vand.u32 $0x1, v2;
	v5 =	vcvt.s32.f32 v5  }
0x326: {  	v13 =	vld [tilespmem:s28+$0xFFFFFFF0];
	v2 =	vcvt.s32.f32 v2  }
0x327: {  	v14 =	vld [tilespmem:s28+$0x0];
	v5 =	vadd.f32 v5, v5  }
0x328: {  	s29 =	simm.s32 $0x101;
	v17 =	vld [tilespmem:s26+$0xFFFFFFF0];
	v2 =	vadd.f32 v2, v2  }
0x329: {  	v18 =	vld [tilespmem:s26+$0x10];
	v15 =	vmov s29;
	v16 =	vadd.f32 $1.000000000e+00, v5  }
0x32a: {  	v21 =	vld [tilespmem:s28+$0xFFFFFFD0];
	v19 =	vsub.f32 $1.000000000e+00, v2  }
0x32b: {  	v22 =	vld [tilespmem:s26+$0xFFFFFFE0];
	v5 =	vmul.f32 v16, v11;
	v6 =	vmul.f32 v16, v6  }
0x32c: {  	v11 =	vld [tilespmem:s28+$0xFFFFFFE0];
	v20 =	vmul.f32 v12, v16;
	v12 =	vmul.f32 v7, v19  }
0x32d: {  	v9 =	vld [tilespmem:s26+$0x0];
	v8 =	vmul.f32 v8, v16;
	v23 =	vmul.f32 v13, v19  }
0x32e: {  	s26 =	simm.s32 $0x46C0;
	v24 =	vld.idx.msk [tilespmem:v15+s11+$0x0], $0xffff;
	v4 =	vmul.f32 v4, v19;
	v7 =	vmul.f32 v14, v19  }
0x32f: {  	v2 =	vld [tilespmem:s26+$0xFFFFFFC0];
	v17 =	vmul.f32 v17, v16;
	s28 =	simm.s32 $0x6C0;
	v18 =	vmul.f32 v18, v16  }
0x330: {  	v25 =	vmul.f32 v3, v19;
	v15 =	vmul.f32 v21, v19;
	v13 =	vsub.f32 v8, v12;
	v8 =	vld [tilespmem:s28+$0x0]  }
0x331: {  	v3 =	vld [tilespmem:s26+$0x10];
	v14 =	vmul.f32 v22, v16;
	v12 =	vmul.f32 v11, v19;
	v11 =	vsub.f32 v20, v4  }
0x332: {  	v17 =	vsub.f32 v17, v23;
	v18 =	vsub.f32 v18, v25;
	v20 =	vmax.f32 v13, $0.0e+00;
	v4 =	vld [tilespmem:s26+$0x30]  }
0x333: {  	v13 =	vmul.f32 v9, v16;
	v9 =	vld [tilespmem:s26+$0x20];
	v16 =	vmul.f32 v19, v10;
	v11 =	vmax.f32 v11, $0.0e+00  }
0x334: {  	s29 =	simm.s32 $0x102;
	v19 =	vshra.s32 v24, $0x1;
	v10 =	vadd.f32 v11, v20;
	v20 =	vand.u32 $0x1, v24;
	v11 =	vld [tilespmem:s28+$0x20]  }
.LBB2_20:
0x335: {  	p0 =	sne.s32 s29, $0x17F;
	v19 =	vcvt.s32.f32 v19;
	v20 =	vcvt.s32.f32 v20;
	v21 =	vld [tilespmem:s28+$0xFFFFFFD0];
	v17 =	vmax.f32 v17, $0.0e+00;
	v22 =	vmovc v8;
	s30 =	smov.u32 s29;
	s29 =	sadd.s32 $0x1, s29  }
0x336: {  	v5 =	vsub.f32 v5, v16;
	v6 =	vsub.f32 v6, v15;
	v8 =	vld [tilespmem:s28+$0xFFFFFFC0];
	v15 =	vmax.f32 v18, $0.0e+00  }
0x337: {  	v12 =	vsub.f32 v14, v12;
	v16 =	vadd.f32 v19, v19;
	v18 =	vld [tilespmem:s28+$0x30]  }
0x338: {  	v7 =	vsub.f32 v13, v7;
	v14 =	vadd.f32 v20, v20;
	v6 =	vmax.f32 v6, $0.0e+00;
	v19 =	vld [tilespmem:s26+$0xFFFFFFF0]  }
0x339: {  	v5 =	vmax.f32 v5, $0.0e+00;
	v12 =	vmax.f32 v12, $0.0e+00;
	v13 =	vadd.f32 $1.000000000e+00, v16;
	v16 =	vld [tilespmem:s26+$0x0]  }
0x33a: {  	v20 =	vmov s30;
	v7 =	vmax.f32 v7, $0.0e+00;
	v24 =	vadd.f32 v6, v5;
	v23 =	vld [tilespmem:s28+$0xFFFFFFF0]  }
0x33b: {  	v7 =	vadd.f32 v15, v7;
	v25 =	vsub.f32 $1.000000000e+00, v14;
	v5 =	vmul.f32 v13, v8;
	v8 =	vld [tilespmem:s28+$0x10]  }
0x33c: {  	v12 =	vadd.f32 v17, v12;
	v6 =	vmul.f32 v13, v21;
	v14 =	vld [tilespmem:s26+$0xFFFFFFE0];
	v15 =	vmul.f32 v18, v13  }
0x33d: {  	v10 =	vadd.f32 v10, v7;
	v9 =	vmul.f32 v9, v25;
	v17 =	vld [tilespmem:s26+$0xFFFFFFD0];
	v18 =	vmul.f32 v19, v25  }
0x33e: {  	v12 =	vadd.f32 v12, v24;
	v11 =	vmul.f32 v11, v13;
	v19 =	vld [tilespmem:s28+$0xFFFFFFE0];
	v7 =	vmul.f32 v16, v25  }
0x33f: {  	v4 =	vmul.f32 v4, v25;
	s26 =	sadd.s32 $0x80, s26;
	v20 =	vld.idx.msk [tilespmem:v20+s11+$0x0], $0xffff;
	v21 =	vmul.f32 v23, v13  }
0x340: {  	v10 =	vadd.f32 v10, v12;
	v9 =	vsub.f32 v11, v9;
	s28 =	sadd.s32 $0x80, s28;
	v23 =	vld [tilespmem:s26+$0xFFFFFFC0];
	v24 =	vmul.f32 v8, v13  }
.Ltmp13:
0x341: {  	v26 =	vmul.f32 v3, v25;
	v11 =	vsub.f32 v15, v4;
	v8 =	vld [tilespmem:s28+$0x0];
	v12 =	vmul.f32 v14, v25;
	(pc) =	sbr.rel @p0 .LBB2_20-.Ltmp13, $4  }
0x342: {  	v1 =	vadd.f32 v10, v1;
	v27 =	vmax.f32 v9, $0.0e+00;
	v3 =	vld [tilespmem:s26+$0x10];
	v15 =	vmul.f32 v17, v25  }
0x343: {  	v10 =	vmax.f32 v11, $0.0e+00;
	v4 =	vld [tilespmem:s26+$0x30];
	v14 =	vmul.f32 v19, v13;
	v13 =	vmul.f32 v22, v13  }
0x344: {  	v16 =	vmul.f32 v25, v2;
	v10 =	vadd.f32 v10, v27;
	v17 =	vsub.f32 v21, v18;
	v9 =	vld [tilespmem:s26+$0x20]  }
0x345: {  	v18 =	vsub.f32 v24, v26;
	v19 =	vshra.s32 v20, $0x1;
	v20 =	vand.u32 $0x1, v20;
	v11 =	vld [tilespmem:s28+$0x20];
	v2 =	vmovc v23  }
0x346: {  	v21 =	vld [tilespmem:s28+$0xFFFFFFD0]  }
0x347: {  	v22 =	vld [tilespmem:s28+$0xFFFFFFC0]  }
0x348: {  	v19 =	vcvt.s32.f32 v19;
	v23 =	vld [tilespmem:s28+$0x30]  }
0x349: {  	v20 =	vcvt.s32.f32 v20;
	v5 =	vsub.f32 v5, v16;
	v44 =	vld [tilespmem:s26+$0xFFFFFFF0]  }
0x34a: {  	v6 =	vsub.f32 v6, v15;
	v47 =	vld [tilespmem:s26+$0x0];
	v46 =	vadd.f32 v19, v19  }
0x34b: {  	v17 =	vmax.f32 v17, $0.0e+00;
	v12 =	vsub.f32 v14, v12;
	v49 =	vld [tilespmem:s28+$0xFFFFFFF0];
	v48 =	vadd.f32 v20, v20  }
0x34c: {  	v7 =	vsub.f32 v13, v7;
	v50 =	vld [tilespmem:s28+$0x10];
	v45 =	vmax.f32 v18, $0.0e+00;
	v18 =	vadd.f32 $1.000000000e+00, v46  }
0x34d: {  	v52 =	vld [tilespmem:s26+$0xFFFFFFE0];
	v6 =	vmax.f32 v6, $0.0e+00;
	v5 =	vmax.f32 v5, $0.0e+00;
	v51 =	vsub.f32 $1.000000000e+00, v48  }
0x34e: {  	v54 =	vld [tilespmem:s26+$0xFFFFFFD0];
	v12 =	vmax.f32 v12, $0.0e+00;
	v22 =	vmul.f32 v18, v22;
	v53 =	vmul.f32 v18, v21  }
0x34f: {  	v55 =	vld [tilespmem:s28+$0xFFFFFFE0];
	v7 =	vmax.f32 v7, $0.0e+00;
	v23 =	vmul.f32 v23, v18;
	v15 =	vmul.f32 v44, v51  }
0x350: {  	v5 =	vadd.f32 v6, v5;
	v9 =	vmul.f32 v9, v51;
	v56 =	vmul.f32 v11, v18  }
0x351: {  	v7 =	vadd.f32 v45, v7;
	v57 =	vmul.f32 v47, v51;
	v4 =	vmul.f32 v4, v51  }
0x352: {  	v12 =	vadd.f32 v17, v12;
	v58 =	vmul.f32 v49, v18;
	v59 =	vmul.f32 v50, v18  }
0x353: {  	v7 =	vadd.f32 v10, v7;
	v60 =	vmul.f32 v52, v51;
	v3 =	vmul.f32 v3, v51  }
0x354: {  	v5 =	vadd.f32 v12, v5;
	v61 =	vmul.f32 v54, v51;
	v17 =	vmul.f32 v55, v18  }
0x355: {  	v2 =	vmul.f32 v51, v2;
	v9 =	vsub.f32 v56, v9;
	v4 =	vsub.f32 v23, v4  }
0x356: {  	v8 =	vmul.f32 v8, v18;
	v62 =	vsub.f32 v58, v15;
	v3 =	vsub.f32 v59, v3  }
0x357: {  	v2 =	vsub.f32 v22, v2;
	v63 =	vsub.f32 v53, v61  }
0x358: {  	v10 =	vsub.f32 v17, v60;
	v8 =	vsub.f32 v8, v57;
	v9 =	vmax.f32 v9, $0.0e+00  }
0x359: {  	v4 =	vmax.f32 v4, $0.0e+00;
	v6 =	vmax.f32 v62, $0.0e+00;
	v3 =	vmax.f32 v3, $0.0e+00  }
0x35a: {  	v2 =	vmax.f32 v2, $0.0e+00;
	v10 =	vmax.f32 v10, $0.0e+00;
	v8 =	vmax.f32 v8, $0.0e+00  }
0x35b: {  	v4 =	vadd.f32 v4, v9;
	v9 =	vmax.f32 v63, $0.0e+00;
	v3 =	vadd.f32 v3, v8  }
0x35c: {  	v6 =	vadd.f32 v6, v10;
	v2 =	vadd.f32 v9, v2  }
0x35d: {  	v5 =	vadd.f32 v7, v5  }
0x35e: {  	v3 =	vadd.f32 v4, v3;
	v2 =	vadd.f32 v6, v2;
	_ =	sdelay $0x1  }
0x35f: {  	v1 =	vadd.f32 v5, v1;
	v2 =	vadd.f32 v3, v2;
	_ =	sdelay $0x1  }
0x360: {  	v1 =	vadd.f32 v2, v1  }
.LBB2_22:
0x361: {  	_ =	swait.ge [sflag:s21], $0x4000  }
0x362: {  	[sflag:s21] =	ssyncset.done $0x0  }
0x363: {  	[sflag:s21] =	ssyncadd.s32 $0xFFFFC000  }
0x364: {  	_ =	swait.ge [sflag:s21], $0x4000  }
0x365: {  	[sflag:s21] =	ssyncset.done $0x0  }
0x366: {  	[sflag:s21] =	ssyncadd.s32 $0xFFFFC000  }
0x367: {  	v2 =	vld [tilespmem:$0x180]  }
0x368: {  	v3 =	vld [tilespmem:$0x380]  }
0x369: {  	v4 =	vld [tilespmem:$0x190]  }
0x36a: {  	v5 =	vld [tilespmem:$0x390]  }
0x36b: {  	v6 =	vld [tilespmem:$0x1A0]  }
0x36c: {  	v7 =	vld [tilespmem:$0x3A0]  }
0x36d: {  	vm0 =	vgt.s32 v2, $0x1869D;
	vm1 =	vgt.s32 v3, $0x1869D;
	v2 =	vld [tilespmem:$0x1B0]  }
0x36e: {  	vm14 =	vgt.s32 v4, $0x1869D;
	v3 =	vld [tilespmem:$0x3B0];
	vm0 =	vmor vm0, vm1  }
0x36f: {  	v58 =	vld [tilespmem:$0x1C0];
	vm15 =	vgt.s32 v5, $0x1869D;
	vm0 =	vmor vm0, vm14  }
0x370: {  	v59 =	vld [tilespmem:$0x3C0];
	vm4 =	vgt.s32 v6, $0x1869D;
	vm0 =	vmor vm0, vm15  }
0x371: {  	v60 =	vld [tilespmem:$0x1D0];
	vm5 =	vgt.s32 v7, $0x1869D;
	vm0 =	vmor vm0, vm4  }
0x372: {  	vm0 =	vmor vm0, vm5;
	vm6 =	vgt.s32 v2, $0x1869D;
	v2 =	vld [tilespmem:$0x3D0]  }
0x373: {  	vm7 =	vgt.s32 v3, $0x1869D;
	v3 =	vld [tilespmem:$0x1E0];
	vm0 =	vmor vm0, vm6  }
0x374: {  	v61 =	vld [tilespmem:$0x3E0];
	vm8 =	vgt.s32 v58, $0x1869D;
	vm0 =	vmor vm0, vm7  }
0x375: {  	v62 =	vld [tilespmem:$0x1F0];
	vm9 =	vgt.s32 v59, $0x1869D;
	vm0 =	vmor vm0, vm8  }
0x376: {  	v63 =	vld [tilespmem:$0x3F0];
	vm10 =	vgt.s32 v60, $0x1869D;
	vm0 =	vmor vm0, vm9  }
0x377: {  	vm0 =	vmor vm0, vm10;
	vm11 =	vgt.s32 v2, $0x1869D  }
0x378: {  	vm12 =	vgt.s32 v3, $0x1869D;
	vm0 =	vmor vm0, vm11  }
0x379: {  	vm13 =	vgt.s32 v61, $0x1869D;
	vm0 =	vmor vm0, vm12  }
0x37a: {  	vm14 =	vgt.s32 v62, $0x1869D;
	vm0 =	vmor vm0, vm13  }
0x37b: {  	vm15 =	vgt.s32 v63, $0x1869D;
	vm0 =	vmor vm0, vm14  }
0x37c: {  	vm0 =	vmor vm0, vm15  }
0x37d: {  	v2 =	vsel vm0, $0x3F800000, v0  }
0x37e: {  	(xrf0) =	vmax.scan.msk.f32 $0xffff, v2;
	_ =	sdelay $0x5  }
0x37f: {  	v2, _, _ =	vpop (xrf0)  }
0x380: {  	(v2sf) =	vpush v2, $0xF;
	_ =	sdelay $0xe  }
0x381: {  	s26 =	spop (v2sf)  }
0x382: {  	p0 =	sgt.f32 s26, $0.0e+00  }
.Ltmp14:
0x383: {  	_ = 	snop;
	(pc) =	sbr.rel @!p0 .LBB2_26-.Ltmp14, $2  }
0x384: {  	_ =	sdelay $0x2  }
0x385: {  	s29 =	simm.s32 $0x180;
	s28 =	simm.s32 $0xC640;
	s26 =	simm.s32 $0x8640  }
0x386: {  	v2 =	vld [tilespmem:s26+$0xFFFFFFC0]  }
0x387: {  	v3 =	vld [tilespmem:s28+$0xFFFFFFC0]  }
0x388: {  	v4 =	vld [tilespmem:s26+$0xFFFFFFD0]  }
0x389: {  	v5 =	vld [tilespmem:s28+$0xFFFFFFD0]  }
0x38a: {  	v6 =	vld [tilespmem:s26+$0xFFFFFFE0]  }
0x38b: {  	v7 =	vld [tilespmem:s28+$0xFFFFFFE0]  }
0x38c: {  	v8 =	vld [tilespmem:s26+$0xFFFFFFF0]  }
0x38d: {  	v10 =	vld [tilespmem:s28+$0xFFFFFFF0]  }
0x38e: {  	v12 =	vld [tilespmem:s26+$0x0];
	v9 =	vmov s29  }
0x38f: {  	v18 =	vld [tilespmem:s28+$0x0]  }
0x390: {  	v19 =	vld [tilespmem:s26+$0x10]  }
0x391: {  	v20 =	vld [tilespmem:s28+$0x10]  }
0x392: {  	v21 =	vld [tilespmem:s26+$0x20]  }
0x393: {  	v13 =	vimm.s32 $0x0;
	v14 =	vimm.s32 $0x0;
	v11 =	vld.idx.msk [tilespmem:v9+s3+$0x0], $0xffff  }
0x394: {  	v22 =	vld [tilespmem:s26+$0x30];
	vm0 =	vgt.f32 v2, $0.0e+00;
	vm1 =	vgt.f32 v3, $0.0e+00;
	vm2 =	vgt.f32 v4, $0.0e+00  }
0x395: {  	vm3 =	vgt.f32 v5, $0.0e+00;
	vm4 =	vgt.f32 v6, $0.0e+00;
	v13 =	vsel vm1, $0xFFFFFFFF, v13  }
0x396: {  	vm5 =	vgt.f32 v7, $0.0e+00;
	vm6 =	vgt.f32 v8, $0.0e+00;
	vm7 =	vgt.f32 v10, $0.0e+00;
	[tilespmem:$0x1FCD0] =	vst v13;
	v13 =	vld.idx.msk [tilespmem:v9+s10+$0x0], $0xffff  }
0x397: {  	vm8 =	vgt.f32 v12, $0.0e+00;
	vm9 =	vgt.f32 v18, $0.0e+00;
	vm10 =	vgt.f32 v19, $0.0e+00  }
0x398: {  	v23 =	vld [tilespmem:s28+$0x20];
	vm11 =	vgt.f32 v20, $0.0e+00;
	vm12 =	vgt.f32 v21, $0.0e+00;
	vm13 =	veq.s32 v11, $0x1869F  }
0x399: {  	vm14 =	vgt.f32 v22, $0.0e+00;
	v9 =	vld.idx.msk [tilespmem:v9+s11+$0x0], $0xffff;
	vm1 =	vmand vm13, vm0;
	vm0 =	vmand vm13, vm2  }
0x39a: {  	vm6 =	vmand vm13, vm6;
	vm8 =	vmand vm13, vm8;
	vm10 =	vmand vm13, vm10  }
0x39b: {  	vm12 =	vmand vm13, vm12;
	vm15 =	veq.s32 v13, $0x1869F;
	v14 =	vsel vm0, $0xFFFFFFFF, v14  }
0x39c: {  	vm0 =	vmand vm13, vm4;
	vm13 =	vmand vm13, vm14;
	[tilespmem:$0x1FCE0] =	vst v14;
	v14 =	vimm.s32 $0x0  }
0x39d: {  	vm14 =	vgt.f32 v23, $0.0e+00;
	v16 =	vsel vm1, $0x3F800000, v2;
	v14 =	vsel vm0, $0xFFFFFFFF, v14  }
0x39e: {  	vm1 =	veq.s32 v11, $0x1869E;
	v2 =	vshra.s32 v9, $0x1;
	v12 =	vsel vm8, $0x3F800000, v12;
	[tilespmem:$0x1FCF0] =	vst v14;
	v14 =	vld [tilespmem:$0x1FCD0]  }
0x39f: {  	v24 =	vld [tilespmem:s28+$0x30];
	vm3 =	vmand vm15, vm3;
	vm4 =	vmand vm15, vm5;
	vm7 =	vmand vm15, vm7  }
0x3a0: {  	vm9 =	vmand vm15, vm9;
	vm11 =	vmand vm15, vm11;
	v25 =	vcvt.s32.f32 v2;
	v2 =	vld [tilespmem:$0x1FCE0]  }
0x3a1: {  	vm14 =	vmand vm15, vm14;
	vm5 =	veq.s32 v13, $0x1869E;
	v7 =	vsel vm4, $0x3F800000, v7  }
0x3a2: {  	v11 =	vsel vm7, $0x3F800000, v10;
	v10 =	vsel vm9, $0x3F800000, v18;
	v18 =	vimm.s32 $0x0  }
0x3a3: {  	vm4 =	vlt.f32 v11, $1.000000000e+00;
	vm0 =	vnez.u8 v14;
	v14 =	vsel vm3, $0x3F800000, v5  }
0x3a4: {  	v5 =	vsel vm12, $0x3F800000, v21;
	vm2 =	vmand vm15, vm0;
	vm0 =	vgt.f32 v24, $0.0e+00  }
0x3a5: {  	vm15 =	vmand vm15, vm0;
	v17 =	vsel vm2, $0x3F800000, v3;
	vm0 =	vnez.u8 v2;
	v2 =	vld [tilespmem:$0x1FCF0]  }
0x3a6: {  	v3 =	vand.u32 $0x1, v9;
	v9 =	vsel vm6, $0x3F800000, v8;
	v8 =	vsel vm10, $0x3F800000, v19  }
0x3a7: {  	vm2 =	vlt.f32 v16, $1.000000000e+00;
	vm6 =	vlt.f32 v10, $1.000000000e+00;
	v26 =	vcvt.s32.f32 v3  }
0x3a8: {  	v13 =	vsel vm0, $0x3F800000, v4;
	v4 =	vsel vm14, $0x3F800000, v23;
	v3 =	vsel vm13, $0x3F800000, v22  }
0x3a9: {  	vm3 =	vlt.f32 v17, $1.000000000e+00;
	vm9 =	vlt.f32 v9, $1.000000000e+00;
	vm12 =	vlt.f32 v8, $1.000000000e+00  }
0x3aa: {  	vm14 =	vlt.f32 v5, $1.000000000e+00;
	vm10 =	vlt.f32 v13, $1.000000000e+00;
	vm0 =	vnez.u8 v2  }
0x3ab: {  	vm8 =	vlt.f32 v4, $1.000000000e+00;
	v15 =	vsel vm0, $0x3F800000, v6;
	vm0 =	vlt.f32 v14, $1.000000000e+00  }
0x3ac: {  	v19 =	vadd.f32 v26, v26;
	vm10 =	vmand vm1, vm10;
	v18 =	vsel vm0, $0xFFFFFFFF, v18  }
0x3ad: {  	v2 =	vsel vm15, $0x3F800000, v24;
	vm0 =	vlt.f32 v15, $1.000000000e+00;
	[tilespmem:$0x1FD00] =	vst v18;
	v18 =	vimm.s32 $0x0  }
0x3ae: {  	vm15 =	vmand vm1, vm2;
	vm2 =	vmand vm5, vm3;
	v18 =	vsel vm0, $0xFFFFFFFF, v18  }
0x3af: {  	vm3 =	vlt.f32 v3, $1.000000000e+00;
	v6 =	vsel vm11, $0x3F800000, v20;
	[tilespmem:$0x1FD10] =	vst v18;
	v18 =	vimm.s32 $0x0  }
0x3b0: {  	vm11 =	vlt.f32 v12, $1.000000000e+00;
	vm13 =	vlt.f32 v2, $1.000000000e+00;
	v18 =	vsel vm8, $0xFFFFFFFF, v18  }
0x3b1: {  	s29 =	sadd.s32 $0x1, s29;
	vm7 =	vlt.f32 v6, $1.000000000e+00;
	vm0 =	vlt.f32 v7, $1.000000000e+00;
	[tilespmem:$0x1FD20] =	vst v18;
	v18 =	vadd.f32 v25, v25  }
.LBB2_24:
0x3b2: {  	v20 =	vld [tilespmem:$0x1FD00];
	_ =	sdelay $0x3  }
0x3b3: {  	vm8 =	vmmov vm7;
	vm7 =	vmmov vm6  }
0x3b4: {  	vm6 =	vmmov vm4;
	vm4 =	vmmov vm0;
	vm0 =	vnez.u8 v20  }
0x3b5: {  	v20 =	vimm.s32 $0x0;
	vm0 =	vmand vm5, vm0  }
0x3b6: {  	v20 =	vsel vm0, $0xFFFFFFFF, v20  }
0x3b7: {  	[tilespmem:$0x1FC40] =	vst v20;
	v20 =	vld [tilespmem:$0x1FD10];
	_ =	sdelay $0x4  }
0x3b8: {  	vm4 =	vmand vm5, vm4;
	vm0 =	vnez.u8 v20;
	v20 =	vimm.s32 $0x0  }
0x3b9: {  	vm9 =	vmand vm1, vm9;
	v20 =	vsel vm4, $0xFFFFFFFF, v20  }
0x3ba: {  	vm11 =	vmand vm1, vm11;
	vm12 =	vmand vm1, vm12;
	vm14 =	vmand vm1, vm14;
	[tilespmem:$0x1FC50] =	vst v20;
	v20 =	vld [tilespmem:$0x1FD20]  }
0x3bb: {  	v16 =	vsel vm15, $0x0, v16;
	v17 =	vsel vm2, $0x0, v17;
	vm2 =	vmand vm5, vm13  }
0x3bc: {  	v13 =	vsel vm10, $0x0, v13;
	vm6 =	vmand vm5, vm6;
	vm8 =	vmand vm5, vm8  }
0x3bd: {  	v18 =	vadd.f32 $1.000000000e+00, v18;
	v19 =	vsub.f32 $1.000000000e+00, v19;
	v21 =	vsel vm9, $0x0, v9  }
0x3be: {  	v12 =	vsel vm11, $0x0, v12;
	v23 =	vsel vm12, $0x0, v8;
	v5 =	vsel vm14, $0x0, v5  }
0x3bf: {  	v16 =	vmul.f32 v16, v18;
	vm4 =	vmand vm5, vm7;
	vm7 =	vnez.u8 v20;
	v20 =	vld [tilespmem:$0x1FC40]  }
0x3c0: {  	v11 =	vsel vm6, $0x0, v11;
	v17 =	vmul.f32 v17, v19;
	v13 =	vmul.f32 v13, v18  }
0x3c1: {  	v2 =	vsel vm2, $0x0, v2;
	v21 =	vmul.f32 v21, v18;
	v11 =	vmul.f32 v11, v19  }
0x3c2: {  	v6 =	vsel vm8, $0x0, v6;
	v12 =	vmul.f32 v12, v18;
	v23 =	vmul.f32 v23, v18  }
0x3c3: {  	v6 =	vmul.f32 v6, v19;
	v16 =	vsub.f32 v16, v17;
	v11 =	vsub.f32 v21, v11  }
0x3c4: {  	vm0 =	vmand vm1, vm0;
	vm1 =	vmand vm1, vm3;
	vm3 =	vnez.u8 v20;
	v20 =	vld [tilespmem:$0x1FC50]  }
0x3c5: {  	v5 =	vmul.f32 v5, v18;
	v2 =	vmul.f32 v2, v19  }
0x3c6: {  	v6 =	vsub.f32 v23, v6;
	v16 =	vmax.f32 v16, $0.0e+00;
	v11 =	vmax.f32 v11, $0.0e+00  }
0x3c7: {  	v15 =	vsel vm0, $0x0, v15;
	v22 =	vsel vm4, $0x0, v10;
	v3 =	vsel vm1, $0x0, v3  }
0x3c8: {  	v15 =	vmul.f32 v15, v18;
	v22 =	vmul.f32 v22, v19;
	vm7 =	vmand vm5, vm7  }
0x3c9: {  	v3 =	vmul.f32 v3, v18;
	v4 =	vsel vm7, $0x0, v4;
	vm0 =	vnez.u8 v20  }
0x3ca: {  	v4 =	vmul.f32 v4, v19;
	v14 =	vsel vm3, $0x0, v14;
	v20 =	vsel vm0, $0x0, v7  }
0x3cb: {  	v12 =	vsub.f32 v12, v22;
	v14 =	vmul.f32 v14, v19;
	v20 =	vmul.f32 v20, v19  }
0x3cc: {  	v6 =	vmax.f32 v6, $0.0e+00;
	v2 =	vsub.f32 v3, v2;
	v4 =	vsub.f32 v5, v4  }
0x3cd: {  	v12 =	vmax.f32 v12, $0.0e+00;
	v13 =	vsub.f32 v13, v14;
	v14 =	vsub.f32 v15, v20  }
0x3ce: {  	s26 =	sadd.s32 $0x80, s26;
	v2 =	vmax.f32 v2, $0.0e+00;
	v6 =	vadd.f32 v6, v12;
	v4 =	vmax.f32 v4, $0.0e+00  }
0x3cf: {  	v3 =	vld [tilespmem:s26+$0x20];
	v2 =	vadd.f32 v2, v4;
	v5 =	vmax.f32 v13, $0.0e+00;
	v13 =	vmax.f32 v14, $0.0e+00  }
0x3d0: {  	s28 =	sadd.s32 $0x80, s28;
	v5 =	vadd.f32 v5, v16;
	v15 =	vmov s29;
	v11 =	vadd.f32 v11, v13  }
0x3d1: {  	v61 =	vld [tilespmem:s28+$0x20]  }
0x3d2: {  	v62 =	vld [tilespmem:s26+$0x30];
	v2 =	vadd.f32 v2, v6;
	v5 =	vadd.f32 v11, v5  }
0x3d3: {  	v63 =	vld [tilespmem:s28+$0x30]  }
0x3d4: {  	v7 =	vld [tilespmem:s26+$0xFFFFFFC0];
	vm0 =	vgt.f32 v3, $0.0e+00;
	v2 =	vadd.f32 v2, v5;
	v5 =	vimm.s32 $0x0  }
0x3d5: {  	v4 =	vld.idx.msk [tilespmem:v15+s3+$0x0], $0xffff;
	v5 =	vsel vm0, $0xFFFFFFFF, v5  }
0x3d6: {  	vm0 =	vgt.f32 v61, $0.0e+00;
	[tilespmem:$0x1FC60] =	vst v5;
	v5 =	vimm.s32 $0x0;
	v1 =	vadd.f32 v2, v1  }
0x3d7: {  	v2 =	vimm.s32 $0x0;
	v5 =	vsel vm0, $0xFFFFFFFF, v5;
	vm0 =	vgt.f32 v62, $0.0e+00  }
0x3d8: {  	v2 =	vsel vm0, $0xFFFFFFFF, v2  }
0x3d9: {  	vm0 =	vgt.f32 v63, $0.0e+00;
	[tilespmem:$0x1FC80] =	vst v2;
	v2 =	vimm.s32 $0x0  }
0x3da: {  	vm2 =	vgt.f32 v7, $0.0e+00;
	v2 =	vsel vm0, $0xFFFFFFFF, v2;
	vm0 =	veq.s32 v4, $0x1869F  }
0x3db: {  	[tilespmem:$0x1FC70] =	vst v5;
	v5 =	vimm.s32 $0x0;
	vm2 =	vmand vm0, vm2  }
0x3dc: {  	v5 =	vsel vm2, $0xFFFFFFFF, v5  }
0x3dd: {  	[tilespmem:$0x1FCA0] =	vst v5;
	v5 =	vld [tilespmem:$0x1FC60];
	_ =	sdelay $0x1  }
0x3de: {  	v9 =	vld [tilespmem:s28+$0xFFFFFFC0]  }
0x3df: {  	v8 =	vld [tilespmem:s28+$0xFFFFFFD0]  }
0x3e0: {  	v24 =	vld [tilespmem:s26+$0xFFFFFFE0]  }
0x3e1: {  	v25 =	vld [tilespmem:s28+$0xFFFFFFE0];
	vm2 =	vnez.u8 v5  }
0x3e2: {  	v26 =	vld [tilespmem:s26+$0xFFFFFFF0];
	v5 =	vimm.s32 $0x0;
	vm2 =	vmand vm0, vm2  }
0x3e3: {  	v12 =	vld.idx.msk [tilespmem:v15+s10+$0x0], $0xffff;
	v5 =	vsel vm2, $0xFFFFFFFF, v5  }
0x3e4: {  	[tilespmem:$0x1FCB0] =	vst v5;
	v5 =	vld [tilespmem:$0x1FC70]  }
0x3e5: {  	v27 =	vld [tilespmem:s28+$0xFFFFFFF0]  }
0x3e6: {  	v28 =	vld [tilespmem:s26+$0x0]  }
0x3e7: {  	v10 =	vld [tilespmem:s26+$0xFFFFFFD0]  }
0x3e8: {  	v18 =	vld [tilespmem:s28+$0x0]  }
0x3e9: {  	v19 =	vld [tilespmem:s26+$0x10];
	vm4 =	veq.s32 v12, $0x1869F;
	vm2 =	vnez.u8 v5  }
0x3ea: {  	v20 =	vld [tilespmem:s28+$0x10];
	v5 =	vimm.s32 $0x0;
	vm2 =	vmand vm4, vm2  }
0x3eb: {  	v6 =	vld.idx.msk [tilespmem:v15+s11+$0x0], $0xffff;
	v5 =	vsel vm2, $0xFFFFFFFF, v5  }
0x3ec: {  	vm8 =	vgt.f32 v24, $0.0e+00;
	vm9 =	vgt.f32 v25, $0.0e+00;
	vm10 =	vgt.f32 v26, $0.0e+00;
	[tilespmem:$0x1FCC0] =	vst v5;
	v5 =	vld [tilespmem:$0x1FC80]  }
0x3ed: {  	vm11 =	vgt.f32 v27, $0.0e+00;
	vm12 =	vgt.f32 v28, $0.0e+00;
	vm6 =	vgt.f32 v10, $0.0e+00  }
0x3ee: {  	vm15 =	vgt.f32 v18, $0.0e+00;
	vm7 =	vgt.f32 v8, $0.0e+00;
	vm3 =	vgt.f32 v9, $0.0e+00  }
0x3ef: {  	vm13 =	vgt.f32 v19, $0.0e+00;
	vm14 =	vgt.f32 v20, $0.0e+00;
	vm1 =	veq.s32 v4, $0x1869E  }
0x3f0: {  	vm5 =	veq.s32 v12, $0x1869E;
	vm3 =	vmand vm4, vm3;
	vm7 =	vmand vm4, vm7;
	[tilespmem:$0x1FC90] =	vst v2  }
0x3f1: {  	vm9 =	vmand vm4, vm9;
	v2 =	vshra.s32 v6, $0x1;
	vm2 =	vnez.u8 v5;
	v5 =	vld [tilespmem:$0x1FC90]  }
0x3f2: {  	vm11 =	vmand vm4, vm11;
	vm15 =	vmand vm4, vm15;
	v29 =	vcvt.s32.f32 v2;
	v2 =	vld [tilespmem:$0x1FCA0]  }
0x3f3: {  	vm14 =	vmand vm4, vm14;
	v17 =	vsel vm3, $0x3F800000, v9;
	v14 =	vsel vm7, $0x3F800000, v8  }
0x3f4: {  	v11 =	vsel vm11, $0x3F800000, v27;
	v4 =	vand.u32 $0x1, v6;
	vm6 =	vmand vm0, vm6  }
0x3f5: {  	vm8 =	vmand vm0, vm8;
	vm10 =	vmand vm0, vm10;
	vm12 =	vmand vm0, vm12  }
0x3f6: {  	vm13 =	vmand vm0, vm13;
	vm0 =	vmand vm0, vm2;
	vm2 =	vnez.u8 v5  }
0x3f7: {  	v30 =	vcvt.s32.f32 v4;
	vm4 =	vmand vm4, vm2;
	vm2 =	vnez.u8 v2;
	v2 =	vld [tilespmem:$0x1FCB0]  }
0x3f8: {  	v6 =	vsel vm14, $0x3F800000, v20;
	v13 =	vsel vm6, $0x3F800000, v10;
	v15 =	vsel vm8, $0x3F800000, v24  }
0x3f9: {  	v9 =	vsel vm10, $0x3F800000, v26;
	v12 =	vsel vm12, $0x3F800000, v28;
	v10 =	vsel vm15, $0x3F800000, v18  }
0x3fa: {  	v8 =	vsel vm13, $0x3F800000, v19;
	vm10 =	vlt.f32 v17, $1.000000000e+00;
	v18 =	vimm.s32 $0x0  }
0x3fb: {  	vm7 =	vlt.f32 v6, $1.000000000e+00;
	vm8 =	vlt.f32 v13, $1.000000000e+00;
	vm11 =	vlt.f32 v12, $1.000000000e+00  }
0x3fc: {  	vm6 =	vlt.f32 v10, $1.000000000e+00;
	v16 =	vsel vm2, $0x3F800000, v7;
	vm2 =	vnez.u8 v2;
	v2 =	vld [tilespmem:$0x1FCC0]  }
0x3fd: {  	v5 =	vsel vm2, $0x3F800000, v3;
	v3 =	vsel vm0, $0x3F800000, v62;
	vm0 =	vlt.f32 v14, $1.000000000e+00  }
0x3fe: {  	vm12 =	vlt.f32 v8, $1.000000000e+00;
	v19 =	vadd.f32 v30, v30;
	v18 =	vsel vm0, $0xFFFFFFFF, v18  }
0x3ff: {  	v7 =	vsel vm9, $0x3F800000, v25;
	vm0 =	vlt.f32 v15, $1.000000000e+00;
	[tilespmem:$0x1FD00] =	vst v18;
	v18 =	vimm.s32 $0x0  }
0x400: {  	p0 =	seq.s32 s29, $0x1FF;
	vm9 =	vlt.f32 v9, $1.000000000e+00;
	vm14 =	vlt.f32 v5, $1.000000000e+00;
	v18 =	vsel vm0, $0xFFFFFFFF, v18  }
.Ltmp15:
0x401: {  	vm0 =	vlt.f32 v7, $1.000000000e+00;
	vm2 =	vnez.u8 v2;
	v2 =	vsel vm4, $0x3F800000, v63;
	(pc) =	sbr.rel @!p0 .LBB2_24-.Ltmp15, $4  }
0x402: {  	[tilespmem:$0x1FD10] =	vst v18;
	vm4 =	vlt.f32 v11, $1.000000000e+00;
	v18 =	vimm.s32 $0x0;
	v4 =	vsel vm2, $0x3F800000, v61  }
0x403: {  	vm2 =	vlt.f32 v16, $1.000000000e+00;
	vm13 =	vlt.f32 v2, $1.000000000e+00;
	vm3 =	vlt.f32 v4, $1.000000000e+00  }
0x404: {  	vm15 =	vmand vm1, vm2;
	vm2 =	vmand vm5, vm10;
	v18 =	vsel vm3, $0xFFFFFFFF, v18  }
0x405: {  	s29 =	sadd.s32 $0x1, s29;
	vm10 =	vmand vm1, vm8;
	vm3 =	vlt.f32 v3, $1.000000000e+00;
	[tilespmem:$0x1FD20] =	vst v18;
	v18 =	vadd.f32 v29, v29  }
0x406: {  	vm9 =	vmand vm1, vm9;
	vm11 =	vmand vm1, vm11;
	vm12 =	vmand vm1, vm12  }
0x407: {  	v20 =	vld [tilespmem:$0x1FD10];
	vm14 =	vmand vm1, vm14;
	v16 =	vsel vm15, $0x0, v16;
	v19 =	vsub.f32 $1.000000000e+00, v19  }
0x408: {  	v17 =	vsel vm2, $0x0, v17;
	v58 =	vld [tilespmem:$0x1FD00];
	v13 =	vsel vm10, $0x0, v13;
	v18 =	vadd.f32 $1.000000000e+00, v18  }
0x409: {  	v9 =	vsel vm9, $0x0, v9;
	v12 =	vsel vm11, $0x0, v12;
	v17 =	vmul.f32 v17, v19  }
0x40a: {  	v59 =	vld [tilespmem:$0x1FD20];
	v8 =	vsel vm12, $0x0, v8;
	v16 =	vmul.f32 v16, v18;
	v13 =	vmul.f32 v13, v18  }
0x40b: {  	v5 =	vsel vm14, $0x0, v5;
	v9 =	vmul.f32 v9, v18;
	v12 =	vmul.f32 v12, v18  }
0x40c: {  	v8 =	vmul.f32 v8, v18;
	v5 =	vmul.f32 v5, v18;
	vm8 =	vnez.u8 v20  }
0x40d: {  	vm15 =	vnez.u8 v58;
	v16 =	vsub.f32 v16, v17;
	vm8 =	vmand vm1, vm8  }
0x40e: {  	vm1 =	vmand vm1, vm3;
	vm2 =	vmand vm5, vm15;
	vm3 =	vmand vm5, vm0  }
0x40f: {  	vm0 =	vmand vm5, vm4;
	vm4 =	vmand vm5, vm6;
	vm15 =	vnez.u8 v59  }
0x410: {  	vm6 =	vmand vm5, vm7;
	vm7 =	vmand vm5, vm15;
	vm15 =	vmand vm5, vm13  }
0x411: {  	v14 =	vsel vm2, $0x0, v14;
	v15 =	vsel vm8, $0x0, v15;
	v7 =	vsel vm3, $0x0, v7  }
0x412: {  	v11 =	vsel vm0, $0x0, v11;
	v10 =	vsel vm4, $0x0, v10;
	v6 =	vsel vm6, $0x0, v6  }
0x413: {  	v3 =	vsel vm1, $0x0, v3;
	v14 =	vmul.f32 v14, v19;
	v15 =	vmul.f32 v15, v18  }
0x414: {  	v7 =	vmul.f32 v7, v19;
	v11 =	vmul.f32 v11, v19;
	v4 =	vsel vm7, $0x0, v4  }
0x415: {  	v10 =	vmul.f32 v10, v19;
	v6 =	vmul.f32 v6, v19;
	v2 =	vsel vm15, $0x0, v2  }
0x416: {  	v3 =	vmul.f32 v3, v18;
	v4 =	vmul.f32 v4, v19;
	v13 =	vsub.f32 v13, v14  }
0x417: {  	v2 =	vmul.f32 v2, v19;
	v7 =	vsub.f32 v15, v7;
	v9 =	vsub.f32 v9, v11  }
0x418: {  	v10 =	vsub.f32 v12, v10;
	v6 =	vsub.f32 v8, v6  }
0x419: {  	v60 =	vmax.f32 v16, $0.0e+00;
	v4 =	vsub.f32 v5, v4;
	v2 =	vsub.f32 v3, v2  }
0x41a: {  	v3 =	vmax.f32 v13, $0.0e+00;
	v61 =	vmax.f32 v7, $0.0e+00;
	v62 =	vmax.f32 v9, $0.0e+00  }
0x41b: {  	v63 =	vmax.f32 v10, $0.0e+00;
	v6 =	vmax.f32 v6, $0.0e+00;
	v4 =	vmax.f32 v4, $0.0e+00  }
0x41c: {  	v2 =	vmax.f32 v2, $0.0e+00;
	v3 =	vadd.f32 v3, v60;
	v5 =	vadd.f32 v62, v61  }
0x41d: {  	v6 =	vadd.f32 v6, v63;
	v2 =	vadd.f32 v2, v4;
	_ =	sdelay $0x1  }
.Ltmp16:
0x41e: {  	v3 =	vadd.f32 v5, v3;
	v2 =	vadd.f32 v2, v6;
	(pc) =	sbr.rel .LBB2_29-.Ltmp16, $3  }
0x41f: {  	_ = 	snop  }
0x420: {  	v2 =	vadd.f32 v2, v3;
	_ =	sdelay $0x1  }
0x421: {  	v1 =	vadd.f32 v2, v1  }
.LBB2_26:
0x422: {  	v2 =	vmov s29;
	_ =	sdelay $0x2  }
0x423: {  	v10 =	vld [tilespmem:s28+$0xFFFFFFC0]  }
0x424: {  	v3 =	vld [tilespmem:s28+$0x10]  }
0x425: {  	v2 =	vld.idx.msk [tilespmem:v2+s11+$0x0], $0xffff  }
0x426: {  	v4 =	vld [tilespmem:s28+$0x30]  }
0x427: {  	v7 =	vld [tilespmem:s28+$0x20]  }
0x428: {  	v8 =	vld [tilespmem:s26+$0x20]  }
0x429: {  	v6 =	vld [tilespmem:s26+$0xFFFFFFD0]  }
0x42a: {  	v11 =	vld [tilespmem:s26+$0xFFFFFFC0];
	v5 =	vshra.s32 v2, $0x1  }
0x42b: {  	v12 =	vld [tilespmem:s26+$0x30];
	v2 =	vand.u32 $0x1, v2;
	v5 =	vcvt.s32.f32 v5  }
0x42c: {  	v13 =	vld [tilespmem:s28+$0xFFFFFFF0];
	v2 =	vcvt.s32.f32 v2  }
0x42d: {  	v14 =	vld [tilespmem:s28+$0x0];
	v5 =	vadd.f32 v5, v5  }
0x42e: {  	s29 =	simm.s32 $0x181;
	v17 =	vld [tilespmem:s26+$0xFFFFFFF0];
	v2 =	vadd.f32 v2, v2  }
0x42f: {  	v18 =	vld [tilespmem:s26+$0x10];
	v15 =	vmov s29;
	v16 =	vadd.f32 $1.000000000e+00, v5  }
0x430: {  	v21 =	vld [tilespmem:s28+$0xFFFFFFD0];
	v19 =	vsub.f32 $1.000000000e+00, v2  }
0x431: {  	v22 =	vld [tilespmem:s26+$0xFFFFFFE0];
	v5 =	vmul.f32 v16, v11;
	v6 =	vmul.f32 v16, v6  }
0x432: {  	v11 =	vld [tilespmem:s28+$0xFFFFFFE0];
	v20 =	vmul.f32 v12, v16;
	v12 =	vmul.f32 v7, v19  }
0x433: {  	v9 =	vld [tilespmem:s26+$0x0];
	v8 =	vmul.f32 v8, v16;
	v23 =	vmul.f32 v13, v19  }
0x434: {  	s26 =	simm.s32 $0xC6C0;
	v24 =	vld.idx.msk [tilespmem:v15+s11+$0x0], $0xffff;
	v4 =	vmul.f32 v4, v19;
	v7 =	vmul.f32 v14, v19  }
0x435: {  	v2 =	vld [tilespmem:s26+$0xFFFFFFC0];
	v17 =	vmul.f32 v17, v16;
	s28 =	simm.s32 $0x86C0;
	v18 =	vmul.f32 v18, v16  }
0x436: {  	v25 =	vmul.f32 v3, v19;
	v15 =	vmul.f32 v21, v19;
	v13 =	vsub.f32 v8, v12;
	v8 =	vld [tilespmem:s28+$0x0]  }
0x437: {  	v3 =	vld [tilespmem:s26+$0x10];
	v14 =	vmul.f32 v22, v16;
	v12 =	vmul.f32 v11, v19;
	v11 =	vsub.f32 v20, v4  }
0x438: {  	v17 =	vsub.f32 v17, v23;
	v18 =	vsub.f32 v18, v25;
	v20 =	vmax.f32 v13, $0.0e+00;
	v4 =	vld [tilespmem:s26+$0x30]  }
0x439: {  	v13 =	vmul.f32 v9, v16;
	v9 =	vld [tilespmem:s26+$0x20];
	v16 =	vmul.f32 v19, v10;
	v11 =	vmax.f32 v11, $0.0e+00  }
0x43a: {  	s29 =	simm.s32 $0x182;
	v19 =	vshra.s32 v24, $0x1;
	v10 =	vadd.f32 v11, v20;
	v20 =	vand.u32 $0x1, v24;
	v11 =	vld [tilespmem:s28+$0x20]  }
.LBB2_27:
0x43b: {  	p0 =	sne.s32 s29, $0x1FF;
	v19 =	vcvt.s32.f32 v19;
	v20 =	vcvt.s32.f32 v20;
	v21 =	vld [tilespmem:s28+$0xFFFFFFD0];
	v17 =	vmax.f32 v17, $0.0e+00;
	v22 =	vmovc v8;
	s30 =	smov.u32 s29;
	s29 =	sadd.s32 $0x1, s29  }
0x43c: {  	v5 =	vsub.f32 v5, v16;
	v6 =	vsub.f32 v6, v15;
	v15 =	vmax.f32 v18, $0.0e+00;
	v8 =	vld [tilespmem:s28+$0xFFFFFFC0]  }
0x43d: {  	v12 =	vsub.f32 v14, v12;
	v16 =	vadd.f32 v19, v19;
	v18 =	vld [tilespmem:s28+$0x30]  }
0x43e: {  	v7 =	vsub.f32 v13, v7;
	v14 =	vadd.f32 v20, v20;
	v6 =	vmax.f32 v6, $0.0e+00;
	v19 =	vld [tilespmem:s26+$0xFFFFFFF0]  }
0x43f: {  	v5 =	vmax.f32 v5, $0.0e+00;
	v12 =	vmax.f32 v12, $0.0e+00;
	v13 =	vadd.f32 $1.000000000e+00, v16;
	v16 =	vld [tilespmem:s26+$0x0]  }
0x440: {  	v20 =	vmov s30;
	v7 =	vmax.f32 v7, $0.0e+00;
	v24 =	vadd.f32 v6, v5;
	v23 =	vld [tilespmem:s28+$0xFFFFFFF0]  }
0x441: {  	v7 =	vadd.f32 v15, v7;
	v25 =	vsub.f32 $1.000000000e+00, v14;
	v5 =	vmul.f32 v13, v8;
	v8 =	vld [tilespmem:s28+$0x10]  }
0x442: {  	v12 =	vadd.f32 v17, v12;
	v6 =	vmul.f32 v13, v21;
	v14 =	vld [tilespmem:s26+$0xFFFFFFE0];
	v15 =	vmul.f32 v18, v13  }
0x443: {  	v10 =	vadd.f32 v10, v7;
	v9 =	vmul.f32 v9, v25;
	v17 =	vld [tilespmem:s26+$0xFFFFFFD0];
	v18 =	vmul.f32 v19, v25  }
0x444: {  	v12 =	vadd.f32 v12, v24;
	v11 =	vmul.f32 v11, v13;
	v19 =	vld [tilespmem:s28+$0xFFFFFFE0];
	v7 =	vmul.f32 v16, v25  }
0x445: {  	v4 =	vmul.f32 v4, v25;
	s26 =	sadd.s32 $0x80, s26;
	v20 =	vld.idx.msk [tilespmem:v20+s11+$0x0], $0xffff;
	v21 =	vmul.f32 v23, v13  }
0x446: {  	v10 =	vadd.f32 v10, v12;
	v9 =	vsub.f32 v11, v9;
	s28 =	sadd.s32 $0x80, s28;
	v23 =	vld [tilespmem:s26+$0xFFFFFFC0];
	v24 =	vmul.f32 v8, v13  }
.Ltmp17:
0x447: {  	v26 =	vmul.f32 v3, v25;
	v11 =	vsub.f32 v15, v4;
	v8 =	vld [tilespmem:s28+$0x0];
	v12 =	vmul.f32 v14, v25;
	(pc) =	sbr.rel @p0 .LBB2_27-.Ltmp17, $4  }
0x448: {  	v1 =	vadd.f32 v10, v1;
	v27 =	vmax.f32 v9, $0.0e+00;
	v3 =	vld [tilespmem:s26+$0x10];
	v15 =	vmul.f32 v17, v25  }
0x449: {  	v10 =	vmax.f32 v11, $0.0e+00;
	v4 =	vld [tilespmem:s26+$0x30];
	v14 =	vmul.f32 v19, v13;
	v13 =	vmul.f32 v22, v13  }
0x44a: {  	v16 =	vmul.f32 v25, v2;
	v10 =	vadd.f32 v10, v27;
	v17 =	vsub.f32 v21, v18;
	v9 =	vld [tilespmem:s26+$0x20]  }
0x44b: {  	v18 =	vsub.f32 v24, v26;
	v19 =	vshra.s32 v20, $0x1;
	v20 =	vand.u32 $0x1, v20;
	v11 =	vld [tilespmem:s28+$0x20];
	v2 =	vmovc v23  }
.Ltmp18:
0x44c: {  	_ = 	snop;
	(pc) =	sbr.rel .LBB2_28-.Ltmp18, $1  }
0x44d: {  	_ =	sdelay $0x3  }
.LBB2_30:
0x44e: {  	_ =	sfence.sel $0x180000  }
0x44f: {  	[bflag:$0x0] =	sbarrier.arrive $0xFFFF  }
0x450: {  	p0 =	sne.s32 s2, $0x0;
	_ =	strace $0x90000047  }
0x451: {  	s0 =	sadd.s32 @!p0 $0x100000, s0;
	[bflag:$0x2] =	sbarrier.arrive $0xFFFF  }
0x452: {  	[sflag:s0] =	ssyncadd.tile.s32 @!p0 $0x1;
	_ =	shalt  }
.Lfunc_end2:
_tile_overlayer_lowered:
.L_overlay_start_2:
0x453: {  	(tag) =	ssettag $0x2  }
0x454: {  	s0 =	rddreg [dreg:$0x0];
	s2 =	stileid.u32  }
0x455: {  	s1 =	rddreg [dreg:$0x1];
	p0 =	sne.s32 s2, $0x0  }
0x456: {  	s3 =	rddreg [dreg:$0x2];
	[bflag:$0x3] =	sbarrier.arrive $0xFFFF;
	s2 =	simm.s32 @!p0 $0x1C03  }
0x457: {  	[timem:s3], [sflag:s2] =	dma.local @!p0 [hbm:s0], s1  }
0x458: {  	s0 =	simm.s32 @!p0 $0x3  }
0x459: {  	_ =	swait.ge @!p0 [sflag:s0], s1  }
0x45a: {  	s1 =	ssub.s32 @!p0 $0x0, s1;
	[sflag:s0] =	ssyncset.done @!p0 $0x0  }
0x45b: {  	[sflag:s0] =	ssyncadd.s32 @!p0 s1  }
0x45c: {  	[bflag:$0x3] =	sbarrier.arrive $0xFFFF  }
0x45d: {  	_ =	shalt  }

</sc_bundles>
